<compile_context>
chip_gen: v7x
topology: tpu7x:2x2x1
jax: 0.10.2.dev20260603
libtpu: 0.0.44.dev20260713+nightly
codegen_flags: <defaults>
</compile_context>

<pallas_src>
import functools

import jax
import jax.numpy as jnp
import numpy as np
from jax import lax
from jax.experimental import pallas as pl
from jax.experimental.pallas import tpu as pltpu
from jax.experimental.pallas import tpu_sc as plsc

_B, _L, _H, _W, _C = 2, 4, 128, 128, 256
_N = 1000
_CS = 7
_R = 2048
_P = _R * _CS * _CS
_NC, _NS, _LANES = 2, 16, 16
_NW = _NC * _NS
_CH = 32
_QPW = _P // _NW
_NCHUNK = _QPW // _CH


def _sample_params(rois):
    x1 = rois[:, 0:1]
    y1 = rois[:, 1:2]
    x2 = rois[:, 2:3]
    y2 = rois[:, 3:4]
    r = lax.broadcasted_iota(jnp.int32, (_R, 1), 0)
    b = (r >= _N).astype(jnp.int32)

    c_inv224 = jnp.float32(0.00446428591)
    c_invln2 = jnp.float32(1.44269502)
    c_127_128 = jnp.float32(0.9921875)
    c_inv128 = jnp.float32(0.0078125)
    c_127_6 = jnp.float32(21.1666679)

    area = (y2 - y1) * (x2 - x1)
    lvl = jnp.log(jnp.sqrt(jnp.maximum(area, 1e-12)) * c_inv224) * c_invln2 + 4.0
    lvl = jnp.clip(jnp.round(lvl).astype(jnp.int32), 2, 5)
    li = lvl - 2
    stride = jnp.where(li == 0, 4.0,
             jnp.where(li == 1, 8.0,
             jnp.where(li == 2, 16.0, 32.0))).astype(jnp.float32)

    ax1 = x1 / stride
    ay1 = y1 / stride
    ax2 = x2 / stride
    ay2 = y2 / stride

    c = lax.broadcasted_iota(jnp.int32, (1, _CS * _CS), 1).astype(jnp.float32)
    iy = jnp.floor(c / jnp.float32(_CS))
    jx = c - jnp.float32(_CS) * iy

    dy = (ay2 * c_inv128 - ay1 * c_inv128) * c_127_6
    dx = (ax2 * c_inv128 - ax1 * c_inv128) * c_127_6
    ys = ay1 * c_127_128 + iy * dy
    xs = ax1 * c_127_128 + jx * dx

    valid = ((ys >= 0.0) & (ys <= 127.0) &
             (xs >= 0.0) & (xs <= 127.0)).astype(jnp.float32)
    y0 = jnp.floor(ys)
    x0 = jnp.floor(xs)
    wy = ys - y0
    wx = xs - x0
    y0i = jnp.clip(y0.astype(jnp.int32), 0, _H - 1)
    x0i = jnp.clip(x0.astype(jnp.int32), 0, _W - 1)
    y1i = jnp.clip(y0i + 1, 0, _H - 1)
    x1i = jnp.clip(x0i + 1, 0, _W - 1)

    base = (b * _L + li) * (_H * _W)
    i00 = base + y0i * _W + x0i
    i01 = base + y0i * _W + x1i
    i10 = base + y1i * _W + x0i
    i11 = base + y1i * _W + x1i

    omwx = 1.0 - wx
    omwy = 1.0 - wy
    w00 = omwx * omwy * valid
    w01 = wx * omwy * valid
    w10 = omwx * wy * valid
    w11 = wx * wy * valid
    return i00, i01, i10, i11, w00, w01, w10, w11


def _tc_body(rois_ref, i00_r, i01_r, i10_r, i11_r, w00_r, w01_r, w10_r, w11_r):
    outs = _sample_params(rois_ref[...])
    for ref, val in zip((i00_r, i01_r, i10_r, i11_r, w00_r, w01_r, w10_r, w11_r),
                        outs):
        ref[...] = val


_tc_prelude = pl.pallas_call(
    _tc_body,
    out_shape=([jax.ShapeDtypeStruct((_R, _CS * _CS), jnp.int32)] * 4
               + [jax.ShapeDtypeStruct((_R, _CS * _CS), jnp.float32)] * 4),
)


def _out_row_map():
    p = np.arange(_P, dtype=np.int64)
    r = p // (_CS * _CS)
    cell = p % (_CS * _CS)
    r = np.where(r >= _B * _N, r - (_R - _B * _N), r)
    b = r // _N
    n = r % _N
    row = (b * (_CS * _CS) + cell) * _N + n
    return jnp.asarray(row.reshape(_NW, _NCHUNK, _CH), dtype=jnp.int32)


@functools.cache
def _make_sc_gather_blend():
    return functools.partial(
        pl.kernel,
        out_type=jax.ShapeDtypeStruct((_B * _CS * _CS * _N, _C), jnp.float32),
        mesh=plsc.VectorSubcoreMesh(core_axis_name="c", subcore_axis_name="s",
                                    num_cores=_NC, num_subcores=_NS),
        scratch_types=[
            pltpu.VMEM((_NCHUNK, 4 * _CH), jnp.int32),
            pltpu.VMEM((_NCHUNK, _CH), jnp.int32),
            pltpu.VMEM((2, _CH * 16), jnp.float32),
            pltpu.VMEM((2, 4 * _CH, _C), jnp.float32),
            pltpu.VMEM((2, _CH, _C), jnp.float32),
            pltpu.SemaphoreType.DMA,
            pltpu.SemaphoreType.DMA,
            pltpu.SemaphoreType.DMA,
            pltpu.SemaphoreType.DMA,
            pltpu.SemaphoreType.DMA,
            pltpu.SemaphoreType.DMA,
        ],
    )(_sc_body)


def _sc_body(fm_hbm, idx_hbm, oidx_hbm, w_hbm, out_hbm,
             idx_v, oidx_v, w_v, rows_v, out_v,
             gsem0, gsem1, wsem0, wsem1, osem0, osem1):
    wid = lax.axis_index("s") * _NC + lax.axis_index("c")
    gsems = (gsem0, gsem1)
    wsems = (wsem0, wsem1)
    osems = (osem0, osem1)
    pltpu.sync_copy(idx_hbm.at[wid], idx_v)
    pltpu.sync_copy(oidx_hbm.at[wid], oidx_v)

    def fetch(g, slot):
        pltpu.make_async_copy(w_hbm.at[wid, g], w_v.at[slot],
                              wsems[slot]).start()
        pltpu.make_async_copy(fm_hbm.at[idx_v.at[g]], rows_v.at[slot],
                              gsems[slot]).start()

    def wait_fetch(g, slot):
        pltpu.make_async_copy(w_hbm.at[wid, g], w_v.at[slot],
                              wsems[slot]).wait()
        pltpu.make_async_copy(fm_hbm.at[idx_v.at[g]], rows_v.at[slot],
                              gsems[slot]).wait()

    def put(g, slot):
        pltpu.make_async_copy(out_v.at[slot],
                              out_hbm.at[oidx_v.at[g]],
                              osems[slot]).start()

    def wait_put(g, slot):
        pltpu.make_async_copy(out_v.at[slot],
                              out_hbm.at[oidx_v.at[g]],
                              osems[slot]).wait()

    def compute(slot):
        def pt_body(p, carry2):
            wvec = w_v[slot, pl.ds(16 * p, 16)]
            w0 = wvec[0]
            w1 = wvec[1]
            w2 = wvec[2]
            w3 = wvec[3]
            for cc in range(_C // _LANES):
                s = pl.ds(cc * _LANES, _LANES)
                out_v[slot, p, s] = (
                    rows_v[slot, p, s] * w0
                    + rows_v[slot, _CH + p, s] * w1
                    + rows_v[slot, 2 * _CH + p, s] * w2
                    + rows_v[slot, 3 * _CH + p, s] * w3)
            return carry2

        lax.fori_loop(0, _CH, pt_body, 0, unroll=2)

    fetch(0, 0)

    def body2(i, carry):
        g0 = 2 * i
        g1 = g0 + 1
        fetch(g1, 1)
        wait_fetch(g0, 0)

        @pl.when(i > 0)
        def _():
            wait_put(g0 - 2, 0)

        compute(0)
        put(g0, 0)

        @pl.when(g1 + 1 < _NCHUNK)
        def _():
            fetch(g1 + 1, 0)

        wait_fetch(g1, 1)

        @pl.when(i > 0)
        def _():
            wait_put(g1 - 2, 1)

        compute(1)
        put(g1, 1)
        return carry

    lax.fori_loop(0, _NCHUNK // 2, body2, 0)
    wait_put(_NCHUNK - 2, 0)
    wait_put(_NCHUNK - 1, 1)


def _chunkify(a00, a01, a10, a11, point_major=False):
    parts = [a.reshape(_P // _CH, _CH) for a in (a00, a01, a10, a11)]
    if point_major:
        out = jnp.stack(parts, axis=2)
        return jnp.pad(out, ((0, 0), (0, 0), (0, 12)))
    return jnp.stack(parts, axis=1).reshape(_P // _CH, 4 * _CH)


def kernel(feature_maps, rois):
    rois_flat = rois.reshape(_B * _N, 4)
    rois_pad = jnp.concatenate(
        [rois_flat, rois_flat[_B * _N - (_R - _B * _N):]], axis=0)
    i00, i01, i10, i11, w00, w01, w10, w11 = _tc_prelude(rois_pad)
    idx_c = _chunkify(i00, i01, i10, i11).reshape(_NW, _NCHUNK, 4 * _CH)
    w_c = _chunkify(w00, w01, w10, w11, point_major=True).reshape(
        _NW, _NCHUNK, _CH * 16)
    fm_flat = feature_maps.reshape(_B * _L * _H * _W, _C)
    out2d = _make_sc_gather_blend()(fm_flat, idx_c, _out_row_map(), w_c)
    out = out2d.reshape(_B, _CS, _CS, _N, _C)
    return out.transpose(0, 3, 1, 2, 4)

# --- scband reference (transcript-rebuilt; emitter-appended) ---
"""Pipeline reference for scband-roialign-25589415149604 (READ-ONLY COPY).

The authoritative reference and input builder live on the scoring server;
editing this copy changes nothing except your own understanding.
"""

import jax, jax.numpy as jnp
import numpy as np

OUTPUT_SIZE = 7
STRIDES = np.array([4.0, 8.0, 16.0, 32.0], dtype=np.float32)


def setup_inputs(seed: int = 0) -> dict:
    key = jax.random.key(seed)
    k1, k2, k3 = jax.random.split(key, 3)
    B, L, H, W, C = 2, 4, 128, 128, 256
    N = 1000
    feature_maps = jax.random.normal(k1, (B, L, H, W, C), dtype=jnp.float32)
    # rois in image pixel coords (image ~512x512 = stride4 * 128)
    xy = jax.random.uniform(k2, (B, N, 2), minval=0.0, maxval=480.0)
    wh = jax.random.uniform(k3, (B, N, 2), minval=8.0, maxval=400.0)
    x1 = xy[..., 0]
    y1 = xy[..., 1]
    x2 = jnp.minimum(x1 + wh[..., 0], 512.0)
    y2 = jnp.minimum(y1 + wh[..., 1], 512.0)
    rois = jnp.stack([x1, y1, x2, y2], axis=-1).astype(jnp.float32)
    return {"feature_maps": feature_maps, "rois": rois}


def _roi_align_image(fmaps, rois):
    # fmaps: [L, H, W, C] stacked pyramid levels; rois: [N, 4] = (x1, y1, x2, y2)
    L, H, W, C = fmaps.shape
    cs = OUTPUT_SIZE
    x1, y1, x2, y2 = rois[:, 0], rois[:, 1], rois[:, 2], rois[:, 3]
    roi_area = (y2 - y1) * (x2 - x1)
    roi_levels = jnp.log(jnp.sqrt(jnp.maximum(roi_area, 1e-12)) / 224.0) / jnp.log(2.0) + 4.0
    roi_levels = jnp.clip(jnp.round(roi_levels).astype(jnp.int32), 2, 5)
    li = roi_levels - 2  # level index into fmaps / STRIDES
    strides = jnp.asarray(STRIDES)[li]
    Hf = jnp.float32(H)
    Wf = jnp.float32(W)
    # normalized boxes, as in the TF layer (divide by stride then fm size)
    nx1 = x1 / strides / Wf
    ny1 = y1 / strides / Hf
    nx2 = x2 / strides / Wf
    ny2 = y2 / strides / Hf
    # tf.image.crop_and_resize bilinear sampling grid (crop_size > 1 branch)
    i = jnp.arange(cs, dtype=jnp.float32)
    ys = ny1[:, None] * (Hf - 1.0) + i[None, :] * ((ny2 - ny1)[:, None] * (Hf - 1.0) / (cs - 1))
    xs = nx1[:, None] * (Wf - 1.0) + i[None, :] * ((nx2 - nx1)[:, None] * (Wf - 1.0) / (cs - 1))
    yy, xx = jnp.broadcast_arrays(ys[:, :, None], xs[:, None, :])  # [N, cs, cs]
    valid = (yy >= 0.0) & (yy <= Hf - 1.0) & (xx >= 0.0) & (xx <= Wf - 1.0)
    y0 = jnp.floor(yy)
    x0 = jnp.floor(xx)
    wy = yy - y0
    wx = xx - x0
    y0i = jnp.clip(y0.astype(jnp.int32), 0, H - 1)
    x0i = jnp.clip(x0.astype(jnp.int32), 0, W - 1)
    y1i = jnp.clip(y0i + 1, 0, H - 1)
    x1i = jnp.clip(x0i + 1, 0, W - 1)
    lidx = li[:, None, None]  # broadcast level index per roi
    f00 = fmaps[lidx, y0i, x0i]
    f01 = fmaps[lidx, y0i, x1i]
    f10 = fmaps[lidx, y1i, x0i]
    f11 = fmaps[lidx, y1i, x1i]
    wxe = wx[..., None]
    wye = wy[..., None]
    top = f00 * (1.0 - wxe) + f01 * wxe
    bot = f10 * (1.0 - wxe) + f11 * wxe
    val = top * (1.0 - wye) + bot * wye
    # extrapolation_value = 0 for out-of-bounds sample points
    return jnp.where(valid[..., None], val, 0.0)


def reference(feature_maps, rois):
    # Output [B, N, output_size, output_size, C]; ROI order preserved
    # (matches the TF layer's argsort-back-to-original-order behavior).
    return jax.vmap(_roi_align_image)(feature_maps, rois)

if __name__ == "__main__":
    import jax
    _d = setup_inputs()
    print(jax.jit(kernel)(*tuple(_d.values())))

</pallas_src>

<mosaic_0001>
#map = affine_map<(d0, d1) -> (0, 0)>
#map1 = affine_map<(d0, d1) -> (0, 0, 0)>
module attributes {stable_mosaic.version = 14 : i64} {
  func.func @_sc_body(%arg0: i32, %arg1: i32, %arg2: memref<131072x256xf32, #tpu.memory_space<hbm>>, %arg3: memref<32x98x128xi32, #tpu.memory_space<hbm>>, %arg4: memref<32x98x32xi32, #tpu.memory_space<hbm>>, %arg5: memref<32x98x512xf32, #tpu.memory_space<hbm>>, %arg6: memref<98000x256xf32, #tpu.memory_space<hbm>>, %arg7: memref<98x128xi32, #tpu.memory_space<vmem>>, %arg8: memref<98x32xi32, #tpu.memory_space<vmem>>, %arg9: memref<2x512xf32, #tpu.memory_space<vmem>>, %arg10: memref<2x128x256xf32, #tpu.memory_space<vmem>>, %arg11: memref<2x32x256xf32, #tpu.memory_space<vmem>>, %arg12: memref<!tpu.dma_semaphore, #tpu.memory_space<semaphore_mem>>, %arg13: memref<!tpu.dma_semaphore, #tpu.memory_space<semaphore_mem>>, %arg14: memref<!tpu.dma_semaphore, #tpu.memory_space<semaphore_mem>>, %arg15: memref<!tpu.dma_semaphore, #tpu.memory_space<semaphore_mem>>, %arg16: memref<!tpu.dma_semaphore, #tpu.memory_space<semaphore_mem>>, %arg17: memref<!tpu.dma_semaphore, #tpu.memory_space<semaphore_mem>>) attributes {dimension_semantics = [#tpu.dimension_semantics<core_parallel>, #tpu.dimension_semantics<subcore_parallel>], iteration_bounds = array<i64: 2, 16>, scalar_prefetch = 0 : i64, scratch_operands = 11 : i64, tpu.core_type = #tpu.core_type<sc_vector_subcore>, window_params = [{transform_indices = #map}, {transform_indices = #map1}, {transform_indices = #map1}, {transform_indices = #map1}, {transform_indices = #map}]} {
    %mul3A = arith.constant 2 : i32
    %mul3A_0 = arith.muli %arg1, %mul3A : i32
    %add3A = arith.addi %mul3A_0, %arg0 : i32
    "tpu.region"() ({
      %run_scoped3A = tpu.sem_alloc : memref<!tpu.dma_semaphore, #tpu.memory_space<semaphore_mem>>
      %dma_start3A_54 = arith.constant 0 : i32
      %dma_start3A_55 = arith.constant 0 : i32
      %dma_start3A_56 = tpu.memref_slice %arg3[%add3A, %dma_start3A_54, %dma_start3A_55] : memref<32x98x128xi32, #tpu.memory_space<hbm>> -> memref<1x98x128xi32, #tpu.memory_space<hbm>>
      %dma_start3A_57 = tpu.memref_squeeze %dma_start3A_56 : memref<1x98x128xi32, #tpu.memory_space<hbm>> -> memref<98x128xi32, #tpu.memory_space<hbm>>
      %dma_start3A_58 = arith.constant 0 : i32
      %dma_start3A_59 = arith.constant 0 : i32
      %dma_start3A_60 = tpu.memref_slice %arg3[%add3A, %dma_start3A_58, %dma_start3A_59] : memref<32x98x128xi32, #tpu.memory_space<hbm>> -> memref<1x98x128xi32, #tpu.memory_space<hbm>>
      %dma_start3A_61 = tpu.memref_squeeze %dma_start3A_60 : memref<1x98x128xi32, #tpu.memory_space<hbm>> -> memref<98x128xi32, #tpu.memory_space<hbm>>
      tpu.enqueue_dma source(%dma_start3A_61 : memref<98x128xi32, #tpu.memory_space<hbm>>) target(%arg7 : memref<98x128xi32, #tpu.memory_space<vmem>>) target_semaphore(%run_scoped3A : memref<!tpu.dma_semaphore, #tpu.memory_space<semaphore_mem>>)
      %dma_wait3A_62 = arith.constant 0 : i32
      %dma_wait3A_63 = arith.constant 0 : i32
      %dma_wait3A_64 = tpu.memref_slice %arg3[%add3A, %dma_wait3A_62, %dma_wait3A_63] : memref<32x98x128xi32, #tpu.memory_space<hbm>> -> memref<1x98x128xi32, #tpu.memory_space<hbm>>
      %dma_wait3A_65 = tpu.memref_squeeze %dma_wait3A_64 : memref<1x98x128xi32, #tpu.memory_space<hbm>> -> memref<98x128xi32, #tpu.memory_space<hbm>>
      %dma_wait3A_66 = arith.constant 0 : i32
      %dma_wait3A_67 = arith.constant 0 : i32
      %dma_wait3A_68 = tpu.memref_slice %arg3[%add3A, %dma_wait3A_66, %dma_wait3A_67] : memref<32x98x128xi32, #tpu.memory_space<hbm>> -> memref<1x98x128xi32, #tpu.memory_space<hbm>>
      %dma_wait3A_69 = tpu.memref_squeeze %dma_wait3A_68 : memref<1x98x128xi32, #tpu.memory_space<hbm>> -> memref<98x128xi32, #tpu.memory_space<hbm>>
      tpu.wait_dma2 semaphore(%run_scoped3A : memref<!tpu.dma_semaphore, #tpu.memory_space<semaphore_mem>>) src(%dma_wait3A_69 : memref<98x128xi32, #tpu.memory_space<hbm>>) dst(%arg7 : memref<98x128xi32, #tpu.memory_space<vmem>>)
      tpu.yield
    }) : () -> ()
    "tpu.region"() ({
      %run_scoped3A = tpu.sem_alloc : memref<!tpu.dma_semaphore, #tpu.memory_space<semaphore_mem>>
      %dma_start3A_54 = arith.constant 0 : i32
      %dma_start3A_55 = arith.constant 0 : i32
      %dma_start3A_56 = tpu.memref_slice %arg4[%add3A, %dma_start3A_54, %dma_start3A_55] : memref<32x98x32xi32, #tpu.memory_space<hbm>> -> memref<1x98x32xi32, #tpu.memory_space<hbm>>
      %dma_start3A_57 = tpu.memref_squeeze %dma_start3A_56 : memref<1x98x32xi32, #tpu.memory_space<hbm>> -> memref<98x32xi32, #tpu.memory_space<hbm>>
      %dma_start3A_58 = arith.constant 0 : i32
      %dma_start3A_59 = arith.constant 0 : i32
      %dma_start3A_60 = tpu.memref_slice %arg4[%add3A, %dma_start3A_58, %dma_start3A_59] : memref<32x98x32xi32, #tpu.memory_space<hbm>> -> memref<1x98x32xi32, #tpu.memory_space<hbm>>
      %dma_start3A_61 = tpu.memref_squeeze %dma_start3A_60 : memref<1x98x32xi32, #tpu.memory_space<hbm>> -> memref<98x32xi32, #tpu.memory_space<hbm>>
      tpu.enqueue_dma source(%dma_start3A_61 : memref<98x32xi32, #tpu.memory_space<hbm>>) target(%arg8 : memref<98x32xi32, #tpu.memory_space<vmem>>) target_semaphore(%run_scoped3A : memref<!tpu.dma_semaphore, #tpu.memory_space<semaphore_mem>>)
      %dma_wait3A_62 = arith.constant 0 : i32
      %dma_wait3A_63 = arith.constant 0 : i32
      %dma_wait3A_64 = tpu.memref_slice %arg4[%add3A, %dma_wait3A_62, %dma_wait3A_63] : memref<32x98x32xi32, #tpu.memory_space<hbm>> -> memref<1x98x32xi32, #tpu.memory_space<hbm>>
      %dma_wait3A_65 = tpu.memref_squeeze %dma_wait3A_64 : memref<1x98x32xi32, #tpu.memory_space<hbm>> -> memref<98x32xi32, #tpu.memory_space<hbm>>
      %dma_wait3A_66 = arith.constant 0 : i32
      %dma_wait3A_67 = arith.constant 0 : i32
      %dma_wait3A_68 = tpu.memref_slice %arg4[%add3A, %dma_wait3A_66, %dma_wait3A_67] : memref<32x98x32xi32, #tpu.memory_space<hbm>> -> memref<1x98x32xi32, #tpu.memory_space<hbm>>
      %dma_wait3A_69 = tpu.memref_squeeze %dma_wait3A_68 : memref<1x98x32xi32, #tpu.memory_space<hbm>> -> memref<98x32xi32, #tpu.memory_space<hbm>>
      tpu.wait_dma2 semaphore(%run_scoped3A : memref<!tpu.dma_semaphore, #tpu.memory_space<semaphore_mem>>) src(%dma_wait3A_69 : memref<98x32xi32, #tpu.memory_space<hbm>>) dst(%arg8 : memref<98x32xi32, #tpu.memory_space<vmem>>)
      tpu.yield
    }) : () -> ()
    %dma_start3A = arith.constant 0 : i32
    %dma_start3A_1 = arith.constant 0 : i32
    %dma_start3A_2 = arith.constant 0 : i32
    %dma_start3A_3 = tpu.memref_slice %arg9[%dma_start3A_1, %dma_start3A_2] : memref<2x512xf32, #tpu.memory_space<vmem>> -> memref<1x512xf32, #tpu.memory_space<vmem>>
    %dma_start3A_4 = tpu.memref_squeeze %dma_start3A_3 : memref<1x512xf32, #tpu.memory_space<vmem>> -> memref<512xf32, #tpu.memory_space<vmem>>
    %dma_start3A_5 = arith.constant 0 : i32
    %dma_start3A_6 = tpu.memref_slice %arg5[%add3A, %dma_start3A, %dma_start3A_5] : memref<32x98x512xf32, #tpu.memory_space<hbm>> -> memref<1x1x512xf32, #tpu.memory_space<hbm>>
    %dma_start3A_7 = tpu.memref_squeeze %dma_start3A_6 : memref<1x1x512xf32, #tpu.memory_space<hbm>> -> memref<512xf32, #tpu.memory_space<hbm>>
    %dma_start3A_8 = arith.constant 0 : i32
    %dma_start3A_9 = tpu.memref_slice %arg9[%dma_start3A_1, %dma_start3A_8] : memref<2x512xf32, #tpu.memory_space<vmem>> -> memref<1x512xf32, #tpu.memory_space<vmem>>
    %dma_start3A_10 = tpu.memref_squeeze %dma_start3A_9 : memref<1x512xf32, #tpu.memory_space<vmem>> -> memref<512xf32, #tpu.memory_space<vmem>>
    %dma_start3A_11 = arith.constant 0 : i32
    %dma_start3A_12 = tpu.memref_slice %arg5[%add3A, %dma_start3A, %dma_start3A_11] : memref<32x98x512xf32, #tpu.memory_space<hbm>> -> memref<1x1x512xf32, #tpu.memory_space<hbm>>
    %dma_start3A_13 = tpu.memref_squeeze %dma_start3A_12 : memref<1x1x512xf32, #tpu.memory_space<hbm>> -> memref<512xf32, #tpu.memory_space<hbm>>
    tpu.enqueue_dma source(%dma_start3A_13 : memref<512xf32, #tpu.memory_space<hbm>>) target(%dma_start3A_10 : memref<512xf32, #tpu.memory_space<vmem>>) target_semaphore(%arg14 : memref<!tpu.dma_semaphore, #tpu.memory_space<semaphore_mem>>)
    %dma_start3A_14 = arith.constant 0 : i32
    %dma_start3A_15 = arith.constant 0 : i32
    %dma_start3A_16 = arith.constant 0 : i32
    %dma_start3A_17 = arith.constant 0 : i32
    %dma_start3A_18 = tpu.memref_slice %arg10[%dma_start3A_15, %dma_start3A_16, %dma_start3A_17] : memref<2x128x256xf32, #tpu.memory_space<vmem>> -> memref<1x128x256xf32, #tpu.memory_space<vmem>>
    %dma_start3A_19 = tpu.memref_squeeze %dma_start3A_18 : memref<1x128x256xf32, #tpu.memory_space<vmem>> -> memref<128x256xf32, #tpu.memory_space<vmem>>
    %dma_start3A_20 = arith.constant 0 : i32
    %dma_start3A_21 = tpu.memref_slice %arg7[%dma_start3A_14, %dma_start3A_20] : memref<98x128xi32, #tpu.memory_space<vmem>> -> memref<1x128xi32, #tpu.memory_space<vmem>>
    %dma_start3A_22 = tpu.memref_squeeze %dma_start3A_21 : memref<1x128xi32, #tpu.memory_space<vmem>> -> memref<128xi32, #tpu.memory_space<vmem>>
    %dma_start3A_23 = arith.constant 0 : i32
    %dma_start3A_24 = arith.constant 0 : i32
    %dma_start3A_25 = tpu.memref_slice %arg2[%dma_start3A_23, %dma_start3A_24] : memref<131072x256xf32, #tpu.memory_space<hbm>> -> memref<131072x256xf32, #tpu.memory_space<hbm>>
    tpu.enqueue_indirect_dma source(%dma_start3A_25 : memref<131072x256xf32, #tpu.memory_space<hbm>>) target(%dma_start3A_19 : memref<128x256xf32, #tpu.memory_space<vmem>>) offsets(%dma_start3A_22 : memref<128xi32, #tpu.memory_space<vmem>>) semaphore(%arg12 : memref<!tpu.dma_semaphore, #tpu.memory_space<semaphore_mem>>)
    %scan3A = arith.constant 0 : i32
    %scan3A_26 = arith.constant 0 : i32
    %scan3A_27 = arith.constant 49 : i32
    %scan3A_28 = arith.addi %scan3A_26, %scan3A_27 : i32
    %scan3A_29 = arith.constant 1 : i32
    scf.for %scan3A_54 = %scan3A_26 to %scan3A_28 step %scan3A_29  : i32 {
      %mul3A_55 = arith.constant 2 : i32
      %mul3A_56 = arith.muli %mul3A_55, %scan3A_54 : i32
      %add3A_57 = arith.constant 1 : i32
      %add3A_58 = arith.addi %mul3A_56, %add3A_57 : i32
      %dma_start3A_59 = arith.constant 1 : i32
      %dma_start3A_60 = arith.constant 0 : i32
      %dma_start3A_61 = tpu.memref_slice %arg9[%dma_start3A_59, %dma_start3A_60] : memref<2x512xf32, #tpu.memory_space<vmem>> -> memref<1x512xf32, #tpu.memory_space<vmem>>
      %dma_start3A_62 = tpu.memref_squeeze %dma_start3A_61 : memref<1x512xf32, #tpu.memory_space<vmem>> -> memref<512xf32, #tpu.memory_space<vmem>>
      %dma_start3A_63 = arith.constant 0 : i32
      %dma_start3A_64 = tpu.memref_slice %arg5[%add3A, %add3A_58, %dma_start3A_63] : memref<32x98x512xf32, #tpu.memory_space<hbm>> -> memref<1x1x512xf32, #tpu.memory_space<hbm>>
      %dma_start3A_65 = tpu.memref_squeeze %dma_start3A_64 : memref<1x1x512xf32, #tpu.memory_space<hbm>> -> memref<512xf32, #tpu.memory_space<hbm>>
      %dma_start3A_66 = arith.constant 0 : i32
      %dma_start3A_67 = tpu.memref_slice %arg9[%dma_start3A_59, %dma_start3A_66] : memref<2x512xf32, #tpu.memory_space<vmem>> -> memref<1x512xf32, #tpu.memory_space<vmem>>
      %dma_start3A_68 = tpu.memref_squeeze %dma_start3A_67 : memref<1x512xf32, #tpu.memory_space<vmem>> -> memref<512xf32, #tpu.memory_space<vmem>>
      %dma_start3A_69 = arith.constant 0 : i32
      %dma_start3A_70 = tpu.memref_slice %arg5[%add3A, %add3A_58, %dma_start3A_69] : memref<32x98x512xf32, #tpu.memory_space<hbm>> -> memref<1x1x512xf32, #tpu.memory_space<hbm>>
      %dma_start3A_71 = tpu.memref_squeeze %dma_start3A_70 : memref<1x1x512xf32, #tpu.memory_space<hbm>> -> memref<512xf32, #tpu.memory_space<hbm>>
      tpu.enqueue_dma source(%dma_start3A_71 : memref<512xf32, #tpu.memory_space<hbm>>) target(%dma_start3A_68 : memref<512xf32, #tpu.memory_space<vmem>>) target_semaphore(%arg15 : memref<!tpu.dma_semaphore, #tpu.memory_space<semaphore_mem>>)
      %dma_start3A_72 = arith.constant 1 : i32
      %dma_start3A_73 = arith.constant 0 : i32
      %dma_start3A_74 = arith.constant 0 : i32
      %dma_start3A_75 = tpu.memref_slice %arg10[%dma_start3A_72, %dma_start3A_73, %dma_start3A_74] : memref<2x128x256xf32, #tpu.memory_space<vmem>> -> memref<1x128x256xf32, #tpu.memory_space<vmem>>
      %dma_start3A_76 = tpu.memref_squeeze %dma_start3A_75 : memref<1x128x256xf32, #tpu.memory_space<vmem>> -> memref<128x256xf32, #tpu.memory_space<vmem>>
      %dma_start3A_77 = arith.constant 0 : i32
      %dma_start3A_78 = tpu.memref_slice %arg7[%add3A_58, %dma_start3A_77] : memref<98x128xi32, #tpu.memory_space<vmem>> -> memref<1x128xi32, #tpu.memory_space<vmem>>
      %dma_start3A_79 = tpu.memref_squeeze %dma_start3A_78 : memref<1x128xi32, #tpu.memory_space<vmem>> -> memref<128xi32, #tpu.memory_space<vmem>>
      %dma_start3A_80 = arith.constant 0 : i32
      %dma_start3A_81 = arith.constant 0 : i32
      %dma_start3A_82 = tpu.memref_slice %arg2[%dma_start3A_80, %dma_start3A_81] : memref<131072x256xf32, #tpu.memory_space<hbm>> -> memref<131072x256xf32, #tpu.memory_space<hbm>>
      tpu.enqueue_indirect_dma source(%dma_start3A_82 : memref<131072x256xf32, #tpu.memory_space<hbm>>) target(%dma_start3A_76 : memref<128x256xf32, #tpu.memory_space<vmem>>) offsets(%dma_start3A_79 : memref<128xi32, #tpu.memory_space<vmem>>) semaphore(%arg13 : memref<!tpu.dma_semaphore, #tpu.memory_space<semaphore_mem>>)
      %dma_wait3A_83 = arith.constant 0 : i32
      %dma_wait3A_84 = arith.constant 0 : i32
      %dma_wait3A_85 = tpu.memref_slice %arg9[%dma_wait3A_83, %dma_wait3A_84] : memref<2x512xf32, #tpu.memory_space<vmem>> -> memref<1x512xf32, #tpu.memory_space<vmem>>
      %dma_wait3A_86 = tpu.memref_squeeze %dma_wait3A_85 : memref<1x512xf32, #tpu.memory_space<vmem>> -> memref<512xf32, #tpu.memory_space<vmem>>
      %dma_wait3A_87 = arith.constant 0 : i32
      %dma_wait3A_88 = tpu.memref_slice %arg5[%add3A, %mul3A_56, %dma_wait3A_87] : memref<32x98x512xf32, #tpu.memory_space<hbm>> -> memref<1x1x512xf32, #tpu.memory_space<hbm>>
      %dma_wait3A_89 = tpu.memref_squeeze %dma_wait3A_88 : memref<1x1x512xf32, #tpu.memory_space<hbm>> -> memref<512xf32, #tpu.memory_space<hbm>>
      %dma_wait3A_90 = arith.constant 0 : i32
      %dma_wait3A_91 = tpu.memref_slice %arg9[%dma_wait3A_83, %dma_wait3A_90] : memref<2x512xf32, #tpu.memory_space<vmem>> -> memref<1x512xf32, #tpu.memory_space<vmem>>
      %dma_wait3A_92 = tpu.memref_squeeze %dma_wait3A_91 : memref<1x512xf32, #tpu.memory_space<vmem>> -> memref<512xf32, #tpu.memory_space<vmem>>
      %dma_wait3A_93 = arith.constant 0 : i32
      %dma_wait3A_94 = tpu.memref_slice %arg5[%add3A, %mul3A_56, %dma_wait3A_93] : memref<32x98x512xf32, #tpu.memory_space<hbm>> -> memref<1x1x512xf32, #tpu.memory_space<hbm>>
      %dma_wait3A_95 = tpu.memref_squeeze %dma_wait3A_94 : memref<1x1x512xf32, #tpu.memory_space<hbm>> -> memref<512xf32, #tpu.memory_space<hbm>>
      tpu.wait_dma2 semaphore(%arg14 : memref<!tpu.dma_semaphore, #tpu.memory_space<semaphore_mem>>) src(%dma_wait3A_95 : memref<512xf32, #tpu.memory_space<hbm>>) dst(%dma_wait3A_92 : memref<512xf32, #tpu.memory_space<vmem>>)
      %dma_wait3A_96 = arith.constant 0 : i32
      %dma_wait3A_97 = arith.constant 0 : i32
      %dma_wait3A_98 = arith.constant 0 : i32
      %dma_wait3A_99 = tpu.memref_slice %arg10[%dma_wait3A_96, %dma_wait3A_97, %dma_wait3A_98] : memref<2x128x256xf32, #tpu.memory_space<vmem>> -> memref<1x128x256xf32, #tpu.memory_space<vmem>>
      %dma_wait3A_100 = tpu.memref_squeeze %dma_wait3A_99 : memref<1x128x256xf32, #tpu.memory_space<vmem>> -> memref<128x256xf32, #tpu.memory_space<vmem>>
      %dma_wait3A_101 = arith.constant 0 : i32
      %dma_wait3A_102 = tpu.memref_slice %arg7[%mul3A_56, %dma_wait3A_101] : memref<98x128xi32, #tpu.memory_space<vmem>> -> memref<1x128xi32, #tpu.memory_space<vmem>>
      %dma_wait3A_103 = tpu.memref_squeeze %dma_wait3A_102 : memref<1x128xi32, #tpu.memory_space<vmem>> -> memref<128xi32, #tpu.memory_space<vmem>>
      %dma_wait3A_104 = arith.constant 0 : i32
      %dma_wait3A_105 = arith.constant 0 : i32
      %dma_wait3A_106 = tpu.memref_slice %arg2[%dma_wait3A_104, %dma_wait3A_105] : memref<131072x256xf32, #tpu.memory_space<hbm>> -> memref<131072x256xf32, #tpu.memory_space<hbm>>
      tpu.wait_indirect_dma semaphore(%arg12 : memref<!tpu.dma_semaphore, #tpu.memory_space<semaphore_mem>>) src(%dma_wait3A_106 : memref<131072x256xf32, #tpu.memory_space<hbm>>) dst(%dma_wait3A_100 : memref<128x256xf32, #tpu.memory_space<vmem>>)
      %gt3A = arith.constant 0 : i32
      %gt3A_107 = arith.cmpi sgt, %scan3A_54, %gt3A : i32
      %convert_element_type3A = arith.extui %gt3A_107 : i1 to i32
      %cond3A = arith.constant 0 : i32
      %cond3A_108 = arith.cmpi ne, %convert_element_type3A, %cond3A : i32
      scf.if %cond3A_108 {
        %sub3A = arith.constant 2 : i32
        %sub3A_178 = arith.subi %mul3A_56, %sub3A : i32
        %dma_wait3A_179 = arith.constant 0 : i32
        %dma_wait3A_180 = arith.constant 0 : i32
        %dma_wait3A_181 = arith.constant 0 : i32
        %dma_wait3A_182 = tpu.memref_slice %arg11[%dma_wait3A_179, %dma_wait3A_180, %dma_wait3A_181] : memref<2x32x256xf32, #tpu.memory_space<vmem>> -> memref<1x32x256xf32, #tpu.memory_space<vmem>>
        %dma_wait3A_183 = tpu.memref_squeeze %dma_wait3A_182 : memref<1x32x256xf32, #tpu.memory_space<vmem>> -> memref<32x256xf32, #tpu.memory_space<vmem>>
        %dma_wait3A_184 = arith.constant 0 : i32
        %dma_wait3A_185 = tpu.memref_slice %arg8[%sub3A_178, %dma_wait3A_184] : memref<98x32xi32, #tpu.memory_space<vmem>> -> memref<1x32xi32, #tpu.memory_space<vmem>>
        %dma_wait3A_186 = tpu.memref_squeeze %dma_wait3A_185 : memref<1x32xi32, #tpu.memory_space<vmem>> -> memref<32xi32, #tpu.memory_space<vmem>>
        %dma_wait3A_187 = arith.constant 0 : i32
        %dma_wait3A_188 = arith.constant 0 : i32
        %dma_wait3A_189 = tpu.memref_slice %arg6[%dma_wait3A_187, %dma_wait3A_188] : memref<98000x256xf32, #tpu.memory_space<hbm>> -> memref<98000x256xf32, #tpu.memory_space<hbm>>
        tpu.wait_indirect_dma semaphore(%arg16 : memref<!tpu.dma_semaphore, #tpu.memory_space<semaphore_mem>>) src(%dma_wait3A_183 : memref<32x256xf32, #tpu.memory_space<vmem>>) dst(%dma_wait3A_189 : memref<98000x256xf32, #tpu.memory_space<hbm>>)
      } else {
      }
      %scan3A_109 = arith.constant 0 : i32
      %scan3A_110 = arith.constant 0 : i32
      %scan3A_111 = arith.constant 32 : i32
      %scan3A_112 = arith.addi %scan3A_110, %scan3A_111 : i32
      %scan3A_113 = arith.constant 2 : i32
      scf.for %scan3A_178 = %scan3A_110 to %scan3A_112 step %scan3A_113  : i32 {
        %mul3A_179 = arith.constant 16 : i32
        %mul3A_180 = arith.muli %mul3A_179, %scan3A_178 : i32
        %get3A = arith.constant 0 : i32
        %get3A_181 = arith.index_cast %get3A : i32 to index
        %get3A_182 = arith.index_cast %mul3A_180 : i32 to index
        %get3A_183 = tpu.vector_load %arg9[%get3A_181, %get3A_182] {strides = array<i32>} : memref<2x512xf32, #tpu.memory_space<vmem>>, vector<1x16xf32>,
        %get3A_184 = vector.shape_cast %get3A_183 : vector<1x16xf32> to vector<16xf32>
        %slice3A = vector.extract_strided_slice %get3A_184 {offsets = [0], sizes = [1], strides = [1]} : vector<16xf32> to vector<1xf32>
        %squeeze3A = vector.extract %slice3A[0] : f32 from vector<1xf32>
        %slice3A_185 = vector.extract_strided_slice %get3A_184 {offsets = [1], sizes = [1], strides = [1]} : vector<16xf32> to vector<1xf32>
        %squeeze3A_186 = vector.extract %slice3A_185[0] : f32 from vector<1xf32>
        %slice3A_187 = vector.extract_strided_slice %get3A_184 {offsets = [2], sizes = [1], strides = [1]} : vector<16xf32> to vector<1xf32>
        %squeeze3A_188 = vector.extract %slice3A_187[0] : f32 from vector<1xf32>
        %slice3A_189 = vector.extract_strided_slice %get3A_184 {offsets = [3], sizes = [1], strides = [1]} : vector<16xf32> to vector<1xf32>
        %squeeze3A_190 = vector.extract %slice3A_189[0] : f32 from vector<1xf32>
        %get3A_191 = arith.constant 0 : i32
        %get3A_192 = arith.index_cast %get3A_191 : i32 to index
        %get3A_193 = arith.index_cast %scan3A_178 : i32 to index
        %get3A_194 = arith.constant 0 : index
        %get3A_195 = tpu.vector_load %arg10[%get3A_192, %get3A_193, %get3A_194] {strides = array<i32>} : memref<2x128x256xf32, #tpu.memory_space<vmem>>, vector<1x1x16xf32>,
        %get3A_196 = vector.shape_cast %get3A_195 : vector<1x1x16xf32> to vector<16xf32>
        %mul3A_197 = vector.broadcast %squeeze3A : f32 to vector<16xf32>
        %mul3A_198 = arith.mulf %get3A_196, %mul3A_197 : vector<16xf32>
        %add3A_199 = arith.constant 32 : i32
        %add3A_200 = arith.addi %add3A_199, %scan3A_178 : i32
        %get3A_201 = arith.constant 0 : i32
        %get3A_202 = arith.index_cast %get3A_201 : i32 to index
        %get3A_203 = arith.index_cast %add3A_200 : i32 to index
        %get3A_204 = arith.constant 0 : index
        %get3A_205 = tpu.vector_load %arg10[%get3A_202, %get3A_203, %get3A_204] {strides = array<i32>} : memref<2x128x256xf32, #tpu.memory_space<vmem>>, vector<1x1x16xf32>,
        %get3A_206 = vector.shape_cast %get3A_205 : vector<1x1x16xf32> to vector<16xf32>
        %mul3A_207 = vector.broadcast %squeeze3A_186 : f32 to vector<16xf32>
        %mul3A_208 = arith.mulf %get3A_206, %mul3A_207 : vector<16xf32>
        %add3A_209 = arith.addf %mul3A_198, %mul3A_208 : vector<16xf32>
        %add3A_210 = arith.constant 64 : i32
        %add3A_211 = arith.addi %add3A_210, %scan3A_178 : i32
        %get3A_212 = arith.constant 0 : i32
        %get3A_213 = arith.index_cast %get3A_212 : i32 to index
        %get3A_214 = arith.index_cast %add3A_211 : i32 to index
        %get3A_215 = arith.constant 0 : index
        %get3A_216 = tpu.vector_load %arg10[%get3A_213, %get3A_214, %get3A_215] {strides = array<i32>} : memref<2x128x256xf32, #tpu.memory_space<vmem>>, vector<1x1x16xf32>,
        %get3A_217 = vector.shape_cast %get3A_216 : vector<1x1x16xf32> to vector<16xf32>
        %mul3A_218 = vector.broadcast %squeeze3A_188 : f32 to vector<16xf32>
        %mul3A_219 = arith.mulf %get3A_217, %mul3A_218 : vector<16xf32>
        %add3A_220 = arith.addf %add3A_209, %mul3A_219 : vector<16xf32>
        %add3A_221 = arith.constant 96 : i32
        %add3A_222 = arith.addi %add3A_221, %scan3A_178 : i32
        %get3A_223 = arith.constant 0 : i32
        %get3A_224 = arith.index_cast %get3A_223 : i32 to index
        %get3A_225 = arith.index_cast %add3A_222 : i32 to index
        %get3A_226 = arith.constant 0 : index
        %get3A_227 = tpu.vector_load %arg10[%get3A_224, %get3A_225, %get3A_226] {strides = array<i32>} : memref<2x128x256xf32, #tpu.memory_space<vmem>>, vector<1x1x16xf32>,
        %get3A_228 = vector.shape_cast %get3A_227 : vector<1x1x16xf32> to vector<16xf32>
        %mul3A_229 = vector.broadcast %squeeze3A_190 : f32 to vector<16xf32>
        %mul3A_230 = arith.mulf %get3A_228, %mul3A_229 : vector<16xf32>
        %add3A_231 = arith.addf %add3A_220, %mul3A_230 : vector<16xf32>
        %swap3A = arith.constant 0 : i32
        %swap3A_232 = arith.index_cast %swap3A : i32 to index
        %swap3A_233 = arith.index_cast %scan3A_178 : i32 to index
        %swap3A_234 = arith.constant 0 : index
        %swap3A_235 = tpu.vector_load %arg11[%swap3A_232, %swap3A_233, %swap3A_234] {strides = array<i32>} : memref<2x32x256xf32, #tpu.memory_space<vmem>>, vector<1x1x16xf32>,
        %swap3A_236 = vector.shape_cast %swap3A_235 : vector<1x1x16xf32> to vector<16xf32>
        %swap3A_237 = vector.shape_cast %add3A_231 : vector<16xf32> to vector<1x1x16xf32>
        tpu.vector_store %arg11[%swap3A_232, %swap3A_233, %swap3A_234], %swap3A_237 {strides = array<i32>} : memref<2x32x256xf32, #tpu.memory_space<vmem>>, vector<1x1x16xf32>,
        %get3A_238 = arith.constant 0 : i32
        %get3A_239 = arith.index_cast %get3A_238 : i32 to index
        %get3A_240 = arith.index_cast %scan3A_178 : i32 to index
        %get3A_241 = arith.constant 16 : index
        %get3A_242 = tpu.vector_load %arg10[%get3A_239, %get3A_240, %get3A_241] {strides = array<i32>} : memref<2x128x256xf32, #tpu.memory_space<vmem>>, vector<1x1x16xf32>,
        %get3A_243 = vector.shape_cast %get3A_242 : vector<1x1x16xf32> to vector<16xf32>
        %mul3A_244 = vector.broadcast %squeeze3A : f32 to vector<16xf32>
        %mul3A_245 = arith.mulf %get3A_243, %mul3A_244 : vector<16xf32>
        %add3A_246 = arith.constant 32 : i32
        %add3A_247 = arith.addi %add3A_246, %scan3A_178 : i32
        %get3A_248 = arith.constant 0 : i32
        %get3A_249 = arith.index_cast %get3A_248 : i32 to index
        %get3A_250 = arith.index_cast %add3A_247 : i32 to index
        %get3A_251 = arith.constant 16 : index
        %get3A_252 = tpu.vector_load %arg10[%get3A_249, %get3A_250, %get3A_251] {strides = array<i32>} : memref<2x128x256xf32, #tpu.memory_space<vmem>>, vector<1x1x16xf32>,
        %get3A_253 = vector.shape_cast %get3A_252 : vector<1x1x16xf32> to vector<16xf32>
        %mul3A_254 = vector.broadcast %squeeze3A_186 : f32 to vector<16xf32>
        %mul3A_255 = arith.mulf %get3A_253, %mul3A_254 : vector<16xf32>
        %add3A_256 = arith.addf %mul3A_245, %mul3A_255 : vector<16xf32>
        %add3A_257 = arith.constant 64 : i32
        %add3A_258 = arith.addi %add3A_257, %scan3A_178 : i32
        %get3A_259 = arith.constant 0 : i32
        %get3A_260 = arith.index_cast %get3A_259 : i32 to index
        %get3A_261 = arith.index_cast %add3A_258 : i32 to index
        %get3A_262 = arith.constant 16 : index
        %get3A_263 = tpu.vector_load %arg10[%get3A_260, %get3A_261, %get3A_262] {strides = array<i32>} : memref<2x128x256xf32, #tpu.memory_space<vmem>>, vector<1x1x16xf32>,
        %get3A_264 = vector.shape_cast %get3A_263 : vector<1x1x16xf32> to vector<16xf32>
        %mul3A_265 = vector.broadcast %squeeze3A_188 : f32 to vector<16xf32>
        %mul3A_266 = arith.mulf %get3A_264, %mul3A_265 : vector<16xf32>
        %add3A_267 = arith.addf %add3A_256, %mul3A_266 : vector<16xf32>
        %add3A_268 = arith.constant 96 : i32
        %add3A_269 = arith.addi %add3A_268, %scan3A_178 : i32
        %get3A_270 = arith.constant 0 : i32
        %get3A_271 = arith.index_cast %get3A_270 : i32 to index
        %get3A_272 = arith.index_cast %add3A_269 : i32 to index
        %get3A_273 = arith.constant 16 : index
        %get3A_274 = tpu.vector_load %arg10[%get3A_271, %get3A_272, %get3A_273] {strides = array<i32>} : memref<2x128x256xf32, #tpu.memory_space<vmem>>, vector<1x1x16xf32>,
        %get3A_275 = vector.shape_cast %get3A_274 : vector<1x1x16xf32> to vector<16xf32>
        %mul3A_276 = vector.broadcast %squeeze3A_190 : f32 to vector<16xf32>
        %mul3A_277 = arith.mulf %get3A_275, %mul3A_276 : vector<16xf32>
        %add3A_278 = arith.addf %add3A_267, %mul3A_277 : vector<16xf32>
        %swap3A_279 = arith.constant 0 : i32
        %swap3A_280 = arith.index_cast %swap3A_279 : i32 to index
        %swap3A_281 = arith.index_cast %scan3A_178 : i32 to index
        %swap3A_282 = arith.constant 16 : index
        %swap3A_283 = tpu.vector_load %arg11[%swap3A_280, %swap3A_281, %swap3A_282] {strides = array<i32>} : memref<2x32x256xf32, #tpu.memory_space<vmem>>, vector<1x1x16xf32>,
        %swap3A_284 = vector.shape_cast %swap3A_283 : vector<1x1x16xf32> to vector<16xf32>
        %swap3A_285 = vector.shape_cast %add3A_278 : vector<16xf32> to vector<1x1x16xf32>
        tpu.vector_store %arg11[%swap3A_280, %swap3A_281, %swap3A_282], %swap3A_285 {strides = array<i32>} : memref<2x32x256xf32, #tpu.memory_space<vmem>>, vector<1x1x16xf32>,
        %get3A_286 = arith.constant 0 : i32
        %get3A_287 = arith.index_cast %get3A_286 : i32 to index
        %get3A_288 = arith.index_cast %scan3A_178 : i32 to index
        %get3A_289 = arith.constant 32 : index
        %get3A_290 = tpu.vector_load %arg10[%get3A_287, %get3A_288, %get3A_289] {strides = array<i32>} : memref<2x128x256xf32, #tpu.memory_space<vmem>>, vector<1x1x16xf32>,
        %get3A_291 = vector.shape_cast %get3A_290 : vector<1x1x16xf32> to vector<16xf32>
        %mul3A_292 = vector.broadcast %squeeze3A : f32 to vector<16xf32>
        %mul3A_293 = arith.mulf %get3A_291, %mul3A_292 : vector<16xf32>
        %add3A_294 = arith.constant 32 : i32
        %add3A_295 = arith.addi %add3A_294, %scan3A_178 : i32
        %get3A_296 = arith.constant 0 : i32
        %get3A_297 = arith.index_cast %get3A_296 : i32 to index
        %get3A_298 = arith.index_cast %add3A_295 : i32 to index
        %get3A_299 = arith.constant 32 : index
        %get3A_300 = tpu.vector_load %arg10[%get3A_297, %get3A_298, %get3A_299] {strides = array<i32>} : memref<2x128x256xf32, #tpu.memory_space<vmem>>, vector<1x1x16xf32>,
        %get3A_301 = vector.shape_cast %get3A_300 : vector<1x1x16xf32> to vector<16xf32>
        %mul3A_302 = vector.broadcast %squeeze3A_186 : f32 to vector<16xf32>
        %mul3A_303 = arith.mulf %get3A_301, %mul3A_302 : vector<16xf32>
        %add3A_304 = arith.addf %mul3A_293, %mul3A_303 : vector<16xf32>
        %add3A_305 = arith.constant 64 : i32
        %add3A_306 = arith.addi %add3A_305, %scan3A_178 : i32
        %get3A_307 = arith.constant 0 : i32
        %get3A_308 = arith.index_cast %get3A_307 : i32 to index
        %get3A_309 = arith.index_cast %add3A_306 : i32 to index
        %get3A_310 = arith.constant 32 : index
        %get3A_311 = tpu.vector_load %arg10[%get3A_308, %get3A_309, %get3A_310] {strides = array<i32>} : memref<2x128x256xf32, #tpu.memory_space<vmem>>, vector<1x1x16xf32>,
        %get3A_312 = vector.shape_cast %get3A_311 : vector<1x1x16xf32> to vector<16xf32>
        %mul3A_313 = vector.broadcast %squeeze3A_188 : f32 to vector<16xf32>
        %mul3A_314 = arith.mulf %get3A_312, %mul3A_313 : vector<16xf32>
        %add3A_315 = arith.addf %add3A_304, %mul3A_314 : vector<16xf32>
        %add3A_316 = arith.constant 96 : i32
        %add3A_317 = arith.addi %add3A_316, %scan3A_178 : i32
        %get3A_318 = arith.constant 0 : i32
        %get3A_319 = arith.index_cast %get3A_318 : i32 to index
        %get3A_320 = arith.index_cast %add3A_317 : i32 to index
        %get3A_321 = arith.constant 32 : index
        %get3A_322 = tpu.vector_load %arg10[%get3A_319, %get3A_320, %get3A_321] {strides = array<i32>} : memref<2x128x256xf32, #tpu.memory_space<vmem>>, vector<1x1x16xf32>,
        %get3A_323 = vector.shape_cast %get3A_322 : vector<1x1x16xf32> to vector<16xf32>
        %mul3A_324 = vector.broadcast %squeeze3A_190 : f32 to vector<16xf32>
        %mul3A_325 = arith.mulf %get3A_323, %mul3A_324 : vector<16xf32>
        %add3A_326 = arith.addf %add3A_315, %mul3A_325 : vector<16xf32>
        %swap3A_327 = arith.constant 0 : i32
        %swap3A_328 = arith.index_cast %swap3A_327 : i32 to index
        %swap3A_329 = arith.index_cast %scan3A_178 : i32 to index
        %swap3A_330 = arith.constant 32 : index
        %swap3A_331 = tpu.vector_load %arg11[%swap3A_328, %swap3A_329, %swap3A_330] {strides = array<i32>} : memref<2x32x256xf32, #tpu.memory_space<vmem>>, vector<1x1x16xf32>,
        %swap3A_332 = vector.shape_cast %swap3A_331 : vector<1x1x16xf32> to vector<16xf32>
        %swap3A_333 = vector.shape_cast %add3A_326 : vector<16xf32> to vector<1x1x16xf32>
        tpu.vector_store %arg11[%swap3A_328, %swap3A_329, %swap3A_330], %swap3A_333 {strides = array<i32>} : memref<2x32x256xf32, #tpu.memory_space<vmem>>, vector<1x1x16xf32>,
        %get3A_334 = arith.constant 0 : i32
        %get3A_335 = arith.index_cast %get3A_334 : i32 to index
        %get3A_336 = arith.index_cast %scan3A_178 : i32 to index
        %get3A_337 = arith.constant 48 : index
        %get3A_338 = tpu.vector_load %arg10[%get3A_335, %get3A_336, %get3A_337] {strides = array<i32>} : memref<2x128x256xf32, #tpu.memory_space<vmem>>, vector<1x1x16xf32>,
        %get3A_339 = vector.shape_cast %get3A_338 : vector<1x1x16xf32> to vector<16xf32>
        %mul3A_340 = vector.broadcast %squeeze3A : f32 to vector<16xf32>
        %mul3A_341 = arith.mulf %get3A_339, %mul3A_340 : vector<16xf32>
        %add3A_342 = arith.constant 32 : i32
        %add3A_343 = arith.addi %add3A_342, %scan3A_178 : i32
        %get3A_344 = arith.constant 0 : i32
        %get3A_345 = arith.index_cast %get3A_344 : i32 to index
        %get3A_346 = arith.index_cast %add3A_343 : i32 to index
        %get3A_347 = arith.constant 48 : index
        %get3A_348 = tpu.vector_load %arg10[%get3A_345, %get3A_346, %get3A_347] {strides = array<i32>} : memref<2x128x256xf32, #tpu.memory_space<vmem>>, vector<1x1x16xf32>,
        %get3A_349 = vector.shape_cast %get3A_348 : vector<1x1x16xf32> to vector<16xf32>
        %mul3A_350 = vector.broadcast %squeeze3A_186 : f32 to vector<16xf32>
        %mul3A_351 = arith.mulf %get3A_349, %mul3A_350 : vector<16xf32>
        %add3A_352 = arith.addf %mul3A_341, %mul3A_351 : vector<16xf32>
        %add3A_353 = arith.constant 64 : i32
        %add3A_354 = arith.addi %add3A_353, %scan3A_178 : i32
        %get3A_355 = arith.constant 0 : i32
        %get3A_356 = arith.index_cast %get3A_355 : i32 to index
        %get3A_357 = arith.index_cast %add3A_354 : i32 to index
        %get3A_358 = arith.constant 48 : index
        %get3A_359 = tpu.vector_load %arg10[%get3A_356, %get3A_357, %get3A_358] {strides = array<i32>} : memref<2x128x256xf32, #tpu.memory_space<vmem>>, vector<1x1x16xf32>,
        %get3A_360 = vector.shape_cast %get3A_359 : vector<1x1x16xf32> to vector<16xf32>
        %mul3A_361 = vector.broadcast %squeeze3A_188 : f32 to vector<16xf32>
        %mul3A_362 = arith.mulf %get3A_360, %mul3A_361 : vector<16xf32>
        %add3A_363 = arith.addf %add3A_352, %mul3A_362 : vector<16xf32>
        %add3A_364 = arith.constant 96 : i32
        %add3A_365 = arith.addi %add3A_364, %scan3A_178 : i32
        %get3A_366 = arith.constant 0 : i32
        %get3A_367 = arith.index_cast %get3A_366 : i32 to index
        %get3A_368 = arith.index_cast %add3A_365 : i32 to index
        %get3A_369 = arith.constant 48 : index
        %get3A_370 = tpu.vector_load %arg10[%get3A_367, %get3A_368, %get3A_369] {strides = array<i32>} : memref<2x128x256xf32, #tpu.memory_space<vmem>>, vector<1x1x16xf32>,
        %get3A_371 = vector.shape_cast %get3A_370 : vector<1x1x16xf32> to vector<16xf32>
        %mul3A_372 = vector.broadcast %squeeze3A_190 : f32 to vector<16xf32>
        %mul3A_373 = arith.mulf %get3A_371, %mul3A_372 : vector<16xf32>
        %add3A_374 = arith.addf %add3A_363, %mul3A_373 : vector<16xf32>
        %swap3A_375 = arith.constant 0 : i32
        %swap3A_376 = arith.index_cast %swap3A_375 : i32 to index
        %swap3A_377 = arith.index_cast %scan3A_178 : i32 to index
        %swap3A_378 = arith.constant 48 : index
        %swap3A_379 = tpu.vector_load %arg11[%swap3A_376, %swap3A_377, %swap3A_378] {strides = array<i32>} : memref<2x32x256xf32, #tpu.memory_space<vmem>>, vector<1x1x16xf32>,
        %swap3A_380 = vector.shape_cast %swap3A_379 : vector<1x1x16xf32> to vector<16xf32>
        %swap3A_381 = vector.shape_cast %add3A_374 : vector<16xf32> to vector<1x1x16xf32>
        tpu.vector_store %arg11[%swap3A_376, %swap3A_377, %swap3A_378], %swap3A_381 {strides = array<i32>} : memref<2x32x256xf32, #tpu.memory_space<vmem>>, vector<1x1x16xf32>,
        %get3A_382 = arith.constant 0 : i32
        %get3A_383 = arith.index_cast %get3A_382 : i32 to index
        %get3A_384 = arith.index_cast %scan3A_178 : i32 to index
        %get3A_385 = arith.constant 64 : index
        %get3A_386 = tpu.vector_load %arg10[%get3A_383, %get3A_384, %get3A_385] {strides = array<i32>} : memref<2x128x256xf32, #tpu.memory_space<vmem>>, vector<1x1x16xf32>,
        %get3A_387 = vector.shape_cast %get3A_386 : vector<1x1x16xf32> to vector<16xf32>
        %mul3A_388 = vector.broadcast %squeeze3A : f32 to vector<16xf32>
        %mul3A_389 = arith.mulf %get3A_387, %mul3A_388 : vector<16xf32>
        %add3A_390 = arith.constant 32 : i32
        %add3A_391 = arith.addi %add3A_390, %scan3A_178 : i32
        %get3A_392 = arith.constant 0 : i32
        %get3A_393 = arith.index_cast %get3A_392 : i32 to index
        %get3A_394 = arith.index_cast %add3A_391 : i32 to index
        %get3A_395 = arith.constant 64 : index
        %get3A_396 = tpu.vector_load %arg10[%get3A_393, %get3A_394, %get3A_395] {strides = array<i32>} : memref<2x128x256xf32, #tpu.memory_space<vmem>>, vector<1x1x16xf32>,
        %get3A_397 = vector.shape_cast %get3A_396 : vector<1x1x16xf32> to vector<16xf32>
        %mul3A_398 = vector.broadcast %squeeze3A_186 : f32 to vector<16xf32>
        %mul3A_399 = arith.mulf %get3A_397, %mul3A_398 : vector<16xf32>
        %add3A_400 = arith.addf %mul3A_389, %mul3A_399 : vector<16xf32>
        %add3A_401 = arith.constant 64 : i32
        %add3A_402 = arith.addi %add3A_401, %scan3A_178 : i32
        %get3A_403 = arith.constant 0 : i32
        %get3A_404 = arith.index_cast %get3A_403 : i32 to index
        %get3A_405 = arith.index_cast %add3A_402 : i32 to index
        %get3A_406 = arith.constant 64 : index
        %get3A_407 = tpu.vector_load %arg10[%get3A_404, %get3A_405, %get3A_406] {strides = array<i32>} : memref<2x128x256xf32, #tpu.memory_space<vmem>>, vector<1x1x16xf32>,
        %get3A_408 = vector.shape_cast %get3A_407 : vector<1x1x16xf32> to vector<16xf32>
        %mul3A_409 = vector.broadcast %squeeze3A_188 : f32 to vector<16xf32>
        %mul3A_410 = arith.mulf %get3A_408, %mul3A_409 : vector<16xf32>
        %add3A_411 = arith.addf %add3A_400, %mul3A_410 : vector<16xf32>
        %add3A_412 = arith.constant 96 : i32
        %add3A_413 = arith.addi %add3A_412, %scan3A_178 : i32
        %get3A_414 = arith.constant 0 : i32
        %get3A_415 = arith.index_cast %get3A_414 : i32 to index
        %get3A_416 = arith.index_cast %add3A_413 : i32 to index
        %get3A_417 = arith.constant 64 : index
        %get3A_418 = tpu.vector_load %arg10[%get3A_415, %get3A_416, %get3A_417] {strides = array<i32>} : memref<2x128x256xf32, #tpu.memory_space<vmem>>, vector<1x1x16xf32>,
        %get3A_419 = vector.shape_cast %get3A_418 : vector<1x1x16xf32> to vector<16xf32>
        %mul3A_420 = vector.broadcast %squeeze3A_190 : f32 to vector<16xf32>
        %mul3A_421 = arith.mulf %get3A_419, %mul3A_420 : vector<16xf32>
        %add3A_422 = arith.addf %add3A_411, %mul3A_421 : vector<16xf32>
        %swap3A_423 = arith.constant 0 : i32
        %swap3A_424 = arith.index_cast %swap3A_423 : i32 to index
        %swap3A_425 = arith.index_cast %scan3A_178 : i32 to index
        %swap3A_426 = arith.constant 64 : index
        %swap3A_427 = tpu.vector_load %arg11[%swap3A_424, %swap3A_425, %swap3A_426] {strides = array<i32>} : memref<2x32x256xf32, #tpu.memory_space<vmem>>, vector<1x1x16xf32>,
        %swap3A_428 = vector.shape_cast %swap3A_427 : vector<1x1x16xf32> to vector<16xf32>
        %swap3A_429 = vector.shape_cast %add3A_422 : vector<16xf32> to vector<1x1x16xf32>
        tpu.vector_store %arg11[%swap3A_424, %swap3A_425, %swap3A_426], %swap3A_429 {strides = array<i32>} : memref<2x32x256xf32, #tpu.memory_space<vmem>>, vector<1x1x16xf32>,
        %get3A_430 = arith.constant 0 : i32
        %get3A_431 = arith.index_cast %get3A_430 : i32 to index
        %get3A_432 = arith.index_cast %scan3A_178 : i32 to index
        %get3A_433 = arith.constant 80 : index
        %get3A_434 = tpu.vector_load %arg10[%get3A_431, %get3A_432, %get3A_433] {strides = array<i32>} : memref<2x128x256xf32, #tpu.memory_space<vmem>>, vector<1x1x16xf32>,
        %get3A_435 = vector.shape_cast %get3A_434 : vector<1x1x16xf32> to vector<16xf32>
        %mul3A_436 = vector.broadcast %squeeze3A : f32 to vector<16xf32>
        %mul3A_437 = arith.mulf %get3A_435, %mul3A_436 : vector<16xf32>
        %add3A_438 = arith.constant 32 : i32
        %add3A_439 = arith.addi %add3A_438, %scan3A_178 : i32
        %get3A_440 = arith.constant 0 : i32
        %get3A_441 = arith.index_cast %get3A_440 : i32 to index
        %get3A_442 = arith.index_cast %add3A_439 : i32 to index
        %get3A_443 = arith.constant 80 : index
        %get3A_444 = tpu.vector_load %arg10[%get3A_441, %get3A_442, %get3A_443] {strides = array<i32>} : memref<2x128x256xf32, #tpu.memory_space<vmem>>, vector<1x1x16xf32>,
        %get3A_445 = vector.shape_cast %get3A_444 : vector<1x1x16xf32> to vector<16xf32>
        %mul3A_446 = vector.broadcast %squeeze3A_186 : f32 to vector<16xf32>
        %mul3A_447 = arith.mulf %get3A_445, %mul3A_446 : vector<16xf32>
        %add3A_448 = arith.addf %mul3A_437, %mul3A_447 : vector<16xf32>
        %add3A_449 = arith.constant 64 : i32
        %add3A_450 = arith.addi %add3A_449, %scan3A_178 : i32
        %get3A_451 = arith.constant 0 : i32
        %get3A_452 = arith.index_cast %get3A_451 : i32 to index
        %get3A_453 = arith.index_cast %add3A_450 : i32 to index
        %get3A_454 = arith.constant 80 : index
        %get3A_455 = tpu.vector_load %arg10[%get3A_452, %get3A_453, %get3A_454] {strides = array<i32>} : memref<2x128x256xf32, #tpu.memory_space<vmem>>, vector<1x1x16xf32>,
        %get3A_456 = vector.shape_cast %get3A_455 : vector<1x1x16xf32> to vector<16xf32>
        %mul3A_457 = vector.broadcast %squeeze3A_188 : f32 to vector<16xf32>
        %mul3A_458 = arith.mulf %get3A_456, %mul3A_457 : vector<16xf32>
        %add3A_459 = arith.addf %add3A_448, %mul3A_458 : vector<16xf32>
        %add3A_460 = arith.constant 96 : i32
        %add3A_461 = arith.addi %add3A_460, %scan3A_178 : i32
        %get3A_462 = arith.constant 0 : i32
        %get3A_463 = arith.index_cast %get3A_462 : i32 to index
        %get3A_464 = arith.index_cast %add3A_461 : i32 to index
        %get3A_465 = arith.constant 80 : index
        %get3A_466 = tpu.vector_load %arg10[%get3A_463, %get3A_464, %get3A_465] {strides = array<i32>} : memref<2x128x256xf32, #tpu.memory_space<vmem>>, vector<1x1x16xf32>,
        %get3A_467 = vector.shape_cast %get3A_466 : vector<1x1x16xf32> to vector<16xf32>
        %mul3A_468 = vector.broadcast %squeeze3A_190 : f32 to vector<16xf32>
        %mul3A_469 = arith.mulf %get3A_467, %mul3A_468 : vector<16xf32>
        %add3A_470 = arith.addf %add3A_459, %mul3A_469 : vector<16xf32>
        %swap3A_471 = arith.constant 0 : i32
        %swap3A_472 = arith.index_cast %swap3A_471 : i32 to index
        %swap3A_473 = arith.index_cast %scan3A_178 : i32 to index
        %swap3A_474 = arith.constant 80 : index
        %swap3A_475 = tpu.vector_load %arg11[%swap3A_472, %swap3A_473, %swap3A_474] {strides = array<i32>} : memref<2x32x256xf32, #tpu.memory_space<vmem>>, vector<1x1x16xf32>,
        %swap3A_476 = vector.shape_cast %swap3A_475 : vector<1x1x16xf32> to vector<16xf32>
        %swap3A_477 = vector.shape_cast %add3A_470 : vector<16xf32> to vector<1x1x16xf32>
        tpu.vector_store %arg11[%swap3A_472, %swap3A_473, %swap3A_474], %swap3A_477 {strides = array<i32>} : memref<2x32x256xf32, #tpu.memory_space<vmem>>, vector<1x1x16xf32>,
        %get3A_478 = arith.constant 0 : i32
        %get3A_479 = arith.index_cast %get3A_478 : i32 to index
        %get3A_480 = arith.index_cast %scan3A_178 : i32 to index
        %get3A_481 = arith.constant 96 : index
        %get3A_482 = tpu.vector_load %arg10[%get3A_479, %get3A_480, %get3A_481] {strides = array<i32>} : memref<2x128x256xf32, #tpu.memory_space<vmem>>, vector<1x1x16xf32>,
        %get3A_483 = vector.shape_cast %get3A_482 : vector<1x1x16xf32> to vector<16xf32>
        %mul3A_484 = vector.broadcast %squeeze3A : f32 to vector<16xf32>
        %mul3A_485 = arith.mulf %get3A_483, %mul3A_484 : vector<16xf32>
        %add3A_486 = arith.constant 32 : i32
        %add3A_487 = arith.addi %add3A_486, %scan3A_178 : i32
        %get3A_488 = arith.constant 0 : i32
        %get3A_489 = arith.index_cast %get3A_488 : i32 to index
        %get3A_490 = arith.index_cast %add3A_487 : i32 to index
        %get3A_491 = arith.constant 96 : index
        %get3A_492 = tpu.vector_load %arg10[%get3A_489, %get3A_490, %get3A_491] {strides = array<i32>} : memref<2x128x256xf32, #tpu.memory_space<vmem>>, vector<1x1x16xf32>,
        %get3A_493 = vector.shape_cast %get3A_492 : vector<1x1x16xf32> to vector<16xf32>
        %mul3A_494 = vector.broadcast %squeeze3A_186 : f32 to vector<16xf32>
        %mul3A_495 = arith.mulf %get3A_493, %mul3A_494 : vector<16xf32>
        %add3A_496 = arith.addf %mul3A_485, %mul3A_495 : vector<16xf32>
        %add3A_497 = arith.constant 64 : i32
        %add3A_498 = arith.addi %add3A_497, %scan3A_178 : i32
        %get3A_499 = arith.constant 0 : i32
        %get3A_500 = arith.index_cast %get3A_499 : i32 to index
        %get3A_501 = arith.index_cast %add3A_498 : i32 to index
        %get3A_502 = arith.constant 96 : index
        %get3A_503 = tpu.vector_load %arg10[%get3A_500, %get3A_501, %get3A_502] {strides = array<i32>} : memref<2x128x256xf32, #tpu.memory_space<vmem>>, vector<1x1x16xf32>,
        %get3A_504 = vector.shape_cast %get3A_503 : vector<1x1x16xf32> to vector<16xf32>
        %mul3A_505 = vector.broadcast %squeeze3A_188 : f32 to vector<16xf32>
        %mul3A_506 = arith.mulf %get3A_504, %mul3A_505 : vector<16xf32>
        %add3A_507 = arith.addf %add3A_496, %mul3A_506 : vector<16xf32>
        %add3A_508 = arith.constant 96 : i32
        %add3A_509 = arith.addi %add3A_508, %scan3A_178 : i32
        %get3A_510 = arith.constant 0 : i32
        %get3A_511 = arith.index_cast %get3A_510 : i32 to index
        %get3A_512 = arith.index_cast %add3A_509 : i32 to index
        %get3A_513 = arith.constant 96 : index
        %get3A_514 = tpu.vector_load %arg10[%get3A_511, %get3A_512, %get3A_513] {strides = array<i32>} : memref<2x128x256xf32, #tpu.memory_space<vmem>>, vector<1x1x16xf32>,
        %get3A_515 = vector.shape_cast %get3A_514 : vector<1x1x16xf32> to vector<16xf32>
        %mul3A_516 = vector.broadcast %squeeze3A_190 : f32 to vector<16xf32>
        %mul3A_517 = arith.mulf %get3A_515, %mul3A_516 : vector<16xf32>
        %add3A_518 = arith.addf %add3A_507, %mul3A_517 : vector<16xf32>
        %swap3A_519 = arith.constant 0 : i32
        %swap3A_520 = arith.index_cast %swap3A_519 : i32 to index
        %swap3A_521 = arith.index_cast %scan3A_178 : i32 to index
        %swap3A_522 = arith.constant 96 : index
        %swap3A_523 = tpu.vector_load %arg11[%swap3A_520, %swap3A_521, %swap3A_522] {strides = array<i32>} : memref<2x32x256xf32, #tpu.memory_space<vmem>>, vector<1x1x16xf32>,
        %swap3A_524 = vector.shape_cast %swap3A_523 : vector<1x1x16xf32> to vector<16xf32>
        %swap3A_525 = vector.shape_cast %add3A_518 : vector<16xf32> to vector<1x1x16xf32>
        tpu.vector_store %arg11[%swap3A_520, %swap3A_521, %swap3A_522], %swap3A_525 {strides = array<i32>} : memref<2x32x256xf32, #tpu.memory_space<vmem>>, vector<1x1x16xf32>,
        %get3A_526 = arith.constant 0 : i32
        %get3A_527 = arith.index_cast %get3A_526 : i32 to index
        %get3A_528 = arith.index_cast %scan3A_178 : i32 to index
        %get3A_529 = arith.constant 112 : index
        %get3A_530 = tpu.vector_load %arg10[%get3A_527, %get3A_528, %get3A_529] {strides = array<i32>} : memref<2x128x256xf32, #tpu.memory_space<vmem>>, vector<1x1x16xf32>,
        %get3A_531 = vector.shape_cast %get3A_530 : vector<1x1x16xf32> to vector<16xf32>
        %mul3A_532 = vector.broadcast %squeeze3A : f32 to vector<16xf32>
        %mul3A_533 = arith.mulf %get3A_531, %mul3A_532 : vector<16xf32>
        %add3A_534 = arith.constant 32 : i32
        %add3A_535 = arith.addi %add3A_534, %scan3A_178 : i32
        %get3A_536 = arith.constant 0 : i32
        %get3A_537 = arith.index_cast %get3A_536 : i32 to index
        %get3A_538 = arith.index_cast %add3A_535 : i32 to index
        %get3A_539 = arith.constant 112 : index
        %get3A_540 = tpu.vector_load %arg10[%get3A_537, %get3A_538, %get3A_539] {strides = array<i32>} : memref<2x128x256xf32, #tpu.memory_space<vmem>>, vector<1x1x16xf32>,
        %get3A_541 = vector.shape_cast %get3A_540 : vector<1x1x16xf32> to vector<16xf32>
        %mul3A_542 = vector.broadcast %squeeze3A_186 : f32 to vector<16xf32>
        %mul3A_543 = arith.mulf %get3A_541, %mul3A_542 : vector<16xf32>
        %add3A_544 = arith.addf %mul3A_533, %mul3A_543 : vector<16xf32>
        %add3A_545 = arith.constant 64 : i32
        %add3A_546 = arith.addi %add3A_545, %scan3A_178 : i32
        %get3A_547 = arith.constant 0 : i32
        %get3A_548 = arith.index_cast %get3A_547 : i32 to index
        %get3A_549 = arith.index_cast %add3A_546 : i32 to index
        %get3A_550 = arith.constant 112 : index
        %get3A_551 = tpu.vector_load %arg10[%get3A_548, %get3A_549, %get3A_550] {strides = array<i32>} : memref<2x128x256xf32, #tpu.memory_space<vmem>>, vector<1x1x16xf32>,
        %get3A_552 = vector.shape_cast %get3A_551 : vector<1x1x16xf32> to vector<16xf32>
        %mul3A_553 = vector.broadcast %squeeze3A_188 : f32 to vector<16xf32>
        %mul3A_554 = arith.mulf %get3A_552, %mul3A_553 : vector<16xf32>
        %add3A_555 = arith.addf %add3A_544, %mul3A_554 : vector<16xf32>
        %add3A_556 = arith.constant 96 : i32
        %add3A_557 = arith.addi %add3A_556, %scan3A_178 : i32
        %get3A_558 = arith.constant 0 : i32
        %get3A_559 = arith.index_cast %get3A_558 : i32 to index
        %get3A_560 = arith.index_cast %add3A_557 : i32 to index
        %get3A_561 = arith.constant 112 : index
        %get3A_562 = tpu.vector_load %arg10[%get3A_559, %get3A_560, %get3A_561] {strides = array<i32>} : memref<2x128x256xf32, #tpu.memory_space<vmem>>, vector<1x1x16xf32>,
        %get3A_563 = vector.shape_cast %get3A_562 : vector<1x1x16xf32> to vector<16xf32>
        %mul3A_564 = vector.broadcast %squeeze3A_190 : f32 to vector<16xf32>
        %mul3A_565 = arith.mulf %get3A_563, %mul3A_564 : vector<16xf32>
        %add3A_566 = arith.addf %add3A_555, %mul3A_565 : vector<16xf32>
        %swap3A_567 = arith.constant 0 : i32
        %swap3A_568 = arith.index_cast %swap3A_567 : i32 to index
        %swap3A_569 = arith.index_cast %scan3A_178 : i32 to index
        %swap3A_570 = arith.constant 112 : index
        %swap3A_571 = tpu.vector_load %arg11[%swap3A_568, %swap3A_569, %swap3A_570] {strides = array<i32>} : memref<2x32x256xf32, #tpu.memory_space<vmem>>, vector<1x1x16xf32>,
        %swap3A_572 = vector.shape_cast %swap3A_571 : vector<1x1x16xf32> to vector<16xf32>
        %swap3A_573 = vector.shape_cast %add3A_566 : vector<16xf32> to vector<1x1x16xf32>
        tpu.vector_store %arg11[%swap3A_568, %swap3A_569, %swap3A_570], %swap3A_573 {strides = array<i32>} : memref<2x32x256xf32, #tpu.memory_space<vmem>>, vector<1x1x16xf32>,
        %get3A_574 = arith.constant 0 : i32
        %get3A_575 = arith.index_cast %get3A_574 : i32 to index
        %get3A_576 = arith.index_cast %scan3A_178 : i32 to index
        %get3A_577 = arith.constant 128 : index
        %get3A_578 = tpu.vector_load %arg10[%get3A_575, %get3A_576, %get3A_577] {strides = array<i32>} : memref<2x128x256xf32, #tpu.memory_space<vmem>>, vector<1x1x16xf32>,
        %get3A_579 = vector.shape_cast %get3A_578 : vector<1x1x16xf32> to vector<16xf32>
        %mul3A_580 = vector.broadcast %squeeze3A : f32 to vector<16xf32>
        %mul3A_581 = arith.mulf %get3A_579, %mul3A_580 : vector<16xf32>
        %add3A_582 = arith.constant 32 : i32
        %add3A_583 = arith.addi %add3A_582, %scan3A_178 : i32
        %get3A_584 = arith.constant 0 : i32
        %get3A_585 = arith.index_cast %get3A_584 : i32 to index
        %get3A_586 = arith.index_cast %add3A_583 : i32 to index
        %get3A_587 = arith.constant 128 : index
        %get3A_588 = tpu.vector_load %arg10[%get3A_585, %get3A_586, %get3A_587] {strides = array<i32>} : memref<2x128x256xf32, #tpu.memory_space<vmem>>, vector<1x1x16xf32>,
        %get3A_589 = vector.shape_cast %get3A_588 : vector<1x1x16xf32> to vector<16xf32>
        %mul3A_590 = vector.broadcast %squeeze3A_186 : f32 to vector<16xf32>
        %mul3A_591 = arith.mulf %get3A_589, %mul3A_590 : vector<16xf32>
        %add3A_592 = arith.addf %mul3A_581, %mul3A_591 : vector<16xf32>
        %add3A_593 = arith.constant 64 : i32
        %add3A_594 = arith.addi %add3A_593, %scan3A_178 : i32
        %get3A_595 = arith.constant 0 : i32
        %get3A_596 = arith.index_cast %get3A_595 : i32 to index
        %get3A_597 = arith.index_cast %add3A_594 : i32 to index
        %get3A_598 = arith.constant 128 : index
        %get3A_599 = tpu.vector_load %arg10[%get3A_596, %get3A_597, %get3A_598] {strides = array<i32>} : memref<2x128x256xf32, #tpu.memory_space<vmem>>, vector<1x1x16xf32>,
        %get3A_600 = vector.shape_cast %get3A_599 : vector<1x1x16xf32> to vector<16xf32>
        %mul3A_601 = vector.broadcast %squeeze3A_188 : f32 to vector<16xf32>
        %mul3A_602 = arith.mulf %get3A_600, %mul3A_601 : vector<16xf32>
        %add3A_603 = arith.addf %add3A_592, %mul3A_602 : vector<16xf32>
        %add3A_604 = arith.constant 96 : i32
        %add3A_605 = arith.addi %add3A_604, %scan3A_178 : i32
        %get3A_606 = arith.constant 0 : i32
        %get3A_607 = arith.index_cast %get3A_606 : i32 to index
        %get3A_608 = arith.index_cast %add3A_605 : i32 to index
        %get3A_609 = arith.constant 128 : index
        %get3A_610 = tpu.vector_load %arg10[%get3A_607, %get3A_608, %get3A_609] {strides = array<i32>} : memref<2x128x256xf32, #tpu.memory_space<vmem>>, vector<1x1x16xf32>,
        %get3A_611 = vector.shape_cast %get3A_610 : vector<1x1x16xf32> to vector<16xf32>
        %mul3A_612 = vector.broadcast %squeeze3A_190 : f32 to vector<16xf32>
        %mul3A_613 = arith.mulf %get3A_611, %mul3A_612 : vector<16xf32>
        %add3A_614 = arith.addf %add3A_603, %mul3A_613 : vector<16xf32>
        %swap3A_615 = arith.constant 0 : i32
        %swap3A_616 = arith.index_cast %swap3A_615 : i32 to index
        %swap3A_617 = arith.index_cast %scan3A_178 : i32 to index
        %swap3A_618 = arith.constant 128 : index
        %swap3A_619 = tpu.vector_load %arg11[%swap3A_616, %swap3A_617, %swap3A_618] {strides = array<i32>} : memref<2x32x256xf32, #tpu.memory_space<vmem>>, vector<1x1x16xf32>,
        %swap3A_620 = vector.shape_cast %swap3A_619 : vector<1x1x16xf32> to vector<16xf32>
        %swap3A_621 = vector.shape_cast %add3A_614 : vector<16xf32> to vector<1x1x16xf32>
        tpu.vector_store %arg11[%swap3A_616, %swap3A_617, %swap3A_618], %swap3A_621 {strides = array<i32>} : memref<2x32x256xf32, #tpu.memory_space<vmem>>, vector<1x1x16xf32>,
        %get3A_622 = arith.constant 0 : i32
        %get3A_623 = arith.index_cast %get3A_622 : i32 to index
        %get3A_624 = arith.index_cast %scan3A_178 : i32 to index
        %get3A_625 = arith.constant 144 : index
        %get3A_626 = tpu.vector_load %arg10[%get3A_623, %get3A_624, %get3A_625] {strides = array<i32>} : memref<2x128x256xf32, #tpu.memory_space<vmem>>, vector<1x1x16xf32>,
        %get3A_627 = vector.shape_cast %get3A_626 : vector<1x1x16xf32> to vector<16xf32>
        %mul3A_628 = vector.broadcast %squeeze3A : f32 to vector<16xf32>
        %mul3A_629 = arith.mulf %get3A_627, %mul3A_628 : vector<16xf32>
        %add3A_630 = arith.constant 32 : i32
        %add3A_631 = arith.addi %add3A_630, %scan3A_178 : i32
        %get3A_632 = arith.constant 0 : i32
        %get3A_633 = arith.index_cast %get3A_632 : i32 to index
        %get3A_634 = arith.index_cast %add3A_631 : i32 to index
        %get3A_635 = arith.constant 144 : index
        %get3A_636 = tpu.vector_load %arg10[%get3A_633, %get3A_634, %get3A_635] {strides = array<i32>} : memref<2x128x256xf32, #tpu.memory_space<vmem>>, vector<1x1x16xf32>,
        %get3A_637 = vector.shape_cast %get3A_636 : vector<1x1x16xf32> to vector<16xf32>
        %mul3A_638 = vector.broadcast %squeeze3A_186 : f32 to vector<16xf32>
        %mul3A_639 = arith.mulf %get3A_637, %mul3A_638 : vector<16xf32>
        %add3A_640 = arith.addf %mul3A_629, %mul3A_639 : vector<16xf32>
        %add3A_641 = arith.constant 64 : i32
        %add3A_642 = arith.addi %add3A_641, %scan3A_178 : i32
        %get3A_643 = arith.constant 0 : i32
        %get3A_644 = arith.index_cast %get3A_643 : i32 to index
        %get3A_645 = arith.index_cast %add3A_642 : i32 to index
        %get3A_646 = arith.constant 144 : index
        %get3A_647 = tpu.vector_load %arg10[%get3A_644, %get3A_645, %get3A_646] {strides = array<i32>} : memref<2x128x256xf32, #tpu.memory_space<vmem>>, vector<1x1x16xf32>,
        %get3A_648 = vector.shape_cast %get3A_647 : vector<1x1x16xf32> to vector<16xf32>
        %mul3A_649 = vector.broadcast %squeeze3A_188 : f32 to vector<16xf32>
        %mul3A_650 = arith.mulf %get3A_648, %mul3A_649 : vector<16xf32>
        %add3A_651 = arith.addf %add3A_640, %mul3A_650 : vector<16xf32>
        %add3A_652 = arith.constant 96 : i32
        %add3A_653 = arith.addi %add3A_652, %scan3A_178 : i32
        %get3A_654 = arith.constant 0 : i32
        %get3A_655 = arith.index_cast %get3A_654 : i32 to index
        %get3A_656 = arith.index_cast %add3A_653 : i32 to index
        %get3A_657 = arith.constant 144 : index
        %get3A_658 = tpu.vector_load %arg10[%get3A_655, %get3A_656, %get3A_657] {strides = array<i32>} : memref<2x128x256xf32, #tpu.memory_space<vmem>>, vector<1x1x16xf32>,
        %get3A_659 = vector.shape_cast %get3A_658 : vector<1x1x16xf32> to vector<16xf32>
        %mul3A_660 = vector.broadcast %squeeze3A_190 : f32 to vector<16xf32>
        %mul3A_661 = arith.mulf %get3A_659, %mul3A_660 : vector<16xf32>
        %add3A_662 = arith.addf %add3A_651, %mul3A_661 : vector<16xf32>
        %swap3A_663 = arith.constant 0 : i32
        %swap3A_664 = arith.index_cast %swap3A_663 : i32 to index
        %swap3A_665 = arith.index_cast %scan3A_178 : i32 to index
        %swap3A_666 = arith.constant 144 : index
        %swap3A_667 = tpu.vector_load %arg11[%swap3A_664, %swap3A_665, %swap3A_666] {strides = array<i32>} : memref<2x32x256xf32, #tpu.memory_space<vmem>>, vector<1x1x16xf32>,
        %swap3A_668 = vector.shape_cast %swap3A_667 : vector<1x1x16xf32> to vector<16xf32>
        %swap3A_669 = vector.shape_cast %add3A_662 : vector<16xf32> to vector<1x1x16xf32>
        tpu.vector_store %arg11[%swap3A_664, %swap3A_665, %swap3A_666], %swap3A_669 {strides = array<i32>} : memref<2x32x256xf32, #tpu.memory_space<vmem>>, vector<1x1x16xf32>,
        %get3A_670 = arith.constant 0 : i32
        %get3A_671 = arith.index_cast %get3A_670 : i32 to index
        %get3A_672 = arith.index_cast %scan3A_178 : i32 to index
        %get3A_673 = arith.constant 160 : index
        %get3A_674 = tpu.vector_load %arg10[%get3A_671, %get3A_672, %get3A_673] {strides = array<i32>} : memref<2x128x256xf32, #tpu.memory_space<vmem>>, vector<1x1x16xf32>,
        %get3A_675 = vector.shape_cast %get3A_674 : vector<1x1x16xf32> to vector<16xf32>
        %mul3A_676 = vector.broadcast %squeeze3A : f32 to vector<16xf32>
        %mul3A_677 = arith.mulf %get3A_675, %mul3A_676 : vector<16xf32>
        %add3A_678 = arith.constant 32 : i32
        %add3A_679 = arith.addi %add3A_678, %scan3A_178 : i32
        %get3A_680 = arith.constant 0 : i32
        %get3A_681 = arith.index_cast %get3A_680 : i32 to index
        %get3A_682 = arith.index_cast %add3A_679 : i32 to index
        %get3A_683 = arith.constant 160 : index
        %get3A_684 = tpu.vector_load %arg10[%get3A_681, %get3A_682, %get3A_683] {strides = array<i32>} : memref<2x128x256xf32, #tpu.memory_space<vmem>>, vector<1x1x16xf32>,
        %get3A_685 = vector.shape_cast %get3A_684 : vector<1x1x16xf32> to vector<16xf32>
        %mul3A_686 = vector.broadcast %squeeze3A_186 : f32 to vector<16xf32>
        %mul3A_687 = arith.mulf %get3A_685, %mul3A_686 : vector<16xf32>
        %add3A_688 = arith.addf %mul3A_677, %mul3A_687 : vector<16xf32>
        %add3A_689 = arith.constant 64 : i32
        %add3A_690 = arith.addi %add3A_689, %scan3A_178 : i32
        %get3A_691 = arith.constant 0 : i32
        %get3A_692 = arith.index_cast %get3A_691 : i32 to index
        %get3A_693 = arith.index_cast %add3A_690 : i32 to index
        %get3A_694 = arith.constant 160 : index
        %get3A_695 = tpu.vector_load %arg10[%get3A_692, %get3A_693, %get3A_694] {strides = array<i32>} : memref<2x128x256xf32, #tpu.memory_space<vmem>>, vector<1x1x16xf32>,
        %get3A_696 = vector.shape_cast %get3A_695 : vector<1x1x16xf32> to vector<16xf32>
        %mul3A_697 = vector.broadcast %squeeze3A_188 : f32 to vector<16xf32>
        %mul3A_698 = arith.mulf %get3A_696, %mul3A_697 : vector<16xf32>
        %add3A_699 = arith.addf %add3A_688, %mul3A_698 : vector<16xf32>
        %add3A_700 = arith.constant 96 : i32
        %add3A_701 = arith.addi %add3A_700, %scan3A_178 : i32
        %get3A_702 = arith.constant 0 : i32
        %get3A_703 = arith.index_cast %get3A_702 : i32 to index
        %get3A_704 = arith.index_cast %add3A_701 : i32 to index
        %get3A_705 = arith.constant 160 : index
        %get3A_706 = tpu.vector_load %arg10[%get3A_703, %get3A_704, %get3A_705] {strides = array<i32>} : memref<2x128x256xf32, #tpu.memory_space<vmem>>, vector<1x1x16xf32>,
        %get3A_707 = vector.shape_cast %get3A_706 : vector<1x1x16xf32> to vector<16xf32>
        %mul3A_708 = vector.broadcast %squeeze3A_190 : f32 to vector<16xf32>
        %mul3A_709 = arith.mulf %get3A_707, %mul3A_708 : vector<16xf32>
        %add3A_710 = arith.addf %add3A_699, %mul3A_709 : vector<16xf32>
        %swap3A_711 = arith.constant 0 : i32
        %swap3A_712 = arith.index_cast %swap3A_711 : i32 to index
        %swap3A_713 = arith.index_cast %scan3A_178 : i32 to index
        %swap3A_714 = arith.constant 160 : index
        %swap3A_715 = tpu.vector_load %arg11[%swap3A_712, %swap3A_713, %swap3A_714] {strides = array<i32>} : memref<2x32x256xf32, #tpu.memory_space<vmem>>, vector<1x1x16xf32>,
        %swap3A_716 = vector.shape_cast %swap3A_715 : vector<1x1x16xf32> to vector<16xf32>
        %swap3A_717 = vector.shape_cast %add3A_710 : vector<16xf32> to vector<1x1x16xf32>
        tpu.vector_store %arg11[%swap3A_712, %swap3A_713, %swap3A_714], %swap3A_717 {strides = array<i32>} : memref<2x32x256xf32, #tpu.memory_space<vmem>>, vector<1x1x16xf32>,
        %get3A_718 = arith.constant 0 : i32
        %get3A_719 = arith.index_cast %get3A_718 : i32 to index
        %get3A_720 = arith.index_cast %scan3A_178 : i32 to index
        %get3A_721 = arith.constant 176 : index
        %get3A_722 = tpu.vector_load %arg10[%get3A_719, %get3A_720, %get3A_721] {strides = array<i32>} : memref<2x128x256xf32, #tpu.memory_space<vmem>>, vector<1x1x16xf32>,
        %get3A_723 = vector.shape_cast %get3A_722 : vector<1x1x16xf32> to vector<16xf32>
        %mul3A_724 = vector.broadcast %squeeze3A : f32 to vector<16xf32>
        %mul3A_725 = arith.mulf %get3A_723, %mul3A_724 : vector<16xf32>
        %add3A_726 = arith.constant 32 : i32
        %add3A_727 = arith.addi %add3A_726, %scan3A_178 : i32
        %get3A_728 = arith.constant 0 : i32
        %get3A_729 = arith.index_cast %get3A_728 : i32 to index
        %get3A_730 = arith.index_cast %add3A_727 : i32 to index
        %get3A_731 = arith.constant 176 : index
        %get3A_732 = tpu.vector_load %arg10[%get3A_729, %get3A_730, %get3A_731] {strides = array<i32>} : memref<2x128x256xf32, #tpu.memory_space<vmem>>, vector<1x1x16xf32>,
        %get3A_733 = vector.shape_cast %get3A_732 : vector<1x1x16xf32> to vector<16xf32>
        %mul3A_734 = vector.broadcast %squeeze3A_186 : f32 to vector<16xf32>
        %mul3A_735 = arith.mulf %get3A_733, %mul3A_734 : vector<16xf32>
        %add3A_736 = arith.addf %mul3A_725, %mul3A_735 : vector<16xf32>
        %add3A_737 = arith.constant 64 : i32
        %add3A_738 = arith.addi %add3A_737, %scan3A_178 : i32
        %get3A_739 = arith.constant 0 : i32
        %get3A_740 = arith.index_cast %get3A_739 : i32 to index
        %get3A_741 = arith.index_cast %add3A_738 : i32 to index
        %get3A_742 = arith.constant 176 : index
        %get3A_743 = tpu.vector_load %arg10[%get3A_740, %get3A_741, %get3A_742] {strides = array<i32>} : memref<2x128x256xf32, #tpu.memory_space<vmem>>, vector<1x1x16xf32>,
        %get3A_744 = vector.shape_cast %get3A_743 : vector<1x1x16xf32> to vector<16xf32>
        %mul3A_745 = vector.broadcast %squeeze3A_188 : f32 to vector<16xf32>
        %mul3A_746 = arith.mulf %get3A_744, %mul3A_745 : vector<16xf32>
        %add3A_747 = arith.addf %add3A_736, %mul3A_746 : vector<16xf32>
        %add3A_748 = arith.constant 96 : i32
        %add3A_749 = arith.addi %add3A_748, %scan3A_178 : i32
        %get3A_750 = arith.constant 0 : i32
        %get3A_751 = arith.index_cast %get3A_750 : i32 to index
        %get3A_752 = arith.index_cast %add3A_749 : i32 to index
        %get3A_753 = arith.constant 176 : index
        %get3A_754 = tpu.vector_load %arg10[%get3A_751, %get3A_752, %get3A_753] {strides = array<i32>} : memref<2x128x256xf32, #tpu.memory_space<vmem>>, vector<1x1x16xf32>,
        %get3A_755 = vector.shape_cast %get3A_754 : vector<1x1x16xf32> to vector<16xf32>
        %mul3A_756 = vector.broadcast %squeeze3A_190 : f32 to vector<16xf32>
        %mul3A_757 = arith.mulf %get3A_755, %mul3A_756 : vector<16xf32>
        %add3A_758 = arith.addf %add3A_747, %mul3A_757 : vector<16xf32>
        %swap3A_759 = arith.constant 0 : i32
        %swap3A_760 = arith.index_cast %swap3A_759 : i32 to index
        %swap3A_761 = arith.index_cast %scan3A_178 : i32 to index
        %swap3A_762 = arith.constant 176 : index
        %swap3A_763 = tpu.vector_load %arg11[%swap3A_760, %swap3A_761, %swap3A_762] {strides = array<i32>} : memref<2x32x256xf32, #tpu.memory_space<vmem>>, vector<1x1x16xf32>,
        %swap3A_764 = vector.shape_cast %swap3A_763 : vector<1x1x16xf32> to vector<16xf32>
        %swap3A_765 = vector.shape_cast %add3A_758 : vector<16xf32> to vector<1x1x16xf32>
        tpu.vector_store %arg11[%swap3A_760, %swap3A_761, %swap3A_762], %swap3A_765 {strides = array<i32>} : memref<2x32x256xf32, #tpu.memory_space<vmem>>, vector<1x1x16xf32>,
        %get3A_766 = arith.constant 0 : i32
        %get3A_767 = arith.index_cast %get3A_766 : i32 to index
        %get3A_768 = arith.index_cast %scan3A_178 : i32 to index
        %get3A_769 = arith.constant 192 : index
        %get3A_770 = tpu.vector_load %arg10[%get3A_767, %get3A_768, %get3A_769] {strides = array<i32>} : memref<2x128x256xf32, #tpu.memory_space<vmem>>, vector<1x1x16xf32>,
        %get3A_771 = vector.shape_cast %get3A_770 : vector<1x1x16xf32> to vector<16xf32>
        %mul3A_772 = vector.broadcast %squeeze3A : f32 to vector<16xf32>
        %mul3A_773 = arith.mulf %get3A_771, %mul3A_772 : vector<16xf32>
        %add3A_774 = arith.constant 32 : i32
        %add3A_775 = arith.addi %add3A_774, %scan3A_178 : i32
        %get3A_776 = arith.constant 0 : i32
        %get3A_777 = arith.index_cast %get3A_776 : i32 to index
        %get3A_778 = arith.index_cast %add3A_775 : i32 to index
        %get3A_779 = arith.constant 192 : index
        %get3A_780 = tpu.vector_load %arg10[%get3A_777, %get3A_778, %get3A_779] {strides = array<i32>} : memref<2x128x256xf32, #tpu.memory_space<vmem>>, vector<1x1x16xf32>,
        %get3A_781 = vector.shape_cast %get3A_780 : vector<1x1x16xf32> to vector<16xf32>
        %mul3A_782 = vector.broadcast %squeeze3A_186 : f32 to vector<16xf32>
        %mul3A_783 = arith.mulf %get3A_781, %mul3A_782 : vector<16xf32>
        %add3A_784 = arith.addf %mul3A_773, %mul3A_783 : vector<16xf32>
        %add3A_785 = arith.constant 64 : i32
        %add3A_786 = arith.addi %add3A_785, %scan3A_178 : i32
        %get3A_787 = arith.constant 0 : i32
        %get3A_788 = arith.index_cast %get3A_787 : i32 to index
        %get3A_789 = arith.index_cast %add3A_786 : i32 to index
        %get3A_790 = arith.constant 192 : index
        %get3A_791 = tpu.vector_load %arg10[%get3A_788, %get3A_789, %get3A_790] {strides = array<i32>} : memref<2x128x256xf32, #tpu.memory_space<vmem>>, vector<1x1x16xf32>,
        %get3A_792 = vector.shape_cast %get3A_791 : vector<1x1x16xf32> to vector<16xf32>
        %mul3A_793 = vector.broadcast %squeeze3A_188 : f32 to vector<16xf32>
        %mul3A_794 = arith.mulf %get3A_792, %mul3A_793 : vector<16xf32>
        %add3A_795 = arith.addf %add3A_784, %mul3A_794 : vector<16xf32>
        %add3A_796 = arith.constant 96 : i32
        %add3A_797 = arith.addi %add3A_796, %scan3A_178 : i32
        %get3A_798 = arith.constant 0 : i32
        %get3A_799 = arith.index_cast %get3A_798 : i32 to index
        %get3A_800 = arith.index_cast %add3A_797 : i32 to index
        %get3A_801 = arith.constant 192 : index
        %get3A_802 = tpu.vector_load %arg10[%get3A_799, %get3A_800, %get3A_801] {strides = array<i32>} : memref<2x128x256xf32, #tpu.memory_space<vmem>>, vector<1x1x16xf32>,
        %get3A_803 = vector.shape_cast %get3A_802 : vector<1x1x16xf32> to vector<16xf32>
        %mul3A_804 = vector.broadcast %squeeze3A_190 : f32 to vector<16xf32>
        %mul3A_805 = arith.mulf %get3A_803, %mul3A_804 : vector<16xf32>
        %add3A_806 = arith.addf %add3A_795, %mul3A_805 : vector<16xf32>
        %swap3A_807 = arith.constant 0 : i32
        %swap3A_808 = arith.index_cast %swap3A_807 : i32 to index
        %swap3A_809 = arith.index_cast %scan3A_178 : i32 to index
        %swap3A_810 = arith.constant 192 : index
        %swap3A_811 = tpu.vector_load %arg11[%swap3A_808, %swap3A_809, %swap3A_810] {strides = array<i32>} : memref<2x32x256xf32, #tpu.memory_space<vmem>>, vector<1x1x16xf32>,
        %swap3A_812 = vector.shape_cast %swap3A_811 : vector<1x1x16xf32> to vector<16xf32>
        %swap3A_813 = vector.shape_cast %add3A_806 : vector<16xf32> to vector<1x1x16xf32>
        tpu.vector_store %arg11[%swap3A_808, %swap3A_809, %swap3A_810], %swap3A_813 {strides = array<i32>} : memref<2x32x256xf32, #tpu.memory_space<vmem>>, vector<1x1x16xf32>,
        %get3A_814 = arith.constant 0 : i32
        %get3A_815 = arith.index_cast %get3A_814 : i32 to index
        %get3A_816 = arith.index_cast %scan3A_178 : i32 to index
        %get3A_817 = arith.constant 208 : index
        %get3A_818 = tpu.vector_load %arg10[%get3A_815, %get3A_816, %get3A_817] {strides = array<i32>} : memref<2x128x256xf32, #tpu.memory_space<vmem>>, vector<1x1x16xf32>,
        %get3A_819 = vector.shape_cast %get3A_818 : vector<1x1x16xf32> to vector<16xf32>
        %mul3A_820 = vector.broadcast %squeeze3A : f32 to vector<16xf32>
        %mul3A_821 = arith.mulf %get3A_819, %mul3A_820 : vector<16xf32>
        %add3A_822 = arith.constant 32 : i32
        %add3A_823 = arith.addi %add3A_822, %scan3A_178 : i32
        %get3A_824 = arith.constant 0 : i32
        %get3A_825 = arith.index_cast %get3A_824 : i32 to index
        %get3A_826 = arith.index_cast %add3A_823 : i32 to index
        %get3A_827 = arith.constant 208 : index
        %get3A_828 = tpu.vector_load %arg10[%get3A_825, %get3A_826, %get3A_827] {strides = array<i32>} : memref<2x128x256xf32, #tpu.memory_space<vmem>>, vector<1x1x16xf32>,
        %get3A_829 = vector.shape_cast %get3A_828 : vector<1x1x16xf32> to vector<16xf32>
        %mul3A_830 = vector.broadcast %squeeze3A_186 : f32 to vector<16xf32>
        %mul3A_831 = arith.mulf %get3A_829, %mul3A_830 : vector<16xf32>
        %add3A_832 = arith.addf %mul3A_821, %mul3A_831 : vector<16xf32>
        %add3A_833 = arith.constant 64 : i32
        %add3A_834 = arith.addi %add3A_833, %scan3A_178 : i32
        %get3A_835 = arith.constant 0 : i32
        %get3A_836 = arith.index_cast %get3A_835 : i32 to index
        %get3A_837 = arith.index_cast %add3A_834 : i32 to index
        %get3A_838 = arith.constant 208 : index
        %get3A_839 = tpu.vector_load %arg10[%get3A_836, %get3A_837, %get3A_838] {strides = array<i32>} : memref<2x128x256xf32, #tpu.memory_space<vmem>>, vector<1x1x16xf32>,
        %get3A_840 = vector.shape_cast %get3A_839 : vector<1x1x16xf32> to vector<16xf32>
        %mul3A_841 = vector.broadcast %squeeze3A_188 : f32 to vector<16xf32>
        %mul3A_842 = arith.mulf %get3A_840, %mul3A_841 : vector<16xf32>
        %add3A_843 = arith.addf %add3A_832, %mul3A_842 : vector<16xf32>
        %add3A_844 = arith.constant 96 : i32
        %add3A_845 = arith.addi %add3A_844, %scan3A_178 : i32
        %get3A_846 = arith.constant 0 : i32
        %get3A_847 = arith.index_cast %get3A_846 : i32 to index
        %get3A_848 = arith.index_cast %add3A_845 : i32 to index
        %get3A_849 = arith.constant 208 : index
        %get3A_850 = tpu.vector_load %arg10[%get3A_847, %get3A_848, %get3A_849] {strides = array<i32>} : memref<2x128x256xf32, #tpu.memory_space<vmem>>, vector<1x1x16xf32>,
        %get3A_851 = vector.shape_cast %get3A_850 : vector<1x1x16xf32> to vector<16xf32>
        %mul3A_852 = vector.broadcast %squeeze3A_190 : f32 to vector<16xf32>
        %mul3A_853 = arith.mulf %get3A_851, %mul3A_852 : vector<16xf32>
        %add3A_854 = arith.addf %add3A_843, %mul3A_853 : vector<16xf32>
        %swap3A_855 = arith.constant 0 : i32
        %swap3A_856 = arith.index_cast %swap3A_855 : i32 to index
        %swap3A_857 = arith.index_cast %scan3A_178 : i32 to index
        %swap3A_858 = arith.constant 208 : index
        %swap3A_859 = tpu.vector_load %arg11[%swap3A_856, %swap3A_857, %swap3A_858] {strides = array<i32>} : memref<2x32x256xf32, #tpu.memory_space<vmem>>, vector<1x1x16xf32>,
        %swap3A_860 = vector.shape_cast %swap3A_859 : vector<1x1x16xf32> to vector<16xf32>
        %swap3A_861 = vector.shape_cast %add3A_854 : vector<16xf32> to vector<1x1x16xf32>
        tpu.vector_store %arg11[%swap3A_856, %swap3A_857, %swap3A_858], %swap3A_861 {strides = array<i32>} : memref<2x32x256xf32, #tpu.memory_space<vmem>>, vector<1x1x16xf32>,
        %get3A_862 = arith.constant 0 : i32
        %get3A_863 = arith.index_cast %get3A_862 : i32 to index
        %get3A_864 = arith.index_cast %scan3A_178 : i32 to index
        %get3A_865 = arith.constant 224 : index
        %get3A_866 = tpu.vector_load %arg10[%get3A_863, %get3A_864, %get3A_865] {strides = array<i32>} : memref<2x128x256xf32, #tpu.memory_space<vmem>>, vector<1x1x16xf32>,
        %get3A_867 = vector.shape_cast %get3A_866 : vector<1x1x16xf32> to vector<16xf32>
        %mul3A_868 = vector.broadcast %squeeze3A : f32 to vector<16xf32>
        %mul3A_869 = arith.mulf %get3A_867, %mul3A_868 : vector<16xf32>
        %add3A_870 = arith.constant 32 : i32
        %add3A_871 = arith.addi %add3A_870, %scan3A_178 : i32
        %get3A_872 = arith.constant 0 : i32
        %get3A_873 = arith.index_cast %get3A_872 : i32 to index
        %get3A_874 = arith.index_cast %add3A_871 : i32 to index
        %get3A_875 = arith.constant 224 : index
        %get3A_876 = tpu.vector_load %arg10[%get3A_873, %get3A_874, %get3A_875] {strides = array<i32>} : memref<2x128x256xf32, #tpu.memory_space<vmem>>, vector<1x1x16xf32>,
        %get3A_877 = vector.shape_cast %get3A_876 : vector<1x1x16xf32> to vector<16xf32>
        %mul3A_878 = vector.broadcast %squeeze3A_186 : f32 to vector<16xf32>
        %mul3A_879 = arith.mulf %get3A_877, %mul3A_878 : vector<16xf32>
        %add3A_880 = arith.addf %mul3A_869, %mul3A_879 : vector<16xf32>
        %add3A_881 = arith.constant 64 : i32
        %add3A_882 = arith.addi %add3A_881, %scan3A_178 : i32
        %get3A_883 = arith.constant 0 : i32
        %get3A_884 = arith.index_cast %get3A_883 : i32 to index
        %get3A_885 = arith.index_cast %add3A_882 : i32 to index
        %get3A_886 = arith.constant 224 : index
        %get3A_887 = tpu.vector_load %arg10[%get3A_884, %get3A_885, %get3A_886] {strides = array<i32>} : memref<2x128x256xf32, #tpu.memory_space<vmem>>, vector<1x1x16xf32>,
        %get3A_888 = vector.shape_cast %get3A_887 : vector<1x1x16xf32> to vector<16xf32>
        %mul3A_889 = vector.broadcast %squeeze3A_188 : f32 to vector<16xf32>
        %mul3A_890 = arith.mulf %get3A_888, %mul3A_889 : vector<16xf32>
        %add3A_891 = arith.addf %add3A_880, %mul3A_890 : vector<16xf32>
        %add3A_892 = arith.constant 96 : i32
        %add3A_893 = arith.addi %add3A_892, %scan3A_178 : i32
        %get3A_894 = arith.constant 0 : i32
        %get3A_895 = arith.index_cast %get3A_894 : i32 to index
        %get3A_896 = arith.index_cast %add3A_893 : i32 to index
        %get3A_897 = arith.constant 224 : index
        %get3A_898 = tpu.vector_load %arg10[%get3A_895, %get3A_896, %get3A_897] {strides = array<i32>} : memref<2x128x256xf32, #tpu.memory_space<vmem>>, vector<1x1x16xf32>,
        %get3A_899 = vector.shape_cast %get3A_898 : vector<1x1x16xf32> to vector<16xf32>
        %mul3A_900 = vector.broadcast %squeeze3A_190 : f32 to vector<16xf32>
        %mul3A_901 = arith.mulf %get3A_899, %mul3A_900 : vector<16xf32>
        %add3A_902 = arith.addf %add3A_891, %mul3A_901 : vector<16xf32>
        %swap3A_903 = arith.constant 0 : i32
        %swap3A_904 = arith.index_cast %swap3A_903 : i32 to index
        %swap3A_905 = arith.index_cast %scan3A_178 : i32 to index
        %swap3A_906 = arith.constant 224 : index
        %swap3A_907 = tpu.vector_load %arg11[%swap3A_904, %swap3A_905, %swap3A_906] {strides = array<i32>} : memref<2x32x256xf32, #tpu.memory_space<vmem>>, vector<1x1x16xf32>,
        %swap3A_908 = vector.shape_cast %swap3A_907 : vector<1x1x16xf32> to vector<16xf32>
        %swap3A_909 = vector.shape_cast %add3A_902 : vector<16xf32> to vector<1x1x16xf32>
        tpu.vector_store %arg11[%swap3A_904, %swap3A_905, %swap3A_906], %swap3A_909 {strides = array<i32>} : memref<2x32x256xf32, #tpu.memory_space<vmem>>, vector<1x1x16xf32>,
        %get3A_910 = arith.constant 0 : i32
        %get3A_911 = arith.index_cast %get3A_910 : i32 to index
        %get3A_912 = arith.index_cast %scan3A_178 : i32 to index
        %get3A_913 = arith.constant 240 : index
        %get3A_914 = tpu.vector_load %arg10[%get3A_911, %get3A_912, %get3A_913] {strides = array<i32>} : memref<2x128x256xf32, #tpu.memory_space<vmem>>, vector<1x1x16xf32>,
        %get3A_915 = vector.shape_cast %get3A_914 : vector<1x1x16xf32> to vector<16xf32>
        %mul3A_916 = vector.broadcast %squeeze3A : f32 to vector<16xf32>
        %mul3A_917 = arith.mulf %get3A_915, %mul3A_916 : vector<16xf32>
        %add3A_918 = arith.constant 32 : i32
        %add3A_919 = arith.addi %add3A_918, %scan3A_178 : i32
        %get3A_920 = arith.constant 0 : i32
        %get3A_921 = arith.index_cast %get3A_920 : i32 to index
        %get3A_922 = arith.index_cast %add3A_919 : i32 to index
        %get3A_923 = arith.constant 240 : index
        %get3A_924 = tpu.vector_load %arg10[%get3A_921, %get3A_922, %get3A_923] {strides = array<i32>} : memref<2x128x256xf32, #tpu.memory_space<vmem>>, vector<1x1x16xf32>,
        %get3A_925 = vector.shape_cast %get3A_924 : vector<1x1x16xf32> to vector<16xf32>
        %mul3A_926 = vector.broadcast %squeeze3A_186 : f32 to vector<16xf32>
        %mul3A_927 = arith.mulf %get3A_925, %mul3A_926 : vector<16xf32>
        %add3A_928 = arith.addf %mul3A_917, %mul3A_927 : vector<16xf32>
        %add3A_929 = arith.constant 64 : i32
        %add3A_930 = arith.addi %add3A_929, %scan3A_178 : i32
        %get3A_931 = arith.constant 0 : i32
        %get3A_932 = arith.index_cast %get3A_931 : i32 to index
        %get3A_933 = arith.index_cast %add3A_930 : i32 to index
        %get3A_934 = arith.constant 240 : index
        %get3A_935 = tpu.vector_load %arg10[%get3A_932, %get3A_933, %get3A_934] {strides = array<i32>} : memref<2x128x256xf32, #tpu.memory_space<vmem>>, vector<1x1x16xf32>,
        %get3A_936 = vector.shape_cast %get3A_935 : vector<1x1x16xf32> to vector<16xf32>
        %mul3A_937 = vector.broadcast %squeeze3A_188 : f32 to vector<16xf32>
        %mul3A_938 = arith.mulf %get3A_936, %mul3A_937 : vector<16xf32>
        %add3A_939 = arith.addf %add3A_928, %mul3A_938 : vector<16xf32>
        %add3A_940 = arith.constant 96 : i32
        %add3A_941 = arith.addi %add3A_940, %scan3A_178 : i32
        %get3A_942 = arith.constant 0 : i32
        %get3A_943 = arith.index_cast %get3A_942 : i32 to index
        %get3A_944 = arith.index_cast %add3A_941 : i32 to index
        %get3A_945 = arith.constant 240 : index
        %get3A_946 = tpu.vector_load %arg10[%get3A_943, %get3A_944, %get3A_945] {strides = array<i32>} : memref<2x128x256xf32, #tpu.memory_space<vmem>>, vector<1x1x16xf32>,
        %get3A_947 = vector.shape_cast %get3A_946 : vector<1x1x16xf32> to vector<16xf32>
        %mul3A_948 = vector.broadcast %squeeze3A_190 : f32 to vector<16xf32>
        %mul3A_949 = arith.mulf %get3A_947, %mul3A_948 : vector<16xf32>
        %add3A_950 = arith.addf %add3A_939, %mul3A_949 : vector<16xf32>
        %swap3A_951 = arith.constant 0 : i32
        %swap3A_952 = arith.index_cast %swap3A_951 : i32 to index
        %swap3A_953 = arith.index_cast %scan3A_178 : i32 to index
        %swap3A_954 = arith.constant 240 : index
        %swap3A_955 = tpu.vector_load %arg11[%swap3A_952, %swap3A_953, %swap3A_954] {strides = array<i32>} : memref<2x32x256xf32, #tpu.memory_space<vmem>>, vector<1x1x16xf32>,
        %swap3A_956 = vector.shape_cast %swap3A_955 : vector<1x1x16xf32> to vector<16xf32>
        %swap3A_957 = vector.shape_cast %add3A_950 : vector<16xf32> to vector<1x1x16xf32>
        tpu.vector_store %arg11[%swap3A_952, %swap3A_953, %swap3A_954], %swap3A_957 {strides = array<i32>} : memref<2x32x256xf32, #tpu.memory_space<vmem>>, vector<1x1x16xf32>,
        %scan3A_958 = arith.constant 1 : i32
        %scan3A_959 = arith.addi %scan3A_178, %scan3A_958 : i32
        %mul3A_960 = arith.constant 16 : i32
        %mul3A_961 = arith.muli %mul3A_960, %scan3A_959 : i32
        %get3A_962 = arith.constant 0 : i32
        %get3A_963 = arith.index_cast %get3A_962 : i32 to index
        %get3A_964 = arith.index_cast %mul3A_961 : i32 to index
        %get3A_965 = tpu.vector_load %arg9[%get3A_963, %get3A_964] {strides = array<i32>} : memref<2x512xf32, #tpu.memory_space<vmem>>, vector<1x16xf32>,
        %get3A_966 = vector.shape_cast %get3A_965 : vector<1x16xf32> to vector<16xf32>
        %slice3A_967 = vector.extract_strided_slice %get3A_966 {offsets = [0], sizes = [1], strides = [1]} : vector<16xf32> to vector<1xf32>
        %squeeze3A_968 = vector.extract %slice3A_967[0] : f32 from vector<1xf32>
        %slice3A_969 = vector.extract_strided_slice %get3A_966 {offsets = [1], sizes = [1], strides = [1]} : vector<16xf32> to vector<1xf32>
        %squeeze3A_970 = vector.extract %slice3A_969[0] : f32 from vector<1xf32>
        %slice3A_971 = vector.extract_strided_slice %get3A_966 {offsets = [2], sizes = [1], strides = [1]} : vector<16xf32> to vector<1xf32>
        %squeeze3A_972 = vector.extract %slice3A_971[0] : f32 from vector<1xf32>
        %slice3A_973 = vector.extract_strided_slice %get3A_966 {offsets = [3], sizes = [1], strides = [1]} : vector<16xf32> to vector<1xf32>
        %squeeze3A_974 = vector.extract %slice3A_973[0] : f32 from vector<1xf32>
        %get3A_975 = arith.constant 0 : i32
        %get3A_976 = arith.index_cast %get3A_975 : i32 to index
        %get3A_977 = arith.index_cast %scan3A_959 : i32 to index
        %get3A_978 = arith.constant 0 : index
        %get3A_979 = tpu.vector_load %arg10[%get3A_976, %get3A_977, %get3A_978] {strides = array<i32>} : memref<2x128x256xf32, #tpu.memory_space<vmem>>, vector<1x1x16xf32>,
        %get3A_980 = vector.shape_cast %get3A_979 : vector<1x1x16xf32> to vector<16xf32>
        %mul3A_981 = vector.broadcast %squeeze3A_968 : f32 to vector<16xf32>
        %mul3A_982 = arith.mulf %get3A_980, %mul3A_981 : vector<16xf32>
        %add3A_983 = arith.constant 32 : i32
        %add3A_984 = arith.addi %add3A_983, %scan3A_959 : i32
        %get3A_985 = arith.constant 0 : i32
        %get3A_986 = arith.index_cast %get3A_985 : i32 to index
        %get3A_987 = arith.index_cast %add3A_984 : i32 to index
        %get3A_988 = arith.constant 0 : index
        %get3A_989 = tpu.vector_load %arg10[%get3A_986, %get3A_987, %get3A_988] {strides = array<i32>} : memref<2x128x256xf32, #tpu.memory_space<vmem>>, vector<1x1x16xf32>,
        %get3A_990 = vector.shape_cast %get3A_989 : vector<1x1x16xf32> to vector<16xf32>
        %mul3A_991 = vector.broadcast %squeeze3A_970 : f32 to vector<16xf32>
        %mul3A_992 = arith.mulf %get3A_990, %mul3A_991 : vector<16xf32>
        %add3A_993 = arith.addf %mul3A_982, %mul3A_992 : vector<16xf32>
        %add3A_994 = arith.constant 64 : i32
        %add3A_995 = arith.addi %add3A_994, %scan3A_959 : i32
        %get3A_996 = arith.constant 0 : i32
        %get3A_997 = arith.index_cast %get3A_996 : i32 to index
        %get3A_998 = arith.index_cast %add3A_995 : i32 to index
        %get3A_999 = arith.constant 0 : index
        %get3A_1000 = tpu.vector_load %arg10[%get3A_997, %get3A_998, %get3A_999] {strides = array<i32>} : memref<2x128x256xf32, #tpu.memory_space<vmem>>, vector<1x1x16xf32>,
        %get3A_1001 = vector.shape_cast %get3A_1000 : vector<1x1x16xf32> to vector<16xf32>
        %mul3A_1002 = vector.broadcast %squeeze3A_972 : f32 to vector<16xf32>
        %mul3A_1003 = arith.mulf %get3A_1001, %mul3A_1002 : vector<16xf32>
        %add3A_1004 = arith.addf %add3A_993, %mul3A_1003 : vector<16xf32>
        %add3A_1005 = arith.constant 96 : i32
        %add3A_1006 = arith.addi %add3A_1005, %scan3A_959 : i32
        %get3A_1007 = arith.constant 0 : i32
        %get3A_1008 = arith.index_cast %get3A_1007 : i32 to index
        %get3A_1009 = arith.index_cast %add3A_1006 : i32 to index
        %get3A_1010 = arith.constant 0 : index
        %get3A_1011 = tpu.vector_load %arg10[%get3A_1008, %get3A_1009, %get3A_1010] {strides = array<i32>} : memref<2x128x256xf32, #tpu.memory_space<vmem>>, vector<1x1x16xf32>,
        %get3A_1012 = vector.shape_cast %get3A_1011 : vector<1x1x16xf32> to vector<16xf32>
        %mul3A_1013 = vector.broadcast %squeeze3A_974 : f32 to vector<16xf32>
        %mul3A_1014 = arith.mulf %get3A_1012, %mul3A_1013 : vector<16xf32>
        %add3A_1015 = arith.addf %add3A_1004, %mul3A_1014 : vector<16xf32>
        %swap3A_1016 = arith.constant 0 : i32
        %swap3A_1017 = arith.index_cast %swap3A_1016 : i32 to index
        %swap3A_1018 = arith.index_cast %scan3A_959 : i32 to index
        %swap3A_1019 = arith.constant 0 : index
        %swap3A_1020 = tpu.vector_load %arg11[%swap3A_1017, %swap3A_1018, %swap3A_1019] {strides = array<i32>} : memref<2x32x256xf32, #tpu.memory_space<vmem>>, vector<1x1x16xf32>,
        %swap3A_1021 = vector.shape_cast %swap3A_1020 : vector<1x1x16xf32> to vector<16xf32>
        %swap3A_1022 = vector.shape_cast %add3A_1015 : vector<16xf32> to vector<1x1x16xf32>
        tpu.vector_store %arg11[%swap3A_1017, %swap3A_1018, %swap3A_1019], %swap3A_1022 {strides = array<i32>} : memref<2x32x256xf32, #tpu.memory_space<vmem>>, vector<1x1x16xf32>,
        %get3A_1023 = arith.constant 0 : i32
        %get3A_1024 = arith.index_cast %get3A_1023 : i32 to index
        %get3A_1025 = arith.index_cast %scan3A_959 : i32 to index
        %get3A_1026 = arith.constant 16 : index
        %get3A_1027 = tpu.vector_load %arg10[%get3A_1024, %get3A_1025, %get3A_1026] {strides = array<i32>} : memref<2x128x256xf32, #tpu.memory_space<vmem>>, vector<1x1x16xf32>,
        %get3A_1028 = vector.shape_cast %get3A_1027 : vector<1x1x16xf32> to vector<16xf32>
        %mul3A_1029 = vector.broadcast %squeeze3A_968 : f32 to vector<16xf32>
        %mul3A_1030 = arith.mulf %get3A_1028, %mul3A_1029 : vector<16xf32>
        %add3A_1031 = arith.constant 32 : i32
        %add3A_1032 = arith.addi %add3A_1031, %scan3A_959 : i32
        %get3A_1033 = arith.constant 0 : i32
        %get3A_1034 = arith.index_cast %get3A_1033 : i32 to index
        %get3A_1035 = arith.index_cast %add3A_1032 : i32 to index
        %get3A_1036 = arith.constant 16 : index
        %get3A_1037 = tpu.vector_load %arg10[%get3A_1034, %get3A_1035, %get3A_1036] {strides = array<i32>} : memref<2x128x256xf32, #tpu.memory_space<vmem>>, vector<1x1x16xf32>,
        %get3A_1038 = vector.shape_cast %get3A_1037 : vector<1x1x16xf32> to vector<16xf32>
        %mul3A_1039 = vector.broadcast %squeeze3A_970 : f32 to vector<16xf32>
        %mul3A_1040 = arith.mulf %get3A_1038, %mul3A_1039 : vector<16xf32>
        %add3A_1041 = arith.addf %mul3A_1030, %mul3A_1040 : vector<16xf32>
        %add3A_1042 = arith.constant 64 : i32
        %add3A_1043 = arith.addi %add3A_1042, %scan3A_959 : i32
        %get3A_1044 = arith.constant 0 : i32
        %get3A_1045 = arith.index_cast %get3A_1044 : i32 to index
        %get3A_1046 = arith.index_cast %add3A_1043 : i32 to index
        %get3A_1047 = arith.constant 16 : index
        %get3A_1048 = tpu.vector_load %arg10[%get3A_1045, %get3A_1046, %get3A_1047] {strides = array<i32>} : memref<2x128x256xf32, #tpu.memory_space<vmem>>, vector<1x1x16xf32>,
        %get3A_1049 = vector.shape_cast %get3A_1048 : vector<1x1x16xf32> to vector<16xf32>
        %mul3A_1050 = vector.broadcast %squeeze3A_972 : f32 to vector<16xf32>
        %mul3A_1051 = arith.mulf %get3A_1049, %mul3A_1050 : vector<16xf32>
        %add3A_1052 = arith.addf %add3A_1041, %mul3A_1051 : vector<16xf32>
        %add3A_1053 = arith.constant 96 : i32
        %add3A_1054 = arith.addi %add3A_1053, %scan3A_959 : i32
        %get3A_1055 = arith.constant 0 : i32
        %get3A_1056 = arith.index_cast %get3A_1055 : i32 to index
        %get3A_1057 = arith.index_cast %add3A_1054 : i32 to index
        %get3A_1058 = arith.constant 16 : index
        %get3A_1059 = tpu.vector_load %arg10[%get3A_1056, %get3A_1057, %get3A_1058] {strides = array<i32>} : memref<2x128x256xf32, #tpu.memory_space<vmem>>, vector<1x1x16xf32>,
        %get3A_1060 = vector.shape_cast %get3A_1059 : vector<1x1x16xf32> to vector<16xf32>
        %mul3A_1061 = vector.broadcast %squeeze3A_974 : f32 to vector<16xf32>
        %mul3A_1062 = arith.mulf %get3A_1060, %mul3A_1061 : vector<16xf32>
        %add3A_1063 = arith.addf %add3A_1052, %mul3A_1062 : vector<16xf32>
        %swap3A_1064 = arith.constant 0 : i32
        %swap3A_1065 = arith.index_cast %swap3A_1064 : i32 to index
        %swap3A_1066 = arith.index_cast %scan3A_959 : i32 to index
        %swap3A_1067 = arith.constant 16 : index
        %swap3A_1068 = tpu.vector_load %arg11[%swap3A_1065, %swap3A_1066, %swap3A_1067] {strides = array<i32>} : memref<2x32x256xf32, #tpu.memory_space<vmem>>, vector<1x1x16xf32>,
        %swap3A_1069 = vector.shape_cast %swap3A_1068 : vector<1x1x16xf32> to vector<16xf32>
        %swap3A_1070 = vector.shape_cast %add3A_1063 : vector<16xf32> to vector<1x1x16xf32>
        tpu.vector_store %arg11[%swap3A_1065, %swap3A_1066, %swap3A_1067], %swap3A_1070 {strides = array<i32>} : memref<2x32x256xf32, #tpu.memory_space<vmem>>, vector<1x1x16xf32>,
        %get3A_1071 = arith.constant 0 : i32
        %get3A_1072 = arith.index_cast %get3A_1071 : i32 to index
        %get3A_1073 = arith.index_cast %scan3A_959 : i32 to index
        %get3A_1074 = arith.constant 32 : index
        %get3A_1075 = tpu.vector_load %arg10[%get3A_1072, %get3A_1073, %get3A_1074] {strides = array<i32>} : memref<2x128x256xf32, #tpu.memory_space<vmem>>, vector<1x1x16xf32>,
        %get3A_1076 = vector.shape_cast %get3A_1075 : vector<1x1x16xf32> to vector<16xf32>
        %mul3A_1077 = vector.broadcast %squeeze3A_968 : f32 to vector<16xf32>
        %mul3A_1078 = arith.mulf %get3A_1076, %mul3A_1077 : vector<16xf32>
        %add3A_1079 = arith.constant 32 : i32
        %add3A_1080 = arith.addi %add3A_1079, %scan3A_959 : i32
        %get3A_1081 = arith.constant 0 : i32
        %get3A_1082 = arith.index_cast %get3A_1081 : i32 to index
        %get3A_1083 = arith.index_cast %add3A_1080 : i32 to index
        %get3A_1084 = arith.constant 32 : index
        %get3A_1085 = tpu.vector_load %arg10[%get3A_1082, %get3A_1083, %get3A_1084] {strides = array<i32>} : memref<2x128x256xf32, #tpu.memory_space<vmem>>, vector<1x1x16xf32>,
        %get3A_1086 = vector.shape_cast %get3A_1085 : vector<1x1x16xf32> to vector<16xf32>
        %mul3A_1087 = vector.broadcast %squeeze3A_970 : f32 to vector<16xf32>
        %mul3A_1088 = arith.mulf %get3A_1086, %mul3A_1087 : vector<16xf32>
        %add3A_1089 = arith.addf %mul3A_1078, %mul3A_1088 : vector<16xf32>
        %add3A_1090 = arith.constant 64 : i32
        %add3A_1091 = arith.addi %add3A_1090, %scan3A_959 : i32
        %get3A_1092 = arith.constant 0 : i32
        %get3A_1093 = arith.index_cast %get3A_1092 : i32 to index
        %get3A_1094 = arith.index_cast %add3A_1091 : i32 to index
        %get3A_1095 = arith.constant 32 : index
        %get3A_1096 = tpu.vector_load %arg10[%get3A_1093, %get3A_1094, %get3A_1095] {strides = array<i32>} : memref<2x128x256xf32, #tpu.memory_space<vmem>>, vector<1x1x16xf32>,
        %get3A_1097 = vector.shape_cast %get3A_1096 : vector<1x1x16xf32> to vector<16xf32>
        %mul3A_1098 = vector.broadcast %squeeze3A_972 : f32 to vector<16xf32>
        %mul3A_1099 = arith.mulf %get3A_1097, %mul3A_1098 : vector<16xf32>
        %add3A_1100 = arith.addf %add3A_1089, %mul3A_1099 : vector<16xf32>
        %add3A_1101 = arith.constant 96 : i32
        %add3A_1102 = arith.addi %add3A_1101, %scan3A_959 : i32
        %get3A_1103 = arith.constant 0 : i32
        %get3A_1104 = arith.index_cast %get3A_1103 : i32 to index
        %get3A_1105 = arith.index_cast %add3A_1102 : i32 to index
        %get3A_1106 = arith.constant 32 : index
        %get3A_1107 = tpu.vector_load %arg10[%get3A_1104, %get3A_1105, %get3A_1106] {strides = array<i32>} : memref<2x128x256xf32, #tpu.memory_space<vmem>>, vector<1x1x16xf32>,
        %get3A_1108 = vector.shape_cast %get3A_1107 : vector<1x1x16xf32> to vector<16xf32>
        %mul3A_1109 = vector.broadcast %squeeze3A_974 : f32 to vector<16xf32>
        %mul3A_1110 = arith.mulf %get3A_1108, %mul3A_1109 : vector<16xf32>
        %add3A_1111 = arith.addf %add3A_1100, %mul3A_1110 : vector<16xf32>
        %swap3A_1112 = arith.constant 0 : i32
        %swap3A_1113 = arith.index_cast %swap3A_1112 : i32 to index
        %swap3A_1114 = arith.index_cast %scan3A_959 : i32 to index
        %swap3A_1115 = arith.constant 32 : index
        %swap3A_1116 = tpu.vector_load %arg11[%swap3A_1113, %swap3A_1114, %swap3A_1115] {strides = array<i32>} : memref<2x32x256xf32, #tpu.memory_space<vmem>>, vector<1x1x16xf32>,
        %swap3A_1117 = vector.shape_cast %swap3A_1116 : vector<1x1x16xf32> to vector<16xf32>
        %swap3A_1118 = vector.shape_cast %add3A_1111 : vector<16xf32> to vector<1x1x16xf32>
        tpu.vector_store %arg11[%swap3A_1113, %swap3A_1114, %swap3A_1115], %swap3A_1118 {strides = array<i32>} : memref<2x32x256xf32, #tpu.memory_space<vmem>>, vector<1x1x16xf32>,
        %get3A_1119 = arith.constant 0 : i32
        %get3A_1120 = arith.index_cast %get3A_1119 : i32 to index
        %get3A_1121 = arith.index_cast %scan3A_959 : i32 to index
        %get3A_1122 = arith.constant 48 : index
        %get3A_1123 = tpu.vector_load %arg10[%get3A_1120, %get3A_1121, %get3A_1122] {strides = array<i32>} : memref<2x128x256xf32, #tpu.memory_space<vmem>>, vector<1x1x16xf32>,
        %get3A_1124 = vector.shape_cast %get3A_1123 : vector<1x1x16xf32> to vector<16xf32>
        %mul3A_1125 = vector.broadcast %squeeze3A_968 : f32 to vector<16xf32>
        %mul3A_1126 = arith.mulf %get3A_1124, %mul3A_1125 : vector<16xf32>
        %add3A_1127 = arith.constant 32 : i32
        %add3A_1128 = arith.addi %add3A_1127, %scan3A_959 : i32
        %get3A_1129 = arith.constant 0 : i32
        %get3A_1130 = arith.index_cast %get3A_1129 : i32 to index
        %get3A_1131 = arith.index_cast %add3A_1128 : i32 to index
        %get3A_1132 = arith.constant 48 : index
        %get3A_1133 = tpu.vector_load %arg10[%get3A_1130, %get3A_1131, %get3A_1132] {strides = array<i32>} : memref<2x128x256xf32, #tpu.memory_space<vmem>>, vector<1x1x16xf32>,
        %get3A_1134 = vector.shape_cast %get3A_1133 : vector<1x1x16xf32> to vector<16xf32>
        %mul3A_1135 = vector.broadcast %squeeze3A_970 : f32 to vector<16xf32>
        %mul3A_1136 = arith.mulf %get3A_1134, %mul3A_1135 : vector<16xf32>
        %add3A_1137 = arith.addf %mul3A_1126, %mul3A_1136 : vector<16xf32>
        %add3A_1138 = arith.constant 64 : i32
        %add3A_1139 = arith.addi %add3A_1138, %scan3A_959 : i32
        %get3A_1140 = arith.constant 0 : i32
        %get3A_1141 = arith.index_cast %get3A_1140 : i32 to index
        %get3A_1142 = arith.index_cast %add3A_1139 : i32 to index
        %get3A_1143 = arith.constant 48 : index
        %get3A_1144 = tpu.vector_load %arg10[%get3A_1141, %get3A_1142, %get3A_1143] {strides = array<i32>} : memref<2x128x256xf32, #tpu.memory_space<vmem>>, vector<1x1x16xf32>,
        %get3A_1145 = vector.shape_cast %get3A_1144 : vector<1x1x16xf32> to vector<16xf32>
        %mul3A_1146 = vector.broadcast %squeeze3A_972 : f32 to vector<16xf32>
        %mul3A_1147 = arith.mulf %get3A_1145, %mul3A_1146 : vector<16xf32>
        %add3A_1148 = arith.addf %add3A_1137, %mul3A_1147 : vector<16xf32>
        %add3A_1149 = arith.constant 96 : i32
        %add3A_1150 = arith.addi %add3A_1149, %scan3A_959 : i32
        %get3A_1151 = arith.constant 0 : i32
        %get3A_1152 = arith.index_cast %get3A_1151 : i32 to index
        %get3A_1153 = arith.index_cast %add3A_1150 : i32 to index
        %get3A_1154 = arith.constant 48 : index
        %get3A_1155 = tpu.vector_load %arg10[%get3A_1152, %get3A_1153, %get3A_1154] {strides = array<i32>} : memref<2x128x256xf32, #tpu.memory_space<vmem>>, vector<1x1x16xf32>,
        %get3A_1156 = vector.shape_cast %get3A_1155 : vector<1x1x16xf32> to vector<16xf32>
        %mul3A_1157 = vector.broadcast %squeeze3A_974 : f32 to vector<16xf32>
        %mul3A_1158 = arith.mulf %get3A_1156, %mul3A_1157 : vector<16xf32>
        %add3A_1159 = arith.addf %add3A_1148, %mul3A_1158 : vector<16xf32>
        %swap3A_1160 = arith.constant 0 : i32
        %swap3A_1161 = arith.index_cast %swap3A_1160 : i32 to index
        %swap3A_1162 = arith.index_cast %scan3A_959 : i32 to index
        %swap3A_1163 = arith.constant 48 : index
        %swap3A_1164 = tpu.vector_load %arg11[%swap3A_1161, %swap3A_1162, %swap3A_1163] {strides = array<i32>} : memref<2x32x256xf32, #tpu.memory_space<vmem>>, vector<1x1x16xf32>,
        %swap3A_1165 = vector.shape_cast %swap3A_1164 : vector<1x1x16xf32> to vector<16xf32>
        %swap3A_1166 = vector.shape_cast %add3A_1159 : vector<16xf32> to vector<1x1x16xf32>
        tpu.vector_store %arg11[%swap3A_1161, %swap3A_1162, %swap3A_1163], %swap3A_1166 {strides = array<i32>} : memref<2x32x256xf32, #tpu.memory_space<vmem>>, vector<1x1x16xf32>,
        %get3A_1167 = arith.constant 0 : i32
        %get3A_1168 = arith.index_cast %get3A_1167 : i32 to index
        %get3A_1169 = arith.index_cast %scan3A_959 : i32 to index
        %get3A_1170 = arith.constant 64 : index
        %get3A_1171 = tpu.vector_load %arg10[%get3A_1168, %get3A_1169, %get3A_1170] {strides = array<i32>} : memref<2x128x256xf32, #tpu.memory_space<vmem>>, vector<1x1x16xf32>,
        %get3A_1172 = vector.shape_cast %get3A_1171 : vector<1x1x16xf32> to vector<16xf32>
        %mul3A_1173 = vector.broadcast %squeeze3A_968 : f32 to vector<16xf32>
        %mul3A_1174 = arith.mulf %get3A_1172, %mul3A_1173 : vector<16xf32>
        %add3A_1175 = arith.constant 32 : i32
        %add3A_1176 = arith.addi %add3A_1175, %scan3A_959 : i32
        %get3A_1177 = arith.constant 0 : i32
        %get3A_1178 = arith.index_cast %get3A_1177 : i32 to index
        %get3A_1179 = arith.index_cast %add3A_1176 : i32 to index
        %get3A_1180 = arith.constant 64 : index
        %get3A_1181 = tpu.vector_load %arg10[%get3A_1178, %get3A_1179, %get3A_1180] {strides = array<i32>} : memref<2x128x256xf32, #tpu.memory_space<vmem>>, vector<1x1x16xf32>,
        %get3A_1182 = vector.shape_cast %get3A_1181 : vector<1x1x16xf32> to vector<16xf32>
        %mul3A_1183 = vector.broadcast %squeeze3A_970 : f32 to vector<16xf32>
        %mul3A_1184 = arith.mulf %get3A_1182, %mul3A_1183 : vector<16xf32>
        %add3A_1185 = arith.addf %mul3A_1174, %mul3A_1184 : vector<16xf32>
        %add3A_1186 = arith.constant 64 : i32
        %add3A_1187 = arith.addi %add3A_1186, %scan3A_959 : i32
        %get3A_1188 = arith.constant 0 : i32
        %get3A_1189 = arith.index_cast %get3A_1188 : i32 to index
        %get3A_1190 = arith.index_cast %add3A_1187 : i32 to index
        %get3A_1191 = arith.constant 64 : index
        %get3A_1192 = tpu.vector_load %arg10[%get3A_1189, %get3A_1190, %get3A_1191] {strides = array<i32>} : memref<2x128x256xf32, #tpu.memory_space<vmem>>, vector<1x1x16xf32>,
        %get3A_1193 = vector.shape_cast %get3A_1192 : vector<1x1x16xf32> to vector<16xf32>
        %mul3A_1194 = vector.broadcast %squeeze3A_972 : f32 to vector<16xf32>
        %mul3A_1195 = arith.mulf %get3A_1193, %mul3A_1194 : vector<16xf32>
        %add3A_1196 = arith.addf %add3A_1185, %mul3A_1195 : vector<16xf32>
        %add3A_1197 = arith.constant 96 : i32
        %add3A_1198 = arith.addi %add3A_1197, %scan3A_959 : i32
        %get3A_1199 = arith.constant 0 : i32
        %get3A_1200 = arith.index_cast %get3A_1199 : i32 to index
        %get3A_1201 = arith.index_cast %add3A_1198 : i32 to index
        %get3A_1202 = arith.constant 64 : index
        %get3A_1203 = tpu.vector_load %arg10[%get3A_1200, %get3A_1201, %get3A_1202] {strides = array<i32>} : memref<2x128x256xf32, #tpu.memory_space<vmem>>, vector<1x1x16xf32>,
        %get3A_1204 = vector.shape_cast %get3A_1203 : vector<1x1x16xf32> to vector<16xf32>
        %mul3A_1205 = vector.broadcast %squeeze3A_974 : f32 to vector<16xf32>
        %mul3A_1206 = arith.mulf %get3A_1204, %mul3A_1205 : vector<16xf32>
        %add3A_1207 = arith.addf %add3A_1196, %mul3A_1206 : vector<16xf32>
        %swap3A_1208 = arith.constant 0 : i32
        %swap3A_1209 = arith.index_cast %swap3A_1208 : i32 to index
        %swap3A_1210 = arith.index_cast %scan3A_959 : i32 to index
        %swap3A_1211 = arith.constant 64 : index
        %swap3A_1212 = tpu.vector_load %arg11[%swap3A_1209, %swap3A_1210, %swap3A_1211] {strides = array<i32>} : memref<2x32x256xf32, #tpu.memory_space<vmem>>, vector<1x1x16xf32>,
        %swap3A_1213 = vector.shape_cast %swap3A_1212 : vector<1x1x16xf32> to vector<16xf32>
        %swap3A_1214 = vector.shape_cast %add3A_1207 : vector<16xf32> to vector<1x1x16xf32>
        tpu.vector_store %arg11[%swap3A_1209, %swap3A_1210, %swap3A_1211], %swap3A_1214 {strides = array<i32>} : memref<2x32x256xf32, #tpu.memory_space<vmem>>, vector<1x1x16xf32>,
        %get3A_1215 = arith.constant 0 : i32
        %get3A_1216 = arith.index_cast %get3A_1215 : i32 to index
        %get3A_1217 = arith.index_cast %scan3A_959 : i32 to index
        %get3A_1218 = arith.constant 80 : index
        %get3A_1219 = tpu.vector_load %arg10[%get3A_1216, %get3A_1217, %get3A_1218] {strides = array<i32>} : memref<2x128x256xf32, #tpu.memory_space<vmem>>, vector<1x1x16xf32>,
        %get3A_1220 = vector.shape_cast %get3A_1219 : vector<1x1x16xf32> to vector<16xf32>
        %mul3A_1221 = vector.broadcast %squeeze3A_968 : f32 to vector<16xf32>
        %mul3A_1222 = arith.mulf %get3A_1220, %mul3A_1221 : vector<16xf32>
        %add3A_1223 = arith.constant 32 : i32
        %add3A_1224 = arith.addi %add3A_1223, %scan3A_959 : i32
        %get3A_1225 = arith.constant 0 : i32
        %get3A_1226 = arith.index_cast %get3A_1225 : i32 to index
        %get3A_1227 = arith.index_cast %add3A_1224 : i32 to index
        %get3A_1228 = arith.constant 80 : index
        %get3A_1229 = tpu.vector_load %arg10[%get3A_1226, %get3A_1227, %get3A_1228] {strides = array<i32>} : memref<2x128x256xf32, #tpu.memory_space<vmem>>, vector<1x1x16xf32>,
        %get3A_1230 = vector.shape_cast %get3A_1229 : vector<1x1x16xf32> to vector<16xf32>
        %mul3A_1231 = vector.broadcast %squeeze3A_970 : f32 to vector<16xf32>
        %mul3A_1232 = arith.mulf %get3A_1230, %mul3A_1231 : vector<16xf32>
        %add3A_1233 = arith.addf %mul3A_1222, %mul3A_1232 : vector<16xf32>
        %add3A_1234 = arith.constant 64 : i32
        %add3A_1235 = arith.addi %add3A_1234, %scan3A_959 : i32
        %get3A_1236 = arith.constant 0 : i32
        %get3A_1237 = arith.index_cast %get3A_1236 : i32 to index
        %get3A_1238 = arith.index_cast %add3A_1235 : i32 to index
        %get3A_1239 = arith.constant 80 : index
        %get3A_1240 = tpu.vector_load %arg10[%get3A_1237, %get3A_1238, %get3A_1239] {strides = array<i32>} : memref<2x128x256xf32, #tpu.memory_space<vmem>>, vector<1x1x16xf32>,
        %get3A_1241 = vector.shape_cast %get3A_1240 : vector<1x1x16xf32> to vector<16xf32>
        %mul3A_1242 = vector.broadcast %squeeze3A_972 : f32 to vector<16xf32>
        %mul3A_1243 = arith.mulf %get3A_1241, %mul3A_1242 : vector<16xf32>
        %add3A_1244 = arith.addf %add3A_1233, %mul3A_1243 : vector<16xf32>
        %add3A_1245 = arith.constant 96 : i32
        %add3A_1246 = arith.addi %add3A_1245, %scan3A_959 : i32
        %get3A_1247 = arith.constant 0 : i32
        %get3A_1248 = arith.index_cast %get3A_1247 : i32 to index
        %get3A_1249 = arith.index_cast %add3A_1246 : i32 to index
        %get3A_1250 = arith.constant 80 : index
        %get3A_1251 = tpu.vector_load %arg10[%get3A_1248, %get3A_1249, %get3A_1250] {strides = array<i32>} : memref<2x128x256xf32, #tpu.memory_space<vmem>>, vector<1x1x16xf32>,
        %get3A_1252 = vector.shape_cast %get3A_1251 : vector<1x1x16xf32> to vector<16xf32>
        %mul3A_1253 = vector.broadcast %squeeze3A_974 : f32 to vector<16xf32>
        %mul3A_1254 = arith.mulf %get3A_1252, %mul3A_1253 : vector<16xf32>
        %add3A_1255 = arith.addf %add3A_1244, %mul3A_1254 : vector<16xf32>
        %swap3A_1256 = arith.constant 0 : i32
        %swap3A_1257 = arith.index_cast %swap3A_1256 : i32 to index
        %swap3A_1258 = arith.index_cast %scan3A_959 : i32 to index
        %swap3A_1259 = arith.constant 80 : index
        %swap3A_1260 = tpu.vector_load %arg11[%swap3A_1257, %swap3A_1258, %swap3A_1259] {strides = array<i32>} : memref<2x32x256xf32, #tpu.memory_space<vmem>>, vector<1x1x16xf32>,
        %swap3A_1261 = vector.shape_cast %swap3A_1260 : vector<1x1x16xf32> to vector<16xf32>
        %swap3A_1262 = vector.shape_cast %add3A_1255 : vector<16xf32> to vector<1x1x16xf32>
        tpu.vector_store %arg11[%swap3A_1257, %swap3A_1258, %swap3A_1259], %swap3A_1262 {strides = array<i32>} : memref<2x32x256xf32, #tpu.memory_space<vmem>>, vector<1x1x16xf32>,
        %get3A_1263 = arith.constant 0 : i32
        %get3A_1264 = arith.index_cast %get3A_1263 : i32 to index
        %get3A_1265 = arith.index_cast %scan3A_959 : i32 to index
        %get3A_1266 = arith.constant 96 : index
        %get3A_1267 = tpu.vector_load %arg10[%get3A_1264, %get3A_1265, %get3A_1266] {strides = array<i32>} : memref<2x128x256xf32, #tpu.memory_space<vmem>>, vector<1x1x16xf32>,
        %get3A_1268 = vector.shape_cast %get3A_1267 : vector<1x1x16xf32> to vector<16xf32>
        %mul3A_1269 = vector.broadcast %squeeze3A_968 : f32 to vector<16xf32>
        %mul3A_1270 = arith.mulf %get3A_1268, %mul3A_1269 : vector<16xf32>
        %add3A_1271 = arith.constant 32 : i32
        %add3A_1272 = arith.addi %add3A_1271, %scan3A_959 : i32
        %get3A_1273 = arith.constant 0 : i32
        %get3A_1274 = arith.index_cast %get3A_1273 : i32 to index
        %get3A_1275 = arith.index_cast %add3A_1272 : i32 to index
        %get3A_1276 = arith.constant 96 : index
        %get3A_1277 = tpu.vector_load %arg10[%get3A_1274, %get3A_1275, %get3A_1276] {strides = array<i32>} : memref<2x128x256xf32, #tpu.memory_space<vmem>>, vector<1x1x16xf32>,
        %get3A_1278 = vector.shape_cast %get3A_1277 : vector<1x1x16xf32> to vector<16xf32>
        %mul3A_1279 = vector.broadcast %squeeze3A_970 : f32 to vector<16xf32>
        %mul3A_1280 = arith.mulf %get3A_1278, %mul3A_1279 : vector<16xf32>
        %add3A_1281 = arith.addf %mul3A_1270, %mul3A_1280 : vector<16xf32>
        %add3A_1282 = arith.constant 64 : i32
        %add3A_1283 = arith.addi %add3A_1282, %scan3A_959 : i32
        %get3A_1284 = arith.constant 0 : i32
        %get3A_1285 = arith.index_cast %get3A_1284 : i32 to index
        %get3A_1286 = arith.index_cast %add3A_1283 : i32 to index
        %get3A_1287 = arith.constant 96 : index
        %get3A_1288 = tpu.vector_load %arg10[%get3A_1285, %get3A_1286, %get3A_1287] {strides = array<i32>} : memref<2x128x256xf32, #tpu.memory_space<vmem>>, vector<1x1x16xf32>,
        %get3A_1289 = vector.shape_cast %get3A_1288 : vector<1x1x16xf32> to vector<16xf32>
        %mul3A_1290 = vector.broadcast %squeeze3A_972 : f32 to vector<16xf32>
        %mul3A_1291 = arith.mulf %get3A_1289, %mul3A_1290 : vector<16xf32>
        %add3A_1292 = arith.addf %add3A_1281, %mul3A_1291 : vector<16xf32>
        %add3A_1293 = arith.constant 96 : i32
        %add3A_1294 = arith.addi %add3A_1293, %scan3A_959 : i32
        %get3A_1295 = arith.constant 0 : i32
        %get3A_1296 = arith.index_cast %get3A_1295 : i32 to index
        %get3A_1297 = arith.index_cast %add3A_1294 : i32 to index
        %get3A_1298 = arith.constant 96 : index
        %get3A_1299 = tpu.vector_load %arg10[%get3A_1296, %get3A_1297, %get3A_1298] {strides = array<i32>} : memref<2x128x256xf32, #tpu.memory_space<vmem>>, vector<1x1x16xf32>,
        %get3A_1300 = vector.shape_cast %get3A_1299 : vector<1x1x16xf32> to vector<16xf32>
        %mul3A_1301 = vector.broadcast %squeeze3A_974 : f32 to vector<16xf32>
        %mul3A_1302 = arith.mulf %get3A_1300, %mul3A_1301 : vector<16xf32>
        %add3A_1303 = arith.addf %add3A_1292, %mul3A_1302 : vector<16xf32>
        %swap3A_1304 = arith.constant 0 : i32
        %swap3A_1305 = arith.index_cast %swap3A_1304 : i32 to index
        %swap3A_1306 = arith.index_cast %scan3A_959 : i32 to index
        %swap3A_1307 = arith.constant 96 : index
        %swap3A_1308 = tpu.vector_load %arg11[%swap3A_1305, %swap3A_1306, %swap3A_1307] {strides = array<i32>} : memref<2x32x256xf32, #tpu.memory_space<vmem>>, vector<1x1x16xf32>,
        %swap3A_1309 = vector.shape_cast %swap3A_1308 : vector<1x1x16xf32> to vector<16xf32>
        %swap3A_1310 = vector.shape_cast %add3A_1303 : vector<16xf32> to vector<1x1x16xf32>
        tpu.vector_store %arg11[%swap3A_1305, %swap3A_1306, %swap3A_1307], %swap3A_1310 {strides = array<i32>} : memref<2x32x256xf32, #tpu.memory_space<vmem>>, vector<1x1x16xf32>,
        %get3A_1311 = arith.constant 0 : i32
        %get3A_1312 = arith.index_cast %get3A_1311 : i32 to index
        %get3A_1313 = arith.index_cast %scan3A_959 : i32 to index
        %get3A_1314 = arith.constant 112 : index
        %get3A_1315 = tpu.vector_load %arg10[%get3A_1312, %get3A_1313, %get3A_1314] {strides = array<i32>} : memref<2x128x256xf32, #tpu.memory_space<vmem>>, vector<1x1x16xf32>,
        %get3A_1316 = vector.shape_cast %get3A_1315 : vector<1x1x16xf32> to vector<16xf32>
        %mul3A_1317 = vector.broadcast %squeeze3A_968 : f32 to vector<16xf32>
        %mul3A_1318 = arith.mulf %get3A_1316, %mul3A_1317 : vector<16xf32>
        %add3A_1319 = arith.constant 32 : i32
        %add3A_1320 = arith.addi %add3A_1319, %scan3A_959 : i32
        %get3A_1321 = arith.constant 0 : i32
        %get3A_1322 = arith.index_cast %get3A_1321 : i32 to index
        %get3A_1323 = arith.index_cast %add3A_1320 : i32 to index
        %get3A_1324 = arith.constant 112 : index
        %get3A_1325 = tpu.vector_load %arg10[%get3A_1322, %get3A_1323, %get3A_1324] {strides = array<i32>} : memref<2x128x256xf32, #tpu.memory_space<vmem>>, vector<1x1x16xf32>,
        %get3A_1326 = vector.shape_cast %get3A_1325 : vector<1x1x16xf32> to vector<16xf32>
        %mul3A_1327 = vector.broadcast %squeeze3A_970 : f32 to vector<16xf32>
        %mul3A_1328 = arith.mulf %get3A_1326, %mul3A_1327 : vector<16xf32>
        %add3A_1329 = arith.addf %mul3A_1318, %mul3A_1328 : vector<16xf32>
        %add3A_1330 = arith.constant 64 : i32
        %add3A_1331 = arith.addi %add3A_1330, %scan3A_959 : i32
        %get3A_1332 = arith.constant 0 : i32
        %get3A_1333 = arith.index_cast %get3A_1332 : i32 to index
        %get3A_1334 = arith.index_cast %add3A_1331 : i32 to index
        %get3A_1335 = arith.constant 112 : index
        %get3A_1336 = tpu.vector_load %arg10[%get3A_1333, %get3A_1334, %get3A_1335] {strides = array<i32>} : memref<2x128x256xf32, #tpu.memory_space<vmem>>, vector<1x1x16xf32>,
        %get3A_1337 = vector.shape_cast %get3A_1336 : vector<1x1x16xf32> to vector<16xf32>
        %mul3A_1338 = vector.broadcast %squeeze3A_972 : f32 to vector<16xf32>
        %mul3A_1339 = arith.mulf %get3A_1337, %mul3A_1338 : vector<16xf32>
        %add3A_1340 = arith.addf %add3A_1329, %mul3A_1339 : vector<16xf32>
        %add3A_1341 = arith.constant 96 : i32
        %add3A_1342 = arith.addi %add3A_1341, %scan3A_959 : i32
        %get3A_1343 = arith.constant 0 : i32
        %get3A_1344 = arith.index_cast %get3A_1343 : i32 to index
        %get3A_1345 = arith.index_cast %add3A_1342 : i32 to index
        %get3A_1346 = arith.constant 112 : index
        %get3A_1347 = tpu.vector_load %arg10[%get3A_1344, %get3A_1345, %get3A_1346] {strides = array<i32>} : memref<2x128x256xf32, #tpu.memory_space<vmem>>, vector<1x1x16xf32>,
        %get3A_1348 = vector.shape_cast %get3A_1347 : vector<1x1x16xf32> to vector<16xf32>
        %mul3A_1349 = vector.broadcast %squeeze3A_974 : f32 to vector<16xf32>
        %mul3A_1350 = arith.mulf %get3A_1348, %mul3A_1349 : vector<16xf32>
        %add3A_1351 = arith.addf %add3A_1340, %mul3A_1350 : vector<16xf32>
        %swap3A_1352 = arith.constant 0 : i32
        %swap3A_1353 = arith.index_cast %swap3A_1352 : i32 to index
        %swap3A_1354 = arith.index_cast %scan3A_959 : i32 to index
        %swap3A_1355 = arith.constant 112 : index
        %swap3A_1356 = tpu.vector_load %arg11[%swap3A_1353, %swap3A_1354, %swap3A_1355] {strides = array<i32>} : memref<2x32x256xf32, #tpu.memory_space<vmem>>, vector<1x1x16xf32>,
        %swap3A_1357 = vector.shape_cast %swap3A_1356 : vector<1x1x16xf32> to vector<16xf32>
        %swap3A_1358 = vector.shape_cast %add3A_1351 : vector<16xf32> to vector<1x1x16xf32>
        tpu.vector_store %arg11[%swap3A_1353, %swap3A_1354, %swap3A_1355], %swap3A_1358 {strides = array<i32>} : memref<2x32x256xf32, #tpu.memory_space<vmem>>, vector<1x1x16xf32>,
        %get3A_1359 = arith.constant 0 : i32
        %get3A_1360 = arith.index_cast %get3A_1359 : i32 to index
        %get3A_1361 = arith.index_cast %scan3A_959 : i32 to index
        %get3A_1362 = arith.constant 128 : index
        %get3A_1363 = tpu.vector_load %arg10[%get3A_1360, %get3A_1361, %get3A_1362] {strides = array<i32>} : memref<2x128x256xf32, #tpu.memory_space<vmem>>, vector<1x1x16xf32>,
        %get3A_1364 = vector.shape_cast %get3A_1363 : vector<1x1x16xf32> to vector<16xf32>
        %mul3A_1365 = vector.broadcast %squeeze3A_968 : f32 to vector<16xf32>
        %mul3A_1366 = arith.mulf %get3A_1364, %mul3A_1365 : vector<16xf32>
        %add3A_1367 = arith.constant 32 : i32
        %add3A_1368 = arith.addi %add3A_1367, %scan3A_959 : i32
        %get3A_1369 = arith.constant 0 : i32
        %get3A_1370 = arith.index_cast %get3A_1369 : i32 to index
        %get3A_1371 = arith.index_cast %add3A_1368 : i32 to index
        %get3A_1372 = arith.constant 128 : index
        %get3A_1373 = tpu.vector_load %arg10[%get3A_1370, %get3A_1371, %get3A_1372] {strides = array<i32>} : memref<2x128x256xf32, #tpu.memory_space<vmem>>, vector<1x1x16xf32>,
        %get3A_1374 = vector.shape_cast %get3A_1373 : vector<1x1x16xf32> to vector<16xf32>
        %mul3A_1375 = vector.broadcast %squeeze3A_970 : f32 to vector<16xf32>
        %mul3A_1376 = arith.mulf %get3A_1374, %mul3A_1375 : vector<16xf32>
        %add3A_1377 = arith.addf %mul3A_1366, %mul3A_1376 : vector<16xf32>
        %add3A_1378 = arith.constant 64 : i32
        %add3A_1379 = arith.addi %add3A_1378, %scan3A_959 : i32
        %get3A_1380 = arith.constant 0 : i32
        %get3A_1381 = arith.index_cast %get3A_1380 : i32 to index
        %get3A_1382 = arith.index_cast %add3A_1379 : i32 to index
        %get3A_1383 = arith.constant 128 : index
        %get3A_1384 = tpu.vector_load %arg10[%get3A_1381, %get3A_1382, %get3A_1383] {strides = array<i32>} : memref<2x128x256xf32, #tpu.memory_space<vmem>>, vector<1x1x16xf32>,
        %get3A_1385 = vector.shape_cast %get3A_1384 : vector<1x1x16xf32> to vector<16xf32>
        %mul3A_1386 = vector.broadcast %squeeze3A_972 : f32 to vector<16xf32>
        %mul3A_1387 = arith.mulf %get3A_1385, %mul3A_1386 : vector<16xf32>
        %add3A_1388 = arith.addf %add3A_1377, %mul3A_1387 : vector<16xf32>
        %add3A_1389 = arith.constant 96 : i32
        %add3A_1390 = arith.addi %add3A_1389, %scan3A_959 : i32
        %get3A_1391 = arith.constant 0 : i32
        %get3A_1392 = arith.index_cast %get3A_1391 : i32 to index
        %get3A_1393 = arith.index_cast %add3A_1390 : i32 to index
        %get3A_1394 = arith.constant 128 : index
        %get3A_1395 = tpu.vector_load %arg10[%get3A_1392, %get3A_1393, %get3A_1394] {strides = array<i32>} : memref<2x128x256xf32, #tpu.memory_space<vmem>>, vector<1x1x16xf32>,
        %get3A_1396 = vector.shape_cast %get3A_1395 : vector<1x1x16xf32> to vector<16xf32>
        %mul3A_1397 = vector.broadcast %squeeze3A_974 : f32 to vector<16xf32>
        %mul3A_1398 = arith.mulf %get3A_1396, %mul3A_1397 : vector<16xf32>
        %add3A_1399 = arith.addf %add3A_1388, %mul3A_1398 : vector<16xf32>
        %swap3A_1400 = arith.constant 0 : i32
        %swap3A_1401 = arith.index_cast %swap3A_1400 : i32 to index
        %swap3A_1402 = arith.index_cast %scan3A_959 : i32 to index
        %swap3A_1403 = arith.constant 128 : index
        %swap3A_1404 = tpu.vector_load %arg11[%swap3A_1401, %swap3A_1402, %swap3A_1403] {strides = array<i32>} : memref<2x32x256xf32, #tpu.memory_space<vmem>>, vector<1x1x16xf32>,
        %swap3A_1405 = vector.shape_cast %swap3A_1404 : vector<1x1x16xf32> to vector<16xf32>
        %swap3A_1406 = vector.shape_cast %add3A_1399 : vector<16xf32> to vector<1x1x16xf32>
        tpu.vector_store %arg11[%swap3A_1401, %swap3A_1402, %swap3A_1403], %swap3A_1406 {strides = array<i32>} : memref<2x32x256xf32, #tpu.memory_space<vmem>>, vector<1x1x16xf32>,
        %get3A_1407 = arith.constant 0 : i32
        %get3A_1408 = arith.index_cast %get3A_1407 : i32 to index
        %get3A_1409 = arith.index_cast %scan3A_959 : i32 to index
        %get3A_1410 = arith.constant 144 : index
        %get3A_1411 = tpu.vector_load %arg10[%get3A_1408, %get3A_1409, %get3A_1410] {strides = array<i32>} : memref<2x128x256xf32, #tpu.memory_space<vmem>>, vector<1x1x16xf32>,
        %get3A_1412 = vector.shape_cast %get3A_1411 : vector<1x1x16xf32> to vector<16xf32>
        %mul3A_1413 = vector.broadcast %squeeze3A_968 : f32 to vector<16xf32>
        %mul3A_1414 = arith.mulf %get3A_1412, %mul3A_1413 : vector<16xf32>
        %add3A_1415 = arith.constant 32 : i32
        %add3A_1416 = arith.addi %add3A_1415, %scan3A_959 : i32
        %get3A_1417 = arith.constant 0 : i32
        %get3A_1418 = arith.index_cast %get3A_1417 : i32 to index
        %get3A_1419 = arith.index_cast %add3A_1416 : i32 to index
        %get3A_1420 = arith.constant 144 : index
        %get3A_1421 = tpu.vector_load %arg10[%get3A_1418, %get3A_1419, %get3A_1420] {strides = array<i32>} : memref<2x128x256xf32, #tpu.memory_space<vmem>>, vector<1x1x16xf32>,
        %get3A_1422 = vector.shape_cast %get3A_1421 : vector<1x1x16xf32> to vector<16xf32>
        %mul3A_1423 = vector.broadcast %squeeze3A_970 : f32 to vector<16xf32>
        %mul3A_1424 = arith.mulf %get3A_1422, %mul3A_1423 : vector<16xf32>
        %add3A_1425 = arith.addf %mul3A_1414, %mul3A_1424 : vector<16xf32>
        %add3A_1426 = arith.constant 64 : i32
        %add3A_1427 = arith.addi %add3A_1426, %scan3A_959 : i32
        %get3A_1428 = arith.constant 0 : i32
        %get3A_1429 = arith.index_cast %get3A_1428 : i32 to index
        %get3A_1430 = arith.index_cast %add3A_1427 : i32 to index
        %get3A_1431 = arith.constant 144 : index
        %get3A_1432 = tpu.vector_load %arg10[%get3A_1429, %get3A_1430, %get3A_1431] {strides = array<i32>} : memref<2x128x256xf32, #tpu.memory_space<vmem>>, vector<1x1x16xf32>,
        %get3A_1433 = vector.shape_cast %get3A_1432 : vector<1x1x16xf32> to vector<16xf32>
        %mul3A_1434 = vector.broadcast %squeeze3A_972 : f32 to vector<16xf32>
        %mul3A_1435 = arith.mulf %get3A_1433, %mul3A_1434 : vector<16xf32>
        %add3A_1436 = arith.addf %add3A_1425, %mul3A_1435 : vector<16xf32>
        %add3A_1437 = arith.constant 96 : i32
        %add3A_1438 = arith.addi %add3A_1437, %scan3A_959 : i32
        %get3A_1439 = arith.constant 0 : i32
        %get3A_1440 = arith.index_cast %get3A_1439 : i32 to index
        %get3A_1441 = arith.index_cast %add3A_1438 : i32 to index
        %get3A_1442 = arith.constant 144 : index
        %get3A_1443 = tpu.vector_load %arg10[%get3A_1440, %get3A_1441, %get3A_1442] {strides = array<i32>} : memref<2x128x256xf32, #tpu.memory_space<vmem>>, vector<1x1x16xf32>,
        %get3A_1444 = vector.shape_cast %get3A_1443 : vector<1x1x16xf32> to vector<16xf32>
        %mul3A_1445 = vector.broadcast %squeeze3A_974 : f32 to vector<16xf32>
        %mul3A_1446 = arith.mulf %get3A_1444, %mul3A_1445 : vector<16xf32>
        %add3A_1447 = arith.addf %add3A_1436, %mul3A_1446 : vector<16xf32>
        %swap3A_1448 = arith.constant 0 : i32
        %swap3A_1449 = arith.index_cast %swap3A_1448 : i32 to index
        %swap3A_1450 = arith.index_cast %scan3A_959 : i32 to index
        %swap3A_1451 = arith.constant 144 : index
        %swap3A_1452 = tpu.vector_load %arg11[%swap3A_1449, %swap3A_1450, %swap3A_1451] {strides = array<i32>} : memref<2x32x256xf32, #tpu.memory_space<vmem>>, vector<1x1x16xf32>,
        %swap3A_1453 = vector.shape_cast %swap3A_1452 : vector<1x1x16xf32> to vector<16xf32>
        %swap3A_1454 = vector.shape_cast %add3A_1447 : vector<16xf32> to vector<1x1x16xf32>
        tpu.vector_store %arg11[%swap3A_1449, %swap3A_1450, %swap3A_1451], %swap3A_1454 {strides = array<i32>} : memref<2x32x256xf32, #tpu.memory_space<vmem>>, vector<1x1x16xf32>,
        %get3A_1455 = arith.constant 0 : i32
        %get3A_1456 = arith.index_cast %get3A_1455 : i32 to index
        %get3A_1457 = arith.index_cast %scan3A_959 : i32 to index
        %get3A_1458 = arith.constant 160 : index
        %get3A_1459 = tpu.vector_load %arg10[%get3A_1456, %get3A_1457, %get3A_1458] {strides = array<i32>} : memref<2x128x256xf32, #tpu.memory_space<vmem>>, vector<1x1x16xf32>,
        %get3A_1460 = vector.shape_cast %get3A_1459 : vector<1x1x16xf32> to vector<16xf32>
        %mul3A_1461 = vector.broadcast %squeeze3A_968 : f32 to vector<16xf32>
        %mul3A_1462 = arith.mulf %get3A_1460, %mul3A_1461 : vector<16xf32>
        %add3A_1463 = arith.constant 32 : i32
        %add3A_1464 = arith.addi %add3A_1463, %scan3A_959 : i32
        %get3A_1465 = arith.constant 0 : i32
        %get3A_1466 = arith.index_cast %get3A_1465 : i32 to index
        %get3A_1467 = arith.index_cast %add3A_1464 : i32 to index
        %get3A_1468 = arith.constant 160 : index
        %get3A_1469 = tpu.vector_load %arg10[%get3A_1466, %get3A_1467, %get3A_1468] {strides = array<i32>} : memref<2x128x256xf32, #tpu.memory_space<vmem>>, vector<1x1x16xf32>,
        %get3A_1470 = vector.shape_cast %get3A_1469 : vector<1x1x16xf32> to vector<16xf32>
        %mul3A_1471 = vector.broadcast %squeeze3A_970 : f32 to vector<16xf32>
        %mul3A_1472 = arith.mulf %get3A_1470, %mul3A_1471 : vector<16xf32>
        %add3A_1473 = arith.addf %mul3A_1462, %mul3A_1472 : vector<16xf32>
        %add3A_1474 = arith.constant 64 : i32
        %add3A_1475 = arith.addi %add3A_1474, %scan3A_959 : i32
        %get3A_1476 = arith.constant 0 : i32
        %get3A_1477 = arith.index_cast %get3A_1476 : i32 to index
        %get3A_1478 = arith.index_cast %add3A_1475 : i32 to index
        %get3A_1479 = arith.constant 160 : index
        %get3A_1480 = tpu.vector_load %arg10[%get3A_1477, %get3A_1478, %get3A_1479] {strides = array<i32>} : memref<2x128x256xf32, #tpu.memory_space<vmem>>, vector<1x1x16xf32>,
        %get3A_1481 = vector.shape_cast %get3A_1480 : vector<1x1x16xf32> to vector<16xf32>
        %mul3A_1482 = vector.broadcast %squeeze3A_972 : f32 to vector<16xf32>
        %mul3A_1483 = arith.mulf %get3A_1481, %mul3A_1482 : vector<16xf32>
        %add3A_1484 = arith.addf %add3A_1473, %mul3A_1483 : vector<16xf32>
        %add3A_1485 = arith.constant 96 : i32
        %add3A_1486 = arith.addi %add3A_1485, %scan3A_959 : i32
        %get3A_1487 = arith.constant 0 : i32
        %get3A_1488 = arith.index_cast %get3A_1487 : i32 to index
        %get3A_1489 = arith.index_cast %add3A_1486 : i32 to index
        %get3A_1490 = arith.constant 160 : index
        %get3A_1491 = tpu.vector_load %arg10[%get3A_1488, %get3A_1489, %get3A_1490] {strides = array<i32>} : memref<2x128x256xf32, #tpu.memory_space<vmem>>, vector<1x1x16xf32>,
        %get3A_1492 = vector.shape_cast %get3A_1491 : vector<1x1x16xf32> to vector<16xf32>
        %mul3A_1493 = vector.broadcast %squeeze3A_974 : f32 to vector<16xf32>
        %mul3A_1494 = arith.mulf %get3A_1492, %mul3A_1493 : vector<16xf32>
        %add3A_1495 = arith.addf %add3A_1484, %mul3A_1494 : vector<16xf32>
        %swap3A_1496 = arith.constant 0 : i32
        %swap3A_1497 = arith.index_cast %swap3A_1496 : i32 to index
        %swap3A_1498 = arith.index_cast %scan3A_959 : i32 to index
        %swap3A_1499 = arith.constant 160 : index
        %swap3A_1500 = tpu.vector_load %arg11[%swap3A_1497, %swap3A_1498, %swap3A_1499] {strides = array<i32>} : memref<2x32x256xf32, #tpu.memory_space<vmem>>, vector<1x1x16xf32>,
        %swap3A_1501 = vector.shape_cast %swap3A_1500 : vector<1x1x16xf32> to vector<16xf32>
        %swap3A_1502 = vector.shape_cast %add3A_1495 : vector<16xf32> to vector<1x1x16xf32>
        tpu.vector_store %arg11[%swap3A_1497, %swap3A_1498, %swap3A_1499], %swap3A_1502 {strides = array<i32>} : memref<2x32x256xf32, #tpu.memory_space<vmem>>, vector<1x1x16xf32>,
        %get3A_1503 = arith.constant 0 : i32
        %get3A_1504 = arith.index_cast %get3A_1503 : i32 to index
        %get3A_1505 = arith.index_cast %scan3A_959 : i32 to index
        %get3A_1506 = arith.constant 176 : index
        %get3A_1507 = tpu.vector_load %arg10[%get3A_1504, %get3A_1505, %get3A_1506] {strides = array<i32>} : memref<2x128x256xf32, #tpu.memory_space<vmem>>, vector<1x1x16xf32>,
        %get3A_1508 = vector.shape_cast %get3A_1507 : vector<1x1x16xf32> to vector<16xf32>
        %mul3A_1509 = vector.broadcast %squeeze3A_968 : f32 to vector<16xf32>
        %mul3A_1510 = arith.mulf %get3A_1508, %mul3A_1509 : vector<16xf32>
        %add3A_1511 = arith.constant 32 : i32
        %add3A_1512 = arith.addi %add3A_1511, %scan3A_959 : i32
        %get3A_1513 = arith.constant 0 : i32
        %get3A_1514 = arith.index_cast %get3A_1513 : i32 to index
        %get3A_1515 = arith.index_cast %add3A_1512 : i32 to index
        %get3A_1516 = arith.constant 176 : index
        %get3A_1517 = tpu.vector_load %arg10[%get3A_1514, %get3A_1515, %get3A_1516] {strides = array<i32>} : memref<2x128x256xf32, #tpu.memory_space<vmem>>, vector<1x1x16xf32>,
        %get3A_1518 = vector.shape_cast %get3A_1517 : vector<1x1x16xf32> to vector<16xf32>
        %mul3A_1519 = vector.broadcast %squeeze3A_970 : f32 to vector<16xf32>
        %mul3A_1520 = arith.mulf %get3A_1518, %mul3A_1519 : vector<16xf32>
        %add3A_1521 = arith.addf %mul3A_1510, %mul3A_1520 : vector<16xf32>
        %add3A_1522 = arith.constant 64 : i32
        %add3A_1523 = arith.addi %add3A_1522, %scan3A_959 : i32
        %get3A_1524 = arith.constant 0 : i32
        %get3A_1525 = arith.index_cast %get3A_1524 : i32 to index
        %get3A_1526 = arith.index_cast %add3A_1523 : i32 to index
        %get3A_1527 = arith.constant 176 : index
        %get3A_1528 = tpu.vector_load %arg10[%get3A_1525, %get3A_1526, %get3A_1527] {strides = array<i32>} : memref<2x128x256xf32, #tpu.memory_space<vmem>>, vector<1x1x16xf32>,
        %get3A_1529 = vector.shape_cast %get3A_1528 : vector<1x1x16xf32> to vector<16xf32>
        %mul3A_1530 = vector.broadcast %squeeze3A_972 : f32 to vector<16xf32>
        %mul3A_1531 = arith.mulf %get3A_1529, %mul3A_1530 : vector<16xf32>
        %add3A_1532 = arith.addf %add3A_1521, %mul3A_1531 : vector<16xf32>
        %add3A_1533 = arith.constant 96 : i32
        %add3A_1534 = arith.addi %add3A_1533, %scan3A_959 : i32
        %get3A_1535 = arith.constant 0 : i32
        %get3A_1536 = arith.index_cast %get3A_1535 : i32 to index
        %get3A_1537 = arith.index_cast %add3A_1534 : i32 to index
        %get3A_1538 = arith.constant 176 : index
        %get3A_1539 = tpu.vector_load %arg10[%get3A_1536, %get3A_1537, %get3A_1538] {strides = array<i32>} : memref<2x128x256xf32, #tpu.memory_space<vmem>>, vector<1x1x16xf32>,
        %get3A_1540 = vector.shape_cast %get3A_1539 : vector<1x1x16xf32> to vector<16xf32>
        %mul3A_1541 = vector.broadcast %squeeze3A_974 : f32 to vector<16xf32>
        %mul3A_1542 = arith.mulf %get3A_1540, %mul3A_1541 : vector<16xf32>
        %add3A_1543 = arith.addf %add3A_1532, %mul3A_1542 : vector<16xf32>
        %swap3A_1544 = arith.constant 0 : i32
        %swap3A_1545 = arith.index_cast %swap3A_1544 : i32 to index
        %swap3A_1546 = arith.index_cast %scan3A_959 : i32 to index
        %swap3A_1547 = arith.constant 176 : index
        %swap3A_1548 = tpu.vector_load %arg11[%swap3A_1545, %swap3A_1546, %swap3A_1547] {strides = array<i32>} : memref<2x32x256xf32, #tpu.memory_space<vmem>>, vector<1x1x16xf32>,
        %swap3A_1549 = vector.shape_cast %swap3A_1548 : vector<1x1x16xf32> to vector<16xf32>
        %swap3A_1550 = vector.shape_cast %add3A_1543 : vector<16xf32> to vector<1x1x16xf32>
        tpu.vector_store %arg11[%swap3A_1545, %swap3A_1546, %swap3A_1547], %swap3A_1550 {strides = array<i32>} : memref<2x32x256xf32, #tpu.memory_space<vmem>>, vector<1x1x16xf32>,
        %get3A_1551 = arith.constant 0 : i32
        %get3A_1552 = arith.index_cast %get3A_1551 : i32 to index
        %get3A_1553 = arith.index_cast %scan3A_959 : i32 to index
        %get3A_1554 = arith.constant 192 : index
        %get3A_1555 = tpu.vector_load %arg10[%get3A_1552, %get3A_1553, %get3A_1554] {strides = array<i32>} : memref<2x128x256xf32, #tpu.memory_space<vmem>>, vector<1x1x16xf32>,
        %get3A_1556 = vector.shape_cast %get3A_1555 : vector<1x1x16xf32> to vector<16xf32>
        %mul3A_1557 = vector.broadcast %squeeze3A_968 : f32 to vector<16xf32>
        %mul3A_1558 = arith.mulf %get3A_1556, %mul3A_1557 : vector<16xf32>
        %add3A_1559 = arith.constant 32 : i32
        %add3A_1560 = arith.addi %add3A_1559, %scan3A_959 : i32
        %get3A_1561 = arith.constant 0 : i32
        %get3A_1562 = arith.index_cast %get3A_1561 : i32 to index
        %get3A_1563 = arith.index_cast %add3A_1560 : i32 to index
        %get3A_1564 = arith.constant 192 : index
        %get3A_1565 = tpu.vector_load %arg10[%get3A_1562, %get3A_1563, %get3A_1564] {strides = array<i32>} : memref<2x128x256xf32, #tpu.memory_space<vmem>>, vector<1x1x16xf32>,
        %get3A_1566 = vector.shape_cast %get3A_1565 : vector<1x1x16xf32> to vector<16xf32>
        %mul3A_1567 = vector.broadcast %squeeze3A_970 : f32 to vector<16xf32>
        %mul3A_1568 = arith.mulf %get3A_1566, %mul3A_1567 : vector<16xf32>
        %add3A_1569 = arith.addf %mul3A_1558, %mul3A_1568 : vector<16xf32>
        %add3A_1570 = arith.constant 64 : i32
        %add3A_1571 = arith.addi %add3A_1570, %scan3A_959 : i32
        %get3A_1572 = arith.constant 0 : i32
        %get3A_1573 = arith.index_cast %get3A_1572 : i32 to index
        %get3A_1574 = arith.index_cast %add3A_1571 : i32 to index
        %get3A_1575 = arith.constant 192 : index
        %get3A_1576 = tpu.vector_load %arg10[%get3A_1573, %get3A_1574, %get3A_1575] {strides = array<i32>} : memref<2x128x256xf32, #tpu.memory_space<vmem>>, vector<1x1x16xf32>,
        %get3A_1577 = vector.shape_cast %get3A_1576 : vector<1x1x16xf32> to vector<16xf32>
        %mul3A_1578 = vector.broadcast %squeeze3A_972 : f32 to vector<16xf32>
        %mul3A_1579 = arith.mulf %get3A_1577, %mul3A_1578 : vector<16xf32>
        %add3A_1580 = arith.addf %add3A_1569, %mul3A_1579 : vector<16xf32>
        %add3A_1581 = arith.constant 96 : i32
        %add3A_1582 = arith.addi %add3A_1581, %scan3A_959 : i32
        %get3A_1583 = arith.constant 0 : i32
        %get3A_1584 = arith.index_cast %get3A_1583 : i32 to index
        %get3A_1585 = arith.index_cast %add3A_1582 : i32 to index
        %get3A_1586 = arith.constant 192 : index
        %get3A_1587 = tpu.vector_load %arg10[%get3A_1584, %get3A_1585, %get3A_1586] {strides = array<i32>} : memref<2x128x256xf32, #tpu.memory_space<vmem>>, vector<1x1x16xf32>,
        %get3A_1588 = vector.shape_cast %get3A_1587 : vector<1x1x16xf32> to vector<16xf32>
        %mul3A_1589 = vector.broadcast %squeeze3A_974 : f32 to vector<16xf32>
        %mul3A_1590 = arith.mulf %get3A_1588, %mul3A_1589 : vector<16xf32>
        %add3A_1591 = arith.addf %add3A_1580, %mul3A_1590 : vector<16xf32>
        %swap3A_1592 = arith.constant 0 : i32
        %swap3A_1593 = arith.index_cast %swap3A_1592 : i32 to index
        %swap3A_1594 = arith.index_cast %scan3A_959 : i32 to index
        %swap3A_1595 = arith.constant 192 : index
        %swap3A_1596 = tpu.vector_load %arg11[%swap3A_1593, %swap3A_1594, %swap3A_1595] {strides = array<i32>} : memref<2x32x256xf32, #tpu.memory_space<vmem>>, vector<1x1x16xf32>,
        %swap3A_1597 = vector.shape_cast %swap3A_1596 : vector<1x1x16xf32> to vector<16xf32>
        %swap3A_1598 = vector.shape_cast %add3A_1591 : vector<16xf32> to vector<1x1x16xf32>
        tpu.vector_store %arg11[%swap3A_1593, %swap3A_1594, %swap3A_1595], %swap3A_1598 {strides = array<i32>} : memref<2x32x256xf32, #tpu.memory_space<vmem>>, vector<1x1x16xf32>,
        %get3A_1599 = arith.constant 0 : i32
        %get3A_1600 = arith.index_cast %get3A_1599 : i32 to index
        %get3A_1601 = arith.index_cast %scan3A_959 : i32 to index
        %get3A_1602 = arith.constant 208 : index
        %get3A_1603 = tpu.vector_load %arg10[%get3A_1600, %get3A_1601, %get3A_1602] {strides = array<i32>} : memref<2x128x256xf32, #tpu.memory_space<vmem>>, vector<1x1x16xf32>,
        %get3A_1604 = vector.shape_cast %get3A_1603 : vector<1x1x16xf32> to vector<16xf32>
        %mul3A_1605 = vector.broadcast %squeeze3A_968 : f32 to vector<16xf32>
        %mul3A_1606 = arith.mulf %get3A_1604, %mul3A_1605 : vector<16xf32>
        %add3A_1607 = arith.constant 32 : i32
        %add3A_1608 = arith.addi %add3A_1607, %scan3A_959 : i32
        %get3A_1609 = arith.constant 0 : i32
        %get3A_1610 = arith.index_cast %get3A_1609 : i32 to index
        %get3A_1611 = arith.index_cast %add3A_1608 : i32 to index
        %get3A_1612 = arith.constant 208 : index
        %get3A_1613 = tpu.vector_load %arg10[%get3A_1610, %get3A_1611, %get3A_1612] {strides = array<i32>} : memref<2x128x256xf32, #tpu.memory_space<vmem>>, vector<1x1x16xf32>,
        %get3A_1614 = vector.shape_cast %get3A_1613 : vector<1x1x16xf32> to vector<16xf32>
        %mul3A_1615 = vector.broadcast %squeeze3A_970 : f32 to vector<16xf32>
        %mul3A_1616 = arith.mulf %get3A_1614, %mul3A_1615 : vector<16xf32>
        %add3A_1617 = arith.addf %mul3A_1606, %mul3A_1616 : vector<16xf32>
        %add3A_1618 = arith.constant 64 : i32
        %add3A_1619 = arith.addi %add3A_1618, %scan3A_959 : i32
        %get3A_1620 = arith.constant 0 : i32
        %get3A_1621 = arith.index_cast %get3A_1620 : i32 to index
        %get3A_1622 = arith.index_cast %add3A_1619 : i32 to index
        %get3A_1623 = arith.constant 208 : index
        %get3A_1624 = tpu.vector_load %arg10[%get3A_1621, %get3A_1622, %get3A_1623] {strides = array<i32>} : memref<2x128x256xf32, #tpu.memory_space<vmem>>, vector<1x1x16xf32>,
        %get3A_1625 = vector.shape_cast %get3A_1624 : vector<1x1x16xf32> to vector<16xf32>
        %mul3A_1626 = vector.broadcast %squeeze3A_972 : f32 to vector<16xf32>
        %mul3A_1627 = arith.mulf %get3A_1625, %mul3A_1626 : vector<16xf32>
        %add3A_1628 = arith.addf %add3A_1617, %mul3A_1627 : vector<16xf32>
        %add3A_1629 = arith.constant 96 : i32
        %add3A_1630 = arith.addi %add3A_1629, %scan3A_959 : i32
        %get3A_1631 = arith.constant 0 : i32
        %get3A_1632 = arith.index_cast %get3A_1631 : i32 to index
        %get3A_1633 = arith.index_cast %add3A_1630 : i32 to index
        %get3A_1634 = arith.constant 208 : index
        %get3A_1635 = tpu.vector_load %arg10[%get3A_1632, %get3A_1633, %get3A_1634] {strides = array<i32>} : memref<2x128x256xf32, #tpu.memory_space<vmem>>, vector<1x1x16xf32>,
        %get3A_1636 = vector.shape_cast %get3A_1635 : vector<1x1x16xf32> to vector<16xf32>
        %mul3A_1637 = vector.broadcast %squeeze3A_974 : f32 to vector<16xf32>
        %mul3A_1638 = arith.mulf %get3A_1636, %mul3A_1637 : vector<16xf32>
        %add3A_1639 = arith.addf %add3A_1628, %mul3A_1638 : vector<16xf32>
        %swap3A_1640 = arith.constant 0 : i32
        %swap3A_1641 = arith.index_cast %swap3A_1640 : i32 to index
        %swap3A_1642 = arith.index_cast %scan3A_959 : i32 to index
        %swap3A_1643 = arith.constant 208 : index
        %swap3A_1644 = tpu.vector_load %arg11[%swap3A_1641, %swap3A_1642, %swap3A_1643] {strides = array<i32>} : memref<2x32x256xf32, #tpu.memory_space<vmem>>, vector<1x1x16xf32>,
        %swap3A_1645 = vector.shape_cast %swap3A_1644 : vector<1x1x16xf32> to vector<16xf32>
        %swap3A_1646 = vector.shape_cast %add3A_1639 : vector<16xf32> to vector<1x1x16xf32>
        tpu.vector_store %arg11[%swap3A_1641, %swap3A_1642, %swap3A_1643], %swap3A_1646 {strides = array<i32>} : memref<2x32x256xf32, #tpu.memory_space<vmem>>, vector<1x1x16xf32>,
        %get3A_1647 = arith.constant 0 : i32
        %get3A_1648 = arith.index_cast %get3A_1647 : i32 to index
        %get3A_1649 = arith.index_cast %scan3A_959 : i32 to index
        %get3A_1650 = arith.constant 224 : index
        %get3A_1651 = tpu.vector_load %arg10[%get3A_1648, %get3A_1649, %get3A_1650] {strides = array<i32>} : memref<2x128x256xf32, #tpu.memory_space<vmem>>, vector<1x1x16xf32>,
        %get3A_1652 = vector.shape_cast %get3A_1651 : vector<1x1x16xf32> to vector<16xf32>
        %mul3A_1653 = vector.broadcast %squeeze3A_968 : f32 to vector<16xf32>
        %mul3A_1654 = arith.mulf %get3A_1652, %mul3A_1653 : vector<16xf32>
        %add3A_1655 = arith.constant 32 : i32
        %add3A_1656 = arith.addi %add3A_1655, %scan3A_959 : i32
        %get3A_1657 = arith.constant 0 : i32
        %get3A_1658 = arith.index_cast %get3A_1657 : i32 to index
        %get3A_1659 = arith.index_cast %add3A_1656 : i32 to index
        %get3A_1660 = arith.constant 224 : index
        %get3A_1661 = tpu.vector_load %arg10[%get3A_1658, %get3A_1659, %get3A_1660] {strides = array<i32>} : memref<2x128x256xf32, #tpu.memory_space<vmem>>, vector<1x1x16xf32>,
        %get3A_1662 = vector.shape_cast %get3A_1661 : vector<1x1x16xf32> to vector<16xf32>
        %mul3A_1663 = vector.broadcast %squeeze3A_970 : f32 to vector<16xf32>
        %mul3A_1664 = arith.mulf %get3A_1662, %mul3A_1663 : vector<16xf32>
        %add3A_1665 = arith.addf %mul3A_1654, %mul3A_1664 : vector<16xf32>
        %add3A_1666 = arith.constant 64 : i32
        %add3A_1667 = arith.addi %add3A_1666, %scan3A_959 : i32
        %get3A_1668 = arith.constant 0 : i32
        %get3A_1669 = arith.index_cast %get3A_1668 : i32 to index
        %get3A_1670 = arith.index_cast %add3A_1667 : i32 to index
        %get3A_1671 = arith.constant 224 : index
        %get3A_1672 = tpu.vector_load %arg10[%get3A_1669, %get3A_1670, %get3A_1671] {strides = array<i32>} : memref<2x128x256xf32, #tpu.memory_space<vmem>>, vector<1x1x16xf32>,
        %get3A_1673 = vector.shape_cast %get3A_1672 : vector<1x1x16xf32> to vector<16xf32>
        %mul3A_1674 = vector.broadcast %squeeze3A_972 : f32 to vector<16xf32>
        %mul3A_1675 = arith.mulf %get3A_1673, %mul3A_1674 : vector<16xf32>
        %add3A_1676 = arith.addf %add3A_1665, %mul3A_1675 : vector<16xf32>
        %add3A_1677 = arith.constant 96 : i32
        %add3A_1678 = arith.addi %add3A_1677, %scan3A_959 : i32
        %get3A_1679 = arith.constant 0 : i32
        %get3A_1680 = arith.index_cast %get3A_1679 : i32 to index
        %get3A_1681 = arith.index_cast %add3A_1678 : i32 to index
        %get3A_1682 = arith.constant 224 : index
        %get3A_1683 = tpu.vector_load %arg10[%get3A_1680, %get3A_1681, %get3A_1682] {strides = array<i32>} : memref<2x128x256xf32, #tpu.memory_space<vmem>>, vector<1x1x16xf32>,
        %get3A_1684 = vector.shape_cast %get3A_1683 : vector<1x1x16xf32> to vector<16xf32>
        %mul3A_1685 = vector.broadcast %squeeze3A_974 : f32 to vector<16xf32>
        %mul3A_1686 = arith.mulf %get3A_1684, %mul3A_1685 : vector<16xf32>
        %add3A_1687 = arith.addf %add3A_1676, %mul3A_1686 : vector<16xf32>
        %swap3A_1688 = arith.constant 0 : i32
        %swap3A_1689 = arith.index_cast %swap3A_1688 : i32 to index
        %swap3A_1690 = arith.index_cast %scan3A_959 : i32 to index
        %swap3A_1691 = arith.constant 224 : index
        %swap3A_1692 = tpu.vector_load %arg11[%swap3A_1689, %swap3A_1690, %swap3A_1691] {strides = array<i32>} : memref<2x32x256xf32, #tpu.memory_space<vmem>>, vector<1x1x16xf32>,
        %swap3A_1693 = vector.shape_cast %swap3A_1692 : vector<1x1x16xf32> to vector<16xf32>
        %swap3A_1694 = vector.shape_cast %add3A_1687 : vector<16xf32> to vector<1x1x16xf32>
        tpu.vector_store %arg11[%swap3A_1689, %swap3A_1690, %swap3A_1691], %swap3A_1694 {strides = array<i32>} : memref<2x32x256xf32, #tpu.memory_space<vmem>>, vector<1x1x16xf32>,
        %get3A_1695 = arith.constant 0 : i32
        %get3A_1696 = arith.index_cast %get3A_1695 : i32 to index
        %get3A_1697 = arith.index_cast %scan3A_959 : i32 to index
        %get3A_1698 = arith.constant 240 : index
        %get3A_1699 = tpu.vector_load %arg10[%get3A_1696, %get3A_1697, %get3A_1698] {strides = array<i32>} : memref<2x128x256xf32, #tpu.memory_space<vmem>>, vector<1x1x16xf32>,
        %get3A_1700 = vector.shape_cast %get3A_1699 : vector<1x1x16xf32> to vector<16xf32>
        %mul3A_1701 = vector.broadcast %squeeze3A_968 : f32 to vector<16xf32>
        %mul3A_1702 = arith.mulf %get3A_1700, %mul3A_1701 : vector<16xf32>
        %add3A_1703 = arith.constant 32 : i32
        %add3A_1704 = arith.addi %add3A_1703, %scan3A_959 : i32
        %get3A_1705 = arith.constant 0 : i32
        %get3A_1706 = arith.index_cast %get3A_1705 : i32 to index
        %get3A_1707 = arith.index_cast %add3A_1704 : i32 to index
        %get3A_1708 = arith.constant 240 : index
        %get3A_1709 = tpu.vector_load %arg10[%get3A_1706, %get3A_1707, %get3A_1708] {strides = array<i32>} : memref<2x128x256xf32, #tpu.memory_space<vmem>>, vector<1x1x16xf32>,
        %get3A_1710 = vector.shape_cast %get3A_1709 : vector<1x1x16xf32> to vector<16xf32>
        %mul3A_1711 = vector.broadcast %squeeze3A_970 : f32 to vector<16xf32>
        %mul3A_1712 = arith.mulf %get3A_1710, %mul3A_1711 : vector<16xf32>
        %add3A_1713 = arith.addf %mul3A_1702, %mul3A_1712 : vector<16xf32>
        %add3A_1714 = arith.constant 64 : i32
        %add3A_1715 = arith.addi %add3A_1714, %scan3A_959 : i32
        %get3A_1716 = arith.constant 0 : i32
        %get3A_1717 = arith.index_cast %get3A_1716 : i32 to index
        %get3A_1718 = arith.index_cast %add3A_1715 : i32 to index
        %get3A_1719 = arith.constant 240 : index
        %get3A_1720 = tpu.vector_load %arg10[%get3A_1717, %get3A_1718, %get3A_1719] {strides = array<i32>} : memref<2x128x256xf32, #tpu.memory_space<vmem>>, vector<1x1x16xf32>,
        %get3A_1721 = vector.shape_cast %get3A_1720 : vector<1x1x16xf32> to vector<16xf32>
        %mul3A_1722 = vector.broadcast %squeeze3A_972 : f32 to vector<16xf32>
        %mul3A_1723 = arith.mulf %get3A_1721, %mul3A_1722 : vector<16xf32>
        %add3A_1724 = arith.addf %add3A_1713, %mul3A_1723 : vector<16xf32>
        %add3A_1725 = arith.constant 96 : i32
        %add3A_1726 = arith.addi %add3A_1725, %scan3A_959 : i32
        %get3A_1727 = arith.constant 0 : i32
        %get3A_1728 = arith.index_cast %get3A_1727 : i32 to index
        %get3A_1729 = arith.index_cast %add3A_1726 : i32 to index
        %get3A_1730 = arith.constant 240 : index
        %get3A_1731 = tpu.vector_load %arg10[%get3A_1728, %get3A_1729, %get3A_1730] {strides = array<i32>} : memref<2x128x256xf32, #tpu.memory_space<vmem>>, vector<1x1x16xf32>,
        %get3A_1732 = vector.shape_cast %get3A_1731 : vector<1x1x16xf32> to vector<16xf32>
        %mul3A_1733 = vector.broadcast %squeeze3A_974 : f32 to vector<16xf32>
        %mul3A_1734 = arith.mulf %get3A_1732, %mul3A_1733 : vector<16xf32>
        %add3A_1735 = arith.addf %add3A_1724, %mul3A_1734 : vector<16xf32>
        %swap3A_1736 = arith.constant 0 : i32
        %swap3A_1737 = arith.index_cast %swap3A_1736 : i32 to index
        %swap3A_1738 = arith.index_cast %scan3A_959 : i32 to index
        %swap3A_1739 = arith.constant 240 : index
        %swap3A_1740 = tpu.vector_load %arg11[%swap3A_1737, %swap3A_1738, %swap3A_1739] {strides = array<i32>} : memref<2x32x256xf32, #tpu.memory_space<vmem>>, vector<1x1x16xf32>,
        %swap3A_1741 = vector.shape_cast %swap3A_1740 : vector<1x1x16xf32> to vector<16xf32>
        %swap3A_1742 = vector.shape_cast %add3A_1735 : vector<16xf32> to vector<1x1x16xf32>
        tpu.vector_store %arg11[%swap3A_1737, %swap3A_1738, %swap3A_1739], %swap3A_1742 {strides = array<i32>} : memref<2x32x256xf32, #tpu.memory_space<vmem>>, vector<1x1x16xf32>,
      }
      %scan3A_114 = arith.constant 32 : i32
      %dma_start3A_115 = arith.constant 0 : i32
      %dma_start3A_116 = arith.constant 0 : i32
      %dma_start3A_117 = arith.constant 0 : i32
      %dma_start3A_118 = tpu.memref_slice %arg11[%dma_start3A_115, %dma_start3A_116, %dma_start3A_117] : memref<2x32x256xf32, #tpu.memory_space<vmem>> -> memref<1x32x256xf32, #tpu.memory_space<vmem>>
      %dma_start3A_119 = tpu.memref_squeeze %dma_start3A_118 : memref<1x32x256xf32, #tpu.memory_space<vmem>> -> memref<32x256xf32, #tpu.memory_space<vmem>>
      %dma_start3A_120 = arith.constant 0 : i32
      %dma_start3A_121 = tpu.memref_slice %arg8[%mul3A_56, %dma_start3A_120] : memref<98x32xi32, #tpu.memory_space<vmem>> -> memref<1x32xi32, #tpu.memory_space<vmem>>
      %dma_start3A_122 = tpu.memref_squeeze %dma_start3A_121 : memref<1x32xi32, #tpu.memory_space<vmem>> -> memref<32xi32, #tpu.memory_space<vmem>>
      %dma_start3A_123 = arith.constant 0 : i32
      %dma_start3A_124 = arith.constant 0 : i32
      %dma_start3A_125 = tpu.memref_slice %arg6[%dma_start3A_123, %dma_start3A_124] : memref<98000x256xf32, #tpu.memory_space<hbm>> -> memref<98000x256xf32, #tpu.memory_space<hbm>>
      tpu.enqueue_indirect_dma source(%dma_start3A_119 : memref<32x256xf32, #tpu.memory_space<vmem>>) target(%dma_start3A_125 : memref<98000x256xf32, #tpu.memory_space<hbm>>) offsets(%dma_start3A_122 : memref<32xi32, #tpu.memory_space<vmem>>) semaphore(%arg16 : memref<!tpu.dma_semaphore, #tpu.memory_space<semaphore_mem>>)
      %add3A_126 = arith.constant 1 : i32
      %add3A_127 = arith.addi %add3A_58, %add3A_126 : i32
      %lt3A = arith.constant 98 : i32
      %lt3A_128 = arith.cmpi slt, %add3A_127, %lt3A : i32
      %convert_element_type3A_129 = arith.extui %lt3A_128 : i1 to i32
      %cond3A_130 = arith.constant 0 : i32
      %cond3A_131 = arith.cmpi ne, %convert_element_type3A_129, %cond3A_130 : i32
      scf.if %cond3A_131 {
        %add3A_178 = arith.constant 1 : i32
        %add3A_179 = arith.addi %add3A_58, %add3A_178 : i32
        %dma_start3A_180 = arith.constant 0 : i32
        %dma_start3A_181 = arith.constant 0 : i32
        %dma_start3A_182 = tpu.memref_slice %arg9[%dma_start3A_180, %dma_start3A_181] : memref<2x512xf32, #tpu.memory_space<vmem>> -> memref<1x512xf32, #tpu.memory_space<vmem>>
        %dma_start3A_183 = tpu.memref_squeeze %dma_start3A_182 : memref<1x512xf32, #tpu.memory_space<vmem>> -> memref<512xf32, #tpu.memory_space<vmem>>
        %dma_start3A_184 = arith.constant 0 : i32
        %dma_start3A_185 = tpu.memref_slice %arg5[%add3A, %add3A_179, %dma_start3A_184] : memref<32x98x512xf32, #tpu.memory_space<hbm>> -> memref<1x1x512xf32, #tpu.memory_space<hbm>>
        %dma_start3A_186 = tpu.memref_squeeze %dma_start3A_185 : memref<1x1x512xf32, #tpu.memory_space<hbm>> -> memref<512xf32, #tpu.memory_space<hbm>>
        %dma_start3A_187 = arith.constant 0 : i32
        %dma_start3A_188 = tpu.memref_slice %arg9[%dma_start3A_180, %dma_start3A_187] : memref<2x512xf32, #tpu.memory_space<vmem>> -> memref<1x512xf32, #tpu.memory_space<vmem>>
        %dma_start3A_189 = tpu.memref_squeeze %dma_start3A_188 : memref<1x512xf32, #tpu.memory_space<vmem>> -> memref<512xf32, #tpu.memory_space<vmem>>
        %dma_start3A_190 = arith.constant 0 : i32
        %dma_start3A_191 = tpu.memref_slice %arg5[%add3A, %add3A_179, %dma_start3A_190] : memref<32x98x512xf32, #tpu.memory_space<hbm>> -> memref<1x1x512xf32, #tpu.memory_space<hbm>>
        %dma_start3A_192 = tpu.memref_squeeze %dma_start3A_191 : memref<1x1x512xf32, #tpu.memory_space<hbm>> -> memref<512xf32, #tpu.memory_space<hbm>>
        tpu.enqueue_dma source(%dma_start3A_192 : memref<512xf32, #tpu.memory_space<hbm>>) target(%dma_start3A_189 : memref<512xf32, #tpu.memory_space<vmem>>) target_semaphore(%arg14 : memref<!tpu.dma_semaphore, #tpu.memory_space<semaphore_mem>>)
        %dma_start3A_193 = arith.constant 0 : i32
        %dma_start3A_194 = arith.constant 0 : i32
        %dma_start3A_195 = arith.constant 0 : i32
        %dma_start3A_196 = tpu.memref_slice %arg10[%dma_start3A_193, %dma_start3A_194, %dma_start3A_195] : memref<2x128x256xf32, #tpu.memory_space<vmem>> -> memref<1x128x256xf32, #tpu.memory_space<vmem>>
        %dma_start3A_197 = tpu.memref_squeeze %dma_start3A_196 : memref<1x128x256xf32, #tpu.memory_space<vmem>> -> memref<128x256xf32, #tpu.memory_space<vmem>>
        %dma_start3A_198 = arith.constant 0 : i32
        %dma_start3A_199 = tpu.memref_slice %arg7[%add3A_179, %dma_start3A_198] : memref<98x128xi32, #tpu.memory_space<vmem>> -> memref<1x128xi32, #tpu.memory_space<vmem>>
        %dma_start3A_200 = tpu.memref_squeeze %dma_start3A_199 : memref<1x128xi32, #tpu.memory_space<vmem>> -> memref<128xi32, #tpu.memory_space<vmem>>
        %dma_start3A_201 = arith.constant 0 : i32
        %dma_start3A_202 = arith.constant 0 : i32
        %dma_start3A_203 = tpu.memref_slice %arg2[%dma_start3A_201, %dma_start3A_202] : memref<131072x256xf32, #tpu.memory_space<hbm>> -> memref<131072x256xf32, #tpu.memory_space<hbm>>
        tpu.enqueue_indirect_dma source(%dma_start3A_203 : memref<131072x256xf32, #tpu.memory_space<hbm>>) target(%dma_start3A_197 : memref<128x256xf32, #tpu.memory_space<vmem>>) offsets(%dma_start3A_200 : memref<128xi32, #tpu.memory_space<vmem>>) semaphore(%arg12 : memref<!tpu.dma_semaphore, #tpu.memory_space<semaphore_mem>>)
      } else {
      }
      %dma_wait3A_132 = arith.constant 1 : i32
      %dma_wait3A_133 = arith.constant 0 : i32
      %dma_wait3A_134 = tpu.memref_slice %arg9[%dma_wait3A_132, %dma_wait3A_133] : memref<2x512xf32, #tpu.memory_space<vmem>> -> memref<1x512xf32, #tpu.memory_space<vmem>>
      %dma_wait3A_135 = tpu.memref_squeeze %dma_wait3A_134 : memref<1x512xf32, #tpu.memory_space<vmem>> -> memref<512xf32, #tpu.memory_space<vmem>>
      %dma_wait3A_136 = arith.constant 0 : i32
      %dma_wait3A_137 = tpu.memref_slice %arg5[%add3A, %add3A_58, %dma_wait3A_136] : memref<32x98x512xf32, #tpu.memory_space<hbm>> -> memref<1x1x512xf32, #tpu.memory_space<hbm>>
      %dma_wait3A_138 = tpu.memref_squeeze %dma_wait3A_137 : memref<1x1x512xf32, #tpu.memory_space<hbm>> -> memref<512xf32, #tpu.memory_space<hbm>>
      %dma_wait3A_139 = arith.constant 0 : i32
      %dma_wait3A_140 = tpu.memref_slice %arg9[%dma_wait3A_132, %dma_wait3A_139] : memref<2x512xf32, #tpu.memory_space<vmem>> -> memref<1x512xf32, #tpu.memory_space<vmem>>
      %dma_wait3A_141 = tpu.memref_squeeze %dma_wait3A_140 : memref<1x512xf32, #tpu.memory_space<vmem>> -> memref<512xf32, #tpu.memory_space<vmem>>
      %dma_wait3A_142 = arith.constant 0 : i32
      %dma_wait3A_143 = tpu.memref_slice %arg5[%add3A, %add3A_58, %dma_wait3A_142] : memref<32x98x512xf32, #tpu.memory_space<hbm>> -> memref<1x1x512xf32, #tpu.memory_space<hbm>>
      %dma_wait3A_144 = tpu.memref_squeeze %dma_wait3A_143 : memref<1x1x512xf32, #tpu.memory_space<hbm>> -> memref<512xf32, #tpu.memory_space<hbm>>
      tpu.wait_dma2 semaphore(%arg15 : memref<!tpu.dma_semaphore, #tpu.memory_space<semaphore_mem>>) src(%dma_wait3A_144 : memref<512xf32, #tpu.memory_space<hbm>>) dst(%dma_wait3A_141 : memref<512xf32, #tpu.memory_space<vmem>>)
      %dma_wait3A_145 = arith.constant 1 : i32
      %dma_wait3A_146 = arith.constant 0 : i32
      %dma_wait3A_147 = arith.constant 0 : i32
      %dma_wait3A_148 = tpu.memref_slice %arg10[%dma_wait3A_145, %dma_wait3A_146, %dma_wait3A_147] : memref<2x128x256xf32, #tpu.memory_space<vmem>> -> memref<1x128x256xf32, #tpu.memory_space<vmem>>
      %dma_wait3A_149 = tpu.memref_squeeze %dma_wait3A_148 : memref<1x128x256xf32, #tpu.memory_space<vmem>> -> memref<128x256xf32, #tpu.memory_space<vmem>>
      %dma_wait3A_150 = arith.constant 0 : i32
      %dma_wait3A_151 = tpu.memref_slice %arg7[%add3A_58, %dma_wait3A_150] : memref<98x128xi32, #tpu.memory_space<vmem>> -> memref<1x128xi32, #tpu.memory_space<vmem>>
      %dma_wait3A_152 = tpu.memref_squeeze %dma_wait3A_151 : memref<1x128xi32, #tpu.memory_space<vmem>> -> memref<128xi32, #tpu.memory_space<vmem>>
      %dma_wait3A_153 = arith.constant 0 : i32
      %dma_wait3A_154 = arith.constant 0 : i32
      %dma_wait3A_155 = tpu.memref_slice %arg2[%dma_wait3A_153, %dma_wait3A_154] : memref<131072x256xf32, #tpu.memory_space<hbm>> -> memref<131072x256xf32, #tpu.memory_space<hbm>>
      tpu.wait_indirect_dma semaphore(%arg13 : memref<!tpu.dma_semaphore, #tpu.memory_space<semaphore_mem>>) src(%dma_wait3A_155 : memref<131072x256xf32, #tpu.memory_space<hbm>>) dst(%dma_wait3A_149 : memref<128x256xf32, #tpu.memory_space<vmem>>)
      %gt3A_156 = arith.constant 0 : i32
      %gt3A_157 = arith.cmpi sgt, %scan3A_54, %gt3A_156 : i32
      %convert_element_type3A_158 = arith.extui %gt3A_157 : i1 to i32
      %cond3A_159 = arith.constant 0 : i32
      %cond3A_160 = arith.cmpi ne, %convert_element_type3A_158, %cond3A_159 : i32
      scf.if %cond3A_160 {
        %sub3A = arith.constant 2 : i32
        %sub3A_178 = arith.subi %add3A_58, %sub3A : i32
        %dma_wait3A_179 = arith.constant 1 : i32
        %dma_wait3A_180 = arith.constant 0 : i32
        %dma_wait3A_181 = arith.constant 0 : i32
        %dma_wait3A_182 = tpu.memref_slice %arg11[%dma_wait3A_179, %dma_wait3A_180, %dma_wait3A_181] : memref<2x32x256xf32, #tpu.memory_space<vmem>> -> memref<1x32x256xf32, #tpu.memory_space<vmem>>
        %dma_wait3A_183 = tpu.memref_squeeze %dma_wait3A_182 : memref<1x32x256xf32, #tpu.memory_space<vmem>> -> memref<32x256xf32, #tpu.memory_space<vmem>>
        %dma_wait3A_184 = arith.constant 0 : i32
        %dma_wait3A_185 = tpu.memref_slice %arg8[%sub3A_178, %dma_wait3A_184] : memref<98x32xi32, #tpu.memory_space<vmem>> -> memref<1x32xi32, #tpu.memory_space<vmem>>
        %dma_wait3A_186 = tpu.memref_squeeze %dma_wait3A_185 : memref<1x32xi32, #tpu.memory_space<vmem>> -> memref<32xi32, #tpu.memory_space<vmem>>
        %dma_wait3A_187 = arith.constant 0 : i32
        %dma_wait3A_188 = arith.constant 0 : i32
        %dma_wait3A_189 = tpu.memref_slice %arg6[%dma_wait3A_187, %dma_wait3A_188] : memref<98000x256xf32, #tpu.memory_space<hbm>> -> memref<98000x256xf32, #tpu.memory_space<hbm>>
        tpu.wait_indirect_dma semaphore(%arg17 : memref<!tpu.dma_semaphore, #tpu.memory_space<semaphore_mem>>) src(%dma_wait3A_183 : memref<32x256xf32, #tpu.memory_space<vmem>>) dst(%dma_wait3A_189 : memref<98000x256xf32, #tpu.memory_space<hbm>>)
      } else {
      }
      %scan3A_161 = arith.constant 0 : i32
      %scan3A_162 = arith.constant 0 : i32
      %scan3A_163 = arith.constant 32 : i32
      %scan3A_164 = arith.addi %scan3A_162, %scan3A_163 : i32
      %scan3A_165 = arith.constant 2 : i32
      scf.for %scan3A_178 = %scan3A_162 to %scan3A_164 step %scan3A_165  : i32 {
        %mul3A_179 = arith.constant 16 : i32
        %mul3A_180 = arith.muli %mul3A_179, %scan3A_178 : i32
        %get3A = arith.constant 1 : i32
        %get3A_181 = arith.index_cast %get3A : i32 to index
        %get3A_182 = arith.index_cast %mul3A_180 : i32 to index
        %get3A_183 = tpu.vector_load %arg9[%get3A_181, %get3A_182] {strides = array<i32>} : memref<2x512xf32, #tpu.memory_space<vmem>>, vector<1x16xf32>,
        %get3A_184 = vector.shape_cast %get3A_183 : vector<1x16xf32> to vector<16xf32>
        %slice3A = vector.extract_strided_slice %get3A_184 {offsets = [0], sizes = [1], strides = [1]} : vector<16xf32> to vector<1xf32>
        %squeeze3A = vector.extract %slice3A[0] : f32 from vector<1xf32>
        %slice3A_185 = vector.extract_strided_slice %get3A_184 {offsets = [1], sizes = [1], strides = [1]} : vector<16xf32> to vector<1xf32>
        %squeeze3A_186 = vector.extract %slice3A_185[0] : f32 from vector<1xf32>
        %slice3A_187 = vector.extract_strided_slice %get3A_184 {offsets = [2], sizes = [1], strides = [1]} : vector<16xf32> to vector<1xf32>
        %squeeze3A_188 = vector.extract %slice3A_187[0] : f32 from vector<1xf32>
        %slice3A_189 = vector.extract_strided_slice %get3A_184 {offsets = [3], sizes = [1], strides = [1]} : vector<16xf32> to vector<1xf32>
        %squeeze3A_190 = vector.extract %slice3A_189[0] : f32 from vector<1xf32>
        %get3A_191 = arith.constant 1 : i32
        %get3A_192 = arith.index_cast %get3A_191 : i32 to index
        %get3A_193 = arith.index_cast %scan3A_178 : i32 to index
        %get3A_194 = arith.constant 0 : index
        %get3A_195 = tpu.vector_load %arg10[%get3A_192, %get3A_193, %get3A_194] {strides = array<i32>} : memref<2x128x256xf32, #tpu.memory_space<vmem>>, vector<1x1x16xf32>,
        %get3A_196 = vector.shape_cast %get3A_195 : vector<1x1x16xf32> to vector<16xf32>
        %mul3A_197 = vector.broadcast %squeeze3A : f32 to vector<16xf32>
        %mul3A_198 = arith.mulf %get3A_196, %mul3A_197 : vector<16xf32>
        %add3A_199 = arith.constant 32 : i32
        %add3A_200 = arith.addi %add3A_199, %scan3A_178 : i32
        %get3A_201 = arith.constant 1 : i32
        %get3A_202 = arith.index_cast %get3A_201 : i32 to index
        %get3A_203 = arith.index_cast %add3A_200 : i32 to index
        %get3A_204 = arith.constant 0 : index
        %get3A_205 = tpu.vector_load %arg10[%get3A_202, %get3A_203, %get3A_204] {strides = array<i32>} : memref<2x128x256xf32, #tpu.memory_space<vmem>>, vector<1x1x16xf32>,
        %get3A_206 = vector.shape_cast %get3A_205 : vector<1x1x16xf32> to vector<16xf32>
        %mul3A_207 = vector.broadcast %squeeze3A_186 : f32 to vector<16xf32>
        %mul3A_208 = arith.mulf %get3A_206, %mul3A_207 : vector<16xf32>
        %add3A_209 = arith.addf %mul3A_198, %mul3A_208 : vector<16xf32>
        %add3A_210 = arith.constant 64 : i32
        %add3A_211 = arith.addi %add3A_210, %scan3A_178 : i32
        %get3A_212 = arith.constant 1 : i32
        %get3A_213 = arith.index_cast %get3A_212 : i32 to index
        %get3A_214 = arith.index_cast %add3A_211 : i32 to index
        %get3A_215 = arith.constant 0 : index
        %get3A_216 = tpu.vector_load %arg10[%get3A_213, %get3A_214, %get3A_215] {strides = array<i32>} : memref<2x128x256xf32, #tpu.memory_space<vmem>>, vector<1x1x16xf32>,
        %get3A_217 = vector.shape_cast %get3A_216 : vector<1x1x16xf32> to vector<16xf32>
        %mul3A_218 = vector.broadcast %squeeze3A_188 : f32 to vector<16xf32>
        %mul3A_219 = arith.mulf %get3A_217, %mul3A_218 : vector<16xf32>
        %add3A_220 = arith.addf %add3A_209, %mul3A_219 : vector<16xf32>
        %add3A_221 = arith.constant 96 : i32
        %add3A_222 = arith.addi %add3A_221, %scan3A_178 : i32
        %get3A_223 = arith.constant 1 : i32
        %get3A_224 = arith.index_cast %get3A_223 : i32 to index
        %get3A_225 = arith.index_cast %add3A_222 : i32 to index
        %get3A_226 = arith.constant 0 : index
        %get3A_227 = tpu.vector_load %arg10[%get3A_224, %get3A_225, %get3A_226] {strides = array<i32>} : memref<2x128x256xf32, #tpu.memory_space<vmem>>, vector<1x1x16xf32>,
        %get3A_228 = vector.shape_cast %get3A_227 : vector<1x1x16xf32> to vector<16xf32>
        %mul3A_229 = vector.broadcast %squeeze3A_190 : f32 to vector<16xf32>
        %mul3A_230 = arith.mulf %get3A_228, %mul3A_229 : vector<16xf32>
        %add3A_231 = arith.addf %add3A_220, %mul3A_230 : vector<16xf32>
        %swap3A = arith.constant 1 : i32
        %swap3A_232 = arith.index_cast %swap3A : i32 to index
        %swap3A_233 = arith.index_cast %scan3A_178 : i32 to index
        %swap3A_234 = arith.constant 0 : index
        %swap3A_235 = tpu.vector_load %arg11[%swap3A_232, %swap3A_233, %swap3A_234] {strides = array<i32>} : memref<2x32x256xf32, #tpu.memory_space<vmem>>, vector<1x1x16xf32>,
        %swap3A_236 = vector.shape_cast %swap3A_235 : vector<1x1x16xf32> to vector<16xf32>
        %swap3A_237 = vector.shape_cast %add3A_231 : vector<16xf32> to vector<1x1x16xf32>
        tpu.vector_store %arg11[%swap3A_232, %swap3A_233, %swap3A_234], %swap3A_237 {strides = array<i32>} : memref<2x32x256xf32, #tpu.memory_space<vmem>>, vector<1x1x16xf32>,
        %get3A_238 = arith.constant 1 : i32
        %get3A_239 = arith.index_cast %get3A_238 : i32 to index
        %get3A_240 = arith.index_cast %scan3A_178 : i32 to index
        %get3A_241 = arith.constant 16 : index
        %get3A_242 = tpu.vector_load %arg10[%get3A_239, %get3A_240, %get3A_241] {strides = array<i32>} : memref<2x128x256xf32, #tpu.memory_space<vmem>>, vector<1x1x16xf32>,
        %get3A_243 = vector.shape_cast %get3A_242 : vector<1x1x16xf32> to vector<16xf32>
        %mul3A_244 = vector.broadcast %squeeze3A : f32 to vector<16xf32>
        %mul3A_245 = arith.mulf %get3A_243, %mul3A_244 : vector<16xf32>
        %add3A_246 = arith.constant 32 : i32
        %add3A_247 = arith.addi %add3A_246, %scan3A_178 : i32
        %get3A_248 = arith.constant 1 : i32
        %get3A_249 = arith.index_cast %get3A_248 : i32 to index
        %get3A_250 = arith.index_cast %add3A_247 : i32 to index
        %get3A_251 = arith.constant 16 : index
        %get3A_252 = tpu.vector_load %arg10[%get3A_249, %get3A_250, %get3A_251] {strides = array<i32>} : memref<2x128x256xf32, #tpu.memory_space<vmem>>, vector<1x1x16xf32>,
        %get3A_253 = vector.shape_cast %get3A_252 : vector<1x1x16xf32> to vector<16xf32>
        %mul3A_254 = vector.broadcast %squeeze3A_186 : f32 to vector<16xf32>
        %mul3A_255 = arith.mulf %get3A_253, %mul3A_254 : vector<16xf32>
        %add3A_256 = arith.addf %mul3A_245, %mul3A_255 : vector<16xf32>
        %add3A_257 = arith.constant 64 : i32
        %add3A_258 = arith.addi %add3A_257, %scan3A_178 : i32
        %get3A_259 = arith.constant 1 : i32
        %get3A_260 = arith.index_cast %get3A_259 : i32 to index
        %get3A_261 = arith.index_cast %add3A_258 : i32 to index
        %get3A_262 = arith.constant 16 : index
        %get3A_263 = tpu.vector_load %arg10[%get3A_260, %get3A_261, %get3A_262] {strides = array<i32>} : memref<2x128x256xf32, #tpu.memory_space<vmem>>, vector<1x1x16xf32>,
        %get3A_264 = vector.shape_cast %get3A_263 : vector<1x1x16xf32> to vector<16xf32>
        %mul3A_265 = vector.broadcast %squeeze3A_188 : f32 to vector<16xf32>
        %mul3A_266 = arith.mulf %get3A_264, %mul3A_265 : vector<16xf32>
        %add3A_267 = arith.addf %add3A_256, %mul3A_266 : vector<16xf32>
        %add3A_268 = arith.constant 96 : i32
        %add3A_269 = arith.addi %add3A_268, %scan3A_178 : i32
        %get3A_270 = arith.constant 1 : i32
        %get3A_271 = arith.index_cast %get3A_270 : i32 to index
        %get3A_272 = arith.index_cast %add3A_269 : i32 to index
        %get3A_273 = arith.constant 16 : index
        %get3A_274 = tpu.vector_load %arg10[%get3A_271, %get3A_272, %get3A_273] {strides = array<i32>} : memref<2x128x256xf32, #tpu.memory_space<vmem>>, vector<1x1x16xf32>,
        %get3A_275 = vector.shape_cast %get3A_274 : vector<1x1x16xf32> to vector<16xf32>
        %mul3A_276 = vector.broadcast %squeeze3A_190 : f32 to vector<16xf32>
        %mul3A_277 = arith.mulf %get3A_275, %mul3A_276 : vector<16xf32>
        %add3A_278 = arith.addf %add3A_267, %mul3A_277 : vector<16xf32>
        %swap3A_279 = arith.constant 1 : i32
        %swap3A_280 = arith.index_cast %swap3A_279 : i32 to index
        %swap3A_281 = arith.index_cast %scan3A_178 : i32 to index
        %swap3A_282 = arith.constant 16 : index
        %swap3A_283 = tpu.vector_load %arg11[%swap3A_280, %swap3A_281, %swap3A_282] {strides = array<i32>} : memref<2x32x256xf32, #tpu.memory_space<vmem>>, vector<1x1x16xf32>,
        %swap3A_284 = vector.shape_cast %swap3A_283 : vector<1x1x16xf32> to vector<16xf32>
        %swap3A_285 = vector.shape_cast %add3A_278 : vector<16xf32> to vector<1x1x16xf32>
        tpu.vector_store %arg11[%swap3A_280, %swap3A_281, %swap3A_282], %swap3A_285 {strides = array<i32>} : memref<2x32x256xf32, #tpu.memory_space<vmem>>, vector<1x1x16xf32>,
        %get3A_286 = arith.constant 1 : i32
        %get3A_287 = arith.index_cast %get3A_286 : i32 to index
        %get3A_288 = arith.index_cast %scan3A_178 : i32 to index
        %get3A_289 = arith.constant 32 : index
        %get3A_290 = tpu.vector_load %arg10[%get3A_287, %get3A_288, %get3A_289] {strides = array<i32>} : memref<2x128x256xf32, #tpu.memory_space<vmem>>, vector<1x1x16xf32>,
        %get3A_291 = vector.shape_cast %get3A_290 : vector<1x1x16xf32> to vector<16xf32>
        %mul3A_292 = vector.broadcast %squeeze3A : f32 to vector<16xf32>
        %mul3A_293 = arith.mulf %get3A_291, %mul3A_292 : vector<16xf32>
        %add3A_294 = arith.constant 32 : i32
        %add3A_295 = arith.addi %add3A_294, %scan3A_178 : i32
        %get3A_296 = arith.constant 1 : i32
        %get3A_297 = arith.index_cast %get3A_296 : i32 to index
        %get3A_298 = arith.index_cast %add3A_295 : i32 to index
        %get3A_299 = arith.constant 32 : index
        %get3A_300 = tpu.vector_load %arg10[%get3A_297, %get3A_298, %get3A_299] {strides = array<i32>} : memref<2x128x256xf32, #tpu.memory_space<vmem>>, vector<1x1x16xf32>,
        %get3A_301 = vector.shape_cast %get3A_300 : vector<1x1x16xf32> to vector<16xf32>
        %mul3A_302 = vector.broadcast %squeeze3A_186 : f32 to vector<16xf32>
        %mul3A_303 = arith.mulf %get3A_301, %mul3A_302 : vector<16xf32>
        %add3A_304 = arith.addf %mul3A_293, %mul3A_303 : vector<16xf32>
        %add3A_305 = arith.constant 64 : i32
        %add3A_306 = arith.addi %add3A_305, %scan3A_178 : i32
        %get3A_307 = arith.constant 1 : i32
        %get3A_308 = arith.index_cast %get3A_307 : i32 to index
        %get3A_309 = arith.index_cast %add3A_306 : i32 to index
        %get3A_310 = arith.constant 32 : index
        %get3A_311 = tpu.vector_load %arg10[%get3A_308, %get3A_309, %get3A_310] {strides = array<i32>} : memref<2x128x256xf32, #tpu.memory_space<vmem>>, vector<1x1x16xf32>,
        %get3A_312 = vector.shape_cast %get3A_311 : vector<1x1x16xf32> to vector<16xf32>
        %mul3A_313 = vector.broadcast %squeeze3A_188 : f32 to vector<16xf32>
        %mul3A_314 = arith.mulf %get3A_312, %mul3A_313 : vector<16xf32>
        %add3A_315 = arith.addf %add3A_304, %mul3A_314 : vector<16xf32>
        %add3A_316 = arith.constant 96 : i32
        %add3A_317 = arith.addi %add3A_316, %scan3A_178 : i32
        %get3A_318 = arith.constant 1 : i32
        %get3A_319 = arith.index_cast %get3A_318 : i32 to index
        %get3A_320 = arith.index_cast %add3A_317 : i32 to index
        %get3A_321 = arith.constant 32 : index
        %get3A_322 = tpu.vector_load %arg10[%get3A_319, %get3A_320, %get3A_321] {strides = array<i32>} : memref<2x128x256xf32, #tpu.memory_space<vmem>>, vector<1x1x16xf32>,
        %get3A_323 = vector.shape_cast %get3A_322 : vector<1x1x16xf32> to vector<16xf32>
        %mul3A_324 = vector.broadcast %squeeze3A_190 : f32 to vector<16xf32>
        %mul3A_325 = arith.mulf %get3A_323, %mul3A_324 : vector<16xf32>
        %add3A_326 = arith.addf %add3A_315, %mul3A_325 : vector<16xf32>
        %swap3A_327 = arith.constant 1 : i32
        %swap3A_328 = arith.index_cast %swap3A_327 : i32 to index
        %swap3A_329 = arith.index_cast %scan3A_178 : i32 to index
        %swap3A_330 = arith.constant 32 : index
        %swap3A_331 = tpu.vector_load %arg11[%swap3A_328, %swap3A_329, %swap3A_330] {strides = array<i32>} : memref<2x32x256xf32, #tpu.memory_space<vmem>>, vector<1x1x16xf32>,
        %swap3A_332 = vector.shape_cast %swap3A_331 : vector<1x1x16xf32> to vector<16xf32>
        %swap3A_333 = vector.shape_cast %add3A_326 : vector<16xf32> to vector<1x1x16xf32>
        tpu.vector_store %arg11[%swap3A_328, %swap3A_329, %swap3A_330], %swap3A_333 {strides = array<i32>} : memref<2x32x256xf32, #tpu.memory_space<vmem>>, vector<1x1x16xf32>,
        %get3A_334 = arith.constant 1 : i32
        %get3A_335 = arith.index_cast %get3A_334 : i32 to index
        %get3A_336 = arith.index_cast %scan3A_178 : i32 to index
        %get3A_337 = arith.constant 48 : index
        %get3A_338 = tpu.vector_load %arg10[%get3A_335, %get3A_336, %get3A_337] {strides = array<i32>} : memref<2x128x256xf32, #tpu.memory_space<vmem>>, vector<1x1x16xf32>,
        %get3A_339 = vector.shape_cast %get3A_338 : vector<1x1x16xf32> to vector<16xf32>
        %mul3A_340 = vector.broadcast %squeeze3A : f32 to vector<16xf32>
        %mul3A_341 = arith.mulf %get3A_339, %mul3A_340 : vector<16xf32>
        %add3A_342 = arith.constant 32 : i32
        %add3A_343 = arith.addi %add3A_342, %scan3A_178 : i32
        %get3A_344 = arith.constant 1 : i32
        %get3A_345 = arith.index_cast %get3A_344 : i32 to index
        %get3A_346 = arith.index_cast %add3A_343 : i32 to index
        %get3A_347 = arith.constant 48 : index
        %get3A_348 = tpu.vector_load %arg10[%get3A_345, %get3A_346, %get3A_347] {strides = array<i32>} : memref<2x128x256xf32, #tpu.memory_space<vmem>>, vector<1x1x16xf32>,
        %get3A_349 = vector.shape_cast %get3A_348 : vector<1x1x16xf32> to vector<16xf32>
        %mul3A_350 = vector.broadcast %squeeze3A_186 : f32 to vector<16xf32>
        %mul3A_351 = arith.mulf %get3A_349, %mul3A_350 : vector<16xf32>
        %add3A_352 = arith.addf %mul3A_341, %mul3A_351 : vector<16xf32>
        %add3A_353 = arith.constant 64 : i32
        %add3A_354 = arith.addi %add3A_353, %scan3A_178 : i32
        %get3A_355 = arith.constant 1 : i32
        %get3A_356 = arith.index_cast %get3A_355 : i32 to index
        %get3A_357 = arith.index_cast %add3A_354 : i32 to index
        %get3A_358 = arith.constant 48 : index
        %get3A_359 = tpu.vector_load %arg10[%get3A_356, %get3A_357, %get3A_358] {strides = array<i32>} : memref<2x128x256xf32, #tpu.memory_space<vmem>>, vector<1x1x16xf32>,
        %get3A_360 = vector.shape_cast %get3A_359 : vector<1x1x16xf32> to vector<16xf32>
        %mul3A_361 = vector.broadcast %squeeze3A_188 : f32 to vector<16xf32>
        %mul3A_362 = arith.mulf %get3A_360, %mul3A_361 : vector<16xf32>
        %add3A_363 = arith.addf %add3A_352, %mul3A_362 : vector<16xf32>
        %add3A_364 = arith.constant 96 : i32
        %add3A_365 = arith.addi %add3A_364, %scan3A_178 : i32
        %get3A_366 = arith.constant 1 : i32
        %get3A_367 = arith.index_cast %get3A_366 : i32 to index
        %get3A_368 = arith.index_cast %add3A_365 : i32 to index
        %get3A_369 = arith.constant 48 : index
        %get3A_370 = tpu.vector_load %arg10[%get3A_367, %get3A_368, %get3A_369] {strides = array<i32>} : memref<2x128x256xf32, #tpu.memory_space<vmem>>, vector<1x1x16xf32>,
        %get3A_371 = vector.shape_cast %get3A_370 : vector<1x1x16xf32> to vector<16xf32>
        %mul3A_372 = vector.broadcast %squeeze3A_190 : f32 to vector<16xf32>
        %mul3A_373 = arith.mulf %get3A_371, %mul3A_372 : vector<16xf32>
        %add3A_374 = arith.addf %add3A_363, %mul3A_373 : vector<16xf32>
        %swap3A_375 = arith.constant 1 : i32
        %swap3A_376 = arith.index_cast %swap3A_375 : i32 to index
        %swap3A_377 = arith.index_cast %scan3A_178 : i32 to index
        %swap3A_378 = arith.constant 48 : index
        %swap3A_379 = tpu.vector_load %arg11[%swap3A_376, %swap3A_377, %swap3A_378] {strides = array<i32>} : memref<2x32x256xf32, #tpu.memory_space<vmem>>, vector<1x1x16xf32>,
        %swap3A_380 = vector.shape_cast %swap3A_379 : vector<1x1x16xf32> to vector<16xf32>
        %swap3A_381 = vector.shape_cast %add3A_374 : vector<16xf32> to vector<1x1x16xf32>
        tpu.vector_store %arg11[%swap3A_376, %swap3A_377, %swap3A_378], %swap3A_381 {strides = array<i32>} : memref<2x32x256xf32, #tpu.memory_space<vmem>>, vector<1x1x16xf32>,
        %get3A_382 = arith.constant 1 : i32
        %get3A_383 = arith.index_cast %get3A_382 : i32 to index
        %get3A_384 = arith.index_cast %scan3A_178 : i32 to index
        %get3A_385 = arith.constant 64 : index
        %get3A_386 = tpu.vector_load %arg10[%get3A_383, %get3A_384, %get3A_385] {strides = array<i32>} : memref<2x128x256xf32, #tpu.memory_space<vmem>>, vector<1x1x16xf32>,
        %get3A_387 = vector.shape_cast %get3A_386 : vector<1x1x16xf32> to vector<16xf32>
        %mul3A_388 = vector.broadcast %squeeze3A : f32 to vector<16xf32>
        %mul3A_389 = arith.mulf %get3A_387, %mul3A_388 : vector<16xf32>
        %add3A_390 = arith.constant 32 : i32
        %add3A_391 = arith.addi %add3A_390, %scan3A_178 : i32
        %get3A_392 = arith.constant 1 : i32
        %get3A_393 = arith.index_cast %get3A_392 : i32 to index
        %get3A_394 = arith.index_cast %add3A_391 : i32 to index
        %get3A_395 = arith.constant 64 : index
        %get3A_396 = tpu.vector_load %arg10[%get3A_393, %get3A_394, %get3A_395] {strides = array<i32>} : memref<2x128x256xf32, #tpu.memory_space<vmem>>, vector<1x1x16xf32>,
        %get3A_397 = vector.shape_cast %get3A_396 : vector<1x1x16xf32> to vector<16xf32>
        %mul3A_398 = vector.broadcast %squeeze3A_186 : f32 to vector<16xf32>
        %mul3A_399 = arith.mulf %get3A_397, %mul3A_398 : vector<16xf32>
        %add3A_400 = arith.addf %mul3A_389, %mul3A_399 : vector<16xf32>
        %add3A_401 = arith.constant 64 : i32
        %add3A_402 = arith.addi %add3A_401, %scan3A_178 : i32
        %get3A_403 = arith.constant 1 : i32
        %get3A_404 = arith.index_cast %get3A_403 : i32 to index
        %get3A_405 = arith.index_cast %add3A_402 : i32 to index
        %get3A_406 = arith.constant 64 : index
        %get3A_407 = tpu.vector_load %arg10[%get3A_404, %get3A_405, %get3A_406] {strides = array<i32>} : memref<2x128x256xf32, #tpu.memory_space<vmem>>, vector<1x1x16xf32>,
        %get3A_408 = vector.shape_cast %get3A_407 : vector<1x1x16xf32> to vector<16xf32>
        %mul3A_409 = vector.broadcast %squeeze3A_188 : f32 to vector<16xf32>
        %mul3A_410 = arith.mulf %get3A_408, %mul3A_409 : vector<16xf32>
        %add3A_411 = arith.addf %add3A_400, %mul3A_410 : vector<16xf32>
        %add3A_412 = arith.constant 96 : i32
        %add3A_413 = arith.addi %add3A_412, %scan3A_178 : i32
        %get3A_414 = arith.constant 1 : i32
        %get3A_415 = arith.index_cast %get3A_414 : i32 to index
        %get3A_416 = arith.index_cast %add3A_413 : i32 to index
        %get3A_417 = arith.constant 64 : index
        %get3A_418 = tpu.vector_load %arg10[%get3A_415, %get3A_416, %get3A_417] {strides = array<i32>} : memref<2x128x256xf32, #tpu.memory_space<vmem>>, vector<1x1x16xf32>,
        %get3A_419 = vector.shape_cast %get3A_418 : vector<1x1x16xf32> to vector<16xf32>
        %mul3A_420 = vector.broadcast %squeeze3A_190 : f32 to vector<16xf32>
        %mul3A_421 = arith.mulf %get3A_419, %mul3A_420 : vector<16xf32>
        %add3A_422 = arith.addf %add3A_411, %mul3A_421 : vector<16xf32>
        %swap3A_423 = arith.constant 1 : i32
        %swap3A_424 = arith.index_cast %swap3A_423 : i32 to index
        %swap3A_425 = arith.index_cast %scan3A_178 : i32 to index
        %swap3A_426 = arith.constant 64 : index
        %swap3A_427 = tpu.vector_load %arg11[%swap3A_424, %swap3A_425, %swap3A_426] {strides = array<i32>} : memref<2x32x256xf32, #tpu.memory_space<vmem>>, vector<1x1x16xf32>,
        %swap3A_428 = vector.shape_cast %swap3A_427 : vector<1x1x16xf32> to vector<16xf32>
        %swap3A_429 = vector.shape_cast %add3A_422 : vector<16xf32> to vector<1x1x16xf32>
        tpu.vector_store %arg11[%swap3A_424, %swap3A_425, %swap3A_426], %swap3A_429 {strides = array<i32>} : memref<2x32x256xf32, #tpu.memory_space<vmem>>, vector<1x1x16xf32>,
        %get3A_430 = arith.constant 1 : i32
        %get3A_431 = arith.index_cast %get3A_430 : i32 to index
        %get3A_432 = arith.index_cast %scan3A_178 : i32 to index
        %get3A_433 = arith.constant 80 : index
        %get3A_434 = tpu.vector_load %arg10[%get3A_431, %get3A_432, %get3A_433] {strides = array<i32>} : memref<2x128x256xf32, #tpu.memory_space<vmem>>, vector<1x1x16xf32>,
        %get3A_435 = vector.shape_cast %get3A_434 : vector<1x1x16xf32> to vector<16xf32>
        %mul3A_436 = vector.broadcast %squeeze3A : f32 to vector<16xf32>
        %mul3A_437 = arith.mulf %get3A_435, %mul3A_436 : vector<16xf32>
        %add3A_438 = arith.constant 32 : i32
        %add3A_439 = arith.addi %add3A_438, %scan3A_178 : i32
        %get3A_440 = arith.constant 1 : i32
        %get3A_441 = arith.index_cast %get3A_440 : i32 to index
        %get3A_442 = arith.index_cast %add3A_439 : i32 to index
        %get3A_443 = arith.constant 80 : index
        %get3A_444 = tpu.vector_load %arg10[%get3A_441, %get3A_442, %get3A_443] {strides = array<i32>} : memref<2x128x256xf32, #tpu.memory_space<vmem>>, vector<1x1x16xf32>,
        %get3A_445 = vector.shape_cast %get3A_444 : vector<1x1x16xf32> to vector<16xf32>
        %mul3A_446 = vector.broadcast %squeeze3A_186 : f32 to vector<16xf32>
        %mul3A_447 = arith.mulf %get3A_445, %mul3A_446 : vector<16xf32>
        %add3A_448 = arith.addf %mul3A_437, %mul3A_447 : vector<16xf32>
        %add3A_449 = arith.constant 64 : i32
        %add3A_450 = arith.addi %add3A_449, %scan3A_178 : i32
        %get3A_451 = arith.constant 1 : i32
        %get3A_452 = arith.index_cast %get3A_451 : i32 to index
        %get3A_453 = arith.index_cast %add3A_450 : i32 to index
        %get3A_454 = arith.constant 80 : index
        %get3A_455 = tpu.vector_load %arg10[%get3A_452, %get3A_453, %get3A_454] {strides = array<i32>} : memref<2x128x256xf32, #tpu.memory_space<vmem>>, vector<1x1x16xf32>,
        %get3A_456 = vector.shape_cast %get3A_455 : vector<1x1x16xf32> to vector<16xf32>
        %mul3A_457 = vector.broadcast %squeeze3A_188 : f32 to vector<16xf32>
        %mul3A_458 = arith.mulf %get3A_456, %mul3A_457 : vector<16xf32>
        %add3A_459 = arith.addf %add3A_448, %mul3A_458 : vector<16xf32>
        %add3A_460 = arith.constant 96 : i32
        %add3A_461 = arith.addi %add3A_460, %scan3A_178 : i32
        %get3A_462 = arith.constant 1 : i32
        %get3A_463 = arith.index_cast %get3A_462 : i32 to index
        %get3A_464 = arith.index_cast %add3A_461 : i32 to index
        %get3A_465 = arith.constant 80 : index
        %get3A_466 = tpu.vector_load %arg10[%get3A_463, %get3A_464, %get3A_465] {strides = array<i32>} : memref<2x128x256xf32, #tpu.memory_space<vmem>>, vector<1x1x16xf32>,
        %get3A_467 = vector.shape_cast %get3A_466 : vector<1x1x16xf32> to vector<16xf32>
        %mul3A_468 = vector.broadcast %squeeze3A_190 : f32 to vector<16xf32>
        %mul3A_469 = arith.mulf %get3A_467, %mul3A_468 : vector<16xf32>
        %add3A_470 = arith.addf %add3A_459, %mul3A_469 : vector<16xf32>
        %swap3A_471 = arith.constant 1 : i32
        %swap3A_472 = arith.index_cast %swap3A_471 : i32 to index
        %swap3A_473 = arith.index_cast %scan3A_178 : i32 to index
        %swap3A_474 = arith.constant 80 : index
        %swap3A_475 = tpu.vector_load %arg11[%swap3A_472, %swap3A_473, %swap3A_474] {strides = array<i32>} : memref<2x32x256xf32, #tpu.memory_space<vmem>>, vector<1x1x16xf32>,
        %swap3A_476 = vector.shape_cast %swap3A_475 : vector<1x1x16xf32> to vector<16xf32>
        %swap3A_477 = vector.shape_cast %add3A_470 : vector<16xf32> to vector<1x1x16xf32>
        tpu.vector_store %arg11[%swap3A_472, %swap3A_473, %swap3A_474], %swap3A_477 {strides = array<i32>} : memref<2x32x256xf32, #tpu.memory_space<vmem>>, vector<1x1x16xf32>,
        %get3A_478 = arith.constant 1 : i32
        %get3A_479 = arith.index_cast %get3A_478 : i32 to index
        %get3A_480 = arith.index_cast %scan3A_178 : i32 to index
        %get3A_481 = arith.constant 96 : index
        %get3A_482 = tpu.vector_load %arg10[%get3A_479, %get3A_480, %get3A_481] {strides = array<i32>} : memref<2x128x256xf32, #tpu.memory_space<vmem>>, vector<1x1x16xf32>,
        %get3A_483 = vector.shape_cast %get3A_482 : vector<1x1x16xf32> to vector<16xf32>
        %mul3A_484 = vector.broadcast %squeeze3A : f32 to vector<16xf32>
        %mul3A_485 = arith.mulf %get3A_483, %mul3A_484 : vector<16xf32>
        %add3A_486 = arith.constant 32 : i32
        %add3A_487 = arith.addi %add3A_486, %scan3A_178 : i32
        %get3A_488 = arith.constant 1 : i32
        %get3A_489 = arith.index_cast %get3A_488 : i32 to index
        %get3A_490 = arith.index_cast %add3A_487 : i32 to index
        %get3A_491 = arith.constant 96 : index
        %get3A_492 = tpu.vector_load %arg10[%get3A_489, %get3A_490, %get3A_491] {strides = array<i32>} : memref<2x128x256xf32, #tpu.memory_space<vmem>>, vector<1x1x16xf32>,
        %get3A_493 = vector.shape_cast %get3A_492 : vector<1x1x16xf32> to vector<16xf32>
        %mul3A_494 = vector.broadcast %squeeze3A_186 : f32 to vector<16xf32>
        %mul3A_495 = arith.mulf %get3A_493, %mul3A_494 : vector<16xf32>
        %add3A_496 = arith.addf %mul3A_485, %mul3A_495 : vector<16xf32>
        %add3A_497 = arith.constant 64 : i32
        %add3A_498 = arith.addi %add3A_497, %scan3A_178 : i32
        %get3A_499 = arith.constant 1 : i32
        %get3A_500 = arith.index_cast %get3A_499 : i32 to index
        %get3A_501 = arith.index_cast %add3A_498 : i32 to index
        %get3A_502 = arith.constant 96 : index
        %get3A_503 = tpu.vector_load %arg10[%get3A_500, %get3A_501, %get3A_502] {strides = array<i32>} : memref<2x128x256xf32, #tpu.memory_space<vmem>>, vector<1x1x16xf32>,
        %get3A_504 = vector.shape_cast %get3A_503 : vector<1x1x16xf32> to vector<16xf32>
        %mul3A_505 = vector.broadcast %squeeze3A_188 : f32 to vector<16xf32>
        %mul3A_506 = arith.mulf %get3A_504, %mul3A_505 : vector<16xf32>
        %add3A_507 = arith.addf %add3A_496, %mul3A_506 : vector<16xf32>
        %add3A_508 = arith.constant 96 : i32
        %add3A_509 = arith.addi %add3A_508, %scan3A_178 : i32
        %get3A_510 = arith.constant 1 : i32
        %get3A_511 = arith.index_cast %get3A_510 : i32 to index
        %get3A_512 = arith.index_cast %add3A_509 : i32 to index
        %get3A_513 = arith.constant 96 : index
        %get3A_514 = tpu.vector_load %arg10[%get3A_511, %get3A_512, %get3A_513] {strides = array<i32>} : memref<2x128x256xf32, #tpu.memory_space<vmem>>, vector<1x1x16xf32>,
        %get3A_515 = vector.shape_cast %get3A_514 : vector<1x1x16xf32> to vector<16xf32>
        %mul3A_516 = vector.broadcast %squeeze3A_190 : f32 to vector<16xf32>
        %mul3A_517 = arith.mulf %get3A_515, %mul3A_516 : vector<16xf32>
        %add3A_518 = arith.addf %add3A_507, %mul3A_517 : vector<16xf32>
        %swap3A_519 = arith.constant 1 : i32
        %swap3A_520 = arith.index_cast %swap3A_519 : i32 to index
        %swap3A_521 = arith.index_cast %scan3A_178 : i32 to index
        %swap3A_522 = arith.constant 96 : index
        %swap3A_523 = tpu.vector_load %arg11[%swap3A_520, %swap3A_521, %swap3A_522] {strides = array<i32>} : memref<2x32x256xf32, #tpu.memory_space<vmem>>, vector<1x1x16xf32>,
        %swap3A_524 = vector.shape_cast %swap3A_523 : vector<1x1x16xf32> to vector<16xf32>
        %swap3A_525 = vector.shape_cast %add3A_518 : vector<16xf32> to vector<1x1x16xf32>
        tpu.vector_store %arg11[%swap3A_520, %swap3A_521, %swap3A_522], %swap3A_525 {strides = array<i32>} : memref<2x32x256xf32, #tpu.memory_space<vmem>>, vector<1x1x16xf32>,
        %get3A_526 = arith.constant 1 : i32
        %get3A_527 = arith.index_cast %get3A_526 : i32 to index
        %get3A_528 = arith.index_cast %scan3A_178 : i32 to index
        %get3A_529 = arith.constant 112 : index
        %get3A_530 = tpu.vector_load %arg10[%get3A_527, %get3A_528, %get3A_529] {strides = array<i32>} : memref<2x128x256xf32, #tpu.memory_space<vmem>>, vector<1x1x16xf32>,
        %get3A_531 = vector.shape_cast %get3A_530 : vector<1x1x16xf32> to vector<16xf32>
        %mul3A_532 = vector.broadcast %squeeze3A : f32 to vector<16xf32>
        %mul3A_533 = arith.mulf %get3A_531, %mul3A_532 : vector<16xf32>
        %add3A_534 = arith.constant 32 : i32
        %add3A_535 = arith.addi %add3A_534, %scan3A_178 : i32
        %get3A_536 = arith.constant 1 : i32
        %get3A_537 = arith.index_cast %get3A_536 : i32 to index
        %get3A_538 = arith.index_cast %add3A_535 : i32 to index
        %get3A_539 = arith.constant 112 : index
        %get3A_540 = tpu.vector_load %arg10[%get3A_537, %get3A_538, %get3A_539] {strides = array<i32>} : memref<2x128x256xf32, #tpu.memory_space<vmem>>, vector<1x1x16xf32>,
        %get3A_541 = vector.shape_cast %get3A_540 : vector<1x1x16xf32> to vector<16xf32>
        %mul3A_542 = vector.broadcast %squeeze3A_186 : f32 to vector<16xf32>
        %mul3A_543 = arith.mulf %get3A_541, %mul3A_542 : vector<16xf32>
        %add3A_544 = arith.addf %mul3A_533, %mul3A_543 : vector<16xf32>
        %add3A_545 = arith.constant 64 : i32
        %add3A_546 = arith.addi %add3A_545, %scan3A_178 : i32
        %get3A_547 = arith.constant 1 : i32
        %get3A_548 = arith.index_cast %get3A_547 : i32 to index
        %get3A_549 = arith.index_cast %add3A_546 : i32 to index
        %get3A_550 = arith.constant 112 : index
        %get3A_551 = tpu.vector_load %arg10[%get3A_548, %get3A_549, %get3A_550] {strides = array<i32>} : memref<2x128x256xf32, #tpu.memory_space<vmem>>, vector<1x1x16xf32>,
        %get3A_552 = vector.shape_cast %get3A_551 : vector<1x1x16xf32> to vector<16xf32>
        %mul3A_553 = vector.broadcast %squeeze3A_188 : f32 to vector<16xf32>
        %mul3A_554 = arith.mulf %get3A_552, %mul3A_553 : vector<16xf32>
        %add3A_555 = arith.addf %add3A_544, %mul3A_554 : vector<16xf32>
        %add3A_556 = arith.constant 96 : i32
        %add3A_557 = arith.addi %add3A_556, %scan3A_178 : i32
        %get3A_558 = arith.constant 1 : i32
        %get3A_559 = arith.index_cast %get3A_558 : i32 to index
        %get3A_560 = arith.index_cast %add3A_557 : i32 to index
        %get3A_561 = arith.constant 112 : index
        %get3A_562 = tpu.vector_load %arg10[%get3A_559, %get3A_560, %get3A_561] {strides = array<i32>} : memref<2x128x256xf32, #tpu.memory_space<vmem>>, vector<1x1x16xf32>,
        %get3A_563 = vector.shape_cast %get3A_562 : vector<1x1x16xf32> to vector<16xf32>
        %mul3A_564 = vector.broadcast %squeeze3A_190 : f32 to vector<16xf32>
        %mul3A_565 = arith.mulf %get3A_563, %mul3A_564 : vector<16xf32>
        %add3A_566 = arith.addf %add3A_555, %mul3A_565 : vector<16xf32>
        %swap3A_567 = arith.constant 1 : i32
        %swap3A_568 = arith.index_cast %swap3A_567 : i32 to index
        %swap3A_569 = arith.index_cast %scan3A_178 : i32 to index
        %swap3A_570 = arith.constant 112 : index
        %swap3A_571 = tpu.vector_load %arg11[%swap3A_568, %swap3A_569, %swap3A_570] {strides = array<i32>} : memref<2x32x256xf32, #tpu.memory_space<vmem>>, vector<1x1x16xf32>,
        %swap3A_572 = vector.shape_cast %swap3A_571 : vector<1x1x16xf32> to vector<16xf32>
        %swap3A_573 = vector.shape_cast %add3A_566 : vector<16xf32> to vector<1x1x16xf32>
        tpu.vector_store %arg11[%swap3A_568, %swap3A_569, %swap3A_570], %swap3A_573 {strides = array<i32>} : memref<2x32x256xf32, #tpu.memory_space<vmem>>, vector<1x1x16xf32>,
        %get3A_574 = arith.constant 1 : i32
        %get3A_575 = arith.index_cast %get3A_574 : i32 to index
        %get3A_576 = arith.index_cast %scan3A_178 : i32 to index
        %get3A_577 = arith.constant 128 : index
        %get3A_578 = tpu.vector_load %arg10[%get3A_575, %get3A_576, %get3A_577] {strides = array<i32>} : memref<2x128x256xf32, #tpu.memory_space<vmem>>, vector<1x1x16xf32>,
        %get3A_579 = vector.shape_cast %get3A_578 : vector<1x1x16xf32> to vector<16xf32>
        %mul3A_580 = vector.broadcast %squeeze3A : f32 to vector<16xf32>
        %mul3A_581 = arith.mulf %get3A_579, %mul3A_580 : vector<16xf32>
        %add3A_582 = arith.constant 32 : i32
        %add3A_583 = arith.addi %add3A_582, %scan3A_178 : i32
        %get3A_584 = arith.constant 1 : i32
        %get3A_585 = arith.index_cast %get3A_584 : i32 to index
        %get3A_586 = arith.index_cast %add3A_583 : i32 to index
        %get3A_587 = arith.constant 128 : index
        %get3A_588 = tpu.vector_load %arg10[%get3A_585, %get3A_586, %get3A_587] {strides = array<i32>} : memref<2x128x256xf32, #tpu.memory_space<vmem>>, vector<1x1x16xf32>,
        %get3A_589 = vector.shape_cast %get3A_588 : vector<1x1x16xf32> to vector<16xf32>
        %mul3A_590 = vector.broadcast %squeeze3A_186 : f32 to vector<16xf32>
        %mul3A_591 = arith.mulf %get3A_589, %mul3A_590 : vector<16xf32>
        %add3A_592 = arith.addf %mul3A_581, %mul3A_591 : vector<16xf32>
        %add3A_593 = arith.constant 64 : i32
        %add3A_594 = arith.addi %add3A_593, %scan3A_178 : i32
        %get3A_595 = arith.constant 1 : i32
        %get3A_596 = arith.index_cast %get3A_595 : i32 to index
        %get3A_597 = arith.index_cast %add3A_594 : i32 to index
        %get3A_598 = arith.constant 128 : index
        %get3A_599 = tpu.vector_load %arg10[%get3A_596, %get3A_597, %get3A_598] {strides = array<i32>} : memref<2x128x256xf32, #tpu.memory_space<vmem>>, vector<1x1x16xf32>,
        %get3A_600 = vector.shape_cast %get3A_599 : vector<1x1x16xf32> to vector<16xf32>
        %mul3A_601 = vector.broadcast %squeeze3A_188 : f32 to vector<16xf32>
        %mul3A_602 = arith.mulf %get3A_600, %mul3A_601 : vector<16xf32>
        %add3A_603 = arith.addf %add3A_592, %mul3A_602 : vector<16xf32>
        %add3A_604 = arith.constant 96 : i32
        %add3A_605 = arith.addi %add3A_604, %scan3A_178 : i32
        %get3A_606 = arith.constant 1 : i32
        %get3A_607 = arith.index_cast %get3A_606 : i32 to index
        %get3A_608 = arith.index_cast %add3A_605 : i32 to index
        %get3A_609 = arith.constant 128 : index
        %get3A_610 = tpu.vector_load %arg10[%get3A_607, %get3A_608, %get3A_609] {strides = array<i32>} : memref<2x128x256xf32, #tpu.memory_space<vmem>>, vector<1x1x16xf32>,
        %get3A_611 = vector.shape_cast %get3A_610 : vector<1x1x16xf32> to vector<16xf32>
        %mul3A_612 = vector.broadcast %squeeze3A_190 : f32 to vector<16xf32>
        %mul3A_613 = arith.mulf %get3A_611, %mul3A_612 : vector<16xf32>
        %add3A_614 = arith.addf %add3A_603, %mul3A_613 : vector<16xf32>
        %swap3A_615 = arith.constant 1 : i32
        %swap3A_616 = arith.index_cast %swap3A_615 : i32 to index
        %swap3A_617 = arith.index_cast %scan3A_178 : i32 to index
        %swap3A_618 = arith.constant 128 : index
        %swap3A_619 = tpu.vector_load %arg11[%swap3A_616, %swap3A_617, %swap3A_618] {strides = array<i32>} : memref<2x32x256xf32, #tpu.memory_space<vmem>>, vector<1x1x16xf32>,
        %swap3A_620 = vector.shape_cast %swap3A_619 : vector<1x1x16xf32> to vector<16xf32>
        %swap3A_621 = vector.shape_cast %add3A_614 : vector<16xf32> to vector<1x1x16xf32>
        tpu.vector_store %arg11[%swap3A_616, %swap3A_617, %swap3A_618], %swap3A_621 {strides = array<i32>} : memref<2x32x256xf32, #tpu.memory_space<vmem>>, vector<1x1x16xf32>,
        %get3A_622 = arith.constant 1 : i32
        %get3A_623 = arith.index_cast %get3A_622 : i32 to index
        %get3A_624 = arith.index_cast %scan3A_178 : i32 to index
        %get3A_625 = arith.constant 144 : index
        %get3A_626 = tpu.vector_load %arg10[%get3A_623, %get3A_624, %get3A_625] {strides = array<i32>} : memref<2x128x256xf32, #tpu.memory_space<vmem>>, vector<1x1x16xf32>,
        %get3A_627 = vector.shape_cast %get3A_626 : vector<1x1x16xf32> to vector<16xf32>
        %mul3A_628 = vector.broadcast %squeeze3A : f32 to vector<16xf32>
        %mul3A_629 = arith.mulf %get3A_627, %mul3A_628 : vector<16xf32>
        %add3A_630 = arith.constant 32 : i32
        %add3A_631 = arith.addi %add3A_630, %scan3A_178 : i32
        %get3A_632 = arith.constant 1 : i32
        %get3A_633 = arith.index_cast %get3A_632 : i32 to index
        %get3A_634 = arith.index_cast %add3A_631 : i32 to index
        %get3A_635 = arith.constant 144 : index
        %get3A_636 = tpu.vector_load %arg10[%get3A_633, %get3A_634, %get3A_635] {strides = array<i32>} : memref<2x128x256xf32, #tpu.memory_space<vmem>>, vector<1x1x16xf32>,
        %get3A_637 = vector.shape_cast %get3A_636 : vector<1x1x16xf32> to vector<16xf32>
        %mul3A_638 = vector.broadcast %squeeze3A_186 : f32 to vector<16xf32>
        %mul3A_639 = arith.mulf %get3A_637, %mul3A_638 : vector<16xf32>
        %add3A_640 = arith.addf %mul3A_629, %mul3A_639 : vector<16xf32>
        %add3A_641 = arith.constant 64 : i32
        %add3A_642 = arith.addi %add3A_641, %scan3A_178 : i32
        %get3A_643 = arith.constant 1 : i32
        %get3A_644 = arith.index_cast %get3A_643 : i32 to index
        %get3A_645 = arith.index_cast %add3A_642 : i32 to index
        %get3A_646 = arith.constant 144 : index
        %get3A_647 = tpu.vector_load %arg10[%get3A_644, %get3A_645, %get3A_646] {strides = array<i32>} : memref<2x128x256xf32, #tpu.memory_space<vmem>>, vector<1x1x16xf32>,
        %get3A_648 = vector.shape_cast %get3A_647 : vector<1x1x16xf32> to vector<16xf32>
        %mul3A_649 = vector.broadcast %squeeze3A_188 : f32 to vector<16xf32>
        %mul3A_650 = arith.mulf %get3A_648, %mul3A_649 : vector<16xf32>
        %add3A_651 = arith.addf %add3A_640, %mul3A_650 : vector<16xf32>
        %add3A_652 = arith.constant 96 : i32
        %add3A_653 = arith.addi %add3A_652, %scan3A_178 : i32
        %get3A_654 = arith.constant 1 : i32
        %get3A_655 = arith.index_cast %get3A_654 : i32 to index
        %get3A_656 = arith.index_cast %add3A_653 : i32 to index
        %get3A_657 = arith.constant 144 : index
        %get3A_658 = tpu.vector_load %arg10[%get3A_655, %get3A_656, %get3A_657] {strides = array<i32>} : memref<2x128x256xf32, #tpu.memory_space<vmem>>, vector<1x1x16xf32>,
        %get3A_659 = vector.shape_cast %get3A_658 : vector<1x1x16xf32> to vector<16xf32>
        %mul3A_660 = vector.broadcast %squeeze3A_190 : f32 to vector<16xf32>
        %mul3A_661 = arith.mulf %get3A_659, %mul3A_660 : vector<16xf32>
        %add3A_662 = arith.addf %add3A_651, %mul3A_661 : vector<16xf32>
        %swap3A_663 = arith.constant 1 : i32
        %swap3A_664 = arith.index_cast %swap3A_663 : i32 to index
        %swap3A_665 = arith.index_cast %scan3A_178 : i32 to index
        %swap3A_666 = arith.constant 144 : index
        %swap3A_667 = tpu.vector_load %arg11[%swap3A_664, %swap3A_665, %swap3A_666] {strides = array<i32>} : memref<2x32x256xf32, #tpu.memory_space<vmem>>, vector<1x1x16xf32>,
        %swap3A_668 = vector.shape_cast %swap3A_667 : vector<1x1x16xf32> to vector<16xf32>
        %swap3A_669 = vector.shape_cast %add3A_662 : vector<16xf32> to vector<1x1x16xf32>
        tpu.vector_store %arg11[%swap3A_664, %swap3A_665, %swap3A_666], %swap3A_669 {strides = array<i32>} : memref<2x32x256xf32, #tpu.memory_space<vmem>>, vector<1x1x16xf32>,
        %get3A_670 = arith.constant 1 : i32
        %get3A_671 = arith.index_cast %get3A_670 : i32 to index
        %get3A_672 = arith.index_cast %scan3A_178 : i32 to index
        %get3A_673 = arith.constant 160 : index
        %get3A_674 = tpu.vector_load %arg10[%get3A_671, %get3A_672, %get3A_673] {strides = array<i32>} : memref<2x128x256xf32, #tpu.memory_space<vmem>>, vector<1x1x16xf32>,
        %get3A_675 = vector.shape_cast %get3A_674 : vector<1x1x16xf32> to vector<16xf32>
        %mul3A_676 = vector.broadcast %squeeze3A : f32 to vector<16xf32>
        %mul3A_677 = arith.mulf %get3A_675, %mul3A_676 : vector<16xf32>
        %add3A_678 = arith.constant 32 : i32
        %add3A_679 = arith.addi %add3A_678, %scan3A_178 : i32
        %get3A_680 = arith.constant 1 : i32
        %get3A_681 = arith.index_cast %get3A_680 : i32 to index
        %get3A_682 = arith.index_cast %add3A_679 : i32 to index
        %get3A_683 = arith.constant 160 : index
        %get3A_684 = tpu.vector_load %arg10[%get3A_681, %get3A_682, %get3A_683] {strides = array<i32>} : memref<2x128x256xf32, #tpu.memory_space<vmem>>, vector<1x1x16xf32>,
        %get3A_685 = vector.shape_cast %get3A_684 : vector<1x1x16xf32> to vector<16xf32>
        %mul3A_686 = vector.broadcast %squeeze3A_186 : f32 to vector<16xf32>
        %mul3A_687 = arith.mulf %get3A_685, %mul3A_686 : vector<16xf32>
        %add3A_688 = arith.addf %mul3A_677, %mul3A_687 : vector<16xf32>
        %add3A_689 = arith.constant 64 : i32
        %add3A_690 = arith.addi %add3A_689, %scan3A_178 : i32
        %get3A_691 = arith.constant 1 : i32
        %get3A_692 = arith.index_cast %get3A_691 : i32 to index
        %get3A_693 = arith.index_cast %add3A_690 : i32 to index
        %get3A_694 = arith.constant 160 : index
        %get3A_695 = tpu.vector_load %arg10[%get3A_692, %get3A_693, %get3A_694] {strides = array<i32>} : memref<2x128x256xf32, #tpu.memory_space<vmem>>, vector<1x1x16xf32>,
        %get3A_696 = vector.shape_cast %get3A_695 : vector<1x1x16xf32> to vector<16xf32>
        %mul3A_697 = vector.broadcast %squeeze3A_188 : f32 to vector<16xf32>
        %mul3A_698 = arith.mulf %get3A_696, %mul3A_697 : vector<16xf32>
        %add3A_699 = arith.addf %add3A_688, %mul3A_698 : vector<16xf32>
        %add3A_700 = arith.constant 96 : i32
        %add3A_701 = arith.addi %add3A_700, %scan3A_178 : i32
        %get3A_702 = arith.constant 1 : i32
        %get3A_703 = arith.index_cast %get3A_702 : i32 to index
        %get3A_704 = arith.index_cast %add3A_701 : i32 to index
        %get3A_705 = arith.constant 160 : index
        %get3A_706 = tpu.vector_load %arg10[%get3A_703, %get3A_704, %get3A_705] {strides = array<i32>} : memref<2x128x256xf32, #tpu.memory_space<vmem>>, vector<1x1x16xf32>,
        %get3A_707 = vector.shape_cast %get3A_706 : vector<1x1x16xf32> to vector<16xf32>
        %mul3A_708 = vector.broadcast %squeeze3A_190 : f32 to vector<16xf32>
        %mul3A_709 = arith.mulf %get3A_707, %mul3A_708 : vector<16xf32>
        %add3A_710 = arith.addf %add3A_699, %mul3A_709 : vector<16xf32>
        %swap3A_711 = arith.constant 1 : i32
        %swap3A_712 = arith.index_cast %swap3A_711 : i32 to index
        %swap3A_713 = arith.index_cast %scan3A_178 : i32 to index
        %swap3A_714 = arith.constant 160 : index
        %swap3A_715 = tpu.vector_load %arg11[%swap3A_712, %swap3A_713, %swap3A_714] {strides = array<i32>} : memref<2x32x256xf32, #tpu.memory_space<vmem>>, vector<1x1x16xf32>,
        %swap3A_716 = vector.shape_cast %swap3A_715 : vector<1x1x16xf32> to vector<16xf32>
        %swap3A_717 = vector.shape_cast %add3A_710 : vector<16xf32> to vector<1x1x16xf32>
        tpu.vector_store %arg11[%swap3A_712, %swap3A_713, %swap3A_714], %swap3A_717 {strides = array<i32>} : memref<2x32x256xf32, #tpu.memory_space<vmem>>, vector<1x1x16xf32>,
        %get3A_718 = arith.constant 1 : i32
        %get3A_719 = arith.index_cast %get3A_718 : i32 to index
        %get3A_720 = arith.index_cast %scan3A_178 : i32 to index
        %get3A_721 = arith.constant 176 : index
        %get3A_722 = tpu.vector_load %arg10[%get3A_719, %get3A_720, %get3A_721] {strides = array<i32>} : memref<2x128x256xf32, #tpu.memory_space<vmem>>, vector<1x1x16xf32>,
        %get3A_723 = vector.shape_cast %get3A_722 : vector<1x1x16xf32> to vector<16xf32>
        %mul3A_724 = vector.broadcast %squeeze3A : f32 to vector<16xf32>
        %mul3A_725 = arith.mulf %get3A_723, %mul3A_724 : vector<16xf32>
        %add3A_726 = arith.constant 32 : i32
        %add3A_727 = arith.addi %add3A_726, %scan3A_178 : i32
        %get3A_728 = arith.constant 1 : i32
        %get3A_729 = arith.index_cast %get3A_728 : i32 to index
        %get3A_730 = arith.index_cast %add3A_727 : i32 to index
        %get3A_731 = arith.constant 176 : index
        %get3A_732 = tpu.vector_load %arg10[%get3A_729, %get3A_730, %get3A_731] {strides = array<i32>} : memref<2x128x256xf32, #tpu.memory_space<vmem>>, vector<1x1x16xf32>,
        %get3A_733 = vector.shape_cast %get3A_732 : vector<1x1x16xf32> to vector<16xf32>
        %mul3A_734 = vector.broadcast %squeeze3A_186 : f32 to vector<16xf32>
        %mul3A_735 = arith.mulf %get3A_733, %mul3A_734 : vector<16xf32>
        %add3A_736 = arith.addf %mul3A_725, %mul3A_735 : vector<16xf32>
        %add3A_737 = arith.constant 64 : i32
        %add3A_738 = arith.addi %add3A_737, %scan3A_178 : i32
        %get3A_739 = arith.constant 1 : i32
        %get3A_740 = arith.index_cast %get3A_739 : i32 to index
        %get3A_741 = arith.index_cast %add3A_738 : i32 to index
        %get3A_742 = arith.constant 176 : index
        %get3A_743 = tpu.vector_load %arg10[%get3A_740, %get3A_741, %get3A_742] {strides = array<i32>} : memref<2x128x256xf32, #tpu.memory_space<vmem>>, vector<1x1x16xf32>,
        %get3A_744 = vector.shape_cast %get3A_743 : vector<1x1x16xf32> to vector<16xf32>
        %mul3A_745 = vector.broadcast %squeeze3A_188 : f32 to vector<16xf32>
        %mul3A_746 = arith.mulf %get3A_744, %mul3A_745 : vector<16xf32>
        %add3A_747 = arith.addf %add3A_736, %mul3A_746 : vector<16xf32>
        %add3A_748 = arith.constant 96 : i32
        %add3A_749 = arith.addi %add3A_748, %scan3A_178 : i32
        %get3A_750 = arith.constant 1 : i32
        %get3A_751 = arith.index_cast %get3A_750 : i32 to index
        %get3A_752 = arith.index_cast %add3A_749 : i32 to index
        %get3A_753 = arith.constant 176 : index
        %get3A_754 = tpu.vector_load %arg10[%get3A_751, %get3A_752, %get3A_753] {strides = array<i32>} : memref<2x128x256xf32, #tpu.memory_space<vmem>>, vector<1x1x16xf32>,
        %get3A_755 = vector.shape_cast %get3A_754 : vector<1x1x16xf32> to vector<16xf32>
        %mul3A_756 = vector.broadcast %squeeze3A_190 : f32 to vector<16xf32>
        %mul3A_757 = arith.mulf %get3A_755, %mul3A_756 : vector<16xf32>
        %add3A_758 = arith.addf %add3A_747, %mul3A_757 : vector<16xf32>
        %swap3A_759 = arith.constant 1 : i32
        %swap3A_760 = arith.index_cast %swap3A_759 : i32 to index
        %swap3A_761 = arith.index_cast %scan3A_178 : i32 to index
        %swap3A_762 = arith.constant 176 : index
        %swap3A_763 = tpu.vector_load %arg11[%swap3A_760, %swap3A_761, %swap3A_762] {strides = array<i32>} : memref<2x32x256xf32, #tpu.memory_space<vmem>>, vector<1x1x16xf32>,
        %swap3A_764 = vector.shape_cast %swap3A_763 : vector<1x1x16xf32> to vector<16xf32>
        %swap3A_765 = vector.shape_cast %add3A_758 : vector<16xf32> to vector<1x1x16xf32>
        tpu.vector_store %arg11[%swap3A_760, %swap3A_761, %swap3A_762], %swap3A_765 {strides = array<i32>} : memref<2x32x256xf32, #tpu.memory_space<vmem>>, vector<1x1x16xf32>,
        %get3A_766 = arith.constant 1 : i32
        %get3A_767 = arith.index_cast %get3A_766 : i32 to index
        %get3A_768 = arith.index_cast %scan3A_178 : i32 to index
        %get3A_769 = arith.constant 192 : index
        %get3A_770 = tpu.vector_load %arg10[%get3A_767, %get3A_768, %get3A_769] {strides = array<i32>} : memref<2x128x256xf32, #tpu.memory_space<vmem>>, vector<1x1x16xf32>,
        %get3A_771 = vector.shape_cast %get3A_770 : vector<1x1x16xf32> to vector<16xf32>
        %mul3A_772 = vector.broadcast %squeeze3A : f32 to vector<16xf32>
        %mul3A_773 = arith.mulf %get3A_771, %mul3A_772 : vector<16xf32>
        %add3A_774 = arith.constant 32 : i32
        %add3A_775 = arith.addi %add3A_774, %scan3A_178 : i32
        %get3A_776 = arith.constant 1 : i32
        %get3A_777 = arith.index_cast %get3A_776 : i32 to index
        %get3A_778 = arith.index_cast %add3A_775 : i32 to index
        %get3A_779 = arith.constant 192 : index
        %get3A_780 = tpu.vector_load %arg10[%get3A_777, %get3A_778, %get3A_779] {strides = array<i32>} : memref<2x128x256xf32, #tpu.memory_space<vmem>>, vector<1x1x16xf32>,
        %get3A_781 = vector.shape_cast %get3A_780 : vector<1x1x16xf32> to vector<16xf32>
        %mul3A_782 = vector.broadcast %squeeze3A_186 : f32 to vector<16xf32>
        %mul3A_783 = arith.mulf %get3A_781, %mul3A_782 : vector<16xf32>
        %add3A_784 = arith.addf %mul3A_773, %mul3A_783 : vector<16xf32>
        %add3A_785 = arith.constant 64 : i32
        %add3A_786 = arith.addi %add3A_785, %scan3A_178 : i32
        %get3A_787 = arith.constant 1 : i32
        %get3A_788 = arith.index_cast %get3A_787 : i32 to index
        %get3A_789 = arith.index_cast %add3A_786 : i32 to index
        %get3A_790 = arith.constant 192 : index
        %get3A_791 = tpu.vector_load %arg10[%get3A_788, %get3A_789, %get3A_790] {strides = array<i32>} : memref<2x128x256xf32, #tpu.memory_space<vmem>>, vector<1x1x16xf32>,
        %get3A_792 = vector.shape_cast %get3A_791 : vector<1x1x16xf32> to vector<16xf32>
        %mul3A_793 = vector.broadcast %squeeze3A_188 : f32 to vector<16xf32>
        %mul3A_794 = arith.mulf %get3A_792, %mul3A_793 : vector<16xf32>
        %add3A_795 = arith.addf %add3A_784, %mul3A_794 : vector<16xf32>
        %add3A_796 = arith.constant 96 : i32
        %add3A_797 = arith.addi %add3A_796, %scan3A_178 : i32
        %get3A_798 = arith.constant 1 : i32
        %get3A_799 = arith.index_cast %get3A_798 : i32 to index
        %get3A_800 = arith.index_cast %add3A_797 : i32 to index
        %get3A_801 = arith.constant 192 : index
        %get3A_802 = tpu.vector_load %arg10[%get3A_799, %get3A_800, %get3A_801] {strides = array<i32>} : memref<2x128x256xf32, #tpu.memory_space<vmem>>, vector<1x1x16xf32>,
        %get3A_803 = vector.shape_cast %get3A_802 : vector<1x1x16xf32> to vector<16xf32>
        %mul3A_804 = vector.broadcast %squeeze3A_190 : f32 to vector<16xf32>
        %mul3A_805 = arith.mulf %get3A_803, %mul3A_804 : vector<16xf32>
        %add3A_806 = arith.addf %add3A_795, %mul3A_805 : vector<16xf32>
        %swap3A_807 = arith.constant 1 : i32
        %swap3A_808 = arith.index_cast %swap3A_807 : i32 to index
        %swap3A_809 = arith.index_cast %scan3A_178 : i32 to index
        %swap3A_810 = arith.constant 192 : index
        %swap3A_811 = tpu.vector_load %arg11[%swap3A_808, %swap3A_809, %swap3A_810] {strides = array<i32>} : memref<2x32x256xf32, #tpu.memory_space<vmem>>, vector<1x1x16xf32>,
        %swap3A_812 = vector.shape_cast %swap3A_811 : vector<1x1x16xf32> to vector<16xf32>
        %swap3A_813 = vector.shape_cast %add3A_806 : vector<16xf32> to vector<1x1x16xf32>
        tpu.vector_store %arg11[%swap3A_808, %swap3A_809, %swap3A_810], %swap3A_813 {strides = array<i32>} : memref<2x32x256xf32, #tpu.memory_space<vmem>>, vector<1x1x16xf32>,
        %get3A_814 = arith.constant 1 : i32
        %get3A_815 = arith.index_cast %get3A_814 : i32 to index
        %get3A_816 = arith.index_cast %scan3A_178 : i32 to index
        %get3A_817 = arith.constant 208 : index
        %get3A_818 = tpu.vector_load %arg10[%get3A_815, %get3A_816, %get3A_817] {strides = array<i32>} : memref<2x128x256xf32, #tpu.memory_space<vmem>>, vector<1x1x16xf32>,
        %get3A_819 = vector.shape_cast %get3A_818 : vector<1x1x16xf32> to vector<16xf32>
        %mul3A_820 = vector.broadcast %squeeze3A : f32 to vector<16xf32>
        %mul3A_821 = arith.mulf %get3A_819, %mul3A_820 : vector<16xf32>
        %add3A_822 = arith.constant 32 : i32
        %add3A_823 = arith.addi %add3A_822, %scan3A_178 : i32
        %get3A_824 = arith.constant 1 : i32
        %get3A_825 = arith.index_cast %get3A_824 : i32 to index
        %get3A_826 = arith.index_cast %add3A_823 : i32 to index
        %get3A_827 = arith.constant 208 : index
        %get3A_828 = tpu.vector_load %arg10[%get3A_825, %get3A_826, %get3A_827] {strides = array<i32>} : memref<2x128x256xf32, #tpu.memory_space<vmem>>, vector<1x1x16xf32>,
        %get3A_829 = vector.shape_cast %get3A_828 : vector<1x1x16xf32> to vector<16xf32>
        %mul3A_830 = vector.broadcast %squeeze3A_186 : f32 to vector<16xf32>
        %mul3A_831 = arith.mulf %get3A_829, %mul3A_830 : vector<16xf32>
        %add3A_832 = arith.addf %mul3A_821, %mul3A_831 : vector<16xf32>
        %add3A_833 = arith.constant 64 : i32
        %add3A_834 = arith.addi %add3A_833, %scan3A_178 : i32
        %get3A_835 = arith.constant 1 : i32
        %get3A_836 = arith.index_cast %get3A_835 : i32 to index
        %get3A_837 = arith.index_cast %add3A_834 : i32 to index
        %get3A_838 = arith.constant 208 : index
        %get3A_839 = tpu.vector_load %arg10[%get3A_836, %get3A_837, %get3A_838] {strides = array<i32>} : memref<2x128x256xf32, #tpu.memory_space<vmem>>, vector<1x1x16xf32>,
        %get3A_840 = vector.shape_cast %get3A_839 : vector<1x1x16xf32> to vector<16xf32>
        %mul3A_841 = vector.broadcast %squeeze3A_188 : f32 to vector<16xf32>
        %mul3A_842 = arith.mulf %get3A_840, %mul3A_841 : vector<16xf32>
        %add3A_843 = arith.addf %add3A_832, %mul3A_842 : vector<16xf32>
        %add3A_844 = arith.constant 96 : i32
        %add3A_845 = arith.addi %add3A_844, %scan3A_178 : i32
        %get3A_846 = arith.constant 1 : i32
        %get3A_847 = arith.index_cast %get3A_846 : i32 to index
        %get3A_848 = arith.index_cast %add3A_845 : i32 to index
        %get3A_849 = arith.constant 208 : index
        %get3A_850 = tpu.vector_load %arg10[%get3A_847, %get3A_848, %get3A_849] {strides = array<i32>} : memref<2x128x256xf32, #tpu.memory_space<vmem>>, vector<1x1x16xf32>,
        %get3A_851 = vector.shape_cast %get3A_850 : vector<1x1x16xf32> to vector<16xf32>
        %mul3A_852 = vector.broadcast %squeeze3A_190 : f32 to vector<16xf32>
        %mul3A_853 = arith.mulf %get3A_851, %mul3A_852 : vector<16xf32>
        %add3A_854 = arith.addf %add3A_843, %mul3A_853 : vector<16xf32>
        %swap3A_855 = arith.constant 1 : i32
        %swap3A_856 = arith.index_cast %swap3A_855 : i32 to index
        %swap3A_857 = arith.index_cast %scan3A_178 : i32 to index
        %swap3A_858 = arith.constant 208 : index
        %swap3A_859 = tpu.vector_load %arg11[%swap3A_856, %swap3A_857, %swap3A_858] {strides = array<i32>} : memref<2x32x256xf32, #tpu.memory_space<vmem>>, vector<1x1x16xf32>,
        %swap3A_860 = vector.shape_cast %swap3A_859 : vector<1x1x16xf32> to vector<16xf32>
        %swap3A_861 = vector.shape_cast %add3A_854 : vector<16xf32> to vector<1x1x16xf32>
        tpu.vector_store %arg11[%swap3A_856, %swap3A_857, %swap3A_858], %swap3A_861 {strides = array<i32>} : memref<2x32x256xf32, #tpu.memory_space<vmem>>, vector<1x1x16xf32>,
        %get3A_862 = arith.constant 1 : i32
        %get3A_863 = arith.index_cast %get3A_862 : i32 to index
        %get3A_864 = arith.index_cast %scan3A_178 : i32 to index
        %get3A_865 = arith.constant 224 : index
        %get3A_866 = tpu.vector_load %arg10[%get3A_863, %get3A_864, %get3A_865] {strides = array<i32>} : memref<2x128x256xf32, #tpu.memory_space<vmem>>, vector<1x1x16xf32>,
        %get3A_867 = vector.shape_cast %get3A_866 : vector<1x1x16xf32> to vector<16xf32>
        %mul3A_868 = vector.broadcast %squeeze3A : f32 to vector<16xf32>
        %mul3A_869 = arith.mulf %get3A_867, %mul3A_868 : vector<16xf32>
        %add3A_870 = arith.constant 32 : i32
        %add3A_871 = arith.addi %add3A_870, %scan3A_178 : i32
        %get3A_872 = arith.constant 1 : i32
        %get3A_873 = arith.index_cast %get3A_872 : i32 to index
        %get3A_874 = arith.index_cast %add3A_871 : i32 to index
        %get3A_875 = arith.constant 224 : index
        %get3A_876 = tpu.vector_load %arg10[%get3A_873, %get3A_874, %get3A_875] {strides = array<i32>} : memref<2x128x256xf32, #tpu.memory_space<vmem>>, vector<1x1x16xf32>,
        %get3A_877 = vector.shape_cast %get3A_876 : vector<1x1x16xf32> to vector<16xf32>
        %mul3A_878 = vector.broadcast %squeeze3A_186 : f32 to vector<16xf32>
        %mul3A_879 = arith.mulf %get3A_877, %mul3A_878 : vector<16xf32>
        %add3A_880 = arith.addf %mul3A_869, %mul3A_879 : vector<16xf32>
        %add3A_881 = arith.constant 64 : i32
        %add3A_882 = arith.addi %add3A_881, %scan3A_178 : i32
        %get3A_883 = arith.constant 1 : i32
        %get3A_884 = arith.index_cast %get3A_883 : i32 to index
        %get3A_885 = arith.index_cast %add3A_882 : i32 to index
        %get3A_886 = arith.constant 224 : index
        %get3A_887 = tpu.vector_load %arg10[%get3A_884, %get3A_885, %get3A_886] {strides = array<i32>} : memref<2x128x256xf32, #tpu.memory_space<vmem>>, vector<1x1x16xf32>,
        %get3A_888 = vector.shape_cast %get3A_887 : vector<1x1x16xf32> to vector<16xf32>
        %mul3A_889 = vector.broadcast %squeeze3A_188 : f32 to vector<16xf32>
        %mul3A_890 = arith.mulf %get3A_888, %mul3A_889 : vector<16xf32>
        %add3A_891 = arith.addf %add3A_880, %mul3A_890 : vector<16xf32>
        %add3A_892 = arith.constant 96 : i32
        %add3A_893 = arith.addi %add3A_892, %scan3A_178 : i32
        %get3A_894 = arith.constant 1 : i32
        %get3A_895 = arith.index_cast %get3A_894 : i32 to index
        %get3A_896 = arith.index_cast %add3A_893 : i32 to index
        %get3A_897 = arith.constant 224 : index
        %get3A_898 = tpu.vector_load %arg10[%get3A_895, %get3A_896, %get3A_897] {strides = array<i32>} : memref<2x128x256xf32, #tpu.memory_space<vmem>>, vector<1x1x16xf32>,
        %get3A_899 = vector.shape_cast %get3A_898 : vector<1x1x16xf32> to vector<16xf32>
        %mul3A_900 = vector.broadcast %squeeze3A_190 : f32 to vector<16xf32>
        %mul3A_901 = arith.mulf %get3A_899, %mul3A_900 : vector<16xf32>
        %add3A_902 = arith.addf %add3A_891, %mul3A_901 : vector<16xf32>
        %swap3A_903 = arith.constant 1 : i32
        %swap3A_904 = arith.index_cast %swap3A_903 : i32 to index
        %swap3A_905 = arith.index_cast %scan3A_178 : i32 to index
        %swap3A_906 = arith.constant 224 : index
        %swap3A_907 = tpu.vector_load %arg11[%swap3A_904, %swap3A_905, %swap3A_906] {strides = array<i32>} : memref<2x32x256xf32, #tpu.memory_space<vmem>>, vector<1x1x16xf32>,
        %swap3A_908 = vector.shape_cast %swap3A_907 : vector<1x1x16xf32> to vector<16xf32>
        %swap3A_909 = vector.shape_cast %add3A_902 : vector<16xf32> to vector<1x1x16xf32>
        tpu.vector_store %arg11[%swap3A_904, %swap3A_905, %swap3A_906], %swap3A_909 {strides = array<i32>} : memref<2x32x256xf32, #tpu.memory_space<vmem>>, vector<1x1x16xf32>,
        %get3A_910 = arith.constant 1 : i32
        %get3A_911 = arith.index_cast %get3A_910 : i32 to index
        %get3A_912 = arith.index_cast %scan3A_178 : i32 to index
        %get3A_913 = arith.constant 240 : index
        %get3A_914 = tpu.vector_load %arg10[%get3A_911, %get3A_912, %get3A_913] {strides = array<i32>} : memref<2x128x256xf32, #tpu.memory_space<vmem>>, vector<1x1x16xf32>,
        %get3A_915 = vector.shape_cast %get3A_914 : vector<1x1x16xf32> to vector<16xf32>
        %mul3A_916 = vector.broadcast %squeeze3A : f32 to vector<16xf32>
        %mul3A_917 = arith.mulf %get3A_915, %mul3A_916 : vector<16xf32>
        %add3A_918 = arith.constant 32 : i32
        %add3A_919 = arith.addi %add3A_918, %scan3A_178 : i32
        %get3A_920 = arith.constant 1 : i32
        %get3A_921 = arith.index_cast %get3A_920 : i32 to index
        %get3A_922 = arith.index_cast %add3A_919 : i32 to index
        %get3A_923 = arith.constant 240 : index
        %get3A_924 = tpu.vector_load %arg10[%get3A_921, %get3A_922, %get3A_923] {strides = array<i32>} : memref<2x128x256xf32, #tpu.memory_space<vmem>>, vector<1x1x16xf32>,
        %get3A_925 = vector.shape_cast %get3A_924 : vector<1x1x16xf32> to vector<16xf32>
        %mul3A_926 = vector.broadcast %squeeze3A_186 : f32 to vector<16xf32>
        %mul3A_927 = arith.mulf %get3A_925, %mul3A_926 : vector<16xf32>
        %add3A_928 = arith.addf %mul3A_917, %mul3A_927 : vector<16xf32>
        %add3A_929 = arith.constant 64 : i32
        %add3A_930 = arith.addi %add3A_929, %scan3A_178 : i32
        %get3A_931 = arith.constant 1 : i32
        %get3A_932 = arith.index_cast %get3A_931 : i32 to index
        %get3A_933 = arith.index_cast %add3A_930 : i32 to index
        %get3A_934 = arith.constant 240 : index
        %get3A_935 = tpu.vector_load %arg10[%get3A_932, %get3A_933, %get3A_934] {strides = array<i32>} : memref<2x128x256xf32, #tpu.memory_space<vmem>>, vector<1x1x16xf32>,
        %get3A_936 = vector.shape_cast %get3A_935 : vector<1x1x16xf32> to vector<16xf32>
        %mul3A_937 = vector.broadcast %squeeze3A_188 : f32 to vector<16xf32>
        %mul3A_938 = arith.mulf %get3A_936, %mul3A_937 : vector<16xf32>
        %add3A_939 = arith.addf %add3A_928, %mul3A_938 : vector<16xf32>
        %add3A_940 = arith.constant 96 : i32
        %add3A_941 = arith.addi %add3A_940, %scan3A_178 : i32
        %get3A_942 = arith.constant 1 : i32
        %get3A_943 = arith.index_cast %get3A_942 : i32 to index
        %get3A_944 = arith.index_cast %add3A_941 : i32 to index
        %get3A_945 = arith.constant 240 : index
        %get3A_946 = tpu.vector_load %arg10[%get3A_943, %get3A_944, %get3A_945] {strides = array<i32>} : memref<2x128x256xf32, #tpu.memory_space<vmem>>, vector<1x1x16xf32>,
        %get3A_947 = vector.shape_cast %get3A_946 : vector<1x1x16xf32> to vector<16xf32>
        %mul3A_948 = vector.broadcast %squeeze3A_190 : f32 to vector<16xf32>
        %mul3A_949 = arith.mulf %get3A_947, %mul3A_948 : vector<16xf32>
        %add3A_950 = arith.addf %add3A_939, %mul3A_949 : vector<16xf32>
        %swap3A_951 = arith.constant 1 : i32
        %swap3A_952 = arith.index_cast %swap3A_951 : i32 to index
        %swap3A_953 = arith.index_cast %scan3A_178 : i32 to index
        %swap3A_954 = arith.constant 240 : index
        %swap3A_955 = tpu.vector_load %arg11[%swap3A_952, %swap3A_953, %swap3A_954] {strides = array<i32>} : memref<2x32x256xf32, #tpu.memory_space<vmem>>, vector<1x1x16xf32>,
        %swap3A_956 = vector.shape_cast %swap3A_955 : vector<1x1x16xf32> to vector<16xf32>
        %swap3A_957 = vector.shape_cast %add3A_950 : vector<16xf32> to vector<1x1x16xf32>
        tpu.vector_store %arg11[%swap3A_952, %swap3A_953, %swap3A_954], %swap3A_957 {strides = array<i32>} : memref<2x32x256xf32, #tpu.memory_space<vmem>>, vector<1x1x16xf32>,
        %scan3A_958 = arith.constant 1 : i32
        %scan3A_959 = arith.addi %scan3A_178, %scan3A_958 : i32
        %mul3A_960 = arith.constant 16 : i32
        %mul3A_961 = arith.muli %mul3A_960, %scan3A_959 : i32
        %get3A_962 = arith.constant 1 : i32
        %get3A_963 = arith.index_cast %get3A_962 : i32 to index
        %get3A_964 = arith.index_cast %mul3A_961 : i32 to index
        %get3A_965 = tpu.vector_load %arg9[%get3A_963, %get3A_964] {strides = array<i32>} : memref<2x512xf32, #tpu.memory_space<vmem>>, vector<1x16xf32>,
        %get3A_966 = vector.shape_cast %get3A_965 : vector<1x16xf32> to vector<16xf32>
        %slice3A_967 = vector.extract_strided_slice %get3A_966 {offsets = [0], sizes = [1], strides = [1]} : vector<16xf32> to vector<1xf32>
        %squeeze3A_968 = vector.extract %slice3A_967[0] : f32 from vector<1xf32>
        %slice3A_969 = vector.extract_strided_slice %get3A_966 {offsets = [1], sizes = [1], strides = [1]} : vector<16xf32> to vector<1xf32>
        %squeeze3A_970 = vector.extract %slice3A_969[0] : f32 from vector<1xf32>
        %slice3A_971 = vector.extract_strided_slice %get3A_966 {offsets = [2], sizes = [1], strides = [1]} : vector<16xf32> to vector<1xf32>
        %squeeze3A_972 = vector.extract %slice3A_971[0] : f32 from vector<1xf32>
        %slice3A_973 = vector.extract_strided_slice %get3A_966 {offsets = [3], sizes = [1], strides = [1]} : vector<16xf32> to vector<1xf32>
        %squeeze3A_974 = vector.extract %slice3A_973[0] : f32 from vector<1xf32>
        %get3A_975 = arith.constant 1 : i32
        %get3A_976 = arith.index_cast %get3A_975 : i32 to index
        %get3A_977 = arith.index_cast %scan3A_959 : i32 to index
        %get3A_978 = arith.constant 0 : index
        %get3A_979 = tpu.vector_load %arg10[%get3A_976, %get3A_977, %get3A_978] {strides = array<i32>} : memref<2x128x256xf32, #tpu.memory_space<vmem>>, vector<1x1x16xf32>,
        %get3A_980 = vector.shape_cast %get3A_979 : vector<1x1x16xf32> to vector<16xf32>
        %mul3A_981 = vector.broadcast %squeeze3A_968 : f32 to vector<16xf32>
        %mul3A_982 = arith.mulf %get3A_980, %mul3A_981 : vector<16xf32>
        %add3A_983 = arith.constant 32 : i32
        %add3A_984 = arith.addi %add3A_983, %scan3A_959 : i32
        %get3A_985 = arith.constant 1 : i32
        %get3A_986 = arith.index_cast %get3A_985 : i32 to index
        %get3A_987 = arith.index_cast %add3A_984 : i32 to index
        %get3A_988 = arith.constant 0 : index
        %get3A_989 = tpu.vector_load %arg10[%get3A_986, %get3A_987, %get3A_988] {strides = array<i32>} : memref<2x128x256xf32, #tpu.memory_space<vmem>>, vector<1x1x16xf32>,
        %get3A_990 = vector.shape_cast %get3A_989 : vector<1x1x16xf32> to vector<16xf32>
        %mul3A_991 = vector.broadcast %squeeze3A_970 : f32 to vector<16xf32>
        %mul3A_992 = arith.mulf %get3A_990, %mul3A_991 : vector<16xf32>
        %add3A_993 = arith.addf %mul3A_982, %mul3A_992 : vector<16xf32>
        %add3A_994 = arith.constant 64 : i32
        %add3A_995 = arith.addi %add3A_994, %scan3A_959 : i32
        %get3A_996 = arith.constant 1 : i32
        %get3A_997 = arith.index_cast %get3A_996 : i32 to index
        %get3A_998 = arith.index_cast %add3A_995 : i32 to index
        %get3A_999 = arith.constant 0 : index
        %get3A_1000 = tpu.vector_load %arg10[%get3A_997, %get3A_998, %get3A_999] {strides = array<i32>} : memref<2x128x256xf32, #tpu.memory_space<vmem>>, vector<1x1x16xf32>,
        %get3A_1001 = vector.shape_cast %get3A_1000 : vector<1x1x16xf32> to vector<16xf32>
        %mul3A_1002 = vector.broadcast %squeeze3A_972 : f32 to vector<16xf32>
        %mul3A_1003 = arith.mulf %get3A_1001, %mul3A_1002 : vector<16xf32>
        %add3A_1004 = arith.addf %add3A_993, %mul3A_1003 : vector<16xf32>
        %add3A_1005 = arith.constant 96 : i32
        %add3A_1006 = arith.addi %add3A_1005, %scan3A_959 : i32
        %get3A_1007 = arith.constant 1 : i32
        %get3A_1008 = arith.index_cast %get3A_1007 : i32 to index
        %get3A_1009 = arith.index_cast %add3A_1006 : i32 to index
        %get3A_1010 = arith.constant 0 : index
        %get3A_1011 = tpu.vector_load %arg10[%get3A_1008, %get3A_1009, %get3A_1010] {strides = array<i32>} : memref<2x128x256xf32, #tpu.memory_space<vmem>>, vector<1x1x16xf32>,
        %get3A_1012 = vector.shape_cast %get3A_1011 : vector<1x1x16xf32> to vector<16xf32>
        %mul3A_1013 = vector.broadcast %squeeze3A_974 : f32 to vector<16xf32>
        %mul3A_1014 = arith.mulf %get3A_1012, %mul3A_1013 : vector<16xf32>
        %add3A_1015 = arith.addf %add3A_1004, %mul3A_1014 : vector<16xf32>
        %swap3A_1016 = arith.constant 1 : i32
        %swap3A_1017 = arith.index_cast %swap3A_1016 : i32 to index
        %swap3A_1018 = arith.index_cast %scan3A_959 : i32 to index
        %swap3A_1019 = arith.constant 0 : index
        %swap3A_1020 = tpu.vector_load %arg11[%swap3A_1017, %swap3A_1018, %swap3A_1019] {strides = array<i32>} : memref<2x32x256xf32, #tpu.memory_space<vmem>>, vector<1x1x16xf32>,
        %swap3A_1021 = vector.shape_cast %swap3A_1020 : vector<1x1x16xf32> to vector<16xf32>
        %swap3A_1022 = vector.shape_cast %add3A_1015 : vector<16xf32> to vector<1x1x16xf32>
        tpu.vector_store %arg11[%swap3A_1017, %swap3A_1018, %swap3A_1019], %swap3A_1022 {strides = array<i32>} : memref<2x32x256xf32, #tpu.memory_space<vmem>>, vector<1x1x16xf32>,
        %get3A_1023 = arith.constant 1 : i32
        %get3A_1024 = arith.index_cast %get3A_1023 : i32 to index
        %get3A_1025 = arith.index_cast %scan3A_959 : i32 to index
        %get3A_1026 = arith.constant 16 : index
        %get3A_1027 = tpu.vector_load %arg10[%get3A_1024, %get3A_1025, %get3A_1026] {strides = array<i32>} : memref<2x128x256xf32, #tpu.memory_space<vmem>>, vector<1x1x16xf32>,
        %get3A_1028 = vector.shape_cast %get3A_1027 : vector<1x1x16xf32> to vector<16xf32>
        %mul3A_1029 = vector.broadcast %squeeze3A_968 : f32 to vector<16xf32>
        %mul3A_1030 = arith.mulf %get3A_1028, %mul3A_1029 : vector<16xf32>
        %add3A_1031 = arith.constant 32 : i32
        %add3A_1032 = arith.addi %add3A_1031, %scan3A_959 : i32
        %get3A_1033 = arith.constant 1 : i32
        %get3A_1034 = arith.index_cast %get3A_1033 : i32 to index
        %get3A_1035 = arith.index_cast %add3A_1032 : i32 to index
        %get3A_1036 = arith.constant 16 : index
        %get3A_1037 = tpu.vector_load %arg10[%get3A_1034, %get3A_1035, %get3A_1036] {strides = array<i32>} : memref<2x128x256xf32, #tpu.memory_space<vmem>>, vector<1x1x16xf32>,
        %get3A_1038 = vector.shape_cast %get3A_1037 : vector<1x1x16xf32> to vector<16xf32>
        %mul3A_1039 = vector.broadcast %squeeze3A_970 : f32 to vector<16xf32>
        %mul3A_1040 = arith.mulf %get3A_1038, %mul3A_1039 : vector<16xf32>
        %add3A_1041 = arith.addf %mul3A_1030, %mul3A_1040 : vector<16xf32>
        %add3A_1042 = arith.constant 64 : i32
        %add3A_1043 = arith.addi %add3A_1042, %scan3A_959 : i32
        %get3A_1044 = arith.constant 1 : i32
        %get3A_1045 = arith.index_cast %get3A_1044 : i32 to index
        %get3A_1046 = arith.index_cast %add3A_1043 : i32 to index
        %get3A_1047 = arith.constant 16 : index
        %get3A_1048 = tpu.vector_load %arg10[%get3A_1045, %get3A_1046, %get3A_1047] {strides = array<i32>} : memref<2x128x256xf32, #tpu.memory_space<vmem>>, vector<1x1x16xf32>,
        %get3A_1049 = vector.shape_cast %get3A_1048 : vector<1x1x16xf32> to vector<16xf32>
        %mul3A_1050 = vector.broadcast %squeeze3A_972 : f32 to vector<16xf32>
        %mul3A_1051 = arith.mulf %get3A_1049, %mul3A_1050 : vector<16xf32>
        %add3A_1052 = arith.addf %add3A_1041, %mul3A_1051 : vector<16xf32>
        %add3A_1053 = arith.constant 96 : i32
        %add3A_1054 = arith.addi %add3A_1053, %scan3A_959 : i32
        %get3A_1055 = arith.constant 1 : i32
        %get3A_1056 = arith.index_cast %get3A_1055 : i32 to index
        %get3A_1057 = arith.index_cast %add3A_1054 : i32 to index
        %get3A_1058 = arith.constant 16 : index
        %get3A_1059 = tpu.vector_load %arg10[%get3A_1056, %get3A_1057, %get3A_1058] {strides = array<i32>} : memref<2x128x256xf32, #tpu.memory_space<vmem>>, vector<1x1x16xf32>,
        %get3A_1060 = vector.shape_cast %get3A_1059 : vector<1x1x16xf32> to vector<16xf32>
        %mul3A_1061 = vector.broadcast %squeeze3A_974 : f32 to vector<16xf32>
        %mul3A_1062 = arith.mulf %get3A_1060, %mul3A_1061 : vector<16xf32>
        %add3A_1063 = arith.addf %add3A_1052, %mul3A_1062 : vector<16xf32>
        %swap3A_1064 = arith.constant 1 : i32
        %swap3A_1065 = arith.index_cast %swap3A_1064 : i32 to index
        %swap3A_1066 = arith.index_cast %scan3A_959 : i32 to index
        %swap3A_1067 = arith.constant 16 : index
        %swap3A_1068 = tpu.vector_load %arg11[%swap3A_1065, %swap3A_1066, %swap3A_1067] {strides = array<i32>} : memref<2x32x256xf32, #tpu.memory_space<vmem>>, vector<1x1x16xf32>,
        %swap3A_1069 = vector.shape_cast %swap3A_1068 : vector<1x1x16xf32> to vector<16xf32>
        %swap3A_1070 = vector.shape_cast %add3A_1063 : vector<16xf32> to vector<1x1x16xf32>
        tpu.vector_store %arg11[%swap3A_1065, %swap3A_1066, %swap3A_1067], %swap3A_1070 {strides = array<i32>} : memref<2x32x256xf32, #tpu.memory_space<vmem>>, vector<1x1x16xf32>,
        %get3A_1071 = arith.constant 1 : i32
        %get3A_1072 = arith.index_cast %get3A_1071 : i32 to index
        %get3A_1073 = arith.index_cast %scan3A_959 : i32 to index
        %get3A_1074 = arith.constant 32 : index
        %get3A_1075 = tpu.vector_load %arg10[%get3A_1072, %get3A_1073, %get3A_1074] {strides = array<i32>} : memref<2x128x256xf32, #tpu.memory_space<vmem>>, vector<1x1x16xf32>,
        %get3A_1076 = vector.shape_cast %get3A_1075 : vector<1x1x16xf32> to vector<16xf32>
        %mul3A_1077 = vector.broadcast %squeeze3A_968 : f32 to vector<16xf32>
        %mul3A_1078 = arith.mulf %get3A_1076, %mul3A_1077 : vector<16xf32>
        %add3A_1079 = arith.constant 32 : i32
        %add3A_1080 = arith.addi %add3A_1079, %scan3A_959 : i32
        %get3A_1081 = arith.constant 1 : i32
        %get3A_1082 = arith.index_cast %get3A_1081 : i32 to index
        %get3A_1083 = arith.index_cast %add3A_1080 : i32 to index
        %get3A_1084 = arith.constant 32 : index
        %get3A_1085 = tpu.vector_load %arg10[%get3A_1082, %get3A_1083, %get3A_1084] {strides = array<i32>} : memref<2x128x256xf32, #tpu.memory_space<vmem>>, vector<1x1x16xf32>,
        %get3A_1086 = vector.shape_cast %get3A_1085 : vector<1x1x16xf32> to vector<16xf32>
        %mul3A_1087 = vector.broadcast %squeeze3A_970 : f32 to vector<16xf32>
        %mul3A_1088 = arith.mulf %get3A_1086, %mul3A_1087 : vector<16xf32>
        %add3A_1089 = arith.addf %mul3A_1078, %mul3A_1088 : vector<16xf32>
        %add3A_1090 = arith.constant 64 : i32
        %add3A_1091 = arith.addi %add3A_1090, %scan3A_959 : i32
        %get3A_1092 = arith.constant 1 : i32
        %get3A_1093 = arith.index_cast %get3A_1092 : i32 to index
        %get3A_1094 = arith.index_cast %add3A_1091 : i32 to index
        %get3A_1095 = arith.constant 32 : index
        %get3A_1096 = tpu.vector_load %arg10[%get3A_1093, %get3A_1094, %get3A_1095] {strides = array<i32>} : memref<2x128x256xf32, #tpu.memory_space<vmem>>, vector<1x1x16xf32>,
        %get3A_1097 = vector.shape_cast %get3A_1096 : vector<1x1x16xf32> to vector<16xf32>
        %mul3A_1098 = vector.broadcast %squeeze3A_972 : f32 to vector<16xf32>
        %mul3A_1099 = arith.mulf %get3A_1097, %mul3A_1098 : vector<16xf32>
        %add3A_1100 = arith.addf %add3A_1089, %mul3A_1099 : vector<16xf32>
        %add3A_1101 = arith.constant 96 : i32
        %add3A_1102 = arith.addi %add3A_1101, %scan3A_959 : i32
        %get3A_1103 = arith.constant 1 : i32
        %get3A_1104 = arith.index_cast %get3A_1103 : i32 to index
        %get3A_1105 = arith.index_cast %add3A_1102 : i32 to index
        %get3A_1106 = arith.constant 32 : index
        %get3A_1107 = tpu.vector_load %arg10[%get3A_1104, %get3A_1105, %get3A_1106] {strides = array<i32>} : memref<2x128x256xf32, #tpu.memory_space<vmem>>, vector<1x1x16xf32>,
        %get3A_1108 = vector.shape_cast %get3A_1107 : vector<1x1x16xf32> to vector<16xf32>
        %mul3A_1109 = vector.broadcast %squeeze3A_974 : f32 to vector<16xf32>
        %mul3A_1110 = arith.mulf %get3A_1108, %mul3A_1109 : vector<16xf32>
        %add3A_1111 = arith.addf %add3A_1100, %mul3A_1110 : vector<16xf32>
        %swap3A_1112 = arith.constant 1 : i32
        %swap3A_1113 = arith.index_cast %swap3A_1112 : i32 to index
        %swap3A_1114 = arith.index_cast %scan3A_959 : i32 to index
        %swap3A_1115 = arith.constant 32 : index
        %swap3A_1116 = tpu.vector_load %arg11[%swap3A_1113, %swap3A_1114, %swap3A_1115] {strides = array<i32>} : memref<2x32x256xf32, #tpu.memory_space<vmem>>, vector<1x1x16xf32>,
        %swap3A_1117 = vector.shape_cast %swap3A_1116 : vector<1x1x16xf32> to vector<16xf32>
        %swap3A_1118 = vector.shape_cast %add3A_1111 : vector<16xf32> to vector<1x1x16xf32>
        tpu.vector_store %arg11[%swap3A_1113, %swap3A_1114, %swap3A_1115], %swap3A_1118 {strides = array<i32>} : memref<2x32x256xf32, #tpu.memory_space<vmem>>, vector<1x1x16xf32>,
        %get3A_1119 = arith.constant 1 : i32
        %get3A_1120 = arith.index_cast %get3A_1119 : i32 to index
        %get3A_1121 = arith.index_cast %scan3A_959 : i32 to index
        %get3A_1122 = arith.constant 48 : index
        %get3A_1123 = tpu.vector_load %arg10[%get3A_1120, %get3A_1121, %get3A_1122] {strides = array<i32>} : memref<2x128x256xf32, #tpu.memory_space<vmem>>, vector<1x1x16xf32>,
        %get3A_1124 = vector.shape_cast %get3A_1123 : vector<1x1x16xf32> to vector<16xf32>
        %mul3A_1125 = vector.broadcast %squeeze3A_968 : f32 to vector<16xf32>
        %mul3A_1126 = arith.mulf %get3A_1124, %mul3A_1125 : vector<16xf32>
        %add3A_1127 = arith.constant 32 : i32
        %add3A_1128 = arith.addi %add3A_1127, %scan3A_959 : i32
        %get3A_1129 = arith.constant 1 : i32
        %get3A_1130 = arith.index_cast %get3A_1129 : i32 to index
        %get3A_1131 = arith.index_cast %add3A_1128 : i32 to index
        %get3A_1132 = arith.constant 48 : index
        %get3A_1133 = tpu.vector_load %arg10[%get3A_1130, %get3A_1131, %get3A_1132] {strides = array<i32>} : memref<2x128x256xf32, #tpu.memory_space<vmem>>, vector<1x1x16xf32>,
        %get3A_1134 = vector.shape_cast %get3A_1133 : vector<1x1x16xf32> to vector<16xf32>
        %mul3A_1135 = vector.broadcast %squeeze3A_970 : f32 to vector<16xf32>
        %mul3A_1136 = arith.mulf %get3A_1134, %mul3A_1135 : vector<16xf32>
        %add3A_1137 = arith.addf %mul3A_1126, %mul3A_1136 : vector<16xf32>
        %add3A_1138 = arith.constant 64 : i32
        %add3A_1139 = arith.addi %add3A_1138, %scan3A_959 : i32
        %get3A_1140 = arith.constant 1 : i32
        %get3A_1141 = arith.index_cast %get3A_1140 : i32 to index
        %get3A_1142 = arith.index_cast %add3A_1139 : i32 to index
        %get3A_1143 = arith.constant 48 : index
        %get3A_1144 = tpu.vector_load %arg10[%get3A_1141, %get3A_1142, %get3A_1143] {strides = array<i32>} : memref<2x128x256xf32, #tpu.memory_space<vmem>>, vector<1x1x16xf32>,
        %get3A_1145 = vector.shape_cast %get3A_1144 : vector<1x1x16xf32> to vector<16xf32>
        %mul3A_1146 = vector.broadcast %squeeze3A_972 : f32 to vector<16xf32>
        %mul3A_1147 = arith.mulf %get3A_1145, %mul3A_1146 : vector<16xf32>
        %add3A_1148 = arith.addf %add3A_1137, %mul3A_1147 : vector<16xf32>
        %add3A_1149 = arith.constant 96 : i32
        %add3A_1150 = arith.addi %add3A_1149, %scan3A_959 : i32
        %get3A_1151 = arith.constant 1 : i32
        %get3A_1152 = arith.index_cast %get3A_1151 : i32 to index
        %get3A_1153 = arith.index_cast %add3A_1150 : i32 to index
        %get3A_1154 = arith.constant 48 : index
        %get3A_1155 = tpu.vector_load %arg10[%get3A_1152, %get3A_1153, %get3A_1154] {strides = array<i32>} : memref<2x128x256xf32, #tpu.memory_space<vmem>>, vector<1x1x16xf32>,
        %get3A_1156 = vector.shape_cast %get3A_1155 : vector<1x1x16xf32> to vector<16xf32>
        %mul3A_1157 = vector.broadcast %squeeze3A_974 : f32 to vector<16xf32>
        %mul3A_1158 = arith.mulf %get3A_1156, %mul3A_1157 : vector<16xf32>
        %add3A_1159 = arith.addf %add3A_1148, %mul3A_1158 : vector<16xf32>
        %swap3A_1160 = arith.constant 1 : i32
        %swap3A_1161 = arith.index_cast %swap3A_1160 : i32 to index
        %swap3A_1162 = arith.index_cast %scan3A_959 : i32 to index
        %swap3A_1163 = arith.constant 48 : index
        %swap3A_1164 = tpu.vector_load %arg11[%swap3A_1161, %swap3A_1162, %swap3A_1163] {strides = array<i32>} : memref<2x32x256xf32, #tpu.memory_space<vmem>>, vector<1x1x16xf32>,
        %swap3A_1165 = vector.shape_cast %swap3A_1164 : vector<1x1x16xf32> to vector<16xf32>
        %swap3A_1166 = vector.shape_cast %add3A_1159 : vector<16xf32> to vector<1x1x16xf32>
        tpu.vector_store %arg11[%swap3A_1161, %swap3A_1162, %swap3A_1163], %swap3A_1166 {strides = array<i32>} : memref<2x32x256xf32, #tpu.memory_space<vmem>>, vector<1x1x16xf32>,
        %get3A_1167 = arith.constant 1 : i32
        %get3A_1168 = arith.index_cast %get3A_1167 : i32 to index
        %get3A_1169 = arith.index_cast %scan3A_959 : i32 to index
        %get3A_1170 = arith.constant 64 : index
        %get3A_1171 = tpu.vector_load %arg10[%get3A_1168, %get3A_1169, %get3A_1170] {strides = array<i32>} : memref<2x128x256xf32, #tpu.memory_space<vmem>>, vector<1x1x16xf32>,
        %get3A_1172 = vector.shape_cast %get3A_1171 : vector<1x1x16xf32> to vector<16xf32>
        %mul3A_1173 = vector.broadcast %squeeze3A_968 : f32 to vector<16xf32>
        %mul3A_1174 = arith.mulf %get3A_1172, %mul3A_1173 : vector<16xf32>
        %add3A_1175 = arith.constant 32 : i32
        %add3A_1176 = arith.addi %add3A_1175, %scan3A_959 : i32
        %get3A_1177 = arith.constant 1 : i32
        %get3A_1178 = arith.index_cast %get3A_1177 : i32 to index
        %get3A_1179 = arith.index_cast %add3A_1176 : i32 to index
        %get3A_1180 = arith.constant 64 : index
        %get3A_1181 = tpu.vector_load %arg10[%get3A_1178, %get3A_1179, %get3A_1180] {strides = array<i32>} : memref<2x128x256xf32, #tpu.memory_space<vmem>>, vector<1x1x16xf32>,
        %get3A_1182 = vector.shape_cast %get3A_1181 : vector<1x1x16xf32> to vector<16xf32>
        %mul3A_1183 = vector.broadcast %squeeze3A_970 : f32 to vector<16xf32>
        %mul3A_1184 = arith.mulf %get3A_1182, %mul3A_1183 : vector<16xf32>
        %add3A_1185 = arith.addf %mul3A_1174, %mul3A_1184 : vector<16xf32>
        %add3A_1186 = arith.constant 64 : i32
        %add3A_1187 = arith.addi %add3A_1186, %scan3A_959 : i32
        %get3A_1188 = arith.constant 1 : i32
        %get3A_1189 = arith.index_cast %get3A_1188 : i32 to index
        %get3A_1190 = arith.index_cast %add3A_1187 : i32 to index
        %get3A_1191 = arith.constant 64 : index
        %get3A_1192 = tpu.vector_load %arg10[%get3A_1189, %get3A_1190, %get3A_1191] {strides = array<i32>} : memref<2x128x256xf32, #tpu.memory_space<vmem>>, vector<1x1x16xf32>,
        %get3A_1193 = vector.shape_cast %get3A_1192 : vector<1x1x16xf32> to vector<16xf32>
        %mul3A_1194 = vector.broadcast %squeeze3A_972 : f32 to vector<16xf32>
        %mul3A_1195 = arith.mulf %get3A_1193, %mul3A_1194 : vector<16xf32>
        %add3A_1196 = arith.addf %add3A_1185, %mul3A_1195 : vector<16xf32>
        %add3A_1197 = arith.constant 96 : i32
        %add3A_1198 = arith.addi %add3A_1197, %scan3A_959 : i32
        %get3A_1199 = arith.constant 1 : i32
        %get3A_1200 = arith.index_cast %get3A_1199 : i32 to index
        %get3A_1201 = arith.index_cast %add3A_1198 : i32 to index
        %get3A_1202 = arith.constant 64 : index
        %get3A_1203 = tpu.vector_load %arg10[%get3A_1200, %get3A_1201, %get3A_1202] {strides = array<i32>} : memref<2x128x256xf32, #tpu.memory_space<vmem>>, vector<1x1x16xf32>,
        %get3A_1204 = vector.shape_cast %get3A_1203 : vector<1x1x16xf32> to vector<16xf32>
        %mul3A_1205 = vector.broadcast %squeeze3A_974 : f32 to vector<16xf32>
        %mul3A_1206 = arith.mulf %get3A_1204, %mul3A_1205 : vector<16xf32>
        %add3A_1207 = arith.addf %add3A_1196, %mul3A_1206 : vector<16xf32>
        %swap3A_1208 = arith.constant 1 : i32
        %swap3A_1209 = arith.index_cast %swap3A_1208 : i32 to index
        %swap3A_1210 = arith.index_cast %scan3A_959 : i32 to index
        %swap3A_1211 = arith.constant 64 : index
        %swap3A_1212 = tpu.vector_load %arg11[%swap3A_1209, %swap3A_1210, %swap3A_1211] {strides = array<i32>} : memref<2x32x256xf32, #tpu.memory_space<vmem>>, vector<1x1x16xf32>,
        %swap3A_1213 = vector.shape_cast %swap3A_1212 : vector<1x1x16xf32> to vector<16xf32>
        %swap3A_1214 = vector.shape_cast %add3A_1207 : vector<16xf32> to vector<1x1x16xf32>
        tpu.vector_store %arg11[%swap3A_1209, %swap3A_1210, %swap3A_1211], %swap3A_1214 {strides = array<i32>} : memref<2x32x256xf32, #tpu.memory_space<vmem>>, vector<1x1x16xf32>,
        %get3A_1215 = arith.constant 1 : i32
        %get3A_1216 = arith.index_cast %get3A_1215 : i32 to index
        %get3A_1217 = arith.index_cast %scan3A_959 : i32 to index
        %get3A_1218 = arith.constant 80 : index
        %get3A_1219 = tpu.vector_load %arg10[%get3A_1216, %get3A_1217, %get3A_1218] {strides = array<i32>} : memref<2x128x256xf32, #tpu.memory_space<vmem>>, vector<1x1x16xf32>,
        %get3A_1220 = vector.shape_cast %get3A_1219 : vector<1x1x16xf32> to vector<16xf32>
        %mul3A_1221 = vector.broadcast %squeeze3A_968 : f32 to vector<16xf32>
        %mul3A_1222 = arith.mulf %get3A_1220, %mul3A_1221 : vector<16xf32>
        %add3A_1223 = arith.constant 32 : i32
        %add3A_1224 = arith.addi %add3A_1223, %scan3A_959 : i32
        %get3A_1225 = arith.constant 1 : i32
        %get3A_1226 = arith.index_cast %get3A_1225 : i32 to index
        %get3A_1227 = arith.index_cast %add3A_1224 : i32 to index
        %get3A_1228 = arith.constant 80 : index
        %get3A_1229 = tpu.vector_load %arg10[%get3A_1226, %get3A_1227, %get3A_1228] {strides = array<i32>} : memref<2x128x256xf32, #tpu.memory_space<vmem>>, vector<1x1x16xf32>,
        %get3A_1230 = vector.shape_cast %get3A_1229 : vector<1x1x16xf32> to vector<16xf32>
        %mul3A_1231 = vector.broadcast %squeeze3A_970 : f32 to vector<16xf32>
        %mul3A_1232 = arith.mulf %get3A_1230, %mul3A_1231 : vector<16xf32>
        %add3A_1233 = arith.addf %mul3A_1222, %mul3A_1232 : vector<16xf32>
        %add3A_1234 = arith.constant 64 : i32
        %add3A_1235 = arith.addi %add3A_1234, %scan3A_959 : i32
        %get3A_1236 = arith.constant 1 : i32
        %get3A_1237 = arith.index_cast %get3A_1236 : i32 to index
        %get3A_1238 = arith.index_cast %add3A_1235 : i32 to index
        %get3A_1239 = arith.constant 80 : index
        %get3A_1240 = tpu.vector_load %arg10[%get3A_1237, %get3A_1238, %get3A_1239] {strides = array<i32>} : memref<2x128x256xf32, #tpu.memory_space<vmem>>, vector<1x1x16xf32>,
        %get3A_1241 = vector.shape_cast %get3A_1240 : vector<1x1x16xf32> to vector<16xf32>
        %mul3A_1242 = vector.broadcast %squeeze3A_972 : f32 to vector<16xf32>
        %mul3A_1243 = arith.mulf %get3A_1241, %mul3A_1242 : vector<16xf32>
        %add3A_1244 = arith.addf %add3A_1233, %mul3A_1243 : vector<16xf32>
        %add3A_1245 = arith.constant 96 : i32
        %add3A_1246 = arith.addi %add3A_1245, %scan3A_959 : i32
        %get3A_1247 = arith.constant 1 : i32
        %get3A_1248 = arith.index_cast %get3A_1247 : i32 to index
        %get3A_1249 = arith.index_cast %add3A_1246 : i32 to index
        %get3A_1250 = arith.constant 80 : index
        %get3A_1251 = tpu.vector_load %arg10[%get3A_1248, %get3A_1249, %get3A_1250] {strides = array<i32>} : memref<2x128x256xf32, #tpu.memory_space<vmem>>, vector<1x1x16xf32>,
        %get3A_1252 = vector.shape_cast %get3A_1251 : vector<1x1x16xf32> to vector<16xf32>
        %mul3A_1253 = vector.broadcast %squeeze3A_974 : f32 to vector<16xf32>
        %mul3A_1254 = arith.mulf %get3A_1252, %mul3A_1253 : vector<16xf32>
        %add3A_1255 = arith.addf %add3A_1244, %mul3A_1254 : vector<16xf32>
        %swap3A_1256 = arith.constant 1 : i32
        %swap3A_1257 = arith.index_cast %swap3A_1256 : i32 to index
        %swap3A_1258 = arith.index_cast %scan3A_959 : i32 to index
        %swap3A_1259 = arith.constant 80 : index
        %swap3A_1260 = tpu.vector_load %arg11[%swap3A_1257, %swap3A_1258, %swap3A_1259] {strides = array<i32>} : memref<2x32x256xf32, #tpu.memory_space<vmem>>, vector<1x1x16xf32>,
        %swap3A_1261 = vector.shape_cast %swap3A_1260 : vector<1x1x16xf32> to vector<16xf32>
        %swap3A_1262 = vector.shape_cast %add3A_1255 : vector<16xf32> to vector<1x1x16xf32>
        tpu.vector_store %arg11[%swap3A_1257, %swap3A_1258, %swap3A_1259], %swap3A_1262 {strides = array<i32>} : memref<2x32x256xf32, #tpu.memory_space<vmem>>, vector<1x1x16xf32>,
        %get3A_1263 = arith.constant 1 : i32
        %get3A_1264 = arith.index_cast %get3A_1263 : i32 to index
        %get3A_1265 = arith.index_cast %scan3A_959 : i32 to index
        %get3A_1266 = arith.constant 96 : index
        %get3A_1267 = tpu.vector_load %arg10[%get3A_1264, %get3A_1265, %get3A_1266] {strides = array<i32>} : memref<2x128x256xf32, #tpu.memory_space<vmem>>, vector<1x1x16xf32>,
        %get3A_1268 = vector.shape_cast %get3A_1267 : vector<1x1x16xf32> to vector<16xf32>
        %mul3A_1269 = vector.broadcast %squeeze3A_968 : f32 to vector<16xf32>
        %mul3A_1270 = arith.mulf %get3A_1268, %mul3A_1269 : vector<16xf32>
        %add3A_1271 = arith.constant 32 : i32
        %add3A_1272 = arith.addi %add3A_1271, %scan3A_959 : i32
        %get3A_1273 = arith.constant 1 : i32
        %get3A_1274 = arith.index_cast %get3A_1273 : i32 to index
        %get3A_1275 = arith.index_cast %add3A_1272 : i32 to index
        %get3A_1276 = arith.constant 96 : index
        %get3A_1277 = tpu.vector_load %arg10[%get3A_1274, %get3A_1275, %get3A_1276] {strides = array<i32>} : memref<2x128x256xf32, #tpu.memory_space<vmem>>, vector<1x1x16xf32>,
        %get3A_1278 = vector.shape_cast %get3A_1277 : vector<1x1x16xf32> to vector<16xf32>
        %mul3A_1279 = vector.broadcast %squeeze3A_970 : f32 to vector<16xf32>
        %mul3A_1280 = arith.mulf %get3A_1278, %mul3A_1279 : vector<16xf32>
        %add3A_1281 = arith.addf %mul3A_1270, %mul3A_1280 : vector<16xf32>
        %add3A_1282 = arith.constant 64 : i32
        %add3A_1283 = arith.addi %add3A_1282, %scan3A_959 : i32
        %get3A_1284 = arith.constant 1 : i32
        %get3A_1285 = arith.index_cast %get3A_1284 : i32 to index
        %get3A_1286 = arith.index_cast %add3A_1283 : i32 to index
        %get3A_1287 = arith.constant 96 : index
        %get3A_1288 = tpu.vector_load %arg10[%get3A_1285, %get3A_1286, %get3A_1287] {strides = array<i32>} : memref<2x128x256xf32, #tpu.memory_space<vmem>>, vector<1x1x16xf32>,
        %get3A_1289 = vector.shape_cast %get3A_1288 : vector<1x1x16xf32> to vector<16xf32>
        %mul3A_1290 = vector.broadcast %squeeze3A_972 : f32 to vector<16xf32>
        %mul3A_1291 = arith.mulf %get3A_1289, %mul3A_1290 : vector<16xf32>
        %add3A_1292 = arith.addf %add3A_1281, %mul3A_1291 : vector<16xf32>
        %add3A_1293 = arith.constant 96 : i32
        %add3A_1294 = arith.addi %add3A_1293, %scan3A_959 : i32
        %get3A_1295 = arith.constant 1 : i32
        %get3A_1296 = arith.index_cast %get3A_1295 : i32 to index
        %get3A_1297 = arith.index_cast %add3A_1294 : i32 to index
        %get3A_1298 = arith.constant 96 : index
        %get3A_1299 = tpu.vector_load %arg10[%get3A_1296, %get3A_1297, %get3A_1298] {strides = array<i32>} : memref<2x128x256xf32, #tpu.memory_space<vmem>>, vector<1x1x16xf32>,
        %get3A_1300 = vector.shape_cast %get3A_1299 : vector<1x1x16xf32> to vector<16xf32>
        %mul3A_1301 = vector.broadcast %squeeze3A_974 : f32 to vector<16xf32>
        %mul3A_1302 = arith.mulf %get3A_1300, %mul3A_1301 : vector<16xf32>
        %add3A_1303 = arith.addf %add3A_1292, %mul3A_1302 : vector<16xf32>
        %swap3A_1304 = arith.constant 1 : i32
        %swap3A_1305 = arith.index_cast %swap3A_1304 : i32 to index
        %swap3A_1306 = arith.index_cast %scan3A_959 : i32 to index
        %swap3A_1307 = arith.constant 96 : index
        %swap3A_1308 = tpu.vector_load %arg11[%swap3A_1305, %swap3A_1306, %swap3A_1307] {strides = array<i32>} : memref<2x32x256xf32, #tpu.memory_space<vmem>>, vector<1x1x16xf32>,
        %swap3A_1309 = vector.shape_cast %swap3A_1308 : vector<1x1x16xf32> to vector<16xf32>
        %swap3A_1310 = vector.shape_cast %add3A_1303 : vector<16xf32> to vector<1x1x16xf32>
        tpu.vector_store %arg11[%swap3A_1305, %swap3A_1306, %swap3A_1307], %swap3A_1310 {strides = array<i32>} : memref<2x32x256xf32, #tpu.memory_space<vmem>>, vector<1x1x16xf32>,
        %get3A_1311 = arith.constant 1 : i32
        %get3A_1312 = arith.index_cast %get3A_1311 : i32 to index
        %get3A_1313 = arith.index_cast %scan3A_959 : i32 to index
        %get3A_1314 = arith.constant 112 : index
        %get3A_1315 = tpu.vector_load %arg10[%get3A_1312, %get3A_1313, %get3A_1314] {strides = array<i32>} : memref<2x128x256xf32, #tpu.memory_space<vmem>>, vector<1x1x16xf32>,
        %get3A_1316 = vector.shape_cast %get3A_1315 : vector<1x1x16xf32> to vector<16xf32>
        %mul3A_1317 = vector.broadcast %squeeze3A_968 : f32 to vector<16xf32>
        %mul3A_1318 = arith.mulf %get3A_1316, %mul3A_1317 : vector<16xf32>
        %add3A_1319 = arith.constant 32 : i32
        %add3A_1320 = arith.addi %add3A_1319, %scan3A_959 : i32
        %get3A_1321 = arith.constant 1 : i32
        %get3A_1322 = arith.index_cast %get3A_1321 : i32 to index
        %get3A_1323 = arith.index_cast %add3A_1320 : i32 to index
        %get3A_1324 = arith.constant 112 : index
        %get3A_1325 = tpu.vector_load %arg10[%get3A_1322, %get3A_1323, %get3A_1324] {strides = array<i32>} : memref<2x128x256xf32, #tpu.memory_space<vmem>>, vector<1x1x16xf32>,
        %get3A_1326 = vector.shape_cast %get3A_1325 : vector<1x1x16xf32> to vector<16xf32>
        %mul3A_1327 = vector.broadcast %squeeze3A_970 : f32 to vector<16xf32>
        %mul3A_1328 = arith.mulf %get3A_1326, %mul3A_1327 : vector<16xf32>
        %add3A_1329 = arith.addf %mul3A_1318, %mul3A_1328 : vector<16xf32>
        %add3A_1330 = arith.constant 64 : i32
        %add3A_1331 = arith.addi %add3A_1330, %scan3A_959 : i32
        %get3A_1332 = arith.constant 1 : i32
        %get3A_1333 = arith.index_cast %get3A_1332 : i32 to index
        %get3A_1334 = arith.index_cast %add3A_1331 : i32 to index
        %get3A_1335 = arith.constant 112 : index
        %get3A_1336 = tpu.vector_load %arg10[%get3A_1333, %get3A_1334, %get3A_1335] {strides = array<i32>} : memref<2x128x256xf32, #tpu.memory_space<vmem>>, vector<1x1x16xf32>,
        %get3A_1337 = vector.shape_cast %get3A_1336 : vector<1x1x16xf32> to vector<16xf32>
        %mul3A_1338 = vector.broadcast %squeeze3A_972 : f32 to vector<16xf32>
        %mul3A_1339 = arith.mulf %get3A_1337, %mul3A_1338 : vector<16xf32>
        %add3A_1340 = arith.addf %add3A_1329, %mul3A_1339 : vector<16xf32>
        %add3A_1341 = arith.constant 96 : i32
        %add3A_1342 = arith.addi %add3A_1341, %scan3A_959 : i32
        %get3A_1343 = arith.constant 1 : i32
        %get3A_1344 = arith.index_cast %get3A_1343 : i32 to index
        %get3A_1345 = arith.index_cast %add3A_1342 : i32 to index
        %get3A_1346 = arith.constant 112 : index
        %get3A_1347 = tpu.vector_load %arg10[%get3A_1344, %get3A_1345, %get3A_1346] {strides = array<i32>} : memref<2x128x256xf32, #tpu.memory_space<vmem>>, vector<1x1x16xf32>,
        %get3A_1348 = vector.shape_cast %get3A_1347 : vector<1x1x16xf32> to vector<16xf32>
        %mul3A_1349 = vector.broadcast %squeeze3A_974 : f32 to vector<16xf32>
        %mul3A_1350 = arith.mulf %get3A_1348, %mul3A_1349 : vector<16xf32>
        %add3A_1351 = arith.addf %add3A_1340, %mul3A_1350 : vector<16xf32>
        %swap3A_1352 = arith.constant 1 : i32
        %swap3A_1353 = arith.index_cast %swap3A_1352 : i32 to index
        %swap3A_1354 = arith.index_cast %scan3A_959 : i32 to index
        %swap3A_1355 = arith.constant 112 : index
        %swap3A_1356 = tpu.vector_load %arg11[%swap3A_1353, %swap3A_1354, %swap3A_1355] {strides = array<i32>} : memref<2x32x256xf32, #tpu.memory_space<vmem>>, vector<1x1x16xf32>,
        %swap3A_1357 = vector.shape_cast %swap3A_1356 : vector<1x1x16xf32> to vector<16xf32>
        %swap3A_1358 = vector.shape_cast %add3A_1351 : vector<16xf32> to vector<1x1x16xf32>
        tpu.vector_store %arg11[%swap3A_1353, %swap3A_1354, %swap3A_1355], %swap3A_1358 {strides = array<i32>} : memref<2x32x256xf32, #tpu.memory_space<vmem>>, vector<1x1x16xf32>,
        %get3A_1359 = arith.constant 1 : i32
        %get3A_1360 = arith.index_cast %get3A_1359 : i32 to index
        %get3A_1361 = arith.index_cast %scan3A_959 : i32 to index
        %get3A_1362 = arith.constant 128 : index
        %get3A_1363 = tpu.vector_load %arg10[%get3A_1360, %get3A_1361, %get3A_1362] {strides = array<i32>} : memref<2x128x256xf32, #tpu.memory_space<vmem>>, vector<1x1x16xf32>,
        %get3A_1364 = vector.shape_cast %get3A_1363 : vector<1x1x16xf32> to vector<16xf32>
        %mul3A_1365 = vector.broadcast %squeeze3A_968 : f32 to vector<16xf32>
        %mul3A_1366 = arith.mulf %get3A_1364, %mul3A_1365 : vector<16xf32>
        %add3A_1367 = arith.constant 32 : i32
        %add3A_1368 = arith.addi %add3A_1367, %scan3A_959 : i32
        %get3A_1369 = arith.constant 1 : i32
        %get3A_1370 = arith.index_cast %get3A_1369 : i32 to index
        %get3A_1371 = arith.index_cast %add3A_1368 : i32 to index
        %get3A_1372 = arith.constant 128 : index
        %get3A_1373 = tpu.vector_load %arg10[%get3A_1370, %get3A_1371, %get3A_1372] {strides = array<i32>} : memref<2x128x256xf32, #tpu.memory_space<vmem>>, vector<1x1x16xf32>,
        %get3A_1374 = vector.shape_cast %get3A_1373 : vector<1x1x16xf32> to vector<16xf32>
        %mul3A_1375 = vector.broadcast %squeeze3A_970 : f32 to vector<16xf32>
        %mul3A_1376 = arith.mulf %get3A_1374, %mul3A_1375 : vector<16xf32>
        %add3A_1377 = arith.addf %mul3A_1366, %mul3A_1376 : vector<16xf32>
        %add3A_1378 = arith.constant 64 : i32
        %add3A_1379 = arith.addi %add3A_1378, %scan3A_959 : i32
        %get3A_1380 = arith.constant 1 : i32
        %get3A_1381 = arith.index_cast %get3A_1380 : i32 to index
        %get3A_1382 = arith.index_cast %add3A_1379 : i32 to index
        %get3A_1383 = arith.constant 128 : index
        %get3A_1384 = tpu.vector_load %arg10[%get3A_1381, %get3A_1382, %get3A_1383] {strides = array<i32>} : memref<2x128x256xf32, #tpu.memory_space<vmem>>, vector<1x1x16xf32>,
        %get3A_1385 = vector.shape_cast %get3A_1384 : vector<1x1x16xf32> to vector<16xf32>
        %mul3A_1386 = vector.broadcast %squeeze3A_972 : f32 to vector<16xf32>
        %mul3A_1387 = arith.mulf %get3A_1385, %mul3A_1386 : vector<16xf32>
        %add3A_1388 = arith.addf %add3A_1377, %mul3A_1387 : vector<16xf32>
        %add3A_1389 = arith.constant 96 : i32
        %add3A_1390 = arith.addi %add3A_1389, %scan3A_959 : i32
        %get3A_1391 = arith.constant 1 : i32
        %get3A_1392 = arith.index_cast %get3A_1391 : i32 to index
        %get3A_1393 = arith.index_cast %add3A_1390 : i32 to index
        %get3A_1394 = arith.constant 128 : index
        %get3A_1395 = tpu.vector_load %arg10[%get3A_1392, %get3A_1393, %get3A_1394] {strides = array<i32>} : memref<2x128x256xf32, #tpu.memory_space<vmem>>, vector<1x1x16xf32>,
        %get3A_1396 = vector.shape_cast %get3A_1395 : vector<1x1x16xf32> to vector<16xf32>
        %mul3A_1397 = vector.broadcast %squeeze3A_974 : f32 to vector<16xf32>
        %mul3A_1398 = arith.mulf %get3A_1396, %mul3A_1397 : vector<16xf32>
        %add3A_1399 = arith.addf %add3A_1388, %mul3A_1398 : vector<16xf32>
        %swap3A_1400 = arith.constant 1 : i32
        %swap3A_1401 = arith.index_cast %swap3A_1400 : i32 to index
        %swap3A_1402 = arith.index_cast %scan3A_959 : i32 to index
        %swap3A_1403 = arith.constant 128 : index
        %swap3A_1404 = tpu.vector_load %arg11[%swap3A_1401, %swap3A_1402, %swap3A_1403] {strides = array<i32>} : memref<2x32x256xf32, #tpu.memory_space<vmem>>, vector<1x1x16xf32>,
        %swap3A_1405 = vector.shape_cast %swap3A_1404 : vector<1x1x16xf32> to vector<16xf32>
        %swap3A_1406 = vector.shape_cast %add3A_1399 : vector<16xf32> to vector<1x1x16xf32>
        tpu.vector_store %arg11[%swap3A_1401, %swap3A_1402, %swap3A_1403], %swap3A_1406 {strides = array<i32>} : memref<2x32x256xf32, #tpu.memory_space<vmem>>, vector<1x1x16xf32>,
        %get3A_1407 = arith.constant 1 : i32
        %get3A_1408 = arith.index_cast %get3A_1407 : i32 to index
        %get3A_1409 = arith.index_cast %scan3A_959 : i32 to index
        %get3A_1410 = arith.constant 144 : index
        %get3A_1411 = tpu.vector_load %arg10[%get3A_1408, %get3A_1409, %get3A_1410] {strides = array<i32>} : memref<2x128x256xf32, #tpu.memory_space<vmem>>, vector<1x1x16xf32>,
        %get3A_1412 = vector.shape_cast %get3A_1411 : vector<1x1x16xf32> to vector<16xf32>
        %mul3A_1413 = vector.broadcast %squeeze3A_968 : f32 to vector<16xf32>
        %mul3A_1414 = arith.mulf %get3A_1412, %mul3A_1413 : vector<16xf32>
        %add3A_1415 = arith.constant 32 : i32
        %add3A_1416 = arith.addi %add3A_1415, %scan3A_959 : i32
        %get3A_1417 = arith.constant 1 : i32
        %get3A_1418 = arith.index_cast %get3A_1417 : i32 to index
        %get3A_1419 = arith.index_cast %add3A_1416 : i32 to index
        %get3A_1420 = arith.constant 144 : index
        %get3A_1421 = tpu.vector_load %arg10[%get3A_1418, %get3A_1419, %get3A_1420] {strides = array<i32>} : memref<2x128x256xf32, #tpu.memory_space<vmem>>, vector<1x1x16xf32>,
        %get3A_1422 = vector.shape_cast %get3A_1421 : vector<1x1x16xf32> to vector<16xf32>
        %mul3A_1423 = vector.broadcast %squeeze3A_970 : f32 to vector<16xf32>
        %mul3A_1424 = arith.mulf %get3A_1422, %mul3A_1423 : vector<16xf32>
        %add3A_1425 = arith.addf %mul3A_1414, %mul3A_1424 : vector<16xf32>
        %add3A_1426 = arith.constant 64 : i32
        %add3A_1427 = arith.addi %add3A_1426, %scan3A_959 : i32
        %get3A_1428 = arith.constant 1 : i32
        %get3A_1429 = arith.index_cast %get3A_1428 : i32 to index
        %get3A_1430 = arith.index_cast %add3A_1427 : i32 to index
        %get3A_1431 = arith.constant 144 : index
        %get3A_1432 = tpu.vector_load %arg10[%get3A_1429, %get3A_1430, %get3A_1431] {strides = array<i32>} : memref<2x128x256xf32, #tpu.memory_space<vmem>>, vector<1x1x16xf32>,
        %get3A_1433 = vector.shape_cast %get3A_1432 : vector<1x1x16xf32> to vector<16xf32>
        %mul3A_1434 = vector.broadcast %squeeze3A_972 : f32 to vector<16xf32>
        %mul3A_1435 = arith.mulf %get3A_1433, %mul3A_1434 : vector<16xf32>
        %add3A_1436 = arith.addf %add3A_1425, %mul3A_1435 : vector<16xf32>
        %add3A_1437 = arith.constant 96 : i32
        %add3A_1438 = arith.addi %add3A_1437, %scan3A_959 : i32
        %get3A_1439 = arith.constant 1 : i32
        %get3A_1440 = arith.index_cast %get3A_1439 : i32 to index
        %get3A_1441 = arith.index_cast %add3A_1438 : i32 to index
        %get3A_1442 = arith.constant 144 : index
        %get3A_1443 = tpu.vector_load %arg10[%get3A_1440, %get3A_1441, %get3A_1442] {strides = array<i32>} : memref<2x128x256xf32, #tpu.memory_space<vmem>>, vector<1x1x16xf32>,
        %get3A_1444 = vector.shape_cast %get3A_1443 : vector<1x1x16xf32> to vector<16xf32>
        %mul3A_1445 = vector.broadcast %squeeze3A_974 : f32 to vector<16xf32>
        %mul3A_1446 = arith.mulf %get3A_1444, %mul3A_1445 : vector<16xf32>
        %add3A_1447 = arith.addf %add3A_1436, %mul3A_1446 : vector<16xf32>
        %swap3A_1448 = arith.constant 1 : i32
        %swap3A_1449 = arith.index_cast %swap3A_1448 : i32 to index
        %swap3A_1450 = arith.index_cast %scan3A_959 : i32 to index
        %swap3A_1451 = arith.constant 144 : index
        %swap3A_1452 = tpu.vector_load %arg11[%swap3A_1449, %swap3A_1450, %swap3A_1451] {strides = array<i32>} : memref<2x32x256xf32, #tpu.memory_space<vmem>>, vector<1x1x16xf32>,
        %swap3A_1453 = vector.shape_cast %swap3A_1452 : vector<1x1x16xf32> to vector<16xf32>
        %swap3A_1454 = vector.shape_cast %add3A_1447 : vector<16xf32> to vector<1x1x16xf32>
        tpu.vector_store %arg11[%swap3A_1449, %swap3A_1450, %swap3A_1451], %swap3A_1454 {strides = array<i32>} : memref<2x32x256xf32, #tpu.memory_space<vmem>>, vector<1x1x16xf32>,
        %get3A_1455 = arith.constant 1 : i32
        %get3A_1456 = arith.index_cast %get3A_1455 : i32 to index
        %get3A_1457 = arith.index_cast %scan3A_959 : i32 to index
        %get3A_1458 = arith.constant 160 : index
        %get3A_1459 = tpu.vector_load %arg10[%get3A_1456, %get3A_1457, %get3A_1458] {strides = array<i32>} : memref<2x128x256xf32, #tpu.memory_space<vmem>>, vector<1x1x16xf32>,
        %get3A_1460 = vector.shape_cast %get3A_1459 : vector<1x1x16xf32> to vector<16xf32>
        %mul3A_1461 = vector.broadcast %squeeze3A_968 : f32 to vector<16xf32>
        %mul3A_1462 = arith.mulf %get3A_1460, %mul3A_1461 : vector<16xf32>
        %add3A_1463 = arith.constant 32 : i32
        %add3A_1464 = arith.addi %add3A_1463, %scan3A_959 : i32
        %get3A_1465 = arith.constant 1 : i32
        %get3A_1466 = arith.index_cast %get3A_1465 : i32 to index
        %get3A_1467 = arith.index_cast %add3A_1464 : i32 to index
        %get3A_1468 = arith.constant 160 : index
        %get3A_1469 = tpu.vector_load %arg10[%get3A_1466, %get3A_1467, %get3A_1468] {strides = array<i32>} : memref<2x128x256xf32, #tpu.memory_space<vmem>>, vector<1x1x16xf32>,
        %get3A_1470 = vector.shape_cast %get3A_1469 : vector<1x1x16xf32> to vector<16xf32>
        %mul3A_1471 = vector.broadcast %squeeze3A_970 : f32 to vector<16xf32>
        %mul3A_1472 = arith.mulf %get3A_1470, %mul3A_1471 : vector<16xf32>
        %add3A_1473 = arith.addf %mul3A_1462, %mul3A_1472 : vector<16xf32>
        %add3A_1474 = arith.constant 64 : i32
        %add3A_1475 = arith.addi %add3A_1474, %scan3A_959 : i32
        %get3A_1476 = arith.constant 1 : i32
        %get3A_1477 = arith.index_cast %get3A_1476 : i32 to index
        %get3A_1478 = arith.index_cast %add3A_1475 : i32 to index
        %get3A_1479 = arith.constant 160 : index
        %get3A_1480 = tpu.vector_load %arg10[%get3A_1477, %get3A_1478, %get3A_1479] {strides = array<i32>} : memref<2x128x256xf32, #tpu.memory_space<vmem>>, vector<1x1x16xf32>,
        %get3A_1481 = vector.shape_cast %get3A_1480 : vector<1x1x16xf32> to vector<16xf32>
        %mul3A_1482 = vector.broadcast %squeeze3A_972 : f32 to vector<16xf32>
        %mul3A_1483 = arith.mulf %get3A_1481, %mul3A_1482 : vector<16xf32>
        %add3A_1484 = arith.addf %add3A_1473, %mul3A_1483 : vector<16xf32>
        %add3A_1485 = arith.constant 96 : i32
        %add3A_1486 = arith.addi %add3A_1485, %scan3A_959 : i32
        %get3A_1487 = arith.constant 1 : i32
        %get3A_1488 = arith.index_cast %get3A_1487 : i32 to index
        %get3A_1489 = arith.index_cast %add3A_1486 : i32 to index
        %get3A_1490 = arith.constant 160 : index
        %get3A_1491 = tpu.vector_load %arg10[%get3A_1488, %get3A_1489, %get3A_1490] {strides = array<i32>} : memref<2x128x256xf32, #tpu.memory_space<vmem>>, vector<1x1x16xf32>,
        %get3A_1492 = vector.shape_cast %get3A_1491 : vector<1x1x16xf32> to vector<16xf32>
        %mul3A_1493 = vector.broadcast %squeeze3A_974 : f32 to vector<16xf32>
        %mul3A_1494 = arith.mulf %get3A_1492, %mul3A_1493 : vector<16xf32>
        %add3A_1495 = arith.addf %add3A_1484, %mul3A_1494 : vector<16xf32>
        %swap3A_1496 = arith.constant 1 : i32
        %swap3A_1497 = arith.index_cast %swap3A_1496 : i32 to index
        %swap3A_1498 = arith.index_cast %scan3A_959 : i32 to index
        %swap3A_1499 = arith.constant 160 : index
        %swap3A_1500 = tpu.vector_load %arg11[%swap3A_1497, %swap3A_1498, %swap3A_1499] {strides = array<i32>} : memref<2x32x256xf32, #tpu.memory_space<vmem>>, vector<1x1x16xf32>,
        %swap3A_1501 = vector.shape_cast %swap3A_1500 : vector<1x1x16xf32> to vector<16xf32>
        %swap3A_1502 = vector.shape_cast %add3A_1495 : vector<16xf32> to vector<1x1x16xf32>
        tpu.vector_store %arg11[%swap3A_1497, %swap3A_1498, %swap3A_1499], %swap3A_1502 {strides = array<i32>} : memref<2x32x256xf32, #tpu.memory_space<vmem>>, vector<1x1x16xf32>,
        %get3A_1503 = arith.constant 1 : i32
        %get3A_1504 = arith.index_cast %get3A_1503 : i32 to index
        %get3A_1505 = arith.index_cast %scan3A_959 : i32 to index
        %get3A_1506 = arith.constant 176 : index
        %get3A_1507 = tpu.vector_load %arg10[%get3A_1504, %get3A_1505, %get3A_1506] {strides = array<i32>} : memref<2x128x256xf32, #tpu.memory_space<vmem>>, vector<1x1x16xf32>,
        %get3A_1508 = vector.shape_cast %get3A_1507 : vector<1x1x16xf32> to vector<16xf32>
        %mul3A_1509 = vector.broadcast %squeeze3A_968 : f32 to vector<16xf32>
        %mul3A_1510 = arith.mulf %get3A_1508, %mul3A_1509 : vector<16xf32>
        %add3A_1511 = arith.constant 32 : i32
        %add3A_1512 = arith.addi %add3A_1511, %scan3A_959 : i32
        %get3A_1513 = arith.constant 1 : i32
        %get3A_1514 = arith.index_cast %get3A_1513 : i32 to index
        %get3A_1515 = arith.index_cast %add3A_1512 : i32 to index
        %get3A_1516 = arith.constant 176 : index
        %get3A_1517 = tpu.vector_load %arg10[%get3A_1514, %get3A_1515, %get3A_1516] {strides = array<i32>} : memref<2x128x256xf32, #tpu.memory_space<vmem>>, vector<1x1x16xf32>,
        %get3A_1518 = vector.shape_cast %get3A_1517 : vector<1x1x16xf32> to vector<16xf32>
        %mul3A_1519 = vector.broadcast %squeeze3A_970 : f32 to vector<16xf32>
        %mul3A_1520 = arith.mulf %get3A_1518, %mul3A_1519 : vector<16xf32>
        %add3A_1521 = arith.addf %mul3A_1510, %mul3A_1520 : vector<16xf32>
        %add3A_1522 = arith.constant 64 : i32
        %add3A_1523 = arith.addi %add3A_1522, %scan3A_959 : i32
        %get3A_1524 = arith.constant 1 : i32
        %get3A_1525 = arith.index_cast %get3A_1524 : i32 to index
        %get3A_1526 = arith.index_cast %add3A_1523 : i32 to index
        %get3A_1527 = arith.constant 176 : index
        %get3A_1528 = tpu.vector_load %arg10[%get3A_1525, %get3A_1526, %get3A_1527] {strides = array<i32>} : memref<2x128x256xf32, #tpu.memory_space<vmem>>, vector<1x1x16xf32>,
        %get3A_1529 = vector.shape_cast %get3A_1528 : vector<1x1x16xf32> to vector<16xf32>
        %mul3A_1530 = vector.broadcast %squeeze3A_972 : f32 to vector<16xf32>
        %mul3A_1531 = arith.mulf %get3A_1529, %mul3A_1530 : vector<16xf32>
        %add3A_1532 = arith.addf %add3A_1521, %mul3A_1531 : vector<16xf32>
        %add3A_1533 = arith.constant 96 : i32
        %add3A_1534 = arith.addi %add3A_1533, %scan3A_959 : i32
        %get3A_1535 = arith.constant 1 : i32
        %get3A_1536 = arith.index_cast %get3A_1535 : i32 to index
        %get3A_1537 = arith.index_cast %add3A_1534 : i32 to index
        %get3A_1538 = arith.constant 176 : index
        %get3A_1539 = tpu.vector_load %arg10[%get3A_1536, %get3A_1537, %get3A_1538] {strides = array<i32>} : memref<2x128x256xf32, #tpu.memory_space<vmem>>, vector<1x1x16xf32>,
        %get3A_1540 = vector.shape_cast %get3A_1539 : vector<1x1x16xf32> to vector<16xf32>
        %mul3A_1541 = vector.broadcast %squeeze3A_974 : f32 to vector<16xf32>
        %mul3A_1542 = arith.mulf %get3A_1540, %mul3A_1541 : vector<16xf32>
        %add3A_1543 = arith.addf %add3A_1532, %mul3A_1542 : vector<16xf32>
        %swap3A_1544 = arith.constant 1 : i32
        %swap3A_1545 = arith.index_cast %swap3A_1544 : i32 to index
        %swap3A_1546 = arith.index_cast %scan3A_959 : i32 to index
        %swap3A_1547 = arith.constant 176 : index
        %swap3A_1548 = tpu.vector_load %arg11[%swap3A_1545, %swap3A_1546, %swap3A_1547] {strides = array<i32>} : memref<2x32x256xf32, #tpu.memory_space<vmem>>, vector<1x1x16xf32>,
        %swap3A_1549 = vector.shape_cast %swap3A_1548 : vector<1x1x16xf32> to vector<16xf32>
        %swap3A_1550 = vector.shape_cast %add3A_1543 : vector<16xf32> to vector<1x1x16xf32>
        tpu.vector_store %arg11[%swap3A_1545, %swap3A_1546, %swap3A_1547], %swap3A_1550 {strides = array<i32>} : memref<2x32x256xf32, #tpu.memory_space<vmem>>, vector<1x1x16xf32>,
        %get3A_1551 = arith.constant 1 : i32
        %get3A_1552 = arith.index_cast %get3A_1551 : i32 to index
        %get3A_1553 = arith.index_cast %scan3A_959 : i32 to index
        %get3A_1554 = arith.constant 192 : index
        %get3A_1555 = tpu.vector_load %arg10[%get3A_1552, %get3A_1553, %get3A_1554] {strides = array<i32>} : memref<2x128x256xf32, #tpu.memory_space<vmem>>, vector<1x1x16xf32>,
        %get3A_1556 = vector.shape_cast %get3A_1555 : vector<1x1x16xf32> to vector<16xf32>
        %mul3A_1557 = vector.broadcast %squeeze3A_968 : f32 to vector<16xf32>
        %mul3A_1558 = arith.mulf %get3A_1556, %mul3A_1557 : vector<16xf32>
        %add3A_1559 = arith.constant 32 : i32
        %add3A_1560 = arith.addi %add3A_1559, %scan3A_959 : i32
        %get3A_1561 = arith.constant 1 : i32
        %get3A_1562 = arith.index_cast %get3A_1561 : i32 to index
        %get3A_1563 = arith.index_cast %add3A_1560 : i32 to index
        %get3A_1564 = arith.constant 192 : index
        %get3A_1565 = tpu.vector_load %arg10[%get3A_1562, %get3A_1563, %get3A_1564] {strides = array<i32>} : memref<2x128x256xf32, #tpu.memory_space<vmem>>, vector<1x1x16xf32>,
        %get3A_1566 = vector.shape_cast %get3A_1565 : vector<1x1x16xf32> to vector<16xf32>
        %mul3A_1567 = vector.broadcast %squeeze3A_970 : f32 to vector<16xf32>
        %mul3A_1568 = arith.mulf %get3A_1566, %mul3A_1567 : vector<16xf32>
        %add3A_1569 = arith.addf %mul3A_1558, %mul3A_1568 : vector<16xf32>
        %add3A_1570 = arith.constant 64 : i32
        %add3A_1571 = arith.addi %add3A_1570, %scan3A_959 : i32
        %get3A_1572 = arith.constant 1 : i32
        %get3A_1573 = arith.index_cast %get3A_1572 : i32 to index
        %get3A_1574 = arith.index_cast %add3A_1571 : i32 to index
        %get3A_1575 = arith.constant 192 : index
        %get3A_1576 = tpu.vector_load %arg10[%get3A_1573, %get3A_1574, %get3A_1575] {strides = array<i32>} : memref<2x128x256xf32, #tpu.memory_space<vmem>>, vector<1x1x16xf32>,
        %get3A_1577 = vector.shape_cast %get3A_1576 : vector<1x1x16xf32> to vector<16xf32>
        %mul3A_1578 = vector.broadcast %squeeze3A_972 : f32 to vector<16xf32>
        %mul3A_1579 = arith.mulf %get3A_1577, %mul3A_1578 : vector<16xf32>
        %add3A_1580 = arith.addf %add3A_1569, %mul3A_1579 : vector<16xf32>
        %add3A_1581 = arith.constant 96 : i32
        %add3A_1582 = arith.addi %add3A_1581, %scan3A_959 : i32
        %get3A_1583 = arith.constant 1 : i32
        %get3A_1584 = arith.index_cast %get3A_1583 : i32 to index
        %get3A_1585 = arith.index_cast %add3A_1582 : i32 to index
        %get3A_1586 = arith.constant 192 : index
        %get3A_1587 = tpu.vector_load %arg10[%get3A_1584, %get3A_1585, %get3A_1586] {strides = array<i32>} : memref<2x128x256xf32, #tpu.memory_space<vmem>>, vector<1x1x16xf32>,
        %get3A_1588 = vector.shape_cast %get3A_1587 : vector<1x1x16xf32> to vector<16xf32>
        %mul3A_1589 = vector.broadcast %squeeze3A_974 : f32 to vector<16xf32>
        %mul3A_1590 = arith.mulf %get3A_1588, %mul3A_1589 : vector<16xf32>
        %add3A_1591 = arith.addf %add3A_1580, %mul3A_1590 : vector<16xf32>
        %swap3A_1592 = arith.constant 1 : i32
        %swap3A_1593 = arith.index_cast %swap3A_1592 : i32 to index
        %swap3A_1594 = arith.index_cast %scan3A_959 : i32 to index
        %swap3A_1595 = arith.constant 192 : index
        %swap3A_1596 = tpu.vector_load %arg11[%swap3A_1593, %swap3A_1594, %swap3A_1595] {strides = array<i32>} : memref<2x32x256xf32, #tpu.memory_space<vmem>>, vector<1x1x16xf32>,
        %swap3A_1597 = vector.shape_cast %swap3A_1596 : vector<1x1x16xf32> to vector<16xf32>
        %swap3A_1598 = vector.shape_cast %add3A_1591 : vector<16xf32> to vector<1x1x16xf32>
        tpu.vector_store %arg11[%swap3A_1593, %swap3A_1594, %swap3A_1595], %swap3A_1598 {strides = array<i32>} : memref<2x32x256xf32, #tpu.memory_space<vmem>>, vector<1x1x16xf32>,
        %get3A_1599 = arith.constant 1 : i32
        %get3A_1600 = arith.index_cast %get3A_1599 : i32 to index
        %get3A_1601 = arith.index_cast %scan3A_959 : i32 to index
        %get3A_1602 = arith.constant 208 : index
        %get3A_1603 = tpu.vector_load %arg10[%get3A_1600, %get3A_1601, %get3A_1602] {strides = array<i32>} : memref<2x128x256xf32, #tpu.memory_space<vmem>>, vector<1x1x16xf32>,
        %get3A_1604 = vector.shape_cast %get3A_1603 : vector<1x1x16xf32> to vector<16xf32>
        %mul3A_1605 = vector.broadcast %squeeze3A_968 : f32 to vector<16xf32>
        %mul3A_1606 = arith.mulf %get3A_1604, %mul3A_1605 : vector<16xf32>
        %add3A_1607 = arith.constant 32 : i32
        %add3A_1608 = arith.addi %add3A_1607, %scan3A_959 : i32
        %get3A_1609 = arith.constant 1 : i32
        %get3A_1610 = arith.index_cast %get3A_1609 : i32 to index
        %get3A_1611 = arith.index_cast %add3A_1608 : i32 to index
        %get3A_1612 = arith.constant 208 : index
        %get3A_1613 = tpu.vector_load %arg10[%get3A_1610, %get3A_1611, %get3A_1612] {strides = array<i32>} : memref<2x128x256xf32, #tpu.memory_space<vmem>>, vector<1x1x16xf32>,
        %get3A_1614 = vector.shape_cast %get3A_1613 : vector<1x1x16xf32> to vector<16xf32>
        %mul3A_1615 = vector.broadcast %squeeze3A_970 : f32 to vector<16xf32>
        %mul3A_1616 = arith.mulf %get3A_1614, %mul3A_1615 : vector<16xf32>
        %add3A_1617 = arith.addf %mul3A_1606, %mul3A_1616 : vector<16xf32>
        %add3A_1618 = arith.constant 64 : i32
        %add3A_1619 = arith.addi %add3A_1618, %scan3A_959 : i32
        %get3A_1620 = arith.constant 1 : i32
        %get3A_1621 = arith.index_cast %get3A_1620 : i32 to index
        %get3A_1622 = arith.index_cast %add3A_1619 : i32 to index
        %get3A_1623 = arith.constant 208 : index
        %get3A_1624 = tpu.vector_load %arg10[%get3A_1621, %get3A_1622, %get3A_1623] {strides = array<i32>} : memref<2x128x256xf32, #tpu.memory_space<vmem>>, vector<1x1x16xf32>,
        %get3A_1625 = vector.shape_cast %get3A_1624 : vector<1x1x16xf32> to vector<16xf32>
        %mul3A_1626 = vector.broadcast %squeeze3A_972 : f32 to vector<16xf32>
        %mul3A_1627 = arith.mulf %get3A_1625, %mul3A_1626 : vector<16xf32>
        %add3A_1628 = arith.addf %add3A_1617, %mul3A_1627 : vector<16xf32>
        %add3A_1629 = arith.constant 96 : i32
        %add3A_1630 = arith.addi %add3A_1629, %scan3A_959 : i32
        %get3A_1631 = arith.constant 1 : i32
        %get3A_1632 = arith.index_cast %get3A_1631 : i32 to index
        %get3A_1633 = arith.index_cast %add3A_1630 : i32 to index
        %get3A_1634 = arith.constant 208 : index
        %get3A_1635 = tpu.vector_load %arg10[%get3A_1632, %get3A_1633, %get3A_1634] {strides = array<i32>} : memref<2x128x256xf32, #tpu.memory_space<vmem>>, vector<1x1x16xf32>,
        %get3A_1636 = vector.shape_cast %get3A_1635 : vector<1x1x16xf32> to vector<16xf32>
        %mul3A_1637 = vector.broadcast %squeeze3A_974 : f32 to vector<16xf32>
        %mul3A_1638 = arith.mulf %get3A_1636, %mul3A_1637 : vector<16xf32>
        %add3A_1639 = arith.addf %add3A_1628, %mul3A_1638 : vector<16xf32>
        %swap3A_1640 = arith.constant 1 : i32
        %swap3A_1641 = arith.index_cast %swap3A_1640 : i32 to index
        %swap3A_1642 = arith.index_cast %scan3A_959 : i32 to index
        %swap3A_1643 = arith.constant 208 : index
        %swap3A_1644 = tpu.vector_load %arg11[%swap3A_1641, %swap3A_1642, %swap3A_1643] {strides = array<i32>} : memref<2x32x256xf32, #tpu.memory_space<vmem>>, vector<1x1x16xf32>,
        %swap3A_1645 = vector.shape_cast %swap3A_1644 : vector<1x1x16xf32> to vector<16xf32>
        %swap3A_1646 = vector.shape_cast %add3A_1639 : vector<16xf32> to vector<1x1x16xf32>
        tpu.vector_store %arg11[%swap3A_1641, %swap3A_1642, %swap3A_1643], %swap3A_1646 {strides = array<i32>} : memref<2x32x256xf32, #tpu.memory_space<vmem>>, vector<1x1x16xf32>,
        %get3A_1647 = arith.constant 1 : i32
        %get3A_1648 = arith.index_cast %get3A_1647 : i32 to index
        %get3A_1649 = arith.index_cast %scan3A_959 : i32 to index
        %get3A_1650 = arith.constant 224 : index
        %get3A_1651 = tpu.vector_load %arg10[%get3A_1648, %get3A_1649, %get3A_1650] {strides = array<i32>} : memref<2x128x256xf32, #tpu.memory_space<vmem>>, vector<1x1x16xf32>,
        %get3A_1652 = vector.shape_cast %get3A_1651 : vector<1x1x16xf32> to vector<16xf32>
        %mul3A_1653 = vector.broadcast %squeeze3A_968 : f32 to vector<16xf32>
        %mul3A_1654 = arith.mulf %get3A_1652, %mul3A_1653 : vector<16xf32>
        %add3A_1655 = arith.constant 32 : i32
        %add3A_1656 = arith.addi %add3A_1655, %scan3A_959 : i32
        %get3A_1657 = arith.constant 1 : i32
        %get3A_1658 = arith.index_cast %get3A_1657 : i32 to index
        %get3A_1659 = arith.index_cast %add3A_1656 : i32 to index
        %get3A_1660 = arith.constant 224 : index
        %get3A_1661 = tpu.vector_load %arg10[%get3A_1658, %get3A_1659, %get3A_1660] {strides = array<i32>} : memref<2x128x256xf32, #tpu.memory_space<vmem>>, vector<1x1x16xf32>,
        %get3A_1662 = vector.shape_cast %get3A_1661 : vector<1x1x16xf32> to vector<16xf32>
        %mul3A_1663 = vector.broadcast %squeeze3A_970 : f32 to vector<16xf32>
        %mul3A_1664 = arith.mulf %get3A_1662, %mul3A_1663 : vector<16xf32>
        %add3A_1665 = arith.addf %mul3A_1654, %mul3A_1664 : vector<16xf32>
        %add3A_1666 = arith.constant 64 : i32
        %add3A_1667 = arith.addi %add3A_1666, %scan3A_959 : i32
        %get3A_1668 = arith.constant 1 : i32
        %get3A_1669 = arith.index_cast %get3A_1668 : i32 to index
        %get3A_1670 = arith.index_cast %add3A_1667 : i32 to index
        %get3A_1671 = arith.constant 224 : index
        %get3A_1672 = tpu.vector_load %arg10[%get3A_1669, %get3A_1670, %get3A_1671] {strides = array<i32>} : memref<2x128x256xf32, #tpu.memory_space<vmem>>, vector<1x1x16xf32>,
        %get3A_1673 = vector.shape_cast %get3A_1672 : vector<1x1x16xf32> to vector<16xf32>
        %mul3A_1674 = vector.broadcast %squeeze3A_972 : f32 to vector<16xf32>
        %mul3A_1675 = arith.mulf %get3A_1673, %mul3A_1674 : vector<16xf32>
        %add3A_1676 = arith.addf %add3A_1665, %mul3A_1675 : vector<16xf32>
        %add3A_1677 = arith.constant 96 : i32
        %add3A_1678 = arith.addi %add3A_1677, %scan3A_959 : i32
        %get3A_1679 = arith.constant 1 : i32
        %get3A_1680 = arith.index_cast %get3A_1679 : i32 to index
        %get3A_1681 = arith.index_cast %add3A_1678 : i32 to index
        %get3A_1682 = arith.constant 224 : index
        %get3A_1683 = tpu.vector_load %arg10[%get3A_1680, %get3A_1681, %get3A_1682] {strides = array<i32>} : memref<2x128x256xf32, #tpu.memory_space<vmem>>, vector<1x1x16xf32>,
        %get3A_1684 = vector.shape_cast %get3A_1683 : vector<1x1x16xf32> to vector<16xf32>
        %mul3A_1685 = vector.broadcast %squeeze3A_974 : f32 to vector<16xf32>
        %mul3A_1686 = arith.mulf %get3A_1684, %mul3A_1685 : vector<16xf32>
        %add3A_1687 = arith.addf %add3A_1676, %mul3A_1686 : vector<16xf32>
        %swap3A_1688 = arith.constant 1 : i32
        %swap3A_1689 = arith.index_cast %swap3A_1688 : i32 to index
        %swap3A_1690 = arith.index_cast %scan3A_959 : i32 to index
        %swap3A_1691 = arith.constant 224 : index
        %swap3A_1692 = tpu.vector_load %arg11[%swap3A_1689, %swap3A_1690, %swap3A_1691] {strides = array<i32>} : memref<2x32x256xf32, #tpu.memory_space<vmem>>, vector<1x1x16xf32>,
        %swap3A_1693 = vector.shape_cast %swap3A_1692 : vector<1x1x16xf32> to vector<16xf32>
        %swap3A_1694 = vector.shape_cast %add3A_1687 : vector<16xf32> to vector<1x1x16xf32>
        tpu.vector_store %arg11[%swap3A_1689, %swap3A_1690, %swap3A_1691], %swap3A_1694 {strides = array<i32>} : memref<2x32x256xf32, #tpu.memory_space<vmem>>, vector<1x1x16xf32>,
        %get3A_1695 = arith.constant 1 : i32
        %get3A_1696 = arith.index_cast %get3A_1695 : i32 to index
        %get3A_1697 = arith.index_cast %scan3A_959 : i32 to index
        %get3A_1698 = arith.constant 240 : index
        %get3A_1699 = tpu.vector_load %arg10[%get3A_1696, %get3A_1697, %get3A_1698] {strides = array<i32>} : memref<2x128x256xf32, #tpu.memory_space<vmem>>, vector<1x1x16xf32>,
        %get3A_1700 = vector.shape_cast %get3A_1699 : vector<1x1x16xf32> to vector<16xf32>
        %mul3A_1701 = vector.broadcast %squeeze3A_968 : f32 to vector<16xf32>
        %mul3A_1702 = arith.mulf %get3A_1700, %mul3A_1701 : vector<16xf32>
        %add3A_1703 = arith.constant 32 : i32
        %add3A_1704 = arith.addi %add3A_1703, %scan3A_959 : i32
        %get3A_1705 = arith.constant 1 : i32
        %get3A_1706 = arith.index_cast %get3A_1705 : i32 to index
        %get3A_1707 = arith.index_cast %add3A_1704 : i32 to index
        %get3A_1708 = arith.constant 240 : index
        %get3A_1709 = tpu.vector_load %arg10[%get3A_1706, %get3A_1707, %get3A_1708] {strides = array<i32>} : memref<2x128x256xf32, #tpu.memory_space<vmem>>, vector<1x1x16xf32>,
        %get3A_1710 = vector.shape_cast %get3A_1709 : vector<1x1x16xf32> to vector<16xf32>
        %mul3A_1711 = vector.broadcast %squeeze3A_970 : f32 to vector<16xf32>
        %mul3A_1712 = arith.mulf %get3A_1710, %mul3A_1711 : vector<16xf32>
        %add3A_1713 = arith.addf %mul3A_1702, %mul3A_1712 : vector<16xf32>
        %add3A_1714 = arith.constant 64 : i32
        %add3A_1715 = arith.addi %add3A_1714, %scan3A_959 : i32
        %get3A_1716 = arith.constant 1 : i32
        %get3A_1717 = arith.index_cast %get3A_1716 : i32 to index
        %get3A_1718 = arith.index_cast %add3A_1715 : i32 to index
        %get3A_1719 = arith.constant 240 : index
        %get3A_1720 = tpu.vector_load %arg10[%get3A_1717, %get3A_1718, %get3A_1719] {strides = array<i32>} : memref<2x128x256xf32, #tpu.memory_space<vmem>>, vector<1x1x16xf32>,
        %get3A_1721 = vector.shape_cast %get3A_1720 : vector<1x1x16xf32> to vector<16xf32>
        %mul3A_1722 = vector.broadcast %squeeze3A_972 : f32 to vector<16xf32>
        %mul3A_1723 = arith.mulf %get3A_1721, %mul3A_1722 : vector<16xf32>
        %add3A_1724 = arith.addf %add3A_1713, %mul3A_1723 : vector<16xf32>
        %add3A_1725 = arith.constant 96 : i32
        %add3A_1726 = arith.addi %add3A_1725, %scan3A_959 : i32
        %get3A_1727 = arith.constant 1 : i32
        %get3A_1728 = arith.index_cast %get3A_1727 : i32 to index
        %get3A_1729 = arith.index_cast %add3A_1726 : i32 to index
        %get3A_1730 = arith.constant 240 : index
        %get3A_1731 = tpu.vector_load %arg10[%get3A_1728, %get3A_1729, %get3A_1730] {strides = array<i32>} : memref<2x128x256xf32, #tpu.memory_space<vmem>>, vector<1x1x16xf32>,
        %get3A_1732 = vector.shape_cast %get3A_1731 : vector<1x1x16xf32> to vector<16xf32>
        %mul3A_1733 = vector.broadcast %squeeze3A_974 : f32 to vector<16xf32>
        %mul3A_1734 = arith.mulf %get3A_1732, %mul3A_1733 : vector<16xf32>
        %add3A_1735 = arith.addf %add3A_1724, %mul3A_1734 : vector<16xf32>
        %swap3A_1736 = arith.constant 1 : i32
        %swap3A_1737 = arith.index_cast %swap3A_1736 : i32 to index
        %swap3A_1738 = arith.index_cast %scan3A_959 : i32 to index
        %swap3A_1739 = arith.constant 240 : index
        %swap3A_1740 = tpu.vector_load %arg11[%swap3A_1737, %swap3A_1738, %swap3A_1739] {strides = array<i32>} : memref<2x32x256xf32, #tpu.memory_space<vmem>>, vector<1x1x16xf32>,
        %swap3A_1741 = vector.shape_cast %swap3A_1740 : vector<1x1x16xf32> to vector<16xf32>
        %swap3A_1742 = vector.shape_cast %add3A_1735 : vector<16xf32> to vector<1x1x16xf32>
        tpu.vector_store %arg11[%swap3A_1737, %swap3A_1738, %swap3A_1739], %swap3A_1742 {strides = array<i32>} : memref<2x32x256xf32, #tpu.memory_space<vmem>>, vector<1x1x16xf32>,
      }
      %scan3A_166 = arith.constant 32 : i32
      %dma_start3A_167 = arith.constant 1 : i32
      %dma_start3A_168 = arith.constant 0 : i32
      %dma_start3A_169 = arith.constant 0 : i32
      %dma_start3A_170 = tpu.memref_slice %arg11[%dma_start3A_167, %dma_start3A_168, %dma_start3A_169] : memref<2x32x256xf32, #tpu.memory_space<vmem>> -> memref<1x32x256xf32, #tpu.memory_space<vmem>>
      %dma_start3A_171 = tpu.memref_squeeze %dma_start3A_170 : memref<1x32x256xf32, #tpu.memory_space<vmem>> -> memref<32x256xf32, #tpu.memory_space<vmem>>
      %dma_start3A_172 = arith.constant 0 : i32
      %dma_start3A_173 = tpu.memref_slice %arg8[%add3A_58, %dma_start3A_172] : memref<98x32xi32, #tpu.memory_space<vmem>> -> memref<1x32xi32, #tpu.memory_space<vmem>>
      %dma_start3A_174 = tpu.memref_squeeze %dma_start3A_173 : memref<1x32xi32, #tpu.memory_space<vmem>> -> memref<32xi32, #tpu.memory_space<vmem>>
      %dma_start3A_175 = arith.constant 0 : i32
      %dma_start3A_176 = arith.constant 0 : i32
      %dma_start3A_177 = tpu.memref_slice %arg6[%dma_start3A_175, %dma_start3A_176] : memref<98000x256xf32, #tpu.memory_space<hbm>> -> memref<98000x256xf32, #tpu.memory_space<hbm>>
      tpu.enqueue_indirect_dma source(%dma_start3A_171 : memref<32x256xf32, #tpu.memory_space<vmem>>) target(%dma_start3A_177 : memref<98000x256xf32, #tpu.memory_space<hbm>>) offsets(%dma_start3A_174 : memref<32xi32, #tpu.memory_space<vmem>>) semaphore(%arg17 : memref<!tpu.dma_semaphore, #tpu.memory_space<semaphore_mem>>)
    }
    %scan3A_30 = arith.constant 49 : i32
    %dma_wait3A = arith.constant 0 : i32
    %dma_wait3A_31 = arith.constant 96 : i32
    %dma_wait3A_32 = arith.constant 0 : i32
    %dma_wait3A_33 = arith.constant 0 : i32
    %dma_wait3A_34 = tpu.memref_slice %arg11[%dma_wait3A, %dma_wait3A_32, %dma_wait3A_33] : memref<2x32x256xf32, #tpu.memory_space<vmem>> -> memref<1x32x256xf32, #tpu.memory_space<vmem>>
    %dma_wait3A_35 = tpu.memref_squeeze %dma_wait3A_34 : memref<1x32x256xf32, #tpu.memory_space<vmem>> -> memref<32x256xf32, #tpu.memory_space<vmem>>
    %dma_wait3A_36 = arith.constant 0 : i32
    %dma_wait3A_37 = tpu.memref_slice %arg8[%dma_wait3A_31, %dma_wait3A_36] : memref<98x32xi32, #tpu.memory_space<vmem>> -> memref<1x32xi32, #tpu.memory_space<vmem>>
    %dma_wait3A_38 = tpu.memref_squeeze %dma_wait3A_37 : memref<1x32xi32, #tpu.memory_space<vmem>> -> memref<32xi32, #tpu.memory_space<vmem>>
    %dma_wait3A_39 = arith.constant 0 : i32
    %dma_wait3A_40 = arith.constant 0 : i32
    %dma_wait3A_41 = tpu.memref_slice %arg6[%dma_wait3A_39, %dma_wait3A_40] : memref<98000x256xf32, #tpu.memory_space<hbm>> -> memref<98000x256xf32, #tpu.memory_space<hbm>>
    tpu.wait_indirect_dma semaphore(%arg16 : memref<!tpu.dma_semaphore, #tpu.memory_space<semaphore_mem>>) src(%dma_wait3A_35 : memref<32x256xf32, #tpu.memory_space<vmem>>) dst(%dma_wait3A_41 : memref<98000x256xf32, #tpu.memory_space<hbm>>)
    %dma_wait3A_42 = arith.constant 1 : i32
    %dma_wait3A_43 = arith.constant 97 : i32
    %dma_wait3A_44 = arith.constant 0 : i32
    %dma_wait3A_45 = arith.constant 0 : i32
    %dma_wait3A_46 = tpu.memref_slice %arg11[%dma_wait3A_42, %dma_wait3A_44, %dma_wait3A_45] : memref<2x32x256xf32, #tpu.memory_space<vmem>> -> memref<1x32x256xf32, #tpu.memory_space<vmem>>
    %dma_wait3A_47 = tpu.memref_squeeze %dma_wait3A_46 : memref<1x32x256xf32, #tpu.memory_space<vmem>> -> memref<32x256xf32, #tpu.memory_space<vmem>>
    %dma_wait3A_48 = arith.constant 0 : i32
    %dma_wait3A_49 = tpu.memref_slice %arg8[%dma_wait3A_43, %dma_wait3A_48] : memref<98x32xi32, #tpu.memory_space<vmem>> -> memref<1x32xi32, #tpu.memory_space<vmem>>
    %dma_wait3A_50 = tpu.memref_squeeze %dma_wait3A_49 : memref<1x32xi32, #tpu.memory_space<vmem>> -> memref<32xi32, #tpu.memory_space<vmem>>
    %dma_wait3A_51 = arith.constant 0 : i32
    %dma_wait3A_52 = arith.constant 0 : i32
    %dma_wait3A_53 = tpu.memref_slice %arg6[%dma_wait3A_51, %dma_wait3A_52] : memref<98000x256xf32, #tpu.memory_space<hbm>> -> memref<98000x256xf32, #tpu.memory_space<hbm>>
    tpu.wait_indirect_dma semaphore(%arg17 : memref<!tpu.dma_semaphore, #tpu.memory_space<semaphore_mem>>) src(%dma_wait3A_47 : memref<32x256xf32, #tpu.memory_space<vmem>>) dst(%dma_wait3A_53 : memref<98000x256xf32, #tpu.memory_space<hbm>>)
    return
  }
}

module attributes {stable_mosaic.version = 14 : i64} {
  func.func @_tc_body(%arg0: memref<2048x4xf32, #tpu.memory_space<vmem>>, %arg1: memref<2048x49xi32, #tpu.memory_space<vmem>>, %arg2: memref<2048x49xi32, #tpu.memory_space<vmem>>, %arg3: memref<2048x49xi32, #tpu.memory_space<vmem>>, %arg4: memref<2048x49xi32, #tpu.memory_space<vmem>>, %arg5: memref<2048x49xf32, #tpu.memory_space<vmem>>, %arg6: memref<2048x49xf32, #tpu.memory_space<vmem>>, %arg7: memref<2048x49xf32, #tpu.memory_space<vmem>>, %arg8: memref<2048x49xf32, #tpu.memory_space<vmem>>) attributes {dimension_semantics = [], scalar_prefetch = 0 : i64, scratch_operands = 0 : i64, tpu.core_type = #tpu.core_type<tc>} {
    %get3A = arith.constant 0 : index
    %get3A_0 = arith.constant 0 : index
    %get3A_1 = vector.load %arg0[%get3A, %get3A_0] : memref<2048x4xf32, #tpu.memory_space<vmem>>, vector<2048x4xf32>
    %slice3A = vector.extract_strided_slice %get3A_1 {offsets = [0, 0], sizes = [2048, 1], strides = [1, 1]} : vector<2048x4xf32> to vector<2048x1xf32>
    %slice3A_2 = vector.extract_strided_slice %get3A_1 {offsets = [0, 1], sizes = [2048, 1], strides = [1, 1]} : vector<2048x4xf32> to vector<2048x1xf32>
    %slice3A_3 = vector.extract_strided_slice %get3A_1 {offsets = [0, 2], sizes = [2048, 1], strides = [1, 1]} : vector<2048x4xf32> to vector<2048x1xf32>
    %slice3A_4 = vector.extract_strided_slice %get3A_1 {offsets = [0, 3], sizes = [2048, 1], strides = [1, 1]} : vector<2048x4xf32> to vector<2048x1xf32>
    %iota3A = tpu.iota {dimensions = array<i32: 0>} : vector<2048x1xi32>
    %ge3A = arith.constant 1000 : i32
    %ge3A_5 = vector.broadcast %ge3A : i32 to vector<2048x1xi32>
    %ge3A_6 = arith.cmpi sge, %iota3A, %ge3A_5 : vector<2048x1xi32>
    %convert_element_type3A = arith.extui %ge3A_6 : vector<2048x1xi1> to vector<2048x1xi32>
    %sub3A = arith.subf %slice3A_4, %slice3A_2 : vector<2048x1xf32>
    %sub3A_7 = arith.subf %slice3A_3, %slice3A : vector<2048x1xf32>
    %mul3A = arith.mulf %sub3A, %sub3A_7 : vector<2048x1xf32>
    %max3A = arith.constant 9.99999996E-13 : f32
    %max3A_8 = vector.broadcast %max3A : f32 to vector<2048x1xf32>
    %max3A_9 = arith.maximumf %mul3A, %max3A_8 : vector<2048x1xf32>
    %sqrt3A = math.sqrt %max3A_9 : vector<2048x1xf32>
    %mul3A_10 = arith.constant 0.00446428591 : f32
    %mul3A_11 = vector.broadcast %mul3A_10 : f32 to vector<2048x1xf32>
    %mul3A_12 = arith.mulf %sqrt3A, %mul3A_11 : vector<2048x1xf32>
    %log3A = math.log %mul3A_12 : vector<2048x1xf32>
    %mul3A_13 = arith.constant 1.44269502 : f32
    %mul3A_14 = vector.broadcast %mul3A_13 : f32 to vector<2048x1xf32>
    %mul3A_15 = arith.mulf %log3A, %mul3A_14 : vector<2048x1xf32>
    %add3A = arith.constant 4.000000e+00 : f32
    %add3A_16 = vector.broadcast %add3A : f32 to vector<2048x1xf32>
    %add3A_17 = arith.addf %mul3A_15, %add3A_16 : vector<2048x1xf32>
    %round3A = math.roundeven %add3A_17 : vector<2048x1xf32>
    %convert_element_type3A_18 = arith.fptosi %round3A : vector<2048x1xf32> to vector<2048x1xi32>
    %jit3A = arith.constant 2 : i32
    %jit3A_19 = arith.constant 5 : i32
    %max3A_20 = vector.broadcast %jit3A : i32 to vector<2048x1xi32>
    %max3A_21 = arith.maxsi %max3A_20, %convert_element_type3A_18 : vector<2048x1xi32>
    %min3A = vector.broadcast %jit3A_19 : i32 to vector<2048x1xi32>
    %min3A_22 = arith.minsi %min3A, %max3A_21 : vector<2048x1xi32>
    %sub3A_23 = arith.constant 2 : i32
    %sub3A_24 = vector.broadcast %sub3A_23 : i32 to vector<2048x1xi32>
    %sub3A_25 = arith.subi %min3A_22, %sub3A_24 : vector<2048x1xi32>
    %eq3A = arith.constant 0 : i32
    %eq3A_26 = vector.broadcast %eq3A : i32 to vector<2048x1xi32>
    %eq3A_27 = arith.cmpi eq, %sub3A_25, %eq3A_26 : vector<2048x1xi32>
    %eq3A_28 = arith.constant 1 : i32
    %eq3A_29 = vector.broadcast %eq3A_28 : i32 to vector<2048x1xi32>
    %eq3A_30 = arith.cmpi eq, %sub3A_25, %eq3A_29 : vector<2048x1xi32>
    %eq3A_31 = arith.constant 2 : i32
    %eq3A_32 = vector.broadcast %eq3A_31 : i32 to vector<2048x1xi32>
    %eq3A_33 = arith.cmpi eq, %sub3A_25, %eq3A_32 : vector<2048x1xi32>
    %jit3A_34 = arith.constant 1.600000e+01 : f32
    %jit3A_35 = arith.constant 3.200000e+01 : f32
    %broadcast_in_dim3A = vector.broadcast %jit3A_34 : f32 to vector<2048x1xf32>
    %broadcast_in_dim3A_36 = vector.broadcast %jit3A_35 : f32 to vector<2048x1xf32>
    %select_n3A = arith.select %eq3A_33, %broadcast_in_dim3A, %broadcast_in_dim3A_36 : vector<2048x1xi1>, vector<2048x1xf32>
    %jit3A_37 = arith.constant 8.000000e+00 : f32
    %broadcast_in_dim3A_38 = vector.broadcast %jit3A_37 : f32 to vector<2048x1xf32>
    %select_n3A_39 = arith.select %eq3A_30, %broadcast_in_dim3A_38, %select_n3A : vector<2048x1xi1>, vector<2048x1xf32>
    %jit3A_40 = arith.constant 4.000000e+00 : f32
    %broadcast_in_dim3A_41 = vector.broadcast %jit3A_40 : f32 to vector<2048x1xf32>
    %select_n3A_42 = arith.select %eq3A_27, %broadcast_in_dim3A_41, %select_n3A_39 : vector<2048x1xi1>, vector<2048x1xf32>
    %div3A = arith.divf %slice3A, %select_n3A_42 : vector<2048x1xf32>
    %div3A_43 = arith.divf %slice3A_2, %select_n3A_42 : vector<2048x1xf32>
    %div3A_44 = arith.divf %slice3A_3, %select_n3A_42 : vector<2048x1xf32>
    %div3A_45 = arith.divf %slice3A_4, %select_n3A_42 : vector<2048x1xf32>
    %iota3A_46 = tpu.iota {dimensions = array<i32: 1>} : vector<1x49xi32>
    %convert_element_type3A_47 = arith.sitofp %iota3A_46 : vector<1x49xi32> to vector<1x49xf32>
    %div3A_48 = arith.constant 7.000000e+00 : f32
    %div3A_49 = vector.broadcast %div3A_48 : f32 to vector<1x49xf32>
    %div3A_50 = arith.divf %convert_element_type3A_47, %div3A_49 : vector<1x49xf32>
    %floor3A = math.floor %div3A_50 : vector<1x49xf32>
    %mul3A_51 = arith.constant 7.000000e+00 : f32
    %mul3A_52 = vector.broadcast %mul3A_51 : f32 to vector<1x49xf32>
    %mul3A_53 = arith.mulf %mul3A_52, %floor3A : vector<1x49xf32>
    %sub3A_54 = arith.subf %convert_element_type3A_47, %mul3A_53 : vector<1x49xf32>
    %mul3A_55 = arith.constant 7.812500e-03 : f32
    %mul3A_56 = vector.broadcast %mul3A_55 : f32 to vector<2048x1xf32>
    %mul3A_57 = arith.mulf %div3A_45, %mul3A_56 : vector<2048x1xf32>
    %mul3A_58 = arith.constant 7.812500e-03 : f32
    %mul3A_59 = vector.broadcast %mul3A_58 : f32 to vector<2048x1xf32>
    %mul3A_60 = arith.mulf %div3A_43, %mul3A_59 : vector<2048x1xf32>
    %sub3A_61 = arith.subf %mul3A_57, %mul3A_60 : vector<2048x1xf32>
    %mul3A_62 = arith.constant 21.1666679 : f32
    %mul3A_63 = vector.broadcast %mul3A_62 : f32 to vector<2048x1xf32>
    %mul3A_64 = arith.mulf %sub3A_61, %mul3A_63 : vector<2048x1xf32>
    %mul3A_65 = arith.constant 7.812500e-03 : f32
    %mul3A_66 = vector.broadcast %mul3A_65 : f32 to vector<2048x1xf32>
    %mul3A_67 = arith.mulf %div3A_44, %mul3A_66 : vector<2048x1xf32>
    %mul3A_68 = arith.constant 7.812500e-03 : f32
    %mul3A_69 = vector.broadcast %mul3A_68 : f32 to vector<2048x1xf32>
    %mul3A_70 = arith.mulf %div3A, %mul3A_69 : vector<2048x1xf32>
    %sub3A_71 = arith.subf %mul3A_67, %mul3A_70 : vector<2048x1xf32>
    %mul3A_72 = arith.constant 21.1666679 : f32
    %mul3A_73 = vector.broadcast %mul3A_72 : f32 to vector<2048x1xf32>
    %mul3A_74 = arith.mulf %sub3A_71, %mul3A_73 : vector<2048x1xf32>
    %mul3A_75 = arith.constant 0.9921875 : f32
    %mul3A_76 = vector.broadcast %mul3A_75 : f32 to vector<2048x1xf32>
    %mul3A_77 = arith.mulf %div3A_43, %mul3A_76 : vector<2048x1xf32>
    %mul3A_78 = vector.broadcast %floor3A : vector<1x49xf32> to vector<2048x49xf32>
    %mul3A_79 = vector.broadcast %mul3A_64 : vector<2048x1xf32> to vector<2048x49xf32>
    %mul3A_80 = arith.mulf %mul3A_78, %mul3A_79 : vector<2048x49xf32>
    %add3A_81 = vector.broadcast %mul3A_77 : vector<2048x1xf32> to vector<2048x49xf32>
    %add3A_82 = arith.addf %add3A_81, %mul3A_80 : vector<2048x49xf32>
    %mul3A_83 = arith.constant 0.9921875 : f32
    %mul3A_84 = vector.broadcast %mul3A_83 : f32 to vector<2048x1xf32>
    %mul3A_85 = arith.mulf %div3A, %mul3A_84 : vector<2048x1xf32>
    %mul3A_86 = vector.broadcast %sub3A_54 : vector<1x49xf32> to vector<2048x49xf32>
    %mul3A_87 = vector.broadcast %mul3A_74 : vector<2048x1xf32> to vector<2048x49xf32>
    %mul3A_88 = arith.mulf %mul3A_86, %mul3A_87 : vector<2048x49xf32>
    %add3A_89 = vector.broadcast %mul3A_85 : vector<2048x1xf32> to vector<2048x49xf32>
    %add3A_90 = arith.addf %add3A_89, %mul3A_88 : vector<2048x49xf32>
    %ge3A_91 = arith.constant 0.000000e+00 : f32
    %ge3A_92 = vector.broadcast %ge3A_91 : f32 to vector<2048x49xf32>
    %ge3A_93 = arith.cmpf oge, %add3A_82, %ge3A_92 : vector<2048x49xf32>
    %le3A = arith.constant 1.270000e+02 : f32
    %le3A_94 = vector.broadcast %le3A : f32 to vector<2048x49xf32>
    %le3A_95 = arith.cmpf ole, %add3A_82, %le3A_94 : vector<2048x49xf32>
    %and3A = arith.andi %ge3A_93, %le3A_95 : vector<2048x49xi1>
    %ge3A_96 = arith.constant 0.000000e+00 : f32
    %ge3A_97 = vector.broadcast %ge3A_96 : f32 to vector<2048x49xf32>
    %ge3A_98 = arith.cmpf oge, %add3A_90, %ge3A_97 : vector<2048x49xf32>
    %and3A_99 = arith.andi %and3A, %ge3A_98 : vector<2048x49xi1>
    %le3A_100 = arith.constant 1.270000e+02 : f32
    %le3A_101 = vector.broadcast %le3A_100 : f32 to vector<2048x49xf32>
    %le3A_102 = arith.cmpf ole, %add3A_90, %le3A_101 : vector<2048x49xf32>
    %and3A_103 = arith.andi %and3A_99, %le3A_102 : vector<2048x49xi1>
    %convert_element_type3A_104 = arith.extui %and3A_103 : vector<2048x49xi1> to vector<2048x49xi32>
    %convert_element_type3A_105 = arith.sitofp %convert_element_type3A_104 : vector<2048x49xi32> to vector<2048x49xf32>
    %floor3A_106 = math.floor %add3A_82 : vector<2048x49xf32>
    %floor3A_107 = math.floor %add3A_90 : vector<2048x49xf32>
    %sub3A_108 = arith.subf %add3A_82, %floor3A_106 : vector<2048x49xf32>
    %sub3A_109 = arith.subf %add3A_90, %floor3A_107 : vector<2048x49xf32>
    %convert_element_type3A_110 = arith.fptosi %floor3A_106 : vector<2048x49xf32> to vector<2048x49xi32>
    %jit3A_111 = arith.constant 0 : i32
    %jit3A_112 = arith.constant 127 : i32
    %max3A_113 = vector.broadcast %jit3A_111 : i32 to vector<2048x49xi32>
    %max3A_114 = arith.maxsi %max3A_113, %convert_element_type3A_110 : vector<2048x49xi32>
    %min3A_115 = vector.broadcast %jit3A_112 : i32 to vector<2048x49xi32>
    %min3A_116 = arith.minsi %min3A_115, %max3A_114 : vector<2048x49xi32>
    %convert_element_type3A_117 = arith.fptosi %floor3A_107 : vector<2048x49xf32> to vector<2048x49xi32>
    %jit3A_118 = arith.constant 0 : i32
    %jit3A_119 = arith.constant 127 : i32
    %max3A_120 = vector.broadcast %jit3A_118 : i32 to vector<2048x49xi32>
    %max3A_121 = arith.maxsi %max3A_120, %convert_element_type3A_117 : vector<2048x49xi32>
    %min3A_122 = vector.broadcast %jit3A_119 : i32 to vector<2048x49xi32>
    %min3A_123 = arith.minsi %min3A_122, %max3A_121 : vector<2048x49xi32>
    %add3A_124 = arith.constant 1 : i32
    %add3A_125 = vector.broadcast %add3A_124 : i32 to vector<2048x49xi32>
    %add3A_126 = arith.addi %min3A_116, %add3A_125 : vector<2048x49xi32>
    %jit3A_127 = arith.constant 0 : i32
    %jit3A_128 = arith.constant 127 : i32
    %max3A_129 = vector.broadcast %jit3A_127 : i32 to vector<2048x49xi32>
    %max3A_130 = arith.maxsi %max3A_129, %add3A_126 : vector<2048x49xi32>
    %min3A_131 = vector.broadcast %jit3A_128 : i32 to vector<2048x49xi32>
    %min3A_132 = arith.minsi %min3A_131, %max3A_130 : vector<2048x49xi32>
    %add3A_133 = arith.constant 1 : i32
    %add3A_134 = vector.broadcast %add3A_133 : i32 to vector<2048x49xi32>
    %add3A_135 = arith.addi %min3A_123, %add3A_134 : vector<2048x49xi32>
    %jit3A_136 = arith.constant 0 : i32
    %jit3A_137 = arith.constant 127 : i32
    %max3A_138 = vector.broadcast %jit3A_136 : i32 to vector<2048x49xi32>
    %max3A_139 = arith.maxsi %max3A_138, %add3A_135 : vector<2048x49xi32>
    %min3A_140 = vector.broadcast %jit3A_137 : i32 to vector<2048x49xi32>
    %min3A_141 = arith.minsi %min3A_140, %max3A_139 : vector<2048x49xi32>
    %mul3A_142 = arith.constant 4 : i32
    %mul3A_143 = vector.broadcast %mul3A_142 : i32 to vector<2048x1xi32>
    %mul3A_144 = arith.muli %convert_element_type3A, %mul3A_143 : vector<2048x1xi32>
    %add3A_145 = arith.addi %mul3A_144, %sub3A_25 : vector<2048x1xi32>
    %mul3A_146 = arith.constant 16384 : i32
    %mul3A_147 = vector.broadcast %mul3A_146 : i32 to vector<2048x1xi32>
    %mul3A_148 = arith.muli %add3A_145, %mul3A_147 : vector<2048x1xi32>
    %mul3A_149 = arith.constant 128 : i32
    %mul3A_150 = vector.broadcast %mul3A_149 : i32 to vector<2048x49xi32>
    %mul3A_151 = arith.muli %min3A_116, %mul3A_150 : vector<2048x49xi32>
    %add3A_152 = vector.broadcast %mul3A_148 : vector<2048x1xi32> to vector<2048x49xi32>
    %add3A_153 = arith.addi %add3A_152, %mul3A_151 : vector<2048x49xi32>
    %add3A_154 = arith.addi %add3A_153, %min3A_123 : vector<2048x49xi32>
    %mul3A_155 = arith.constant 128 : i32
    %mul3A_156 = vector.broadcast %mul3A_155 : i32 to vector<2048x49xi32>
    %mul3A_157 = arith.muli %min3A_116, %mul3A_156 : vector<2048x49xi32>
    %add3A_158 = vector.broadcast %mul3A_148 : vector<2048x1xi32> to vector<2048x49xi32>
    %add3A_159 = arith.addi %add3A_158, %mul3A_157 : vector<2048x49xi32>
    %add3A_160 = arith.addi %add3A_159, %min3A_141 : vector<2048x49xi32>
    %mul3A_161 = arith.constant 128 : i32
    %mul3A_162 = vector.broadcast %mul3A_161 : i32 to vector<2048x49xi32>
    %mul3A_163 = arith.muli %min3A_132, %mul3A_162 : vector<2048x49xi32>
    %add3A_164 = vector.broadcast %mul3A_148 : vector<2048x1xi32> to vector<2048x49xi32>
    %add3A_165 = arith.addi %add3A_164, %mul3A_163 : vector<2048x49xi32>
    %add3A_166 = arith.addi %add3A_165, %min3A_123 : vector<2048x49xi32>
    %mul3A_167 = arith.constant 128 : i32
    %mul3A_168 = vector.broadcast %mul3A_167 : i32 to vector<2048x49xi32>
    %mul3A_169 = arith.muli %min3A_132, %mul3A_168 : vector<2048x49xi32>
    %add3A_170 = vector.broadcast %mul3A_148 : vector<2048x1xi32> to vector<2048x49xi32>
    %add3A_171 = arith.addi %add3A_170, %mul3A_169 : vector<2048x49xi32>
    %add3A_172 = arith.addi %add3A_171, %min3A_141 : vector<2048x49xi32>
    %sub3A_173 = arith.constant 1.000000e+00 : f32
    %sub3A_174 = vector.broadcast %sub3A_173 : f32 to vector<2048x49xf32>
    %sub3A_175 = arith.subf %sub3A_174, %sub3A_109 : vector<2048x49xf32>
    %sub3A_176 = arith.constant 1.000000e+00 : f32
    %sub3A_177 = vector.broadcast %sub3A_176 : f32 to vector<2048x49xf32>
    %sub3A_178 = arith.subf %sub3A_177, %sub3A_108 : vector<2048x49xf32>
    %mul3A_179 = arith.mulf %sub3A_175, %sub3A_178 : vector<2048x49xf32>
    %mul3A_180 = arith.mulf %mul3A_179, %convert_element_type3A_105 : vector<2048x49xf32>
    %mul3A_181 = arith.mulf %sub3A_109, %sub3A_178 : vector<2048x49xf32>
    %mul3A_182 = arith.mulf %mul3A_181, %convert_element_type3A_105 : vector<2048x49xf32>
    %mul3A_183 = arith.mulf %sub3A_175, %sub3A_108 : vector<2048x49xf32>
    %mul3A_184 = arith.mulf %mul3A_183, %convert_element_type3A_105 : vector<2048x49xf32>
    %mul3A_185 = arith.mulf %sub3A_109, %sub3A_108 : vector<2048x49xf32>
    %mul3A_186 = arith.mulf %mul3A_185, %convert_element_type3A_105 : vector<2048x49xf32>
    %swap3A = arith.constant 0 : index
    %swap3A_187 = arith.constant 0 : index
    %swap3A_188 = vector.load %arg1[%swap3A, %swap3A_187] : memref<2048x49xi32, #tpu.memory_space<vmem>>, vector<2048x49xi32>
    tpu.vector_store %arg1[%swap3A, %swap3A_187], %add3A_154 {strides = array<i32>} : memref<2048x49xi32, #tpu.memory_space<vmem>>, vector<2048x49xi32>,
    %swap3A_189 = arith.constant 0 : index
    %swap3A_190 = arith.constant 0 : index
    %swap3A_191 = vector.load %arg2[%swap3A_189, %swap3A_190] : memref<2048x49xi32, #tpu.memory_space<vmem>>, vector<2048x49xi32>
    tpu.vector_store %arg2[%swap3A_189, %swap3A_190], %add3A_160 {strides = array<i32>} : memref<2048x49xi32, #tpu.memory_space<vmem>>, vector<2048x49xi32>,
    %swap3A_192 = arith.constant 0 : index
    %swap3A_193 = arith.constant 0 : index
    %swap3A_194 = vector.load %arg3[%swap3A_192, %swap3A_193] : memref<2048x49xi32, #tpu.memory_space<vmem>>, vector<2048x49xi32>
    tpu.vector_store %arg3[%swap3A_192, %swap3A_193], %add3A_166 {strides = array<i32>} : memref<2048x49xi32, #tpu.memory_space<vmem>>, vector<2048x49xi32>,
    %swap3A_195 = arith.constant 0 : index
    %swap3A_196 = arith.constant 0 : index
    %swap3A_197 = vector.load %arg4[%swap3A_195, %swap3A_196] : memref<2048x49xi32, #tpu.memory_space<vmem>>, vector<2048x49xi32>
    tpu.vector_store %arg4[%swap3A_195, %swap3A_196], %add3A_172 {strides = array<i32>} : memref<2048x49xi32, #tpu.memory_space<vmem>>, vector<2048x49xi32>,
    %swap3A_198 = arith.constant 0 : index
    %swap3A_199 = arith.constant 0 : index
    %swap3A_200 = vector.load %arg5[%swap3A_198, %swap3A_199] : memref<2048x49xf32, #tpu.memory_space<vmem>>, vector<2048x49xf32>
    tpu.vector_store %arg5[%swap3A_198, %swap3A_199], %mul3A_180 {strides = array<i32>} : memref<2048x49xf32, #tpu.memory_space<vmem>>, vector<2048x49xf32>,
    %swap3A_201 = arith.constant 0 : index
    %swap3A_202 = arith.constant 0 : index
    %swap3A_203 = vector.load %arg6[%swap3A_201, %swap3A_202] : memref<2048x49xf32, #tpu.memory_space<vmem>>, vector<2048x49xf32>
    tpu.vector_store %arg6[%swap3A_201, %swap3A_202], %mul3A_182 {strides = array<i32>} : memref<2048x49xf32, #tpu.memory_space<vmem>>, vector<2048x49xf32>,
    %swap3A_204 = arith.constant 0 : index
    %swap3A_205 = arith.constant 0 : index
    %swap3A_206 = vector.load %arg7[%swap3A_204, %swap3A_205] : memref<2048x49xf32, #tpu.memory_space<vmem>>, vector<2048x49xf32>
    tpu.vector_store %arg7[%swap3A_204, %swap3A_205], %mul3A_184 {strides = array<i32>} : memref<2048x49xf32, #tpu.memory_space<vmem>>, vector<2048x49xf32>,
    %swap3A_207 = arith.constant 0 : index
    %swap3A_208 = arith.constant 0 : index
    %swap3A_209 = vector.load %arg8[%swap3A_207, %swap3A_208] : memref<2048x49xf32, #tpu.memory_space<vmem>>, vector<2048x49xf32>
    tpu.vector_store %arg8[%swap3A_207, %swap3A_208], %mul3A_186 {strides = array<i32>} : memref<2048x49xf32, #tpu.memory_space<vmem>>, vector<2048x49xf32>,
    return
  }
}

</mosaic_0001>

<sc_bundles>
// kernel: kernel.4.cloned.1.call-start
scs
__scs_entry_jumppad:
0x0: {  	(pc) =	sbr.rel $0x88, $3  }
0x1: {  	(tag) =	ssettag $0x0;
	lr =	simm.s32 $0x1  }
0x2: {  	[smem:$0x3F9F] =	sst lr;
	_ =	strace $0xD0000000  }
0x3: {  	_ = 	snop  }
0x4: {  	_ = 	snop  }
0x5: {  	_ = 	snop  }
0x6: {  	_ = 	snop  }
0x7: {  	_ = 	snop  }
__scs_overlays_trampoline_lowered:
0x8: {  	[smem:$0x3FAE] =	sst s0  }
0x9: {  	[smem:$0x3FAF] =	sst s1  }
0xa: {  	[smem:$0x3FB0] =	sst s2  }
0xb: {  	[smem:$0x3FB1] =	sst s3  }
0xc: {  	[smem:$0x3FB2] =	sst s4  }
0xd: {  	[smem:$0x3FB3] =	sst s5  }
0xe: {  	[smem:$0x3FB4] =	sst s6  }
0xf: {  	[smem:$0x3FB5] =	sst s7  }
0x10: {  	[smem:$0x3FB6] =	sst s8  }
0x11: {  	[smem:$0x3FB7] =	sst s9;
	s0 =	simm.s32 @!p0 $0x0  }
0x12: {  	s1 =	sld [smem:$0x3F9D];
	s0 =	simm.s32 @p0 $0x1  }
0x13: {  	[smem:$0x3FB8] =	sst s0;
	s0 =	simm.s32 @!p1 $0x0  }
0x14: {  	s2 =	sld [smem:$0x3F9C];
	s0 =	simm.s32 @p1 $0x1  }
0x15: {  	[smem:$0x3FB9] =	sst s0;
	s0 =	simm.s32 @!p2 $0x0  }
0x16: {  	s3 =	sld [smem:$0x3FDB];
	s0 =	simm.s32 @p2 $0x1  }
0x17: {  	s4 =	simm.s32 $0x1BF5;
	[smem:$0x3FBB] =	sst s0  }
0x18: {  	s0 =	sld [smem:$0x3F9E];
	_ =	swait.ge [sflag:s4], $0x0  }
0x19: {  	s7 =	sld [smem:$0x3F9F]  }
0x1a: {  	s8 =	sadd.s32 $0xFFFFE003, lr  }
0x1b: {  	s9 =	sadd.s32 $0xFFFFFEF7, lr;
	s5 =	simm.s32 $0xFFFFFFFF;
	p2 =	slt.u32 s8, $0xFFFFF086  }
0x1c: {  	p1 =	slt.u32 s9, $0xF7A;
	s5 =	simm.s32 @!p2 $0x0  }
0x1d: {  	s5 =	simm.s32 @p1 $0x1;
	p0 =	seq.s32 s7, s2  }
0x1e: {  	s7 =	smul.u32 @!p0 $0xF7A, s2;
	p2 =	seq.s32 @!p0 s5, $0x0  }
0x1f: {  	s9 =	smul.u32 $0xF7A, s1;
	s8 =	simm.s32 @!p0 $0x1BF5;
	p2 =	por !p2, p0  }
0x20: {  	[sflag:s8] =	ssyncset.s32 @!p0 $0xFFFFF086;
	s6 =	sadd.s32 @!p0 s3, s7;
	s7 =	simm.s32 @!p0 $0x108  }
0x21: {  	s3 =	sadd.s32 s3, s9;
	s6 =	sadd.s32 @!p0 $0x88, s6;
	s7 =	simm.s32 @p2 $0x1082  }
0x22: {  	[simem:s7], [sflag:s8] =	dma.local @!p0 [hbm:s6], $0xF7A  }
0x23: {  	s9 =	sor.u32 $0xD0000000, s2;
	s6 =	simm.s32 $0x108;
	_ =	swait.ge @!p0 [sflag:s8], $0x0  }
0x24: {  	s3 =	sadd.s32 $0x88, s3;
	s6 =	simm.s32 @!p1 $0x1082;
	[sflag:s4] =	ssyncset.s32 $0xFFFFF086  }
0x25: {  	[simem:s6], [sflag:s4] =	dma.local [hbm:s3], $0xF7A  }
0x26: {  	[smem:$0x3F9F] =	sst s1;
	(tag) =	ssettag s2;
	_ =	strace s9  }
0x27: {  	s1 =	sld [smem:$0x3FAF]  }
0x28: {  	s2 =	sld [smem:$0x3FB0]  }
0x29: {  	s4 =	sld [smem:$0x3FB2]  }
0x2a: {  	p0 =	seq.s32 s5, $0x0;
	s5 =	sld [smem:$0x3FB3]  }
0x2b: {  	s6 =	sld [smem:$0x3FB4]  }
0x2c: {  	s7 =	sld [smem:$0x3FB5]  }
0x2d: {  	s3 =	simm.s32 $0x108;
	s8 =	sld [smem:$0x3FB6]  }
0x2e: {  	s3 =	simm.s32 @!p0 $0x1082;
	s9 =	sld [smem:$0x3FB7]  }
0x2f: {  	lr =	sadd.s32 s0, s3;
	s0 =	sld [smem:$0x3FAE]  }
0x30: {  	s3 =	sld [smem:$0x3FB1]  }
0x31: {  	[smem:$0x3FBA] =	sst s10  }
0x32: {  	s10 =	sld [smem:$0x3FB8];
	_ =	sdelay $0x3  }
0x33: {  	p0 =	seq.s32 s10, $0x1;
	s10 =	sld [smem:$0x3FBA];
	_ =	sdelay $0x3  }
0x34: {  	[smem:$0x3FBA] =	sst s10  }
0x35: {  	s10 =	sld [smem:$0x3FB9];
	_ =	sdelay $0x3  }
0x36: {  	p1 =	seq.s32 s10, $0x1;
	s10 =	sld [smem:$0x3FBA];
	_ =	sdelay $0x3  }
0x37: {  	[smem:$0x3FBA] =	sst s10  }
0x38: {  	s10 =	sld [smem:$0x3FBB]  }
0x39: {  	_ = 	snop;
	(pc) =	sbr.ind lr, $3  }
0x3a: {  	_ = 	snop  }
0x3b: {  	_ = 	snop  }
0x3c: {  	p2 =	seq.s32 s10, $0x1;
	s10 =	sld [smem:$0x3FBA]  }
0x3d: {  	_ =	shalt  }
0x3e: {  	_ =	shalt  }
0x3f: {  	_ =	shalt  }
0x40: {  	_ =	shalt  }
0x41: {  	_ =	shalt  }
0x42: {  	_ =	shalt  }
0x43: {  	_ =	shalt  }
0x44: {  	_ =	shalt  }
0x45: {  	_ =	shalt  }
0x46: {  	_ =	shalt  }
0x47: {  	_ =	shalt  }
0x48: {  	_ =	shalt  }
0x49: {  	_ =	shalt  }
0x4a: {  	_ =	shalt  }
0x4b: {  	_ =	shalt  }
0x4c: {  	_ =	shalt  }
0x4d: {  	_ =	shalt  }
0x4e: {  	_ =	shalt  }
0x4f: {  	_ =	shalt  }
0x50: {  	_ =	shalt  }
0x51: {  	_ =	shalt  }
0x52: {  	_ =	shalt  }
0x53: {  	_ =	shalt  }
0x54: {  	_ =	shalt  }
0x55: {  	_ =	shalt  }
0x56: {  	_ =	shalt  }
0x57: {  	_ =	shalt  }
0x58: {  	_ =	shalt  }
0x59: {  	_ =	shalt  }
0x5a: {  	_ =	shalt  }
0x5b: {  	_ =	shalt  }
0x5c: {  	_ =	shalt  }
0x5d: {  	_ =	shalt  }
0x5e: {  	_ =	shalt  }
0x5f: {  	_ =	shalt  }
0x60: {  	_ =	shalt  }
0x61: {  	_ =	shalt  }
0x62: {  	_ =	shalt  }
0x63: {  	_ =	shalt  }
0x64: {  	_ =	shalt  }
0x65: {  	_ =	shalt  }
0x66: {  	_ =	shalt  }
0x67: {  	_ =	shalt  }
0x68: {  	_ =	shalt  }
0x69: {  	_ =	shalt  }
0x6a: {  	_ =	shalt  }
0x6b: {  	_ =	shalt  }
0x6c: {  	_ =	shalt  }
0x6d: {  	_ =	shalt  }
0x6e: {  	_ =	shalt  }
0x6f: {  	_ =	shalt  }
0x70: {  	_ =	shalt  }
0x71: {  	_ =	shalt  }
0x72: {  	_ =	shalt  }
0x73: {  	_ =	shalt  }
0x74: {  	_ =	shalt  }
0x75: {  	_ =	shalt  }
0x76: {  	_ =	shalt  }
0x77: {  	_ =	shalt  }
0x78: {  	_ =	shalt  }
0x79: {  	_ =	shalt  }
0x7a: {  	_ =	shalt  }
0x7b: {  	_ =	shalt  }
0x7c: {  	_ =	shalt  }
0x7d: {  	_ =	shalt  }
0x7e: {  	_ =	shalt  }
0x7f: {  	_ =	shalt  }
0x80: {  	_ =	shalt  }
0x81: {  	_ =	shalt  }
0x82: {  	_ =	shalt  }
0x83: {  	_ =	shalt  }
0x84: {  	_ =	shalt  }
0x85: {  	_ =	shalt  }
0x86: {  	_ =	shalt  }
0x87: {  	_ =	shalt  }
.Lfunc_end0:
.L_simem_size_0:
called_computation_lowered:
.L_overlay_start_0:
0x88: {  	s2 =	sld [smem:$0x3FD9]  }
0x89: {  	s3 =	sld [smem:$0x3FFE];
	_ =	sdelay $0x1  }
0x8a: {  	s1 =	srdreg.scid  }
0x8b: {  	s0 =	sand.u32 $0x1, s1  }
0x8c: {  	s17 =	sshll.u32 s0, $0xA;
	s2 =	sadd.s32 s3, s2  }
0x8d: {  	s2 =	sadd.s32 s2, s17  }
0x8e: {  	[smem:$0x3FC6] =	sst s2  }
0x8f: {  	_ = 	snop  }
0x90: {  	s2 =	sld [smem:$0x3FC9]  }
0x91: {  	s18 =	sld [smem:$0x3FD0];
	(tm) =	ssettm $0x1  }
0x92: {  	s4 =	sld [smem:$0x3FFB];
	_ =	sdelay $0x3  }
0x93: {  	_ =	strace s4  }
0x94: {  	s4 =	sld [smem:$0x3FFC];
	_ =	sdelay $0x3  }
0x95: {  	_ =	strace s4  }
0x96: {  	s4 =	sld [smem:$0x3FFD];
	_ =	sdelay $0x3  }
0x97: {  	_ =	strace s4  }
0x98: {  	_ =	strace $0x8FFFFFFF  }
0x99: {  	s19 =	sld [smem:$0x3FDB];
	_ =	sdelay $0x1  }
0x9a: {  	s5 =	simm.s32 $_scs_section_size  }
0x9b: {  	s6 =	simm.s32 $_size__tile_overlayer_lowered;
	s7 =	simm.s32 $_tile_overlayer_lowered  }
0x9c: {  	s22 =	simm.s32 $0x1BFF;
	s21 =	sshll.u32 s7, $0x1;
	s4 =	sadd.s32 s5, s19  }
0x9d: {  	s8 =	simm.s32 $0x0;
	s20 =	sshll.u32 s6, $0x1;
	s6 =	sadd.s32 s21, s4  }
0x9e: {  	[timem:s8], [sflag:s22] =	dma.local [hbm:s6], s20  }
0x9f: {  	_ =	swait.ge [sflag:s22], s20  }
0xa0: {  	s5 =	ssub.s32 $0x0, s20;
	[sflag:s22] =	ssyncset.done $0x0  }
0xa1: {  	[sflag:s22] =	ssyncadd.s32 s5;
	_ =	sdelay $0x1  }
0xa2: {  	s23 =	simm.s32 $0x1B8B  }
0xa3: {  	_ =	swait.ge [sflag:s23], $0x1  }
0xa4: {  	[sflag:s23] =	ssyncset.done $0x0  }
0xa5: {  	s25 =	simm.s32 $0x1B8E;
	s24 =	sld [smem:$0x3FFE];
	[sflag:s23] =	ssyncadd.s32 $0xFFFFFFFF  }
0xa6: {  	s26 =	simm.s32 $execute0_lowered;
	[smem:$0x3FD2] =	sst s25  }
0xa7: {  	s6 =	sshll.u32 s26, $0x1;
	_ =	strace $0x80000046;
	[dreg:$0x1] =	wrdreg $0xFFFFFFFF  }
0xa8: {  	s28 =	simm.s32 $_size_execute0_lowered;
	s4 =	sadd.s32 s4, s6;
	[dreg:$0x0] =	wrdreg $0x0  }
0xa9: {  	s6 =	sshll.u32 s28, $0x1;
	[dreg:$0x2] =	wrdreg s4  }
0xaa: {  	[dreg:$0x3] =	wrdreg s6  }
0xab: {  	[dreg:$0x4] =	wrdreg $0xC0  }
0xac: {  	_ =	task [dreg:s8], $0x5FFFF  }
0xad: {  	[dreg:$0x1] =	wrdreg $0xFFFFFFFF  }
0xae: {  	[dreg:$0x0] =	wrdreg $0x60  }
0xaf: {  	[dreg:$0x2] =	wrdreg s2  }
0xb0: {  	[dreg:$0x3] =	wrdreg s24  }
0xb1: {  	[dreg:$0x4] =	wrdreg s18  }
0xb2: {  	[dreg:$0x5] =	wrdreg $0x9  }
0xb3: {  	_ =	task.clear_ibuf [dreg:s8], $0x6FFFF;
	_ =	strace $0x90000046  }
0xb4: {  	s29 =	simm.s32 $0x9;
	_ =	strace $0x80000048  }
0xb5: {  	_ =	swait.ge [sflag:s29], $0x1  }
0xb6: {  	[sflag:s29] =	ssyncadd.s32 $0xFFFFFFFF  }
0xb7: {  	_ =	strace $0x90000048  }
0xb8: {  	_ =	sfence  }
0xb9: {  	s30 =	sld [smem:$0x0];
	_ =	sdelay $0x2  }
0xba: {  	s31 =	sshll.u32 s1, $0xD;
	s1 =	sshrl.u32 s1, $0x2  }
0xbb: {  	s3 =	sand.u32 $0x4000, s31;
	s1 =	sadd.s32 s1, s30  }
0xbc: {  	s0 =	sor.u32 s3, s0;
	s1 =	sshll.u32 s1, $0x11  }
0xbd: {  	s0 =	sor.u32 s1, s0  }
0xbe: {  	s0 =	sadd.s32 $0x8F2B, s0  }
0xbf: {  	[sflag:s0] =	ssyncadd.remote.s32 $0x1  }
0xc0: {  	_ =	sfence.sel $0xFFFF  }
0xc1: {  	[dreg:$0x0] =	wrdreg $0xFFFFFFFF;
	(pc) =	sbr.abs _section_cstart, $3  }
0xc2: {  	[dreg:$0x1] =	wrdreg $0xFFFFFFFF  }
0xc3: {  	_ =	task.clear_ibuf [dreg:s8], $0x2FFFF;
	_ =	strace $0x9FFFFFFF  }
0xc4: {  	(tm) =	ssettm $0x7FFFFFFF  }
0xc5: {  	_ =	shalt  }
tec
execute0_lowered:
.L_overlay_start_1:
0x0: {  	(tag) =	ssettag $0x1  }
0x1: {  	s1 =	rddreg [dreg:$0x0]  }
0x2: {  	s0 =	rddreg [dreg:$0x1]  }
0x3: {  	s2 =	srdreg.scid;
	s4 =	stileid.u32  }
0x4: {  	s3 =	rddreg [dreg:$0x2];
	s31 =	simm.s32 $0x3;
	s12 =	simm.s32 $0x17400  }
0x5: {  	s8 =	simm.s32 $0x18400;
	s2 =	sand.u32 $0x1, s2;
	s5 =	sshll.u32 s4, $0x1  }
0x6: {  	s10 =	simm.s32 $0x4;
	s14 =	simm.s32 $0x2;
	s5 =	sor.u32 s2, s5  }
0x7: {  	s16 =	simm.s32 $0x18C00;
	s4 =	simm.s32 $0x0;
	s6 =	smul.u32 $0x680, s5  }
0x8: {  	s18 =	simm.s32 $0x19400;
	[smem:$0x7FF] =	sst s4;
	s2 =	ssub.s32 $0x2, s2  }
0x9: {  	_ =	strace $0x80000047;
	s5 =	smul.u32 $0xD000, s5;
	s7 =	sadd.s32 s6, s0  }
0xa: {  	s24 =	sshrl.u32 s2, $0x1;
	s6 =	sadd.s32 $0xD800, s0;
	s25 =	sadd.s32 $0x800, s7  }
0xb: {  	s0 =	ssub.s32 s2, s24;
	s7 =	sadd.s32 $0x41800, s7;
	[dreg:$0x4] =	wrdreg s25  }
0xc: {  	s26 =	sshrl.u32 s5, $0x3;
	s0 =	smax.u32 s0, $0x1;
	[dreg:$0x5] =	wrdreg s7  }
0xd: {  	s9 =	simm.s32 $0x19C00;
	s2 =	sadd.s32 s6, s26;
	[dreg:$0x7] =	wrdreg s0  }
0xe: {  	s11 =	simm.s32 $0x1A400;
	s28 =	sadd.s32 $0x80, s2;
	[dreg:$0x6] =	wrdreg s2  }
0xf: {  	v2 =	vlaneseq.u32;
	s17 =	simm.s32 $0x0;
	s29 =	sadd.s32 $0x100, s2;
	[dreg:$0x8] =	wrdreg s28  }
0x10: {  	vm0 =	vmmov $0xffff;
	v1 =	vshrl.u32 v2, $0x3;
	s30 =	sadd.s32 $0x180, s2;
	s2 =	simm.s32 $0x1;
	[dreg:$0x9] =	wrdreg s29  }
0x11: {  	v0 =	vand.u32 $0x7, v2;
	v2 =	vor.u32 $0x8, v2;
	v1 =	vmul.u32 $0x8, v1;
	s0 =	simm.s32 $0x16C00;
	s7 =	simm.s32 $0x17C00;
	[dreg:$0xa] =	wrdreg s30  }
.LBB2_1:
0x12: {  	[dreg:$0xb] =	wrdreg s17  }
0x13: {  	s13 =	rddreg [dreg:$0x4];
	s15 =	simm.s32 $0x7  }
0x14: {  	[tilespmem:s4], [sflag:$0x7] =	stream.linear.gather [hbm4b:s13+s4], $0x3100, $0x38;
	[tilespmem:$0x1AC00] =	vst v63  }
0x15: {  	_ =	swait.ge [sflag:s15], $0x3100  }
0x16: {  	[sflag:s15] =	ssyncset.done $0x0  }
0x17: {  	s30 =	simm.s32 $0x3400;
	s29 =	rddreg [dreg:$0x5];
	[sflag:s15] =	ssyncadd.s32 $0xFFFFCF00  }
0x18: {  	[tilespmem:s30], [sflag:$0x7] =	stream.linear.gather [hbm4b:s29+s4], $0x3100, $0x38;
	[tilespmem:$0x1AC00] =	vst v63  }
0x19: {  	_ =	swait.ge [sflag:s15], $0x3100  }
0x1a: {  	[sflag:s15] =	ssyncset.done $0x0  }
0x1b: {  	s20 =	simm.s32 $0x6800;
	s19 =	rddreg [dreg:$0x6];
	[sflag:s15] =	ssyncadd.s32 $0xFFFFCF00  }
0x1c: {  	[tilespmem:s20], [sflag:$0x3] =	stream.linear.gather [hbm4b:s19+s4], $0x80, $0x38;
	[tilespmem:$0x1AC00] =	vst v63  }
0x1d: {  	s22 =	simm.s32 $0x6900;
	s21 =	rddreg [dreg:$0x8]  }
0x1e: {  	[tilespmem:s22], [sflag:$0x3] =	stream.linear.gather [hbm4b:s21+s4], $0x80, $0x38;
	[tilespmem:$0x1AC00] =	vst v63  }
0x1f: {  	s24 =	simm.s32 $0x6A00;
	s23 =	rddreg [dreg:$0x9]  }
0x20: {  	[tilespmem:s24], [sflag:$0x3] =	stream.linear.gather [hbm4b:s23+s4], $0x80, $0x38;
	[tilespmem:$0x1AC00] =	vst v63  }
0x21: {  	s26 =	simm.s32 $0x6B00;
	s25 =	rddreg [dreg:$0xa]  }
0x22: {  	[tilespmem:s26], [sflag:$0x3] =	stream.linear.gather [hbm4b:s25+s4], $0x80, $0x38;
	[tilespmem:$0x1AC00] =	vst v63  }
0x23: {  	v3 =	vld [tilespmem:$0x0];
	_ =	sdelay $0x4  }
0x24: {  	v4 =	vshll.u32 v3, $0x1  }
0x25: {  	v3 =	vand.u32 $0x7, v3;
	v4 =	vand.u32 $0xFFFFFFF0, v4  }
0x26: {  	v3 =	vor.u32 v3, v4  }
0x27: {  	v4 =	vperm.xlane v3, v0;
	_ =	sdelay $0x1  }
0x28: {  	v3 =	vperm.xlane v3, v2;
	v4 =	vadd.s32 v1, v4;
	_ =	sdelay $0x1  }
0x29: {  	v3 =	vadd.s32 v1, v3;
	_ =	sdelay $0x1  }
0x2a: {  	s28 =	simm.s32 $0x6C00  }
0x2b: {  	[tilespmem:s28], [sflag:$0x1] =	stream.indirect_vreg.gather [hbm4b:s1+s4], $0x80, v4, vm0, $0xb8;
	[tilespmem:$0x1AC00] =	vst v63  }
0x2c: {  	s29 =	simm.s32 $0x7400  }
0x2d: {  	[tilespmem:s29], [sflag:$0x1] =	stream.indirect_vreg.gather [hbm4b:s1+s4], $0x80, v3, vm0, $0xb8;
	[tilespmem:$0x1AC00] =	vst v63  }
0x2e: {  	v3 =	vld [tilespmem:$0x10];
	_ =	sdelay $0x4  }
0x2f: {  	v57 =	vshll.u32 v3, $0x1  }
0x30: {  	v3 =	vand.u32 $0x7, v3;
	v4 =	vand.u32 $0xFFFFFFF0, v57  }
0x31: {  	v3 =	vor.u32 v3, v4  }
0x32: {  	v4 =	vperm.xlane v3, v0;
	_ =	sdelay $0x1  }
0x33: {  	v3 =	vperm.xlane v3, v2;
	v4 =	vadd.s32 v1, v4;
	_ =	sdelay $0x1  }
0x34: {  	v3 =	vadd.s32 v1, v3;
	_ =	sdelay $0x1  }
0x35: {  	s30 =	simm.s32 $0x7C00  }
0x36: {  	[tilespmem:s30], [sflag:$0x1] =	stream.indirect_vreg.gather [hbm4b:s1+s4], $0x80, v4, vm0, $0xb8;
	[tilespmem:$0x1AC00] =	vst v63  }
0x37: {  	s15 =	simm.s32 $0x8400  }
0x38: {  	[tilespmem:s15], [sflag:$0x1] =	stream.indirect_vreg.gather [hbm4b:s1+s4], $0x80, v3, vm0, $0xb8;
	[tilespmem:$0x1AC00] =	vst v63  }
0x39: {  	v3 =	vld [tilespmem:$0x20];
	_ =	sdelay $0x4  }
0x3a: {  	v58 =	vshll.u32 v3, $0x1  }
0x3b: {  	v3 =	vand.u32 $0x7, v3;
	v4 =	vand.u32 $0xFFFFFFF0, v58  }
0x3c: {  	v3 =	vor.u32 v3, v4  }
0x3d: {  	v4 =	vperm.xlane v3, v0;
	_ =	sdelay $0x1  }
0x3e: {  	v3 =	vperm.xlane v3, v2;
	v4 =	vadd.s32 v1, v4;
	_ =	sdelay $0x1  }
0x3f: {  	v3 =	vadd.s32 v1, v3;
	_ =	sdelay $0x1  }
0x40: {  	s17 =	simm.s32 $0x8C00  }
0x41: {  	[tilespmem:s17], [sflag:$0x1] =	stream.indirect_vreg.gather [hbm4b:s1+s4], $0x80, v4, vm0, $0xb8;
	[tilespmem:$0x1AC00] =	vst v63  }
0x42: {  	s19 =	simm.s32 $0x9400  }
0x43: {  	[tilespmem:s19], [sflag:$0x1] =	stream.indirect_vreg.gather [hbm4b:s1+s4], $0x80, v3, vm0, $0xb8;
	[tilespmem:$0x1AC00] =	vst v63  }
0x44: {  	v3 =	vld [tilespmem:$0x30];
	_ =	sdelay $0x4  }
0x45: {  	v59 =	vshll.u32 v3, $0x1  }
0x46: {  	v3 =	vand.u32 $0x7, v3;
	v4 =	vand.u32 $0xFFFFFFF0, v59  }
0x47: {  	v3 =	vor.u32 v3, v4  }
0x48: {  	v4 =	vperm.xlane v3, v0;
	_ =	sdelay $0x1  }
0x49: {  	v3 =	vperm.xlane v3, v2;
	v4 =	vadd.s32 v1, v4;
	_ =	sdelay $0x1  }
0x4a: {  	v3 =	vadd.s32 v1, v3;
	_ =	sdelay $0x1  }
0x4b: {  	s20 =	simm.s32 $0x9C00  }
0x4c: {  	[tilespmem:s20], [sflag:$0x1] =	stream.indirect_vreg.gather [hbm4b:s1+s4], $0x80, v4, vm0, $0xb8;
	[tilespmem:$0x1AC00] =	vst v63  }
0x4d: {  	s21 =	simm.s32 $0xA400  }
0x4e: {  	[tilespmem:s21], [sflag:$0x1] =	stream.indirect_vreg.gather [hbm4b:s1+s4], $0x80, v3, vm0, $0xb8;
	[tilespmem:$0x1AC00] =	vst v63  }
0x4f: {  	v3 =	vld [tilespmem:$0x40];
	_ =	sdelay $0x4  }
0x50: {  	v60 =	vshll.u32 v3, $0x1  }
0x51: {  	v3 =	vand.u32 $0x7, v3;
	v4 =	vand.u32 $0xFFFFFFF0, v60  }
0x52: {  	v3 =	vor.u32 v3, v4  }
0x53: {  	v4 =	vperm.xlane v3, v0;
	_ =	sdelay $0x1  }
0x54: {  	v3 =	vperm.xlane v3, v2;
	v4 =	vadd.s32 v1, v4;
	_ =	sdelay $0x1  }
0x55: {  	v3 =	vadd.s32 v1, v3;
	_ =	sdelay $0x1  }
0x56: {  	s22 =	simm.s32 $0xAC00  }
0x57: {  	[tilespmem:s22], [sflag:$0x1] =	stream.indirect_vreg.gather [hbm4b:s1+s4], $0x80, v4, vm0, $0xb8;
	[tilespmem:$0x1AC00] =	vst v63  }
0x58: {  	s23 =	simm.s32 $0xB400  }
0x59: {  	[tilespmem:s23], [sflag:$0x1] =	stream.indirect_vreg.gather [hbm4b:s1+s4], $0x80, v3, vm0, $0xb8;
	[tilespmem:$0x1AC00] =	vst v63  }
0x5a: {  	v3 =	vld [tilespmem:$0x50];
	_ =	sdelay $0x4  }
0x5b: {  	v61 =	vshll.u32 v3, $0x1  }
0x5c: {  	v3 =	vand.u32 $0x7, v3;
	v4 =	vand.u32 $0xFFFFFFF0, v61  }
0x5d: {  	v3 =	vor.u32 v3, v4  }
0x5e: {  	v4 =	vperm.xlane v3, v0;
	_ =	sdelay $0x1  }
0x5f: {  	v3 =	vperm.xlane v3, v2;
	v4 =	vadd.s32 v1, v4;
	_ =	sdelay $0x1  }
0x60: {  	v3 =	vadd.s32 v1, v3;
	_ =	sdelay $0x1  }
0x61: {  	s24 =	simm.s32 $0xBC00  }
0x62: {  	[tilespmem:s24], [sflag:$0x1] =	stream.indirect_vreg.gather [hbm4b:s1+s4], $0x80, v4, vm0, $0xb8;
	[tilespmem:$0x1AC00] =	vst v63  }
0x63: {  	s25 =	simm.s32 $0xC400  }
0x64: {  	[tilespmem:s25], [sflag:$0x1] =	stream.indirect_vreg.gather [hbm4b:s1+s4], $0x80, v3, vm0, $0xb8;
	[tilespmem:$0x1AC00] =	vst v63  }
0x65: {  	v3 =	vld [tilespmem:$0x60];
	_ =	sdelay $0x4  }
0x66: {  	v62 =	vshll.u32 v3, $0x1  }
0x67: {  	v3 =	vand.u32 $0x7, v3;
	v4 =	vand.u32 $0xFFFFFFF0, v62  }
0x68: {  	v3 =	vor.u32 v3, v4  }
0x69: {  	v4 =	vperm.xlane v3, v0;
	_ =	sdelay $0x1  }
0x6a: {  	v3 =	vperm.xlane v3, v2;
	v4 =	vadd.s32 v1, v4;
	_ =	sdelay $0x1  }
0x6b: {  	v3 =	vadd.s32 v1, v3;
	_ =	sdelay $0x1  }
0x6c: {  	s26 =	simm.s32 $0xCC00  }
0x6d: {  	[tilespmem:s26], [sflag:$0x1] =	stream.indirect_vreg.gather [hbm4b:s1+s4], $0x80, v4, vm0, $0xb8;
	[tilespmem:$0x1AC00] =	vst v63  }
0x6e: {  	s28 =	simm.s32 $0xD400  }
0x6f: {  	[tilespmem:s28], [sflag:$0x1] =	stream.indirect_vreg.gather [hbm4b:s1+s4], $0x80, v3, vm0, $0xb8;
	[tilespmem:$0x1AC00] =	vst v63  }
0x70: {  	v3 =	vld [tilespmem:$0x70];
	_ =	sdelay $0x4  }
0x71: {  	v63 =	vshll.u32 v3, $0x1  }
0x72: {  	v3 =	vand.u32 $0x7, v3;
	v4 =	vand.u32 $0xFFFFFFF0, v63  }
0x73: {  	v3 =	vor.u32 v3, v4  }
0x74: {  	v4 =	vperm.xlane v3, v0;
	_ =	sdelay $0x1  }
0x75: {  	v3 =	vperm.xlane v3, v2;
	v4 =	vadd.s32 v1, v4;
	_ =	sdelay $0x1  }
0x76: {  	v3 =	vadd.s32 v1, v3;
	_ =	sdelay $0x1  }
0x77: {  	s29 =	simm.s32 $0xDC00  }
0x78: {  	[tilespmem:s29], [sflag:$0x1] =	stream.indirect_vreg.gather [hbm4b:s1+s4], $0x80, v4, vm0, $0xb8;
	[tilespmem:$0x1AC00] =	vst v63  }
0x79: {  	s13 =	simm.s32 $0x0;
	s30 =	simm.s32 $0xE400  }
0x7a: {  	[tilespmem:s30], [sflag:$0x1] =	stream.indirect_vreg.gather [hbm4b:s1+s4], $0x80, v3, vm0, $0xb8;
	[tilespmem:$0x1AC00] =	vst v63  }
.LBB2_2:
0x7b: {  	s17 =	sshll.u32 s13, $0xA;
	s19 =	sshll.u32 s13, $0x8  }
0x7c: {  	s20 =	sand.u32 $0xF000, s17;
	s15 =	sor.u32 $0x80, s19  }
0x7d: {  	s20 =	sadd.s32 s5, s20;
	s21 =	sand.u32 $0x380, s15  }
0x7e: {  	s20 =	sor.u32 s21, s20  }
0x7f: {  	s20 =	sshrl.u32 s20, $0x3  }
0x80: {  	s26 =	simm.s32 $0x6880;
	s20 =	sadd.s32 s6, s20  }
0x81: {  	[tilespmem:s26], [sflag:$0x4] =	stream.linear.gather [hbm4b:s20+s4], $0x80, $0x38;
	[tilespmem:$0x1AC00] =	vst v63  }
0x82: {  	s22 =	simm.s32 $0x6980;
	s28 =	sadd.s32 $0x80, s20  }
0x83: {  	[tilespmem:s22], [sflag:$0x4] =	stream.linear.gather [hbm4b:s28+s4], $0x80, $0x38;
	[tilespmem:$0x1AC00] =	vst v63  }
0x84: {  	s30 =	simm.s32 $0x6A80;
	s29 =	sadd.s32 $0x100, s20  }
0x85: {  	[tilespmem:s30], [sflag:$0x4] =	stream.linear.gather [hbm4b:s29+s4], $0x80, $0x38;
	[tilespmem:$0x1AC00] =	vst v63  }
0x86: {  	s20 =	sadd.s32 $0x180, s20;
	s22 =	simm.s32 $0x6B80  }
0x87: {  	[tilespmem:s22], [sflag:$0x4] =	stream.linear.gather [hbm4b:s20+s4], $0x80, $0x38;
	[tilespmem:$0x1AC00] =	vst v63  }
0x88: {  	v3 =	vld [tilespmem:s19+$0x80];
	_ =	sdelay $0x4  }
0x89: {  	v4 =	vshll.u32 v3, $0x1  }
0x8a: {  	v3 =	vand.u32 $0x7, v3;
	v4 =	vand.u32 $0xFFFFFFF0, v4  }
0x8b: {  	v3 =	vor.u32 v3, v4  }
0x8c: {  	v4 =	vperm.xlane v3, v0;
	_ =	sdelay $0x1  }
0x8d: {  	v3 =	vperm.xlane v3, v2;
	v4 =	vadd.s32 v1, v4;
	_ =	sdelay $0x1  }
0x8e: {  	v3 =	vadd.s32 v1, v3;
	_ =	sdelay $0x1  }
0x8f: {  	s23 =	simm.s32 $0xEC00  }
0x90: {  	[tilespmem:s23], [sflag:$0x2] =	stream.indirect_vreg.gather [hbm4b:s1+s4], $0x80, v4, vm0, $0xb8;
	[tilespmem:$0x1AC00] =	vst v63  }
0x91: {  	s24 =	simm.s32 $0xF400  }
0x92: {  	[tilespmem:s24], [sflag:$0x2] =	stream.indirect_vreg.gather [hbm4b:s1+s4], $0x80, v3, vm0, $0xb8;
	[tilespmem:$0x1AC00] =	vst v63  }
0x93: {  	v3 =	vld [tilespmem:s19+$0x90];
	_ =	sdelay $0x4  }
0x94: {  	v57 =	vshll.u32 v3, $0x1  }
0x95: {  	v3 =	vand.u32 $0x7, v3;
	v4 =	vand.u32 $0xFFFFFFF0, v57  }
0x96: {  	v3 =	vor.u32 v3, v4  }
0x97: {  	v4 =	vperm.xlane v3, v0;
	_ =	sdelay $0x1  }
0x98: {  	v3 =	vperm.xlane v3, v2;
	v4 =	vadd.s32 v1, v4;
	_ =	sdelay $0x1  }
0x99: {  	v3 =	vadd.s32 v1, v3;
	_ =	sdelay $0x1  }
0x9a: {  	s25 =	simm.s32 $0xFC00  }
0x9b: {  	[tilespmem:s25], [sflag:$0x2] =	stream.indirect_vreg.gather [hbm4b:s1+s4], $0x80, v4, vm0, $0xb8;
	[tilespmem:$0x1AC00] =	vst v63  }
0x9c: {  	s26 =	simm.s32 $0x10400  }
0x9d: {  	[tilespmem:s26], [sflag:$0x2] =	stream.indirect_vreg.gather [hbm4b:s1+s4], $0x80, v3, vm0, $0xb8;
	[tilespmem:$0x1AC00] =	vst v63  }
0x9e: {  	v3 =	vld [tilespmem:s19+$0xA0];
	_ =	sdelay $0x4  }
0x9f: {  	v58 =	vshll.u32 v3, $0x1  }
0xa0: {  	v3 =	vand.u32 $0x7, v3;
	v4 =	vand.u32 $0xFFFFFFF0, v58  }
0xa1: {  	v3 =	vor.u32 v3, v4  }
0xa2: {  	v4 =	vperm.xlane v3, v0;
	_ =	sdelay $0x1  }
0xa3: {  	v3 =	vperm.xlane v3, v2;
	v4 =	vadd.s32 v1, v4;
	_ =	sdelay $0x1  }
0xa4: {  	v3 =	vadd.s32 v1, v3;
	_ =	sdelay $0x1  }
0xa5: {  	s28 =	simm.s32 $0x10C00  }
0xa6: {  	[tilespmem:s28], [sflag:$0x2] =	stream.indirect_vreg.gather [hbm4b:s1+s4], $0x80, v4, vm0, $0xb8;
	[tilespmem:$0x1AC00] =	vst v63  }
0xa7: {  	s29 =	simm.s32 $0x11400  }
0xa8: {  	[tilespmem:s29], [sflag:$0x2] =	stream.indirect_vreg.gather [hbm4b:s1+s4], $0x80, v3, vm0, $0xb8;
	[tilespmem:$0x1AC00] =	vst v63  }
0xa9: {  	v3 =	vld [tilespmem:s19+$0xB0];
	_ =	sdelay $0x4  }
0xaa: {  	v59 =	vshll.u32 v3, $0x1  }
0xab: {  	v3 =	vand.u32 $0x7, v3;
	v4 =	vand.u32 $0xFFFFFFF0, v59  }
0xac: {  	v3 =	vor.u32 v3, v4  }
0xad: {  	v4 =	vperm.xlane v3, v0;
	_ =	sdelay $0x1  }
0xae: {  	v3 =	vperm.xlane v3, v2;
	v4 =	vadd.s32 v1, v4;
	_ =	sdelay $0x1  }
0xaf: {  	v3 =	vadd.s32 v1, v3;
	_ =	sdelay $0x1  }
0xb0: {  	s30 =	simm.s32 $0x11C00  }
0xb1: {  	[tilespmem:s30], [sflag:$0x2] =	stream.indirect_vreg.gather [hbm4b:s1+s4], $0x80, v4, vm0, $0xb8;
	[tilespmem:$0x1AC00] =	vst v63  }
0xb2: {  	s21 =	simm.s32 $0x12400  }
0xb3: {  	[tilespmem:s21], [sflag:$0x2] =	stream.indirect_vreg.gather [hbm4b:s1+s4], $0x80, v3, vm0, $0xb8;
	[tilespmem:$0x1AC00] =	vst v63  }
0xb4: {  	v3 =	vld [tilespmem:s19+$0xC0];
	_ =	sdelay $0x4  }
0xb5: {  	v60 =	vshll.u32 v3, $0x1  }
0xb6: {  	v3 =	vand.u32 $0x7, v3;
	v4 =	vand.u32 $0xFFFFFFF0, v60  }
0xb7: {  	v3 =	vor.u32 v3, v4  }
0xb8: {  	v4 =	vperm.xlane v3, v0;
	_ =	sdelay $0x1  }
0xb9: {  	v3 =	vperm.xlane v3, v2;
	v4 =	vadd.s32 v1, v4;
	_ =	sdelay $0x1  }
0xba: {  	v3 =	vadd.s32 v1, v3;
	_ =	sdelay $0x1  }
0xbb: {  	s22 =	simm.s32 $0x12C00  }
0xbc: {  	[tilespmem:s22], [sflag:$0x2] =	stream.indirect_vreg.gather [hbm4b:s1+s4], $0x80, v4, vm0, $0xb8;
	[tilespmem:$0x1AC00] =	vst v63  }
0xbd: {  	s23 =	simm.s32 $0x13400  }
0xbe: {  	[tilespmem:s23], [sflag:$0x2] =	stream.indirect_vreg.gather [hbm4b:s1+s4], $0x80, v3, vm0, $0xb8;
	[tilespmem:$0x1AC00] =	vst v63  }
0xbf: {  	v3 =	vld [tilespmem:s19+$0xD0];
	_ =	sdelay $0x4  }
0xc0: {  	v61 =	vshll.u32 v3, $0x1  }
0xc1: {  	v3 =	vand.u32 $0x7, v3;
	v4 =	vand.u32 $0xFFFFFFF0, v61  }
0xc2: {  	v3 =	vor.u32 v3, v4  }
0xc3: {  	v4 =	vperm.xlane v3, v0;
	_ =	sdelay $0x1  }
0xc4: {  	v3 =	vperm.xlane v3, v2;
	v4 =	vadd.s32 v1, v4;
	_ =	sdelay $0x1  }
0xc5: {  	v3 =	vadd.s32 v1, v3;
	_ =	sdelay $0x1  }
0xc6: {  	s24 =	simm.s32 $0x13C00  }
0xc7: {  	[tilespmem:s24], [sflag:$0x2] =	stream.indirect_vreg.gather [hbm4b:s1+s4], $0x80, v4, vm0, $0xb8;
	[tilespmem:$0x1AC00] =	vst v63  }
0xc8: {  	s25 =	simm.s32 $0x14400  }
0xc9: {  	[tilespmem:s25], [sflag:$0x2] =	stream.indirect_vreg.gather [hbm4b:s1+s4], $0x80, v3, vm0, $0xb8;
	[tilespmem:$0x1AC00] =	vst v63  }
0xca: {  	v3 =	vld [tilespmem:s19+$0xE0];
	_ =	sdelay $0x4  }
0xcb: {  	v62 =	vshll.u32 v3, $0x1  }
0xcc: {  	v3 =	vand.u32 $0x7, v3;
	v4 =	vand.u32 $0xFFFFFFF0, v62  }
0xcd: {  	v3 =	vor.u32 v3, v4  }
0xce: {  	v4 =	vperm.xlane v3, v0;
	_ =	sdelay $0x1  }
0xcf: {  	v3 =	vperm.xlane v3, v2;
	v4 =	vadd.s32 v1, v4;
	_ =	sdelay $0x1  }
0xd0: {  	v3 =	vadd.s32 v1, v3;
	_ =	sdelay $0x1  }
0xd1: {  	s26 =	simm.s32 $0x14C00  }
0xd2: {  	[tilespmem:s26], [sflag:$0x2] =	stream.indirect_vreg.gather [hbm4b:s1+s4], $0x80, v4, vm0, $0xb8;
	[tilespmem:$0x1AC00] =	vst v63  }
0xd3: {  	s28 =	simm.s32 $0x15400  }
0xd4: {  	[tilespmem:s28], [sflag:$0x2] =	stream.indirect_vreg.gather [hbm4b:s1+s4], $0x80, v3, vm0, $0xb8;
	[tilespmem:$0x1AC00] =	vst v63  }
0xd5: {  	v3 =	vld [tilespmem:s19+$0xF0];
	_ =	sdelay $0x4  }
0xd6: {  	v63 =	vshll.u32 v3, $0x1  }
0xd7: {  	v3 =	vand.u32 $0x7, v3;
	v4 =	vand.u32 $0xFFFFFFF0, v63  }
0xd8: {  	v3 =	vor.u32 v3, v4  }
0xd9: {  	v4 =	vperm.xlane v3, v0;
	_ =	sdelay $0x1  }
0xda: {  	v3 =	vperm.xlane v3, v2;
	v4 =	vadd.s32 v1, v4;
	_ =	sdelay $0x1  }
0xdb: {  	v3 =	vadd.s32 v1, v3;
	_ =	sdelay $0x1  }
0xdc: {  	s29 =	simm.s32 $0x15C00  }
0xdd: {  	[tilespmem:s29], [sflag:$0x2] =	stream.indirect_vreg.gather [hbm4b:s1+s4], $0x80, v4, vm0, $0xb8;
	[tilespmem:$0x1AC00] =	vst v63  }
0xde: {  	s30 =	simm.s32 $0x16400  }
0xdf: {  	[tilespmem:s30], [sflag:$0x2] =	stream.indirect_vreg.gather [hbm4b:s1+s4], $0x80, v3, vm0, $0xb8;
	[tilespmem:$0x1AC00] =	vst v63  }
0xe0: {  	_ =	swait.ge [sflag:s31], $0x200  }
0xe1: {  	[sflag:s31] =	ssyncset.done $0x0  }
0xe2: {  	[sflag:s31] =	ssyncadd.s32 $0xFFFFFE00  }
0xe3: {  	_ =	swait.ge [sflag:s2], $0x8000  }
0xe4: {  	p0 =	seq.s32 s13, $0x0;
	[sflag:s2] =	ssyncset.done $0x0  }
0xe5: {  	s20 =	simm.s32 @!p0 $0x5;
	[sflag:s2] =	ssyncadd.s32 $0xFFFF8000  }
0xe6: {  	s21 =	simm.s32 $0x10;
	s22 =	simm.s32 $0x0;
	_ =	swait.ge @!p0 [sflag:s20], $0x2000  }
0xe7: {  	s23 =	simm.s32 $0x0;
	s24 =	simm.s32 $0x0;
	[sflag:s20] =	ssyncset.done @!p0 $0x0  }
0xe8: {  	s19 =	sshll.u32 s13, $0x1;
	[sflag:s20] =	ssyncadd.s32 @!p0 $0xFFFFE000;
	s20 =	simm.s32 $0xFFFFFFFE  }
.LBB2_3:
0xe9: {  	s25 =	sadd.s32 $0xFFFFFFF0, s21;
	s26 =	sand.u32 $0x300, s22  }
0xea: {  	s25 =	sand.u32 $0x60, s25;
	s26 =	sor.u32 $0x6800, s26  }
0xeb: {  	s29 =	sand.u32 $0x300, s24;
	s28 =	sor.u32 s25, s26;
	s25 =	sand.u32 $0x1800, s23  }
0xec: {  	v3 =	vld [tilespmem:s28+$0x0];
	s28 =	sor.u32 s29, s25  }
0xed: {  	v4 =	vld [tilespmem:s28+$0x6C00]  }
0xee: {  	v7 =	vld [tilespmem:s28+$0x8C00]  }
0xef: {  	v8 =	vld [tilespmem:s28+$0xAC00]  }
0xf0: {  	v9 =	vld [tilespmem:s28+$0xCC00]  }
0xf1: {  	v10 =	vld [tilespmem:s28+$0x6C10]  }
0xf2: {  	v11 =	vld [tilespmem:s28+$0x8C10]  }
0xf3: {  	v12 =	vld [tilespmem:s28+$0xAC10]  }
0xf4: {  	v13 =	vld [tilespmem:s28+$0xCC10]  }
0xf5: {  	v14 =	vld [tilespmem:s28+$0x6C20]  }
0xf6: {  	v15 =	vld [tilespmem:s28+$0x8C20]  }
0xf7: {  	v16 =	vld [tilespmem:s28+$0xAC20]  }
0xf8: {  	v17 =	vld [tilespmem:s28+$0xCC20]  }
0xf9: {  	v18 =	vld [tilespmem:s28+$0x6C30]  }
0xfa: {  	v19 =	vld [tilespmem:s28+$0x8C30]  }
0xfb: {  	v20 =	vld [tilespmem:s28+$0xAC30]  }
0xfc: {  	v21 =	vld [tilespmem:s28+$0xCC30]  }
0xfd: {  	v22 =	vld [tilespmem:s28+$0x6C40]  }
0xfe: {  	v23 =	vld [tilespmem:s28+$0x8C40]  }
0xff: {  	v24 =	vld [tilespmem:s28+$0xAC40]  }
0x100: {  	v25 =	vld [tilespmem:s28+$0xCC40]  }
0x101: {  	v26 =	vld [tilespmem:s28+$0x6C50]  }
0x102: {  	v27 =	vld [tilespmem:s28+$0x8C50]  }
0x103: {  	v28 =	vld [tilespmem:s28+$0xAC50]  }
0x104: {  	v29 =	vld [tilespmem:s28+$0xCC50]  }
0x105: {  	v30 =	vld [tilespmem:s28+$0x6C60]  }
0x106: {  	v31 =	vld [tilespmem:s28+$0x8C60]  }
0x107: {  	v32 =	vld [tilespmem:s28+$0xAC60];
	v5 =	vbroadcast v3, $0x0;
	v6 =	vbroadcast v3, $0x1  }
0x108: {  	v33 =	vld [tilespmem:s28+$0xCC60]  }
0x109: {  	v34 =	vld [tilespmem:s28+$0x6C70];
	v36 =	vmul.f32 v5, v4;
	v7 =	vmul.f32 v7, v6  }
0x10a: {  	v35 =	vld [tilespmem:s28+$0x8C70];
	v4 =	vbroadcast v3, $0x2;
	v10 =	vmul.f32 v10, v5  }
0x10b: {  	v37 =	vld [tilespmem:s28+$0xAC70];
	v11 =	vmul.f32 v11, v6;
	v3 =	vbroadcast v3, $0x3  }
0x10c: {  	v38 =	vld [tilespmem:s28+$0xCC70];
	v53 =	vmul.f32 v14, v5;
	v54 =	vmul.f32 v15, v6  }
0x10d: {  	v39 =	vld [tilespmem:s28+$0x7000];
	v55 =	vmul.f32 v18, v5;
	v56 =	vmul.f32 v19, v6  }
0x10e: {  	v45 =	vld [tilespmem:s28+$0x7030];
	v61 =	vmul.f32 v22, v5;
	v62 =	vmul.f32 v23, v6  }
0x10f: {  	v48 =	vld [tilespmem:s28+$0x9030];
	v63 =	vmul.f32 v26, v5;
	v40 =	vmul.f32 v27, v6  }
0x110: {  	v51 =	vld [tilespmem:s28+$0xB030];
	v46 =	vmul.f32 v30, v5;
	v47 =	vmul.f32 v31, v6  }
0x111: {  	v15 =	vld [tilespmem:s28+$0xD000];
	v49 =	vmul.f32 v34, v5;
	v50 =	vmul.f32 v35, v6  }
0x112: {  	v19 =	vld [tilespmem:s28+$0x7010];
	v8 =	vmul.f32 v8, v4;
	v52 =	vmul.f32 v12, v4  }
0x113: {  	v14 =	vld [tilespmem:s28+$0xD010];
	v9 =	vmul.f32 v9, v3;
	v57 =	vmul.f32 v16, v4  }
0x114: {  	v23 =	vld [tilespmem:s28+$0xB020];
	v7 =	vadd.f32 v7, v36;
	v13 =	vmul.f32 v13, v3;
	v58 =	vmul.f32 v20, v4  }
0x115: {  	v36 =	vld [tilespmem:s28+$0x9000];
	v10 =	vadd.f32 v11, v10;
	v59 =	vmul.f32 v17, v3;
	v60 =	vmul.f32 v21, v3  }
0x116: {  	v12 =	vld [tilespmem:s28+$0xB000];
	v11 =	vadd.f32 v56, v55;
	v41 =	vmul.f32 v24, v4;
	v42 =	vmul.f32 v25, v3  }
0x117: {  	v16 =	vld [tilespmem:s28+$0x9010];
	v43 =	vmul.f32 v28, v4;
	v44 =	vmul.f32 v29, v3;
	v18 =	vadd.f32 v47, v46  }
0x118: {  	v20 =	vld [tilespmem:s28+$0xB010];
	v22 =	vadd.f32 v50, v49;
	v56 =	vmul.f32 v39, v5;
	v33 =	vmul.f32 v33, v3  }
0x119: {  	v17 =	vld [tilespmem:s28+$0x7020];
	v39 =	vmul.f32 v48, v6;
	v46 =	vmul.f32 v51, v4;
	v7 =	vadd.f32 v8, v7  }
0x11a: {  	v21 =	vld [tilespmem:s28+$0x9020];
	v10 =	vadd.f32 v52, v10;
	v8 =	vadd.f32 v54, v53;
	v52 =	vmul.f32 v32, v4  }
0x11b: {  	v25 =	vld [tilespmem:s28+$0xD020];
	v11 =	vadd.f32 v58, v11;
	v54 =	vmul.f32 v37, v4;
	v19 =	vmul.f32 v19, v5  }
0x11c: {  	v55 =	vld [tilespmem:s28+$0x7040];
	v15 =	vmul.f32 v15, v3;
	v7 =	vadd.f32 v9, v7;
	v8 =	vadd.f32 v57, v8  }
0x11d: {  	v48 =	vld [tilespmem:s28+$0x7070];
	v14 =	vmul.f32 v14, v3;
	v10 =	vadd.f32 v13, v10;
	v11 =	vadd.f32 v60, v11  }
0x11e: {  	v53 =	vld [tilespmem:s28+$0xD030];
	v9 =	vadd.f32 v62, v61;
	v13 =	vadd.f32 v40, v63;
	v60 =	vmul.f32 v38, v3  }
0x11f: {  	v58 =	vld [tilespmem:s28+$0x9040];
	v18 =	vadd.f32 v52, v18;
	v38 =	vmul.f32 v45, v5;
	v57 =	vmul.f32 v36, v6  }
0x120: {  	v32 =	vld [tilespmem:s28+$0xD040];
	v22 =	vadd.f32 v54, v22;
	v16 =	vmul.f32 v16, v6;
	v12 =	vmul.f32 v12, v4  }
0x121: {  	v37 =	vld [tilespmem:s28+$0xD050];
	v61 =	vmul.f32 v20, v4;
	v35 =	vmul.f32 v17, v5;
	v8 =	vadd.f32 v59, v8  }
0x122: {  	v62 =	vld [tilespmem:s28+$0x7050];
	v36 =	vmul.f32 v21, v6;
	v9 =	vadd.f32 v41, v9;
	v13 =	vadd.f32 v43, v13  }
0x123: {  	v63 =	vld [tilespmem:s28+$0x9050];
	v49 =	vmul.f32 v55, v5;
	v18 =	vadd.f32 v33, v18;
	v22 =	vadd.f32 v60, v22  }
0x124: {  	v40 =	vld [tilespmem:s28+$0x7060];
	v43 =	vmul.f32 v25, v3;
	v45 =	vadd.f32 v39, v38;
	v24 =	vadd.f32 v57, v56  }
0x125: {  	v59 =	vld [tilespmem:s28+$0xB040];
	v16 =	vadd.f32 v16, v19;
	v41 =	vadd.f32 v36, v35;
	v47 =	vmul.f32 v53, v3  }
0x126: {  	v33 =	vld [tilespmem:s28+$0xB050];
	[tilespmem:s28+$0x16C00] =	vst v7;
	v50 =	vmul.f32 v58, v6;
	v17 =	vmul.f32 v37, v3;
	v9 =	vadd.f32 v42, v9  }
0x127: {  	[tilespmem:s28+$0x16C10] =	vst v10;
	v13 =	vadd.f32 v44, v13;
	v42 =	vmul.f32 v23, v4;
	v44 =	vld [tilespmem:s28+$0x9060];
	v10 =	vadd.f32 v46, v45  }
0x128: {  	v51 =	vld [tilespmem:s28+$0x9070];
	[tilespmem:s28+$0x16C30] =	vst v11;
	v12 =	vadd.f32 v12, v24;
	v16 =	vadd.f32 v61, v16;
	v52 =	vmul.f32 v62, v5  }
0x129: {  	v54 =	vld [tilespmem:s28+$0xB060];
	[tilespmem:s28+$0x16C20] =	vst v8;
	v53 =	vmul.f32 v63, v6;
	v8 =	vadd.f32 v50, v49;
	v7 =	vadd.f32 v42, v41  }
0x12a: {  	v56 =	vld [tilespmem:s28+$0xB070];
	[tilespmem:s28+$0x16C60] =	vst v18;
	v62 =	vmul.f32 v32, v3;
	v10 =	vadd.f32 v47, v10;
	v12 =	vadd.f32 v15, v12  }
0x12b: {  	v58 =	vld [tilespmem:s28+$0xD060];
	[tilespmem:s28+$0x16C70] =	vst v22;
	v14 =	vadd.f32 v14, v16;
	v55 =	vmul.f32 v59, v4;
	v57 =	vmul.f32 v33, v4  }
0x12c: {  	v61 =	vld [tilespmem:s28+$0xD070];
	[tilespmem:s28+$0x16C40] =	vst v9;
	v11 =	vadd.f32 v53, v52;
	v59 =	vmul.f32 v40, v5;
	v60 =	vmul.f32 v44, v6  }
0x12d: {  	[tilespmem:s28+$0x16C50] =	vst v13;
	v5 =	vmul.f32 v48, v5;
	v7 =	vadd.f32 v43, v7;
	v6 =	vmul.f32 v51, v6  }
0x12e: {  	v63 =	vmul.f32 v54, v4;
	[tilespmem:s28+$0x17030] =	vst v10;
	v8 =	vadd.f32 v55, v8;
	v9 =	vadd.f32 v60, v59  }
0x12f: {  	v4 =	vmul.f32 v56, v4;
	v11 =	vadd.f32 v57, v11;
	[tilespmem:s28+$0x17000] =	vst v12;
	v5 =	vadd.f32 v6, v5  }
0x130: {  	v21 =	vmul.f32 v58, v3;
	[tilespmem:s28+$0x17010] =	vst v14;
	v19 =	vadd.f32 v62, v8;
	v20 =	vadd.f32 v63, v9  }
0x131: {  	[tilespmem:s28+$0x17020] =	vst v7;
	v3 =	vmul.f32 v61, v3;
	v6 =	vadd.f32 v17, v11;
	v4 =	vadd.f32 v4, v5  }
0x132: {  	[tilespmem:s28+$0x17040] =	vst v19;
	v22 =	vadd.f32 v21, v20  }
0x133: {  	[tilespmem:s28+$0x17050] =	vst v6;
	v3 =	vadd.f32 v3, v4  }
0x134: {  	s30 =	sand.u32 $0x70, s21;
	[tilespmem:s28+$0x17060] =	vst v22  }
0x135: {  	s26 =	sor.u32 s30, s26;
	s29 =	sadd.s32 $0x80, s24;
	[tilespmem:s28+$0x17070] =	vst v3  }
0x136: {  	s30 =	sadd.s32 $0x2100, s23;
	v6 =	vld [tilespmem:s26+$0x0];
	s26 =	sand.u32 $0x380, s29;
	s29 =	sadd.s32 $0x1080, s24  }
0x137: {  	s30 =	sand.u32 $0x3800, s30;
	s25 =	sor.u32 s25, s26;
	s29 =	sand.u32 $0x380, s29  }
0x138: {  	s28 =	sadd.s32 $0x4100, s23;
	v5 =	vld [tilespmem:s25+$0x6C00];
	s26 =	sor.u32 s29, s30;
	s30 =	sadd.s32 $0x2080, s24  }
0x139: {  	s28 =	sand.u32 $0x5800, s28;
	v7 =	vld [tilespmem:s26+$0x6C00];
	s29 =	sand.u32 $0x380, s30  }
0x13a: {  	s30 =	sadd.s32 $0x3080, s24;
	s28 =	sor.u32 s29, s28;
	s29 =	sadd.s32 $0x6100, s23  }
0x13b: {  	s30 =	sand.u32 $0x380, s30;
	v3 =	vbroadcast v6, $0x0;
	v23 =	vld [tilespmem:s28+$0x6C00];
	s29 =	sand.u32 $0x7800, s29  }
0x13c: {  	v4 =	vbroadcast v6, $0x1;
	s29 =	sor.u32 s30, s29  }
0x13d: {  	v24 =	vmul.f32 v3, v5;
	v10 =	vld [tilespmem:s29+$0x6C00]  }
0x13e: {  	v5 =	vbroadcast v6, $0x2;
	v7 =	vmul.f32 v7, v4;
	_ =	sdelay $0x1  }
0x13f: {  	v6 =	vbroadcast v6, $0x3;
	v7 =	vadd.f32 v7, v24;
	v8 =	vmul.f32 v23, v5;
	_ =	sdelay $0x1  }
0x140: {  	v7 =	vadd.f32 v8, v7;
	v25 =	vmul.f32 v10, v6;
	_ =	sdelay $0x1  }
0x141: {  	v7 =	vadd.f32 v25, v7;
	_ =	sdelay $0x1  }
0x142: {  	v26 =	vld [tilespmem:s25+$0x6C10];
	[tilespmem:s25+$0x16C00] =	vst v7  }
0x143: {  	v27 =	vld [tilespmem:s26+$0x6C10];
	_ =	sdelay $0x1  }
0x144: {  	v28 =	vld [tilespmem:s28+$0x6C10];
	_ =	sdelay $0x1  }
0x145: {  	v29 =	vld [tilespmem:s29+$0x6C10]  }
0x146: {  	v7 =	vmul.f32 v26, v3;
	v8 =	vmul.f32 v27, v4;
	_ =	sdelay $0x1  }
0x147: {  	v30 =	vmul.f32 v28, v5;
	v7 =	vadd.f32 v8, v7;
	_ =	sdelay $0x1  }
0x148: {  	v31 =	vmul.f32 v29, v6;
	v7 =	vadd.f32 v30, v7;
	_ =	sdelay $0x1  }
0x149: {  	v7 =	vadd.f32 v31, v7;
	_ =	sdelay $0x1  }
0x14a: {  	v32 =	vld [tilespmem:s25+$0x6C20];
	[tilespmem:s25+$0x16C10] =	vst v7  }
0x14b: {  	v33 =	vld [tilespmem:s26+$0x6C20];
	_ =	sdelay $0x1  }
0x14c: {  	v34 =	vld [tilespmem:s28+$0x6C20];
	_ =	sdelay $0x1  }
0x14d: {  	v35 =	vld [tilespmem:s29+$0x6C20]  }
0x14e: {  	v7 =	vmul.f32 v32, v3;
	v8 =	vmul.f32 v33, v4;
	_ =	sdelay $0x1  }
0x14f: {  	v36 =	vmul.f32 v34, v5;
	v7 =	vadd.f32 v8, v7;
	_ =	sdelay $0x1  }
0x150: {  	v37 =	vmul.f32 v35, v6;
	v7 =	vadd.f32 v36, v7;
	_ =	sdelay $0x1  }
0x151: {  	v7 =	vadd.f32 v37, v7;
	_ =	sdelay $0x1  }
0x152: {  	v38 =	vld [tilespmem:s25+$0x6C30];
	[tilespmem:s25+$0x16C20] =	vst v7  }
0x153: {  	v39 =	vld [tilespmem:s26+$0x6C30];
	_ =	sdelay $0x1  }
0x154: {  	v40 =	vld [tilespmem:s28+$0x6C30];
	_ =	sdelay $0x1  }
0x155: {  	v41 =	vld [tilespmem:s29+$0x6C30]  }
0x156: {  	v7 =	vmul.f32 v38, v3;
	v8 =	vmul.f32 v39, v4;
	_ =	sdelay $0x1  }
0x157: {  	v42 =	vmul.f32 v40, v5;
	v7 =	vadd.f32 v8, v7;
	_ =	sdelay $0x1  }
0x158: {  	v43 =	vmul.f32 v41, v6;
	v7 =	vadd.f32 v42, v7;
	_ =	sdelay $0x1  }
0x159: {  	v7 =	vadd.f32 v43, v7;
	_ =	sdelay $0x1  }
0x15a: {  	v44 =	vld [tilespmem:s25+$0x6C40];
	[tilespmem:s25+$0x16C30] =	vst v7  }
0x15b: {  	v45 =	vld [tilespmem:s26+$0x6C40];
	_ =	sdelay $0x1  }
0x15c: {  	v46 =	vld [tilespmem:s28+$0x6C40];
	_ =	sdelay $0x1  }
0x15d: {  	v47 =	vld [tilespmem:s29+$0x6C40]  }
0x15e: {  	v7 =	vmul.f32 v44, v3;
	v8 =	vmul.f32 v45, v4;
	_ =	sdelay $0x1  }
0x15f: {  	v48 =	vmul.f32 v46, v5;
	v7 =	vadd.f32 v8, v7;
	_ =	sdelay $0x1  }
0x160: {  	v49 =	vmul.f32 v47, v6;
	v7 =	vadd.f32 v48, v7;
	_ =	sdelay $0x1  }
0x161: {  	v7 =	vadd.f32 v49, v7;
	_ =	sdelay $0x1  }
0x162: {  	v50 =	vld [tilespmem:s25+$0x6C50];
	[tilespmem:s25+$0x16C40] =	vst v7  }
0x163: {  	v51 =	vld [tilespmem:s26+$0x6C50];
	_ =	sdelay $0x1  }
0x164: {  	v52 =	vld [tilespmem:s28+$0x6C50];
	_ =	sdelay $0x1  }
0x165: {  	v53 =	vld [tilespmem:s29+$0x6C50]  }
0x166: {  	v7 =	vmul.f32 v50, v3;
	v8 =	vmul.f32 v51, v4;
	_ =	sdelay $0x1  }
0x167: {  	v54 =	vmul.f32 v52, v5;
	v7 =	vadd.f32 v8, v7;
	_ =	sdelay $0x1  }
0x168: {  	v55 =	vmul.f32 v53, v6;
	v7 =	vadd.f32 v54, v7;
	_ =	sdelay $0x1  }
0x169: {  	v7 =	vadd.f32 v55, v7;
	_ =	sdelay $0x1  }
0x16a: {  	v56 =	vld [tilespmem:s25+$0x6C60];
	[tilespmem:s25+$0x16C50] =	vst v7  }
0x16b: {  	v57 =	vld [tilespmem:s26+$0x6C60];
	_ =	sdelay $0x1  }
0x16c: {  	v58 =	vld [tilespmem:s28+$0x6C60];
	_ =	sdelay $0x1  }
0x16d: {  	v59 =	vld [tilespmem:s29+$0x6C60]  }
0x16e: {  	v7 =	vmul.f32 v56, v3;
	v8 =	vmul.f32 v57, v4;
	_ =	sdelay $0x1  }
0x16f: {  	v60 =	vmul.f32 v58, v5;
	v7 =	vadd.f32 v8, v7;
	_ =	sdelay $0x1  }
0x170: {  	v61 =	vmul.f32 v59, v6;
	v7 =	vadd.f32 v60, v7;
	_ =	sdelay $0x1  }
0x171: {  	v7 =	vadd.f32 v61, v7;
	_ =	sdelay $0x1  }
0x172: {  	v62 =	vld [tilespmem:s25+$0x6C70];
	[tilespmem:s25+$0x16C60] =	vst v7  }
0x173: {  	v63 =	vld [tilespmem:s26+$0x6C70];
	_ =	sdelay $0x1  }
0x174: {  	v12 =	vld [tilespmem:s28+$0x6C70];
	_ =	sdelay $0x1  }
0x175: {  	v13 =	vld [tilespmem:s29+$0x6C70]  }
0x176: {  	v7 =	vmul.f32 v62, v3;
	v8 =	vmul.f32 v63, v4;
	_ =	sdelay $0x1  }
0x177: {  	v14 =	vmul.f32 v12, v5;
	v7 =	vadd.f32 v8, v7;
	_ =	sdelay $0x1  }
0x178: {  	v15 =	vmul.f32 v13, v6;
	v7 =	vadd.f32 v14, v7;
	_ =	sdelay $0x1  }
0x179: {  	v7 =	vadd.f32 v15, v7;
	_ =	sdelay $0x1  }
0x17a: {  	v16 =	vld [tilespmem:s25+$0x7000];
	[tilespmem:s25+$0x16C70] =	vst v7  }
0x17b: {  	v17 =	vld [tilespmem:s26+$0x7000];
	_ =	sdelay $0x1  }
0x17c: {  	v18 =	vld [tilespmem:s28+$0x7000];
	_ =	sdelay $0x1  }
0x17d: {  	v19 =	vld [tilespmem:s29+$0x7000]  }
0x17e: {  	v7 =	vmul.f32 v16, v3;
	v8 =	vmul.f32 v17, v4;
	_ =	sdelay $0x1  }
0x17f: {  	v20 =	vmul.f32 v18, v5;
	v7 =	vadd.f32 v8, v7;
	_ =	sdelay $0x1  }
0x180: {  	v21 =	vmul.f32 v19, v6;
	v7 =	vadd.f32 v20, v7;
	_ =	sdelay $0x1  }
0x181: {  	v7 =	vadd.f32 v21, v7;
	_ =	sdelay $0x1  }
0x182: {  	v22 =	vld [tilespmem:s25+$0x7010];
	[tilespmem:s25+$0x17000] =	vst v7  }
0x183: {  	v23 =	vld [tilespmem:s26+$0x7010];
	_ =	sdelay $0x1  }
0x184: {  	v24 =	vld [tilespmem:s28+$0x7010];
	_ =	sdelay $0x1  }
0x185: {  	v25 =	vld [tilespmem:s29+$0x7010]  }
0x186: {  	v7 =	vmul.f32 v22, v3;
	v8 =	vmul.f32 v23, v4;
	_ =	sdelay $0x1  }
0x187: {  	v26 =	vmul.f32 v24, v5;
	v7 =	vadd.f32 v8, v7;
	_ =	sdelay $0x1  }
0x188: {  	v27 =	vmul.f32 v25, v6;
	v7 =	vadd.f32 v26, v7;
	_ =	sdelay $0x1  }
0x189: {  	v7 =	vadd.f32 v27, v7;
	_ =	sdelay $0x1  }
0x18a: {  	v28 =	vld [tilespmem:s25+$0x7020];
	[tilespmem:s25+$0x17010] =	vst v7  }
0x18b: {  	v29 =	vld [tilespmem:s26+$0x7020];
	_ =	sdelay $0x1  }
0x18c: {  	v30 =	vld [tilespmem:s28+$0x7020];
	_ =	sdelay $0x1  }
0x18d: {  	v31 =	vld [tilespmem:s29+$0x7020]  }
0x18e: {  	v7 =	vmul.f32 v28, v3;
	v8 =	vmul.f32 v29, v4;
	_ =	sdelay $0x1  }
0x18f: {  	v32 =	vmul.f32 v30, v5;
	v7 =	vadd.f32 v8, v7;
	_ =	sdelay $0x1  }
0x190: {  	v33 =	vmul.f32 v31, v6;
	v7 =	vadd.f32 v32, v7;
	_ =	sdelay $0x1  }
0x191: {  	v7 =	vadd.f32 v33, v7;
	_ =	sdelay $0x1  }
0x192: {  	v34 =	vld [tilespmem:s25+$0x7030];
	[tilespmem:s25+$0x17020] =	vst v7  }
0x193: {  	v35 =	vld [tilespmem:s26+$0x7030];
	_ =	sdelay $0x1  }
0x194: {  	v36 =	vld [tilespmem:s28+$0x7030];
	_ =	sdelay $0x1  }
0x195: {  	v37 =	vld [tilespmem:s29+$0x7030]  }
0x196: {  	v7 =	vmul.f32 v34, v3;
	v8 =	vmul.f32 v35, v4;
	_ =	sdelay $0x1  }
0x197: {  	v38 =	vmul.f32 v36, v5;
	v7 =	vadd.f32 v8, v7;
	_ =	sdelay $0x1  }
0x198: {  	v39 =	vmul.f32 v37, v6;
	v7 =	vadd.f32 v38, v7;
	_ =	sdelay $0x1  }
0x199: {  	v7 =	vadd.f32 v39, v7;
	_ =	sdelay $0x1  }
0x19a: {  	v40 =	vld [tilespmem:s25+$0x7040];
	[tilespmem:s25+$0x17030] =	vst v7  }
0x19b: {  	v41 =	vld [tilespmem:s26+$0x7040];
	_ =	sdelay $0x1  }
0x19c: {  	v42 =	vld [tilespmem:s28+$0x7040];
	_ =	sdelay $0x1  }
0x19d: {  	v43 =	vld [tilespmem:s29+$0x7040]  }
0x19e: {  	v7 =	vmul.f32 v40, v3;
	v8 =	vmul.f32 v41, v4;
	_ =	sdelay $0x1  }
0x19f: {  	v44 =	vmul.f32 v42, v5;
	v7 =	vadd.f32 v8, v7;
	_ =	sdelay $0x1  }
0x1a0: {  	v45 =	vmul.f32 v43, v6;
	v7 =	vadd.f32 v44, v7;
	_ =	sdelay $0x1  }
0x1a1: {  	v7 =	vadd.f32 v45, v7;
	_ =	sdelay $0x1  }
0x1a2: {  	v46 =	vld [tilespmem:s25+$0x7050];
	[tilespmem:s25+$0x17040] =	vst v7  }
0x1a3: {  	v47 =	vld [tilespmem:s26+$0x7050];
	_ =	sdelay $0x1  }
0x1a4: {  	v48 =	vld [tilespmem:s28+$0x7050];
	_ =	sdelay $0x1  }
0x1a5: {  	v49 =	vld [tilespmem:s29+$0x7050]  }
0x1a6: {  	v7 =	vmul.f32 v46, v3;
	v8 =	vmul.f32 v47, v4;
	_ =	sdelay $0x1  }
0x1a7: {  	v50 =	vmul.f32 v48, v5;
	v7 =	vadd.f32 v8, v7;
	_ =	sdelay $0x1  }
0x1a8: {  	v51 =	vmul.f32 v49, v6;
	v7 =	vadd.f32 v50, v7;
	_ =	sdelay $0x1  }
0x1a9: {  	v7 =	vadd.f32 v51, v7;
	_ =	sdelay $0x1  }
0x1aa: {  	v52 =	vld [tilespmem:s25+$0x7060];
	[tilespmem:s25+$0x17050] =	vst v7  }
0x1ab: {  	v53 =	vld [tilespmem:s26+$0x7060];
	_ =	sdelay $0x1  }
0x1ac: {  	v54 =	vld [tilespmem:s28+$0x7060];
	_ =	sdelay $0x1  }
0x1ad: {  	v55 =	vld [tilespmem:s29+$0x7060]  }
0x1ae: {  	v7 =	vmul.f32 v52, v3;
	v8 =	vmul.f32 v53, v4;
	_ =	sdelay $0x1  }
0x1af: {  	v56 =	vmul.f32 v54, v5;
	v7 =	vadd.f32 v8, v7;
	_ =	sdelay $0x1  }
0x1b0: {  	v57 =	vmul.f32 v55, v6;
	v7 =	vadd.f32 v56, v7;
	_ =	sdelay $0x1  }
0x1b1: {  	v7 =	vadd.f32 v57, v7;
	_ =	sdelay $0x1  }
0x1b2: {  	v58 =	vld [tilespmem:s25+$0x7070];
	[tilespmem:s25+$0x17060] =	vst v7  }
0x1b3: {  	v59 =	vld [tilespmem:s26+$0x7070];
	_ =	sdelay $0x1  }
0x1b4: {  	v60 =	vld [tilespmem:s28+$0x7070];
	_ =	sdelay $0x1  }
0x1b5: {  	v61 =	vld [tilespmem:s29+$0x7070]  }
0x1b6: {  	v3 =	vmul.f32 v58, v3;
	v4 =	vmul.f32 v59, v4;
	_ =	sdelay $0x1  }
0x1b7: {  	s20 =	sadd.s32 $0x2, s20;
	v62 =	vmul.f32 v60, v5;
	v3 =	vadd.f32 v4, v3  }
0x1b8: {  	p1 =	slt.u32 s20, $0x1E  }
.Ltmp0:
0x1b9: {  	v63 =	vmul.f32 v61, v6;
	v3 =	vadd.f32 v62, v3;
	(pc) =	sbr.rel @p1 .LBB2_3-.Ltmp0, $4  }
0x1ba: {  	_ = 	snop  }
0x1bb: {  	v3 =	vadd.f32 v63, v3  }
0x1bc: {  	s21 =	sadd.s32 $0x20, s21  }
0x1bd: {  	s22 =	sadd.s32 $0x40, s22;
	s24 =	sadd.s32 $0x100, s24;
	s23 =	sadd.s32 $0x200, s23;
	[tilespmem:s25+$0x17070] =	vst v3  }
0x1be: {  	s17 =	sshrl.u32 s17, $0x2  }
0x1bf: {  	v3 =	vld [tilespmem:s17+$0x3400];
	_ =	sdelay $0x4  }
0x1c0: {  	v4 =	vshll.u32 v3, $0x1  }
0x1c1: {  	v3 =	vand.u32 $0x7, v3;
	v4 =	vand.u32 $0xFFFFFFF0, v4  }
0x1c2: {  	v3 =	vor.u32 v3, v4  }
0x1c3: {  	v4 =	vperm.xlane v3, v0;
	_ =	sdelay $0x1  }
0x1c4: {  	v3 =	vperm.xlane v3, v2;
	v4 =	vadd.s32 v1, v4;
	_ =	sdelay $0x1  }
0x1c5: {  	v3 =	vadd.s32 v1, v3;
	_ =	sdelay $0x2  }
0x1c6: {  	[hbm4b:s3+s4] =	stream.indirect_vreg.scatter [tilespmem:s0], [sflag:$0x5], $0x80, v4, vm0, $0xb8;
	[tilespmem:$0x1AC00] =	vst v63  }
0x1c7: {  	_ = 	snop  }
0x1c8: {  	[hbm4b:s3+s4] =	stream.indirect_vreg.scatter [tilespmem:s12], [sflag:$0x5], $0x80, v3, vm0, $0xb8;
	[tilespmem:$0x1AC00] =	vst v63  }
0x1c9: {  	v3 =	vld [tilespmem:s17+$0x3410];
	_ =	sdelay $0x4  }
0x1ca: {  	v63 =	vshll.u32 v3, $0x1  }
0x1cb: {  	v3 =	vand.u32 $0x7, v3;
	v4 =	vand.u32 $0xFFFFFFF0, v63  }
0x1cc: {  	v3 =	vor.u32 v3, v4  }
0x1cd: {  	v4 =	vperm.xlane v3, v0;
	_ =	sdelay $0x1  }
0x1ce: {  	v3 =	vperm.xlane v3, v2;
	v4 =	vadd.s32 v1, v4;
	_ =	sdelay $0x1  }
0x1cf: {  	p1 =	seq.s32 s13, $0x30;
	v3 =	vadd.s32 v1, v3  }
.Ltmp1:
0x1d0: {  	_ = 	snop;
	(pc) =	sbr.rel @p1 .LBB2_6-.Ltmp1, $4  }
0x1d1: {  	_ = 	snop  }
0x1d2: {  	[hbm4b:s3+s4] =	stream.indirect_vreg.scatter [tilespmem:s7], [sflag:$0x5], $0x80, v4, vm0, $0xb8;
	[tilespmem:$0x1AC00] =	vst v63  }
0x1d3: {  	_ = 	snop  }
0x1d4: {  	[hbm4b:s3+s4] =	stream.indirect_vreg.scatter [tilespmem:s8], [sflag:$0x5], $0x80, v3, vm0, $0xb8;
	[tilespmem:$0x1AC00] =	vst v63  }
0x1d5: {  	s17 =	sadd.s32 $0x2, s19  }
0x1d6: {  	s19 =	sshll.u32 s17, $0x9  }
0x1d7: {  	s17 =	sshll.u32 s17, $0x7;
	s20 =	sand.u32 $0x1F000, s19  }
0x1d8: {  	s17 =	sand.u32 $0x300, s17;
	s20 =	sadd.s32 s5, s20  }
0x1d9: {  	s17 =	sor.u32 s17, s20  }
0x1da: {  	s17 =	sshrl.u32 s17, $0x3  }
0x1db: {  	s29 =	simm.s32 $0x6800;
	s17 =	sadd.s32 s6, s17  }
0x1dc: {  	[tilespmem:s29], [sflag:$0x3] =	stream.linear.gather [hbm4b:s17+s4], $0x80, $0x38;
	[tilespmem:$0x1AC00] =	vst v63  }
0x1dd: {  	s21 =	simm.s32 $0x6900;
	s30 =	sadd.s32 $0x80, s17  }
0x1de: {  	[tilespmem:s21], [sflag:$0x3] =	stream.linear.gather [hbm4b:s30+s4], $0x80, $0x38;
	[tilespmem:$0x1AC00] =	vst v63  }
0x1df: {  	s22 =	simm.s32 $0x6A00;
	s21 =	sadd.s32 $0x100, s17  }
0x1e0: {  	[tilespmem:s22], [sflag:$0x3] =	stream.linear.gather [hbm4b:s21+s4], $0x80, $0x38;
	[tilespmem:$0x1AC00] =	vst v63  }
0x1e1: {  	s23 =	simm.s32 $0x6B00;
	s17 =	sadd.s32 $0x180, s17  }
0x1e2: {  	[tilespmem:s23], [sflag:$0x3] =	stream.linear.gather [hbm4b:s17+s4], $0x80, $0x38;
	[tilespmem:$0x1AC00] =	vst v63  }
0x1e3: {  	s17 =	sshrl.u32 s19, $0x2  }
0x1e4: {  	v3 =	vld [tilespmem:s17+$0x0];
	_ =	sdelay $0x4  }
0x1e5: {  	v4 =	vshll.u32 v3, $0x1  }
0x1e6: {  	v3 =	vand.u32 $0x7, v3;
	v4 =	vand.u32 $0xFFFFFFF0, v4  }
0x1e7: {  	v3 =	vor.u32 v3, v4  }
0x1e8: {  	v4 =	vperm.xlane v3, v0;
	_ =	sdelay $0x1  }
0x1e9: {  	v3 =	vperm.xlane v3, v2;
	v4 =	vadd.s32 v1, v4;
	_ =	sdelay $0x1  }
0x1ea: {  	v3 =	vadd.s32 v1, v3;
	_ =	sdelay $0x1  }
0x1eb: {  	s24 =	simm.s32 $0x6C00  }
0x1ec: {  	[tilespmem:s24], [sflag:$0x1] =	stream.indirect_vreg.gather [hbm4b:s1+s4], $0x80, v4, vm0, $0xb8;
	[tilespmem:$0x1AC00] =	vst v63  }
0x1ed: {  	s25 =	simm.s32 $0x7400  }
0x1ee: {  	[tilespmem:s25], [sflag:$0x1] =	stream.indirect_vreg.gather [hbm4b:s1+s4], $0x80, v3, vm0, $0xb8;
	[tilespmem:$0x1AC00] =	vst v63  }
0x1ef: {  	v3 =	vld [tilespmem:s17+$0x10];
	_ =	sdelay $0x4  }
0x1f0: {  	v57 =	vshll.u32 v3, $0x1  }
0x1f1: {  	v3 =	vand.u32 $0x7, v3;
	v4 =	vand.u32 $0xFFFFFFF0, v57  }
0x1f2: {  	v3 =	vor.u32 v3, v4  }
0x1f3: {  	v4 =	vperm.xlane v3, v0;
	_ =	sdelay $0x1  }
0x1f4: {  	v3 =	vperm.xlane v3, v2;
	v4 =	vadd.s32 v1, v4;
	_ =	sdelay $0x1  }
0x1f5: {  	v3 =	vadd.s32 v1, v3;
	_ =	sdelay $0x1  }
0x1f6: {  	s26 =	simm.s32 $0x7C00  }
0x1f7: {  	[tilespmem:s26], [sflag:$0x1] =	stream.indirect_vreg.gather [hbm4b:s1+s4], $0x80, v4, vm0, $0xb8;
	[tilespmem:$0x1AC00] =	vst v63  }
0x1f8: {  	s28 =	simm.s32 $0x8400  }
0x1f9: {  	[tilespmem:s28], [sflag:$0x1] =	stream.indirect_vreg.gather [hbm4b:s1+s4], $0x80, v3, vm0, $0xb8;
	[tilespmem:$0x1AC00] =	vst v63  }
0x1fa: {  	v3 =	vld [tilespmem:s17+$0x20];
	_ =	sdelay $0x4  }
0x1fb: {  	v58 =	vshll.u32 v3, $0x1  }
0x1fc: {  	v3 =	vand.u32 $0x7, v3;
	v4 =	vand.u32 $0xFFFFFFF0, v58  }
0x1fd: {  	v3 =	vor.u32 v3, v4  }
0x1fe: {  	v4 =	vperm.xlane v3, v0;
	_ =	sdelay $0x1  }
0x1ff: {  	v3 =	vperm.xlane v3, v2;
	v4 =	vadd.s32 v1, v4;
	_ =	sdelay $0x1  }
0x200: {  	v3 =	vadd.s32 v1, v3;
	_ =	sdelay $0x1  }
0x201: {  	s29 =	simm.s32 $0x8C00  }
0x202: {  	[tilespmem:s29], [sflag:$0x1] =	stream.indirect_vreg.gather [hbm4b:s1+s4], $0x80, v4, vm0, $0xb8;
	[tilespmem:$0x1AC00] =	vst v63  }
0x203: {  	s30 =	simm.s32 $0x9400  }
0x204: {  	[tilespmem:s30], [sflag:$0x1] =	stream.indirect_vreg.gather [hbm4b:s1+s4], $0x80, v3, vm0, $0xb8;
	[tilespmem:$0x1AC00] =	vst v63  }
0x205: {  	v3 =	vld [tilespmem:s17+$0x30];
	_ =	sdelay $0x4  }
0x206: {  	v59 =	vshll.u32 v3, $0x1  }
0x207: {  	v3 =	vand.u32 $0x7, v3;
	v4 =	vand.u32 $0xFFFFFFF0, v59  }
0x208: {  	v3 =	vor.u32 v3, v4  }
0x209: {  	v4 =	vperm.xlane v3, v0;
	_ =	sdelay $0x1  }
0x20a: {  	v3 =	vperm.xlane v3, v2;
	v4 =	vadd.s32 v1, v4;
	_ =	sdelay $0x1  }
0x20b: {  	v3 =	vadd.s32 v1, v3;
	_ =	sdelay $0x1  }
0x20c: {  	s20 =	simm.s32 $0x9C00  }
0x20d: {  	[tilespmem:s20], [sflag:$0x1] =	stream.indirect_vreg.gather [hbm4b:s1+s4], $0x80, v4, vm0, $0xb8;
	[tilespmem:$0x1AC00] =	vst v63  }
0x20e: {  	s21 =	simm.s32 $0xA400  }
0x20f: {  	[tilespmem:s21], [sflag:$0x1] =	stream.indirect_vreg.gather [hbm4b:s1+s4], $0x80, v3, vm0, $0xb8;
	[tilespmem:$0x1AC00] =	vst v63  }
0x210: {  	v3 =	vld [tilespmem:s17+$0x40];
	_ =	sdelay $0x4  }
0x211: {  	v60 =	vshll.u32 v3, $0x1  }
0x212: {  	v3 =	vand.u32 $0x7, v3;
	v4 =	vand.u32 $0xFFFFFFF0, v60  }
0x213: {  	v3 =	vor.u32 v3, v4  }
0x214: {  	v4 =	vperm.xlane v3, v0;
	_ =	sdelay $0x1  }
0x215: {  	v3 =	vperm.xlane v3, v2;
	v4 =	vadd.s32 v1, v4;
	_ =	sdelay $0x1  }
0x216: {  	v3 =	vadd.s32 v1, v3;
	_ =	sdelay $0x1  }
0x217: {  	s22 =	simm.s32 $0xAC00  }
0x218: {  	[tilespmem:s22], [sflag:$0x1] =	stream.indirect_vreg.gather [hbm4b:s1+s4], $0x80, v4, vm0, $0xb8;
	[tilespmem:$0x1AC00] =	vst v63  }
0x219: {  	s23 =	simm.s32 $0xB400  }
0x21a: {  	[tilespmem:s23], [sflag:$0x1] =	stream.indirect_vreg.gather [hbm4b:s1+s4], $0x80, v3, vm0, $0xb8;
	[tilespmem:$0x1AC00] =	vst v63  }
0x21b: {  	v3 =	vld [tilespmem:s17+$0x50];
	_ =	sdelay $0x4  }
0x21c: {  	v61 =	vshll.u32 v3, $0x1  }
0x21d: {  	v3 =	vand.u32 $0x7, v3;
	v4 =	vand.u32 $0xFFFFFFF0, v61  }
0x21e: {  	v3 =	vor.u32 v3, v4  }
0x21f: {  	v4 =	vperm.xlane v3, v0;
	_ =	sdelay $0x1  }
0x220: {  	v3 =	vperm.xlane v3, v2;
	v4 =	vadd.s32 v1, v4;
	_ =	sdelay $0x1  }
0x221: {  	v3 =	vadd.s32 v1, v3;
	_ =	sdelay $0x1  }
0x222: {  	s24 =	simm.s32 $0xBC00  }
0x223: {  	[tilespmem:s24], [sflag:$0x1] =	stream.indirect_vreg.gather [hbm4b:s1+s4], $0x80, v4, vm0, $0xb8;
	[tilespmem:$0x1AC00] =	vst v63  }
0x224: {  	s25 =	simm.s32 $0xC400  }
0x225: {  	[tilespmem:s25], [sflag:$0x1] =	stream.indirect_vreg.gather [hbm4b:s1+s4], $0x80, v3, vm0, $0xb8;
	[tilespmem:$0x1AC00] =	vst v63  }
0x226: {  	v3 =	vld [tilespmem:s17+$0x60];
	_ =	sdelay $0x4  }
0x227: {  	v62 =	vshll.u32 v3, $0x1  }
0x228: {  	v3 =	vand.u32 $0x7, v3;
	v4 =	vand.u32 $0xFFFFFFF0, v62  }
0x229: {  	v3 =	vor.u32 v3, v4  }
0x22a: {  	v4 =	vperm.xlane v3, v0;
	_ =	sdelay $0x1  }
0x22b: {  	v3 =	vperm.xlane v3, v2;
	v4 =	vadd.s32 v1, v4;
	_ =	sdelay $0x1  }
0x22c: {  	v3 =	vadd.s32 v1, v3;
	_ =	sdelay $0x1  }
0x22d: {  	s26 =	simm.s32 $0xCC00  }
0x22e: {  	[tilespmem:s26], [sflag:$0x1] =	stream.indirect_vreg.gather [hbm4b:s1+s4], $0x80, v4, vm0, $0xb8;
	[tilespmem:$0x1AC00] =	vst v63  }
0x22f: {  	s28 =	simm.s32 $0xD400  }
0x230: {  	[tilespmem:s28], [sflag:$0x1] =	stream.indirect_vreg.gather [hbm4b:s1+s4], $0x80, v3, vm0, $0xb8;
	[tilespmem:$0x1AC00] =	vst v63  }
0x231: {  	v3 =	vld [tilespmem:s17+$0x70];
	_ =	sdelay $0x4  }
0x232: {  	v63 =	vshll.u32 v3, $0x1  }
0x233: {  	v3 =	vand.u32 $0x7, v3;
	v4 =	vand.u32 $0xFFFFFFF0, v63  }
0x234: {  	v3 =	vor.u32 v3, v4  }
0x235: {  	v4 =	vperm.xlane v3, v0;
	_ =	sdelay $0x1  }
0x236: {  	v3 =	vperm.xlane v3, v2;
	v4 =	vadd.s32 v1, v4;
	_ =	sdelay $0x1  }
0x237: {  	v3 =	vadd.s32 v1, v3;
	_ =	sdelay $0x1  }
0x238: {  	s29 =	simm.s32 $0xDC00  }
0x239: {  	[tilespmem:s29], [sflag:$0x1] =	stream.indirect_vreg.gather [hbm4b:s1+s4], $0x80, v4, vm0, $0xb8;
	[tilespmem:$0x1AC00] =	vst v63  }
0x23a: {  	s30 =	simm.s32 $0xE400  }
0x23b: {  	[tilespmem:s30], [sflag:$0x1] =	stream.indirect_vreg.gather [hbm4b:s1+s4], $0x80, v3, vm0, $0xb8;
	[tilespmem:$0x1AC00] =	vst v63  }
.LBB2_6:
0x23c: {  	_ =	swait.ge [sflag:s10], $0x200  }
0x23d: {  	[sflag:s10] =	ssyncset.done $0x0  }
0x23e: {  	[sflag:s10] =	ssyncadd.s32 $0xFFFFFE00  }
0x23f: {  	_ =	swait.ge [sflag:s14], $0x8000  }
0x240: {  	[sflag:s14] =	ssyncset.done $0x0  }
0x241: {  	s17 =	simm.s32 @!p0 $0x6;
	[sflag:s14] =	ssyncadd.s32 $0xFFFF8000  }
0x242: {  	s19 =	simm.s32 $0x10;
	_ =	swait.ge @!p0 [sflag:s17], $0x2000  }
0x243: {  	s20 =	simm.s32 $0x0;
	s21 =	simm.s32 $0x0;
	[sflag:s17] =	ssyncset.done @!p0 $0x0  }
0x244: {  	s22 =	simm.s32 $0x0;
	[sflag:s17] =	ssyncadd.s32 @!p0 $0xFFFFE000;
	s17 =	simm.s32 $0xFFFFFFFE  }
.LBB2_7:
0x245: {  	s23 =	sadd.s32 $0xFFFFFFF0, s19;
	s24 =	sand.u32 $0x300, s20  }
0x246: {  	s23 =	sand.u32 $0x60, s23;
	s24 =	sor.u32 $0x6800, s24  }
0x247: {  	s26 =	sand.u32 $0x300, s22;
	s25 =	sor.u32 s23, s24;
	s23 =	sand.u32 $0x1800, s21  }
0x248: {  	v3 =	vld [tilespmem:s25+$0x80];
	s29 =	sor.u32 s26, s23  }
0x249: {  	v4 =	vld [tilespmem:s29+$0xEC00]  }
0x24a: {  	v7 =	vld [tilespmem:s29+$0x10C00]  }
0x24b: {  	v8 =	vld [tilespmem:s29+$0x12C00]  }
0x24c: {  	v9 =	vld [tilespmem:s29+$0x14C00]  }
0x24d: {  	v10 =	vld [tilespmem:s29+$0xEC10]  }
0x24e: {  	v11 =	vld [tilespmem:s29+$0x10C10]  }
0x24f: {  	v12 =	vld [tilespmem:s29+$0x12C10]  }
0x250: {  	v13 =	vld [tilespmem:s29+$0x14C10]  }
0x251: {  	v14 =	vld [tilespmem:s29+$0xEC20]  }
0x252: {  	v15 =	vld [tilespmem:s29+$0x10C20]  }
0x253: {  	v16 =	vld [tilespmem:s29+$0x12C20]  }
0x254: {  	v17 =	vld [tilespmem:s29+$0x14C20]  }
0x255: {  	v18 =	vld [tilespmem:s29+$0xEC30]  }
0x256: {  	v19 =	vld [tilespmem:s29+$0x10C30]  }
0x257: {  	v20 =	vld [tilespmem:s29+$0x12C30]  }
0x258: {  	v21 =	vld [tilespmem:s29+$0x14C30]  }
0x259: {  	v22 =	vld [tilespmem:s29+$0xEC40]  }
0x25a: {  	v23 =	vld [tilespmem:s29+$0x10C40]  }
0x25b: {  	v24 =	vld [tilespmem:s29+$0x12C40]  }
0x25c: {  	v25 =	vld [tilespmem:s29+$0x14C40]  }
0x25d: {  	v26 =	vld [tilespmem:s29+$0xEC50]  }
0x25e: {  	v27 =	vld [tilespmem:s29+$0x10C50]  }
0x25f: {  	v28 =	vld [tilespmem:s29+$0x12C50]  }
0x260: {  	v29 =	vld [tilespmem:s29+$0x14C50]  }
0x261: {  	v30 =	vld [tilespmem:s29+$0xEC60]  }
0x262: {  	v31 =	vld [tilespmem:s29+$0x10C60]  }
0x263: {  	v32 =	vld [tilespmem:s29+$0x12C60];
	v5 =	vbroadcast v3, $0x0;
	v6 =	vbroadcast v3, $0x1  }
0x264: {  	v33 =	vld [tilespmem:s29+$0x14C60]  }
0x265: {  	v34 =	vld [tilespmem:s29+$0xEC70];
	v36 =	vmul.f32 v5, v4;
	v7 =	vmul.f32 v7, v6  }
0x266: {  	v35 =	vld [tilespmem:s29+$0x10C70];
	v4 =	vbroadcast v3, $0x2;
	v10 =	vmul.f32 v10, v5  }
0x267: {  	v37 =	vld [tilespmem:s29+$0x12C70];
	v11 =	vmul.f32 v11, v6;
	v3 =	vbroadcast v3, $0x3  }
0x268: {  	v38 =	vld [tilespmem:s29+$0x14C70];
	v53 =	vmul.f32 v14, v5;
	v54 =	vmul.f32 v15, v6  }
0x269: {  	v39 =	vld [tilespmem:s29+$0xF000];
	v55 =	vmul.f32 v18, v5;
	v56 =	vmul.f32 v19, v6  }
0x26a: {  	v45 =	vld [tilespmem:s29+$0xF030];
	v61 =	vmul.f32 v22, v5;
	v62 =	vmul.f32 v23, v6  }
0x26b: {  	v48 =	vld [tilespmem:s29+$0x11030];
	v63 =	vmul.f32 v26, v5;
	v40 =	vmul.f32 v27, v6  }
0x26c: {  	v51 =	vld [tilespmem:s29+$0x13030];
	v46 =	vmul.f32 v30, v5;
	v47 =	vmul.f32 v31, v6  }
0x26d: {  	v15 =	vld [tilespmem:s29+$0x15000];
	v49 =	vmul.f32 v34, v5;
	v50 =	vmul.f32 v35, v6  }
0x26e: {  	v19 =	vld [tilespmem:s29+$0xF010];
	v8 =	vmul.f32 v8, v4;
	v52 =	vmul.f32 v12, v4  }
0x26f: {  	v14 =	vld [tilespmem:s29+$0x15010];
	v9 =	vmul.f32 v9, v3;
	v57 =	vmul.f32 v16, v4  }
0x270: {  	v23 =	vld [tilespmem:s29+$0x13020];
	v7 =	vadd.f32 v7, v36;
	v13 =	vmul.f32 v13, v3;
	v58 =	vmul.f32 v20, v4  }
0x271: {  	v36 =	vld [tilespmem:s29+$0x11000];
	v10 =	vadd.f32 v11, v10;
	v59 =	vmul.f32 v17, v3;
	v60 =	vmul.f32 v21, v3  }
0x272: {  	v12 =	vld [tilespmem:s29+$0x13000];
	v11 =	vadd.f32 v56, v55;
	v41 =	vmul.f32 v24, v4;
	v42 =	vmul.f32 v25, v3  }
0x273: {  	v16 =	vld [tilespmem:s29+$0x11010];
	v43 =	vmul.f32 v28, v4;
	v44 =	vmul.f32 v29, v3;
	v18 =	vadd.f32 v47, v46  }
0x274: {  	v20 =	vld [tilespmem:s29+$0x13010];
	v22 =	vadd.f32 v50, v49;
	v56 =	vmul.f32 v39, v5;
	v33 =	vmul.f32 v33, v3  }
0x275: {  	v17 =	vld [tilespmem:s29+$0xF020];
	v39 =	vmul.f32 v48, v6;
	v46 =	vmul.f32 v51, v4;
	v7 =	vadd.f32 v8, v7  }
0x276: {  	v21 =	vld [tilespmem:s29+$0x11020];
	v10 =	vadd.f32 v52, v10;
	v8 =	vadd.f32 v54, v53;
	v52 =	vmul.f32 v32, v4  }
0x277: {  	v25 =	vld [tilespmem:s29+$0x15020];
	v11 =	vadd.f32 v58, v11;
	v54 =	vmul.f32 v37, v4;
	v19 =	vmul.f32 v19, v5  }
0x278: {  	v55 =	vld [tilespmem:s29+$0xF040];
	v15 =	vmul.f32 v15, v3;
	v7 =	vadd.f32 v9, v7;
	v8 =	vadd.f32 v57, v8  }
0x279: {  	v48 =	vld [tilespmem:s29+$0xF070];
	v14 =	vmul.f32 v14, v3;
	v10 =	vadd.f32 v13, v10;
	v11 =	vadd.f32 v60, v11  }
0x27a: {  	v53 =	vld [tilespmem:s29+$0x15030];
	v9 =	vadd.f32 v62, v61;
	v13 =	vadd.f32 v40, v63;
	v60 =	vmul.f32 v38, v3  }
0x27b: {  	v58 =	vld [tilespmem:s29+$0x11040];
	v18 =	vadd.f32 v52, v18;
	v38 =	vmul.f32 v45, v5;
	v57 =	vmul.f32 v36, v6  }
0x27c: {  	v32 =	vld [tilespmem:s29+$0x15040];
	v22 =	vadd.f32 v54, v22;
	v16 =	vmul.f32 v16, v6;
	v12 =	vmul.f32 v12, v4  }
0x27d: {  	v37 =	vld [tilespmem:s29+$0x15050];
	v61 =	vmul.f32 v20, v4;
	v35 =	vmul.f32 v17, v5;
	v8 =	vadd.f32 v59, v8  }
0x27e: {  	v62 =	vld [tilespmem:s29+$0xF050];
	v36 =	vmul.f32 v21, v6;
	v9 =	vadd.f32 v41, v9;
	v13 =	vadd.f32 v43, v13  }
0x27f: {  	v63 =	vld [tilespmem:s29+$0x11050];
	v49 =	vmul.f32 v55, v5;
	v18 =	vadd.f32 v33, v18;
	v22 =	vadd.f32 v60, v22  }
0x280: {  	v40 =	vld [tilespmem:s29+$0xF060];
	v43 =	vmul.f32 v25, v3;
	v45 =	vadd.f32 v39, v38;
	v24 =	vadd.f32 v57, v56  }
0x281: {  	v59 =	vld [tilespmem:s29+$0x13040];
	v16 =	vadd.f32 v16, v19;
	v41 =	vadd.f32 v36, v35;
	v47 =	vmul.f32 v53, v3  }
0x282: {  	v33 =	vld [tilespmem:s29+$0x13050];
	[tilespmem:s29+$0x18C00] =	vst v7;
	v50 =	vmul.f32 v58, v6;
	v17 =	vmul.f32 v37, v3;
	v9 =	vadd.f32 v42, v9  }
0x283: {  	[tilespmem:s29+$0x18C10] =	vst v10;
	v13 =	vadd.f32 v44, v13;
	v42 =	vmul.f32 v23, v4;
	v44 =	vld [tilespmem:s29+$0x11060];
	v10 =	vadd.f32 v46, v45  }
0x284: {  	v51 =	vld [tilespmem:s29+$0x11070];
	[tilespmem:s29+$0x18C30] =	vst v11;
	v12 =	vadd.f32 v12, v24;
	v16 =	vadd.f32 v61, v16;
	v52 =	vmul.f32 v62, v5  }
0x285: {  	v54 =	vld [tilespmem:s29+$0x13060];
	[tilespmem:s29+$0x18C20] =	vst v8;
	v53 =	vmul.f32 v63, v6;
	v8 =	vadd.f32 v50, v49;
	v7 =	vadd.f32 v42, v41  }
0x286: {  	v56 =	vld [tilespmem:s29+$0x13070];
	[tilespmem:s29+$0x18C60] =	vst v18;
	v62 =	vmul.f32 v32, v3;
	v10 =	vadd.f32 v47, v10;
	v12 =	vadd.f32 v15, v12  }
0x287: {  	v58 =	vld [tilespmem:s29+$0x15060];
	[tilespmem:s29+$0x18C70] =	vst v22;
	v14 =	vadd.f32 v14, v16;
	v55 =	vmul.f32 v59, v4;
	v57 =	vmul.f32 v33, v4  }
0x288: {  	v61 =	vld [tilespmem:s29+$0x15070];
	[tilespmem:s29+$0x18C40] =	vst v9;
	v11 =	vadd.f32 v53, v52;
	v59 =	vmul.f32 v40, v5;
	v60 =	vmul.f32 v44, v6  }
0x289: {  	[tilespmem:s29+$0x18C50] =	vst v13;
	v5 =	vmul.f32 v48, v5;
	v7 =	vadd.f32 v43, v7;
	v6 =	vmul.f32 v51, v6  }
0x28a: {  	v63 =	vmul.f32 v54, v4;
	[tilespmem:s29+$0x19030] =	vst v10;
	v8 =	vadd.f32 v55, v8;
	v9 =	vadd.f32 v60, v59  }
0x28b: {  	v4 =	vmul.f32 v56, v4;
	v11 =	vadd.f32 v57, v11;
	[tilespmem:s29+$0x19000] =	vst v12;
	v5 =	vadd.f32 v6, v5  }
0x28c: {  	v21 =	vmul.f32 v58, v3;
	[tilespmem:s29+$0x19010] =	vst v14;
	v19 =	vadd.f32 v62, v8;
	v20 =	vadd.f32 v63, v9  }
0x28d: {  	[tilespmem:s29+$0x19020] =	vst v7;
	v3 =	vmul.f32 v61, v3;
	v6 =	vadd.f32 v17, v11;
	v4 =	vadd.f32 v4, v5  }
0x28e: {  	[tilespmem:s29+$0x19040] =	vst v19;
	v22 =	vadd.f32 v21, v20  }
0x28f: {  	[tilespmem:s29+$0x19050] =	vst v6;
	v3 =	vadd.f32 v3, v4  }
0x290: {  	s30 =	sand.u32 $0x70, s19;
	[tilespmem:s29+$0x19060] =	vst v22  }
0x291: {  	s24 =	sor.u32 s30, s24;
	s26 =	sadd.s32 $0x80, s22;
	[tilespmem:s29+$0x19070] =	vst v3  }
0x292: {  	s30 =	sadd.s32 $0x1080, s22;
	s28 =	sand.u32 $0x380, s26;
	s29 =	sadd.s32 $0x2100, s21;
	v6 =	vld [tilespmem:s24+$0x80]  }
0x293: {  	s26 =	sand.u32 $0x380, s30;
	s23 =	sor.u32 s23, s28;
	s25 =	sand.u32 $0x3800, s29  }
0x294: {  	s28 =	sadd.s32 $0x4100, s21;
	v5 =	vld [tilespmem:s23+$0xEC00];
	s29 =	sadd.s32 $0x2080, s22;
	s24 =	sor.u32 s26, s25  }
0x295: {  	s25 =	sand.u32 $0x5800, s28;
	s26 =	sand.u32 $0x380, s29;
	v7 =	vld [tilespmem:s24+$0xEC00]  }
0x296: {  	s30 =	sadd.s32 $0x6100, s21;
	s28 =	sadd.s32 $0x3080, s22;
	s25 =	sor.u32 s26, s25  }
0x297: {  	s26 =	sand.u32 $0x7800, s30;
	s28 =	sand.u32 $0x380, s28;
	v23 =	vld [tilespmem:s25+$0xEC00];
	v3 =	vbroadcast v6, $0x0  }
0x298: {  	s26 =	sor.u32 s28, s26;
	v4 =	vbroadcast v6, $0x1  }
0x299: {  	v10 =	vld [tilespmem:s26+$0xEC00];
	v24 =	vmul.f32 v3, v5  }
0x29a: {  	v7 =	vmul.f32 v7, v4;
	v5 =	vbroadcast v6, $0x2;
	_ =	sdelay $0x1  }
0x29b: {  	v6 =	vbroadcast v6, $0x3;
	v7 =	vadd.f32 v7, v24;
	v8 =	vmul.f32 v23, v5;
	_ =	sdelay $0x1  }
0x29c: {  	v25 =	vmul.f32 v10, v6;
	v7 =	vadd.f32 v8, v7;
	_ =	sdelay $0x1  }
0x29d: {  	v7 =	vadd.f32 v25, v7;
	_ =	sdelay $0x1  }
0x29e: {  	v26 =	vld [tilespmem:s23+$0xEC10];
	[tilespmem:s23+$0x18C00] =	vst v7  }
0x29f: {  	v27 =	vld [tilespmem:s24+$0xEC10];
	_ =	sdelay $0x1  }
0x2a0: {  	v28 =	vld [tilespmem:s25+$0xEC10];
	_ =	sdelay $0x1  }
0x2a1: {  	v29 =	vld [tilespmem:s26+$0xEC10]  }
0x2a2: {  	v7 =	vmul.f32 v26, v3;
	v8 =	vmul.f32 v27, v4;
	_ =	sdelay $0x1  }
0x2a3: {  	v30 =	vmul.f32 v28, v5;
	v7 =	vadd.f32 v8, v7;
	_ =	sdelay $0x1  }
0x2a4: {  	v31 =	vmul.f32 v29, v6;
	v7 =	vadd.f32 v30, v7;
	_ =	sdelay $0x1  }
0x2a5: {  	v7 =	vadd.f32 v31, v7;
	_ =	sdelay $0x1  }
0x2a6: {  	v32 =	vld [tilespmem:s23+$0xEC20];
	[tilespmem:s23+$0x18C10] =	vst v7  }
0x2a7: {  	v33 =	vld [tilespmem:s24+$0xEC20];
	_ =	sdelay $0x1  }
0x2a8: {  	v34 =	vld [tilespmem:s25+$0xEC20];
	_ =	sdelay $0x1  }
0x2a9: {  	v35 =	vld [tilespmem:s26+$0xEC20]  }
0x2aa: {  	v7 =	vmul.f32 v32, v3;
	v8 =	vmul.f32 v33, v4;
	_ =	sdelay $0x1  }
0x2ab: {  	v36 =	vmul.f32 v34, v5;
	v7 =	vadd.f32 v8, v7;
	_ =	sdelay $0x1  }
0x2ac: {  	v37 =	vmul.f32 v35, v6;
	v7 =	vadd.f32 v36, v7;
	_ =	sdelay $0x1  }
0x2ad: {  	v7 =	vadd.f32 v37, v7;
	_ =	sdelay $0x1  }
0x2ae: {  	v38 =	vld [tilespmem:s23+$0xEC30];
	[tilespmem:s23+$0x18C20] =	vst v7  }
0x2af: {  	v39 =	vld [tilespmem:s24+$0xEC30];
	_ =	sdelay $0x1  }
0x2b0: {  	v40 =	vld [tilespmem:s25+$0xEC30];
	_ =	sdelay $0x1  }
0x2b1: {  	v41 =	vld [tilespmem:s26+$0xEC30]  }
0x2b2: {  	v7 =	vmul.f32 v38, v3;
	v8 =	vmul.f32 v39, v4;
	_ =	sdelay $0x1  }
0x2b3: {  	v42 =	vmul.f32 v40, v5;
	v7 =	vadd.f32 v8, v7;
	_ =	sdelay $0x1  }
0x2b4: {  	v43 =	vmul.f32 v41, v6;
	v7 =	vadd.f32 v42, v7;
	_ =	sdelay $0x1  }
0x2b5: {  	v7 =	vadd.f32 v43, v7;
	_ =	sdelay $0x1  }
0x2b6: {  	v44 =	vld [tilespmem:s23+$0xEC40];
	[tilespmem:s23+$0x18C30] =	vst v7  }
0x2b7: {  	v45 =	vld [tilespmem:s24+$0xEC40];
	_ =	sdelay $0x1  }
0x2b8: {  	v46 =	vld [tilespmem:s25+$0xEC40];
	_ =	sdelay $0x1  }
0x2b9: {  	v47 =	vld [tilespmem:s26+$0xEC40]  }
0x2ba: {  	v7 =	vmul.f32 v44, v3;
	v8 =	vmul.f32 v45, v4;
	_ =	sdelay $0x1  }
0x2bb: {  	v48 =	vmul.f32 v46, v5;
	v7 =	vadd.f32 v8, v7;
	_ =	sdelay $0x1  }
0x2bc: {  	v49 =	vmul.f32 v47, v6;
	v7 =	vadd.f32 v48, v7;
	_ =	sdelay $0x1  }
0x2bd: {  	v7 =	vadd.f32 v49, v7;
	_ =	sdelay $0x1  }
0x2be: {  	v50 =	vld [tilespmem:s23+$0xEC50];
	[tilespmem:s23+$0x18C40] =	vst v7  }
0x2bf: {  	v51 =	vld [tilespmem:s24+$0xEC50];
	_ =	sdelay $0x1  }
0x2c0: {  	v52 =	vld [tilespmem:s25+$0xEC50];
	_ =	sdelay $0x1  }
0x2c1: {  	v53 =	vld [tilespmem:s26+$0xEC50]  }
0x2c2: {  	v7 =	vmul.f32 v50, v3;
	v8 =	vmul.f32 v51, v4;
	_ =	sdelay $0x1  }
0x2c3: {  	v54 =	vmul.f32 v52, v5;
	v7 =	vadd.f32 v8, v7;
	_ =	sdelay $0x1  }
0x2c4: {  	v55 =	vmul.f32 v53, v6;
	v7 =	vadd.f32 v54, v7;
	_ =	sdelay $0x1  }
0x2c5: {  	v7 =	vadd.f32 v55, v7;
	_ =	sdelay $0x1  }
0x2c6: {  	v56 =	vld [tilespmem:s23+$0xEC60];
	[tilespmem:s23+$0x18C50] =	vst v7  }
0x2c7: {  	v57 =	vld [tilespmem:s24+$0xEC60];
	_ =	sdelay $0x1  }
0x2c8: {  	v58 =	vld [tilespmem:s25+$0xEC60];
	_ =	sdelay $0x1  }
0x2c9: {  	v59 =	vld [tilespmem:s26+$0xEC60]  }
0x2ca: {  	v7 =	vmul.f32 v56, v3;
	v8 =	vmul.f32 v57, v4;
	_ =	sdelay $0x1  }
0x2cb: {  	v60 =	vmul.f32 v58, v5;
	v7 =	vadd.f32 v8, v7;
	_ =	sdelay $0x1  }
0x2cc: {  	v61 =	vmul.f32 v59, v6;
	v7 =	vadd.f32 v60, v7;
	_ =	sdelay $0x1  }
0x2cd: {  	v7 =	vadd.f32 v61, v7;
	_ =	sdelay $0x1  }
0x2ce: {  	v62 =	vld [tilespmem:s23+$0xEC70];
	[tilespmem:s23+$0x18C60] =	vst v7  }
0x2cf: {  	v63 =	vld [tilespmem:s24+$0xEC70];
	_ =	sdelay $0x1  }
0x2d0: {  	v12 =	vld [tilespmem:s25+$0xEC70];
	_ =	sdelay $0x1  }
0x2d1: {  	v13 =	vld [tilespmem:s26+$0xEC70]  }
0x2d2: {  	v7 =	vmul.f32 v62, v3;
	v8 =	vmul.f32 v63, v4;
	_ =	sdelay $0x1  }
0x2d3: {  	v14 =	vmul.f32 v12, v5;
	v7 =	vadd.f32 v8, v7;
	_ =	sdelay $0x1  }
0x2d4: {  	v15 =	vmul.f32 v13, v6;
	v7 =	vadd.f32 v14, v7;
	_ =	sdelay $0x1  }
0x2d5: {  	v7 =	vadd.f32 v15, v7;
	_ =	sdelay $0x1  }
0x2d6: {  	v16 =	vld [tilespmem:s23+$0xF000];
	[tilespmem:s23+$0x18C70] =	vst v7  }
0x2d7: {  	v17 =	vld [tilespmem:s24+$0xF000];
	_ =	sdelay $0x1  }
0x2d8: {  	v18 =	vld [tilespmem:s25+$0xF000];
	_ =	sdelay $0x1  }
0x2d9: {  	v19 =	vld [tilespmem:s26+$0xF000]  }
0x2da: {  	v7 =	vmul.f32 v16, v3;
	v8 =	vmul.f32 v17, v4;
	_ =	sdelay $0x1  }
0x2db: {  	v20 =	vmul.f32 v18, v5;
	v7 =	vadd.f32 v8, v7;
	_ =	sdelay $0x1  }
0x2dc: {  	v21 =	vmul.f32 v19, v6;
	v7 =	vadd.f32 v20, v7;
	_ =	sdelay $0x1  }
0x2dd: {  	v7 =	vadd.f32 v21, v7;
	_ =	sdelay $0x1  }
0x2de: {  	v22 =	vld [tilespmem:s23+$0xF010];
	[tilespmem:s23+$0x19000] =	vst v7  }
0x2df: {  	v23 =	vld [tilespmem:s24+$0xF010];
	_ =	sdelay $0x1  }
0x2e0: {  	v24 =	vld [tilespmem:s25+$0xF010];
	_ =	sdelay $0x1  }
0x2e1: {  	v25 =	vld [tilespmem:s26+$0xF010]  }
0x2e2: {  	v7 =	vmul.f32 v22, v3;
	v8 =	vmul.f32 v23, v4;
	_ =	sdelay $0x1  }
0x2e3: {  	v26 =	vmul.f32 v24, v5;
	v7 =	vadd.f32 v8, v7;
	_ =	sdelay $0x1  }
0x2e4: {  	v27 =	vmul.f32 v25, v6;
	v7 =	vadd.f32 v26, v7;
	_ =	sdelay $0x1  }
0x2e5: {  	v7 =	vadd.f32 v27, v7;
	_ =	sdelay $0x1  }
0x2e6: {  	v28 =	vld [tilespmem:s23+$0xF020];
	[tilespmem:s23+$0x19010] =	vst v7  }
0x2e7: {  	v29 =	vld [tilespmem:s24+$0xF020];
	_ =	sdelay $0x1  }
0x2e8: {  	v30 =	vld [tilespmem:s25+$0xF020];
	_ =	sdelay $0x1  }
0x2e9: {  	v31 =	vld [tilespmem:s26+$0xF020]  }
0x2ea: {  	v7 =	vmul.f32 v28, v3;
	v8 =	vmul.f32 v29, v4;
	_ =	sdelay $0x1  }
0x2eb: {  	v32 =	vmul.f32 v30, v5;
	v7 =	vadd.f32 v8, v7;
	_ =	sdelay $0x1  }
0x2ec: {  	v33 =	vmul.f32 v31, v6;
	v7 =	vadd.f32 v32, v7;
	_ =	sdelay $0x1  }
0x2ed: {  	v7 =	vadd.f32 v33, v7;
	_ =	sdelay $0x1  }
0x2ee: {  	v34 =	vld [tilespmem:s23+$0xF030];
	[tilespmem:s23+$0x19020] =	vst v7  }
0x2ef: {  	v35 =	vld [tilespmem:s24+$0xF030];
	_ =	sdelay $0x1  }
0x2f0: {  	v36 =	vld [tilespmem:s25+$0xF030];
	_ =	sdelay $0x1  }
0x2f1: {  	v37 =	vld [tilespmem:s26+$0xF030]  }
0x2f2: {  	v7 =	vmul.f32 v34, v3;
	v8 =	vmul.f32 v35, v4;
	_ =	sdelay $0x1  }
0x2f3: {  	v38 =	vmul.f32 v36, v5;
	v7 =	vadd.f32 v8, v7;
	_ =	sdelay $0x1  }
0x2f4: {  	v39 =	vmul.f32 v37, v6;
	v7 =	vadd.f32 v38, v7;
	_ =	sdelay $0x1  }
0x2f5: {  	v7 =	vadd.f32 v39, v7;
	_ =	sdelay $0x1  }
0x2f6: {  	v40 =	vld [tilespmem:s23+$0xF040];
	[tilespmem:s23+$0x19030] =	vst v7  }
0x2f7: {  	v41 =	vld [tilespmem:s24+$0xF040];
	_ =	sdelay $0x1  }
0x2f8: {  	v42 =	vld [tilespmem:s25+$0xF040];
	_ =	sdelay $0x1  }
0x2f9: {  	v43 =	vld [tilespmem:s26+$0xF040]  }
0x2fa: {  	v7 =	vmul.f32 v40, v3;
	v8 =	vmul.f32 v41, v4;
	_ =	sdelay $0x1  }
0x2fb: {  	v44 =	vmul.f32 v42, v5;
	v7 =	vadd.f32 v8, v7;
	_ =	sdelay $0x1  }
0x2fc: {  	v45 =	vmul.f32 v43, v6;
	v7 =	vadd.f32 v44, v7;
	_ =	sdelay $0x1  }
0x2fd: {  	v7 =	vadd.f32 v45, v7;
	_ =	sdelay $0x1  }
0x2fe: {  	v46 =	vld [tilespmem:s23+$0xF050];
	[tilespmem:s23+$0x19040] =	vst v7  }
0x2ff: {  	v47 =	vld [tilespmem:s24+$0xF050];
	_ =	sdelay $0x1  }
0x300: {  	v48 =	vld [tilespmem:s25+$0xF050];
	_ =	sdelay $0x1  }
0x301: {  	v49 =	vld [tilespmem:s26+$0xF050]  }
0x302: {  	v7 =	vmul.f32 v46, v3;
	v8 =	vmul.f32 v47, v4;
	_ =	sdelay $0x1  }
0x303: {  	v50 =	vmul.f32 v48, v5;
	v7 =	vadd.f32 v8, v7;
	_ =	sdelay $0x1  }
0x304: {  	v51 =	vmul.f32 v49, v6;
	v7 =	vadd.f32 v50, v7;
	_ =	sdelay $0x1  }
0x305: {  	v7 =	vadd.f32 v51, v7;
	_ =	sdelay $0x1  }
0x306: {  	v52 =	vld [tilespmem:s23+$0xF060];
	[tilespmem:s23+$0x19050] =	vst v7  }
0x307: {  	v53 =	vld [tilespmem:s24+$0xF060];
	_ =	sdelay $0x1  }
0x308: {  	v54 =	vld [tilespmem:s25+$0xF060];
	_ =	sdelay $0x1  }
0x309: {  	v55 =	vld [tilespmem:s26+$0xF060]  }
0x30a: {  	v7 =	vmul.f32 v52, v3;
	v8 =	vmul.f32 v53, v4;
	_ =	sdelay $0x1  }
0x30b: {  	v56 =	vmul.f32 v54, v5;
	v7 =	vadd.f32 v8, v7;
	_ =	sdelay $0x1  }
0x30c: {  	v57 =	vmul.f32 v55, v6;
	v7 =	vadd.f32 v56, v7;
	_ =	sdelay $0x1  }
0x30d: {  	v7 =	vadd.f32 v57, v7;
	_ =	sdelay $0x1  }
0x30e: {  	v58 =	vld [tilespmem:s23+$0xF070];
	[tilespmem:s23+$0x19060] =	vst v7  }
0x30f: {  	v59 =	vld [tilespmem:s24+$0xF070];
	_ =	sdelay $0x1  }
0x310: {  	v60 =	vld [tilespmem:s25+$0xF070];
	_ =	sdelay $0x1  }
0x311: {  	v61 =	vld [tilespmem:s26+$0xF070]  }
0x312: {  	v3 =	vmul.f32 v58, v3;
	v4 =	vmul.f32 v59, v4;
	_ =	sdelay $0x1  }
0x313: {  	s17 =	sadd.s32 $0x2, s17;
	v62 =	vmul.f32 v60, v5;
	v3 =	vadd.f32 v4, v3  }
0x314: {  	p0 =	slt.u32 s17, $0x1E  }
.Ltmp2:
0x315: {  	v63 =	vmul.f32 v61, v6;
	v3 =	vadd.f32 v62, v3;
	(pc) =	sbr.rel @p0 .LBB2_7-.Ltmp2, $4  }
0x316: {  	_ = 	snop  }
0x317: {  	v3 =	vadd.f32 v63, v3  }
0x318: {  	s19 =	sadd.s32 $0x20, s19  }
0x319: {  	s20 =	sadd.s32 $0x40, s20;
	s21 =	sadd.s32 $0x200, s21;
	s22 =	sadd.s32 $0x100, s22;
	[tilespmem:s23+$0x19070] =	vst v3  }
0x31a: {  	v3 =	vld [tilespmem:s15+$0x3400];
	_ =	sdelay $0x4  }
0x31b: {  	v4 =	vshll.u32 v3, $0x1  }
0x31c: {  	v3 =	vand.u32 $0x7, v3;
	v4 =	vand.u32 $0xFFFFFFF0, v4  }
0x31d: {  	v3 =	vor.u32 v3, v4  }
0x31e: {  	v4 =	vperm.xlane v3, v0;
	_ =	sdelay $0x1  }
0x31f: {  	v3 =	vperm.xlane v3, v2;
	v4 =	vadd.s32 v1, v4;
	_ =	sdelay $0x1  }
0x320: {  	v3 =	vadd.s32 v1, v3;
	_ =	sdelay $0x2  }
0x321: {  	[hbm4b:s3+s4] =	stream.indirect_vreg.scatter [tilespmem:s16], [sflag:$0x6], $0x80, v4, vm0, $0xb8;
	[tilespmem:$0x1AC00] =	vst v63  }
0x322: {  	_ = 	snop  }
0x323: {  	[hbm4b:s3+s4] =	stream.indirect_vreg.scatter [tilespmem:s18], [sflag:$0x6], $0x80, v3, vm0, $0xb8;
	[tilespmem:$0x1AC00] =	vst v63  }
0x324: {  	v3 =	vld [tilespmem:s15+$0x3410];
	_ =	sdelay $0x4  }
0x325: {  	v63 =	vshll.u32 v3, $0x1  }
0x326: {  	v3 =	vand.u32 $0x7, v3;
	v4 =	vand.u32 $0xFFFFFFF0, v63  }
0x327: {  	v3 =	vor.u32 v3, v4  }
0x328: {  	v4 =	vperm.xlane v3, v0;
	_ =	sdelay $0x1  }
0x329: {  	v3 =	vperm.xlane v3, v2;
	v4 =	vadd.s32 v1, v4  }
0x32a: {  	s13 =	sadd.s32 $0x1, s13  }
0x32b: {  	p0 =	sne.s32 s13, $0x31;
	v3 =	vadd.s32 v1, v3  }
.Ltmp3:
0x32c: {  	_ = 	snop;
	(pc) =	sbr.rel @p0 .LBB2_2-.Ltmp3, $4  }
0x32d: {  	_ = 	snop  }
0x32e: {  	[hbm4b:s3+s4] =	stream.indirect_vreg.scatter [tilespmem:s9], [sflag:$0x6], $0x80, v4, vm0, $0xb8;
	[tilespmem:$0x1AC00] =	vst v63  }
0x32f: {  	_ = 	snop  }
0x330: {  	[hbm4b:s3+s4] =	stream.indirect_vreg.scatter [tilespmem:s11], [sflag:$0x6], $0x80, v3, vm0, $0xb8;
	[tilespmem:$0x1AC00] =	vst v63  }
0x331: {  	s13 =	simm.s32 $0x5  }
0x332: {  	_ =	swait.ge [sflag:s13], $0x2000  }
0x333: {  	[sflag:s13] =	ssyncset.done $0x0  }
0x334: {  	s15 =	simm.s32 $0x6;
	[sflag:s13] =	ssyncadd.s32 $0xFFFFE000  }
0x335: {  	_ =	swait.ge [sflag:s15], $0x2000  }
0x336: {  	s17 =	rddreg [dreg:$0xb]  }
0x337: {  	s30 =	rddreg [dreg:$0x7];
	s17 =	sadd.s32 $0x1, s17  }
0x338: {  	p0 =	sne.s32 s17, s30  }
.Ltmp4:
0x339: {  	_ = 	snop;
	(pc) =	sbr.rel @p0 .LBB2_1-.Ltmp4, $3  }
0x33a: {  	_ =	sdelay $0x1  }
0x33b: {  	[sflag:s15] =	ssyncset.done $0x0  }
0x33c: {  	[sflag:s15] =	ssyncadd.s32 $0xFFFFE000  }
0x33d: {  	_ =	sfence.sel $0x180000  }
0x33e: {  	[bflag:$0x0] =	sbarrier.arrive $0xFFFF  }
0x33f: {  	_ =	strace $0x90000047  }
0x340: {  	s0 =	stileid.u32;
	[bflag:$0x2] =	sbarrier.arrive $0xFFFF  }
0x341: {  	p0 =	sne.s32 s0, $0x0;
	s0 =	rddreg [dreg:$0x3]  }
0x342: {  	s0 =	sadd.s32 @!p0 $0x100000, s0  }
0x343: {  	[sflag:s0] =	ssyncadd.tile.s32 @!p0 $0x1;
	_ =	shalt  }
.Lfunc_end2:
_tile_overlayer_lowered:
.L_overlay_start_2:
0x344: {  	(tag) =	ssettag $0x2  }
0x345: {  	s0 =	rddreg [dreg:$0x0];
	s2 =	stileid.u32  }
0x346: {  	s1 =	rddreg [dreg:$0x1];
	p0 =	sne.s32 s2, $0x0  }
0x347: {  	s3 =	rddreg [dreg:$0x2];
	[bflag:$0x3] =	sbarrier.arrive $0xFFFF;
	s2 =	simm.s32 @!p0 $0x1C07  }
0x348: {  	[timem:s3], [sflag:s2] =	dma.local @!p0 [hbm:s0], s1  }
0x349: {  	s0 =	simm.s32 @!p0 $0x7  }
0x34a: {  	_ =	swait.ge @!p0 [sflag:s0], s1  }
0x34b: {  	s1 =	ssub.s32 @!p0 $0x0, s1;
	[sflag:s0] =	ssyncset.done @!p0 $0x0  }
0x34c: {  	[sflag:s0] =	ssyncadd.s32 @!p0 s1  }
0x34d: {  	[bflag:$0x3] =	sbarrier.arrive $0xFFFF  }
0x34e: {  	_ =	shalt  }

</sc_bundles>
